<compile_context>
chip_gen: v7x
topology: tpu7x:2x2x1
jax: 0.10.2.dev20260603
libtpu: 0.0.44.dev20260713+nightly
codegen_flags: <defaults>
</compile_context>

<pallas_src>
import jax
import jax.numpy as jnp
from jax import lax
from jax.experimental import pallas as pl
from jax.experimental.pallas import tpu as pltpu
import jax.experimental.pallas.tpu_sc as plsc

N = 262144
NC = 2
NS = 16
NW = NC * NS
GCHUNK = N // NW
DEST = 6 * 256 * 256
NSEG = 4
NRNG = NW // NSEG
OWN = DEST // NRNG
SCHUNK = 4096
NSCHUNK = (N // NSEG) // SCHUNK
TBL = 6 * 1000000
LCH = 32256
LTC = 999936

_mesh = plsc.VectorSubcoreMesh(
    core_axis_name="c", subcore_axis_name="s", num_cores=NC, num_subcores=NS
)
_sc_params = pltpu.CompilerParams(needs_layout_passes=False)


def _wid():
    return lax.axis_index("s") * NC + lax.axis_index("c")


def _prep_body(p2_hbm, p3_hbm, p4_hbm, p5_hbm, p6_hbm,
               p2lin_hbm, dest_hbm, lin_hbm,
               i3, i4, i5, i6, dst, lin, b0, b1, tbuf, sem):
    wid = _wid()
    base = wid * GCHUNK
    bufs = (b0, b1)

    @pl.when(wid < 31)
    def _():
        for r in range(6):
            buf = bufs[r % 2]
            src = p2_hbm.at[r, pl.ds(wid * LCH, LCH)]
            out = p2lin_hbm.at[pl.ds(r * 1000000 + wid * LCH, LCH)]
            if r >= 2:
                prev = p2lin_hbm.at[pl.ds((r - 2) * 1000000 + wid * LCH, LCH)]
                pltpu.make_async_copy(buf, prev, sem).wait()
            pltpu.sync_copy(src, buf)
            pltpu.async_copy(buf, out, sem)
        for r in range(4, 6):
            out = p2lin_hbm.at[pl.ds(r * 1000000 + wid * LCH, LCH)]
            pltpu.make_async_copy(bufs[r % 2], out, sem).wait()

    @pl.when(wid == 31)
    def _():
        pltpu.sync_copy(p2_hbm.at[pl.ds(0, 6), pl.ds(LTC, 64)], tbuf)
        for r in range(6):
            pltpu.sync_copy(tbuf.at[r],
                            p2lin_hbm.at[pl.ds(r * 1000000 + LTC, 64)])

    pltpu.sync_copy(p3_hbm.at[pl.ds(base, GCHUNK)], i3)
    pltpu.sync_copy(p4_hbm.at[pl.ds(base, GCHUNK)], i4)
    pltpu.sync_copy(p5_hbm.at[pl.ds(base, GCHUNK)], i5)
    pltpu.sync_copy(p6_hbm.at[pl.ds(base, GCHUNK)], i6)

    def body(j, carry):
        base_j = j * 128
        for k in range(8):
            sl = pl.ds(base_j + k * 16, 16)
            a3 = i3[sl]
            lin[sl] = a3 * 1000000 + i4[sl]
            dst[sl] = a3 * 65536 + i5[sl] * 256 + i6[sl]
        return carry

    lax.fori_loop(0, GCHUNK // 128, body, 0)
    pltpu.sync_copy(dst, dest_hbm.at[pl.ds(base, GCHUNK)])
    pltpu.sync_copy(lin, lin_hbm.at[pl.ds(base, GCHUNK)])


_prep_call = pl.kernel(
    _prep_body,
    out_type=(
        jax.ShapeDtypeStruct((TBL,), jnp.float32),
        jax.ShapeDtypeStruct((N,), jnp.int32),
        jax.ShapeDtypeStruct((N,), jnp.int32),
    ),
    mesh=_mesh,
    scratch_types=[
        pltpu.VMEM((GCHUNK,), jnp.int32),
        pltpu.VMEM((GCHUNK,), jnp.int32),
        pltpu.VMEM((GCHUNK,), jnp.int32),
        pltpu.VMEM((GCHUNK,), jnp.int32),
        pltpu.VMEM((GCHUNK,), jnp.int32),
        pltpu.VMEM((GCHUNK,), jnp.int32),
        pltpu.VMEM((LCH,), jnp.float32),
        pltpu.VMEM((LCH,), jnp.float32),
        pltpu.VMEM((6, 64), jnp.float32),
        pltpu.SemaphoreType.DMA,
    ],
    compiler_params=_sc_params,
)


def _gather_body(p2lin_hbm, lin_hbm, vals_hbm, linv, vals, sem):
    base = _wid() * GCHUNK
    pltpu.sync_copy(lin_hbm.at[pl.ds(base, GCHUNK)], linv)
    pltpu.async_copy(p2lin_hbm.at[linv], vals, sem).wait()
    pltpu.sync_copy(vals, vals_hbm.at[pl.ds(base, GCHUNK)])


_gather_call = pl.kernel(
    _gather_body,
    out_type=jax.ShapeDtypeStruct((N,), jnp.float32),
    mesh=_mesh,
    scratch_types=[
        pltpu.VMEM((GCHUNK,), jnp.int32),
        pltpu.VMEM((GCHUNK,), jnp.float32),
        pltpu.SemaphoreType.DMA,
    ],
    compiler_params=_sc_params,
)


def _scatter_body(dest_hbm, vals_hbm,
                  out0_hbm, out1_hbm, out2_hbm, out3_hbm,
                  m0_hbm, m1_hbm, m2_hbm, m3_hbm,
                  local, lmask, dbuf0, dbuf1, vbuf0, vbuf1, semd, semv):
    cid = lax.axis_index("c")
    sid = lax.axis_index("s")
    seg = cid * 2 + sid // NRNG
    rid = sid % NRNG
    lo = rid * OWN
    hbase = seg * (N // NSEG)
    lo_v = jnp.full((16,), 0, jnp.int32) + lo
    lane = lax.broadcasted_iota(jnp.int32, (16,), 0)
    own_v = plsc.bitcast(lane + OWN, jnp.uint32)
    ones = jnp.full((16,), 1.0, jnp.float32)
    zeros = jnp.full((16,), 0.0, jnp.float32)

    def zbody(j, carry):
        base_j = j * 128
        for k in range(8):
            lmask[pl.ds(base_j + k * 16, 16)] = zeros
        return carry

    lax.fori_loop(0, OWN // 128, zbody, 0)

    dbufs = (dbuf0, dbuf1)
    vbufs = (vbuf0, vbuf1)

    def start(c, b):
        sl = pl.ds(hbase + c * SCHUNK, SCHUNK)
        pltpu.async_copy(dest_hbm.at[sl], dbufs[b], semd)
        pltpu.async_copy(vals_hbm.at[sl], vbufs[b], semv)

    def wait(c, b):
        sl = pl.ds(hbase + c * SCHUNK, SCHUNK)
        pltpu.make_async_copy(dest_hbm.at[sl], dbufs[b], semd).wait()
        pltpu.make_async_copy(vals_hbm.at[sl], vbufs[b], semv).wait()

    start(0, 0)
    for c in range(NSCHUNK):
        b = c % 2
        wait(c, b)
        if c + 1 < NSCHUNK:
            start(c + 1, 1 - b)
        dbuf = dbufs[b]
        vbuf = vbufs[b]

        def inner(j, carry):
            base_j = j * 128
            us = []
            for k in range(8):
                sl = pl.ds(base_j + k * 16, 16)
                u = plsc.bitcast(dbuf[sl] - lo_v, jnp.uint32)
                us.append(plsc.bitcast(jnp.minimum(u, own_v), jnp.int32))
            vs = [vbuf[pl.ds(base_j + k * 16, 16)] for k in range(8)]
            for k in range(8):
                plsc.store_scatter(local, [us[k]], vs[k])
                plsc.store_scatter(lmask, [us[k]], ones)
            return carry

        lax.fori_loop(0, SCHUNK // 128, inner, 0)

    outs_hbm = (out0_hbm, out1_hbm, out2_hbm, out3_hbm)
    ms_hbm = (m0_hbm, m1_hbm, m2_hbm, m3_hbm)
    for k in range(NSEG):
        @pl.when(seg == k)
        def _(k=k):
            pltpu.sync_copy(local.at[pl.ds(0, OWN)],
                            outs_hbm[k].at[pl.ds(lo, OWN)])
            pltpu.sync_copy(lmask.at[pl.ds(0, OWN)],
                            ms_hbm[k].at[pl.ds(lo, OWN)])


_scatter_call = pl.kernel(
    _scatter_body,
    out_type=tuple(
        jax.ShapeDtypeStruct((DEST,), jnp.float32) for _ in range(2 * NSEG)
    ),
    mesh=_mesh,
    scratch_types=[
        pltpu.VMEM((OWN + 16,), jnp.float32),
        pltpu.VMEM((OWN + 16,), jnp.float32),
        pltpu.VMEM((SCHUNK,), jnp.int32),
        pltpu.VMEM((SCHUNK,), jnp.int32),
        pltpu.VMEM((SCHUNK,), jnp.float32),
        pltpu.VMEM((SCHUNK,), jnp.float32),
        pltpu.SemaphoreType.DMA,
        pltpu.SemaphoreType.DMA,
    ],
    compiler_params=_sc_params,
)


def _tc_body(o0_ref, o1_ref, o2_ref, o3_ref,
             m0_ref, m1_ref, m2_ref, m3_ref, p1_ref, p7_ref, v_ref,
             bmm_ref, pm6_ref):
    ip = jnp.where(m3_ref[0] > 0.5, o3_ref[0],
                   jnp.where(m2_ref[0] > 0.5, o2_ref[0],
                             jnp.where(m1_ref[0] > 0.5, o1_ref[0],
                                       jnp.where(m0_ref[0] > 0.5, o0_ref[0],
                                                 p1_ref[0]))))
    add = ip + p7_ref[0] * 0.975
    bmm_ref[0] = jnp.dot(v_ref[0], add, preferred_element_type=jnp.float32)
    pm6_ref[0] = add.T


_b3 = pl.BlockSpec((1, 256, 256), lambda b: (b, 0, 0))
_tc_call = pl.pallas_call(
    _tc_body,
    grid=(6,),
    in_specs=[
        _b3, _b3, _b3, _b3, _b3, _b3, _b3, _b3, _b3, _b3,
        pl.BlockSpec((1, 12, 256), lambda b: (b, 0, 0)),
    ],
    out_specs=[
        pl.BlockSpec((1, 12, 256), lambda b: (b, 0, 0)),
        _b3,
    ],
    out_shape=[
        jax.ShapeDtypeStruct((6, 12, 256), jnp.float32),
        jax.ShapeDtypeStruct((6, 256, 256), jnp.float32),
    ],
)


@jax.jit
def kernel(primals_1, primals_2, primals_3, primals_4, primals_5, primals_6,
           primals_7, primals_8):
    p2lin, dest, lin = _prep_call(primals_2, primals_3, primals_4,
                                  primals_5, primals_6)
    vals = _gather_call(p2lin, lin)
    so = _scatter_call(dest, vals)
    cubes = [a.reshape(6, 256, 256) for a in so]
    view = jnp.transpose(primals_8, (1, 0, 2))
    bmm6, pm6 = _tc_call(*cubes, primals_1, primals_7, view)
    view_3 = jnp.transpose(bmm6, (1, 0, 2))
    return (view_3, pm6)

# --- scband reference (transcript-rebuilt; emitter-appended) ---
"""Pipeline reference for scband-repro-87402584474062 (READ-ONLY COPY).

The authoritative reference and input builder live on the scoring server;
editing this copy changes nothing except your own understanding.
"""

import jax, jax.numpy as jnp
import numpy as np

N_IDX = 262144

def setup_inputs(seed: int = 0) -> dict:
    key = jax.random.key(seed)
    k1, k2, k3, k4, k5, k6, k7, k8 = jax.random.split(key, 8)
    return {
        "primals_1": jax.random.normal(k1, (6, 256, 256), dtype=jnp.float32),
        "primals_2": jax.random.normal(k2, (6, 1000000), dtype=jnp.float32),
        "primals_3": jax.random.randint(k3, (N_IDX,), 0, 6, dtype=jnp.int32),
        "primals_4": jax.random.randint(k4, (N_IDX,), 0, 1000000, dtype=jnp.int32),
        "primals_5": jax.random.randint(k5, (N_IDX,), 0, 256, dtype=jnp.int32),
        "primals_6": jax.random.randint(k6, (N_IDX,), 0, 256, dtype=jnp.int32),
        "primals_7": jax.random.normal(k7, (6, 256, 256), dtype=jnp.float32),
        "primals_8": jax.random.normal(k8, (12, 6, 256), dtype=jnp.float32),
    }

def reference(primals_1, primals_2, primals_3, primals_4, primals_5, primals_6, primals_7, primals_8):
    # gather: index = primals_2[primals_3, primals_4]  -> [N]
    index = primals_2[primals_3, primals_4]
    # scatter-overwrite: primals_1[primals_3, primals_5, primals_6] = index
    index_put = primals_1.at[primals_3, primals_5, primals_6].set(index)
    # decayed residual add
    add = index_put + primals_7 * 0.975
    # primals_8 [12,6,256] -> unsqueeze/permute chain == transpose(1,0,2) -> [6,12,256]
    view = jnp.transpose(primals_8, (1, 0, 2))
    # add's unsqueeze/permute chain is identity -> view_1 == add [6,256,256]
    bmm = jnp.matmul(view, add)  # [6,12,256]
    # view_2/permute_4/view_3 chain == transpose(1,0,2) -> [12,6,256]
    view_3 = jnp.transpose(bmm, (1, 0, 2))
    # permute_6 = view_1.permute(0,2,1)
    permute_6 = jnp.transpose(add, (0, 2, 1))
    return (view_3, permute_6)

if __name__ == "__main__":
    import jax
    _d = setup_inputs()
    print(jax.jit(kernel)(*tuple(_d.values())))

</pallas_src>

<mosaic_0001>
#map = affine_map<(d0, d1) -> (0)>
module attributes {stable_mosaic.version = 14 : i64} {
  func.func @_scatter_body(%arg0: i32, %arg1: i32, %arg2: memref<262144xi32, #tpu.memory_space<hbm>>, %arg3: memref<262144xf32, #tpu.memory_space<hbm>>, %arg4: memref<393216xf32, #tpu.memory_space<hbm>>, %arg5: memref<393216xf32, #tpu.memory_space<hbm>>, %arg6: memref<393216xf32, #tpu.memory_space<hbm>>, %arg7: memref<393216xf32, #tpu.memory_space<hbm>>, %arg8: memref<393216xf32, #tpu.memory_space<hbm>>, %arg9: memref<393216xf32, #tpu.memory_space<hbm>>, %arg10: memref<393216xf32, #tpu.memory_space<hbm>>, %arg11: memref<393216xf32, #tpu.memory_space<hbm>>, %arg12: memref<49168xf32, #tpu.memory_space<vmem>>, %arg13: memref<49168xf32, #tpu.memory_space<vmem>>, %arg14: memref<4096xi32, #tpu.memory_space<vmem>>, %arg15: memref<4096xi32, #tpu.memory_space<vmem>>, %arg16: memref<4096xf32, #tpu.memory_space<vmem>>, %arg17: memref<4096xf32, #tpu.memory_space<vmem>>, %arg18: memref<!tpu.dma_semaphore, #tpu.memory_space<semaphore_mem>>, %arg19: memref<!tpu.dma_semaphore, #tpu.memory_space<semaphore_mem>>) attributes {dimension_semantics = [#tpu.dimension_semantics<core_parallel>, #tpu.dimension_semantics<subcore_parallel>], iteration_bounds = array<i64: 2, 16>, scalar_prefetch = 0 : i64, scratch_operands = 8 : i64, tpu.core_type = #tpu.core_type<sc_vector_subcore>, window_params = [{transform_indices = #map}, {transform_indices = #map}, {transform_indices = #map}, {transform_indices = #map}, {transform_indices = #map}, {transform_indices = #map}, {transform_indices = #map}, {transform_indices = #map}, {transform_indices = #map}, {transform_indices = #map}]} {
    %mul3A = arith.constant 2 : i32
    %mul3A_0 = arith.muli %arg0, %mul3A : i32
    %jit3A = arith.constant 8 : i32
    %div3A = arith.divsi %arg1, %jit3A : i32
    %sign3A = arith.constant 0 : i32
    %sign3A_1 = arith.cmpi sgt, %arg1, %sign3A : i32
    %sign3A_2 = arith.extui %sign3A_1 : i1 to i32
    %sign3A_3 = arith.constant 0 : i32
    %sign3A_4 = arith.cmpi slt, %arg1, %sign3A_3 : i32
    %sign3A_5 = arith.extui %sign3A_4 : i1 to i32
    %sign3A_6 = arith.subi %sign3A_2, %sign3A_5 : i32
    %sign3A_7 = arith.constant 0 : i32
    %sign3A_8 = arith.cmpi sgt, %jit3A, %sign3A_7 : i32
    %sign3A_9 = arith.extui %sign3A_8 : i1 to i32
    %sign3A_10 = arith.constant 0 : i32
    %sign3A_11 = arith.cmpi slt, %jit3A, %sign3A_10 : i32
    %sign3A_12 = arith.extui %sign3A_11 : i1 to i32
    %sign3A_13 = arith.subi %sign3A_9, %sign3A_12 : i32
    %ne3A = arith.cmpi ne, %sign3A_6, %sign3A_13 : i32
    %rem3A = arith.remsi %arg1, %jit3A : i32
    %ne3A_14 = arith.constant 0 : i32
    %ne3A_15 = arith.cmpi ne, %rem3A, %ne3A_14 : i32
    %and3A = arith.andi %ne3A, %ne3A_15 : i1
    %sub3A = arith.constant 1 : i32
    %sub3A_16 = arith.subi %div3A, %sub3A : i32
    %select_n3A = arith.select %and3A, %sub3A_16, %div3A : i32
    %add3A = arith.addi %mul3A_0, %select_n3A : i32
    %jit3A_17 = arith.constant 8 : i32
    %eq3A = arith.constant 0 : i32
    %eq3A_18 = arith.cmpi eq, %jit3A_17, %eq3A : i32
    %jit3A_19 = arith.constant 1 : i32
    %select_n3A_20 = arith.select %eq3A_18, %jit3A_19, %jit3A_17 : i32
    %rem3A_21 = arith.remsi %arg1, %select_n3A_20 : i32
    %ne3A_22 = arith.constant 0 : i32
    %ne3A_23 = arith.cmpi ne, %rem3A_21, %ne3A_22 : i32
    %lt3A = arith.constant 0 : i32
    %lt3A_24 = arith.cmpi slt, %rem3A_21, %lt3A : i32
    %lt3A_25 = arith.constant 0 : i32
    %lt3A_26 = arith.cmpi slt, %select_n3A_20, %lt3A_25 : i32
    %ne3A_27 = arith.xori %lt3A_24, %lt3A_26 : i1
    %and3A_28 = arith.andi %ne3A_27, %ne3A_23 : i1
    %add3A_29 = arith.addi %rem3A_21, %select_n3A_20 : i32
    %select_n3A_30 = arith.select %and3A_28, %add3A_29, %rem3A_21 : i32
    %mul3A_31 = arith.constant 49152 : i32
    %mul3A_32 = arith.muli %select_n3A_30, %mul3A_31 : i32
    %mul3A_33 = arith.constant 65536 : i32
    %mul3A_34 = arith.muli %add3A, %mul3A_33 : i32
    %broadcast_in_dim3A = arith.constant 0 : i32
    %broadcast_in_dim3A_35 = vector.broadcast %broadcast_in_dim3A : i32 to vector<16xi32>
    %add3A_36 = vector.broadcast %mul3A_32 : i32 to vector<16xi32>
    %add3A_37 = arith.addi %broadcast_in_dim3A_35, %add3A_36 : vector<16xi32>
    %iota3A = tpu.iota {dimensions = array<i32: 0>} : vector<16xi32>
    %add3A_38 = arith.constant 49152 : i32
    %add3A_39 = vector.broadcast %add3A_38 : i32 to vector<16xi32>
    %add3A_40 = arith.addi %iota3A, %add3A_39 : vector<16xi32>
    %bitcast3A = vector.bitcast %add3A_40 : vector<16xi32> to vector<16xi32>
    %broadcast_in_dim3A_41 = arith.constant 1.000000e+00 : f32
    %broadcast_in_dim3A_42 = vector.broadcast %broadcast_in_dim3A_41 : f32 to vector<16xf32>
    %broadcast_in_dim3A_43 = arith.constant 0.000000e+00 : f32
    %broadcast_in_dim3A_44 = vector.broadcast %broadcast_in_dim3A_43 : f32 to vector<16xf32>
    %scan3A = arith.constant 0 : i32
    %scan3A_45 = arith.constant 0 : i32
    %scan3A_46 = arith.constant 384 : i32
    %scan3A_47 = arith.addi %scan3A_45, %scan3A_46 : i32
    %scan3A_48 = arith.constant 1 : i32
    scf.for %scan3A_354 = %scan3A_45 to %scan3A_47 step %scan3A_48  : i32 {
      %mul3A_355 = arith.constant 128 : i32
      %mul3A_356 = arith.muli %scan3A_354, %mul3A_355 : i32
      %add3A_357 = arith.constant 0 : i32
      %add3A_358 = arith.addi %mul3A_356, %add3A_357 : i32
      %swap3A = arith.index_cast %add3A_358 : i32 to index
      %swap3A_359 = tpu.vector_load %arg13[%swap3A] {strides = array<i32>} : memref<49168xf32, #tpu.memory_space<vmem>>, vector<16xf32>,
      tpu.vector_store %arg13[%swap3A], %broadcast_in_dim3A_44 {strides = array<i32>} : memref<49168xf32, #tpu.memory_space<vmem>>, vector<16xf32>,
      %add3A_360 = arith.constant 16 : i32
      %add3A_361 = arith.addi %mul3A_356, %add3A_360 : i32
      %swap3A_362 = arith.index_cast %add3A_361 : i32 to index
      %swap3A_363 = tpu.vector_load %arg13[%swap3A_362] {strides = array<i32>} : memref<49168xf32, #tpu.memory_space<vmem>>, vector<16xf32>,
      tpu.vector_store %arg13[%swap3A_362], %broadcast_in_dim3A_44 {strides = array<i32>} : memref<49168xf32, #tpu.memory_space<vmem>>, vector<16xf32>,
      %add3A_364 = arith.constant 32 : i32
      %add3A_365 = arith.addi %mul3A_356, %add3A_364 : i32
      %swap3A_366 = arith.index_cast %add3A_365 : i32 to index
      %swap3A_367 = tpu.vector_load %arg13[%swap3A_366] {strides = array<i32>} : memref<49168xf32, #tpu.memory_space<vmem>>, vector<16xf32>,
      tpu.vector_store %arg13[%swap3A_366], %broadcast_in_dim3A_44 {strides = array<i32>} : memref<49168xf32, #tpu.memory_space<vmem>>, vector<16xf32>,
      %add3A_368 = arith.constant 48 : i32
      %add3A_369 = arith.addi %mul3A_356, %add3A_368 : i32
      %swap3A_370 = arith.index_cast %add3A_369 : i32 to index
      %swap3A_371 = tpu.vector_load %arg13[%swap3A_370] {strides = array<i32>} : memref<49168xf32, #tpu.memory_space<vmem>>, vector<16xf32>,
      tpu.vector_store %arg13[%swap3A_370], %broadcast_in_dim3A_44 {strides = array<i32>} : memref<49168xf32, #tpu.memory_space<vmem>>, vector<16xf32>,
      %add3A_372 = arith.constant 64 : i32
      %add3A_373 = arith.addi %mul3A_356, %add3A_372 : i32
      %swap3A_374 = arith.index_cast %add3A_373 : i32 to index
      %swap3A_375 = tpu.vector_load %arg13[%swap3A_374] {strides = array<i32>} : memref<49168xf32, #tpu.memory_space<vmem>>, vector<16xf32>,
      tpu.vector_store %arg13[%swap3A_374], %broadcast_in_dim3A_44 {strides = array<i32>} : memref<49168xf32, #tpu.memory_space<vmem>>, vector<16xf32>,
      %add3A_376 = arith.constant 80 : i32
      %add3A_377 = arith.addi %mul3A_356, %add3A_376 : i32
      %swap3A_378 = arith.index_cast %add3A_377 : i32 to index
      %swap3A_379 = tpu.vector_load %arg13[%swap3A_378] {strides = array<i32>} : memref<49168xf32, #tpu.memory_space<vmem>>, vector<16xf32>,
      tpu.vector_store %arg13[%swap3A_378], %broadcast_in_dim3A_44 {strides = array<i32>} : memref<49168xf32, #tpu.memory_space<vmem>>, vector<16xf32>,
      %add3A_380 = arith.constant 96 : i32
      %add3A_381 = arith.addi %mul3A_356, %add3A_380 : i32
      %swap3A_382 = arith.index_cast %add3A_381 : i32 to index
      %swap3A_383 = tpu.vector_load %arg13[%swap3A_382] {strides = array<i32>} : memref<49168xf32, #tpu.memory_space<vmem>>, vector<16xf32>,
      tpu.vector_store %arg13[%swap3A_382], %broadcast_in_dim3A_44 {strides = array<i32>} : memref<49168xf32, #tpu.memory_space<vmem>>, vector<16xf32>,
      %add3A_384 = arith.constant 112 : i32
      %add3A_385 = arith.addi %mul3A_356, %add3A_384 : i32
      %swap3A_386 = arith.index_cast %add3A_385 : i32 to index
      %swap3A_387 = tpu.vector_load %arg13[%swap3A_386] {strides = array<i32>} : memref<49168xf32, #tpu.memory_space<vmem>>, vector<16xf32>,
      tpu.vector_store %arg13[%swap3A_386], %broadcast_in_dim3A_44 {strides = array<i32>} : memref<49168xf32, #tpu.memory_space<vmem>>, vector<16xf32>,
    }
    %scan3A_49 = arith.constant 384 : i32
    %add3A_50 = arith.constant 0 : i32
    %add3A_51 = arith.addi %mul3A_34, %add3A_50 : i32
    %dma_start3A = tpu.memref_slice %arg2[%add3A_51] : memref<262144xi32, #tpu.memory_space<hbm>> -> memref<4096xi32, #tpu.memory_space<hbm>>
    %dma_start3A_52 = tpu.memref_slice %arg2[%add3A_51] : memref<262144xi32, #tpu.memory_space<hbm>> -> memref<4096xi32, #tpu.memory_space<hbm>>
    tpu.enqueue_dma source(%dma_start3A_52 : memref<4096xi32, #tpu.memory_space<hbm>>) target(%arg14 : memref<4096xi32, #tpu.memory_space<vmem>>) target_semaphore(%arg18 : memref<!tpu.dma_semaphore, #tpu.memory_space<semaphore_mem>>)
    %dma_start3A_53 = tpu.memref_slice %arg3[%add3A_51] : memref<262144xf32, #tpu.memory_space<hbm>> -> memref<4096xf32, #tpu.memory_space<hbm>>
    %dma_start3A_54 = tpu.memref_slice %arg3[%add3A_51] : memref<262144xf32, #tpu.memory_space<hbm>> -> memref<4096xf32, #tpu.memory_space<hbm>>
    tpu.enqueue_dma source(%dma_start3A_54 : memref<4096xf32, #tpu.memory_space<hbm>>) target(%arg16 : memref<4096xf32, #tpu.memory_space<vmem>>) target_semaphore(%arg19 : memref<!tpu.dma_semaphore, #tpu.memory_space<semaphore_mem>>)
    %add3A_55 = arith.constant 0 : i32
    %add3A_56 = arith.addi %mul3A_34, %add3A_55 : i32
    %dma_wait3A = tpu.memref_slice %arg2[%add3A_56] : memref<262144xi32, #tpu.memory_space<hbm>> -> memref<4096xi32, #tpu.memory_space<hbm>>
    %dma_wait3A_57 = tpu.memref_slice %arg2[%add3A_56] : memref<262144xi32, #tpu.memory_space<hbm>> -> memref<4096xi32, #tpu.memory_space<hbm>>
    tpu.wait_dma2 semaphore(%arg18 : memref<!tpu.dma_semaphore, #tpu.memory_space<semaphore_mem>>) src(%dma_wait3A_57 : memref<4096xi32, #tpu.memory_space<hbm>>) dst(%arg14 : memref<4096xi32, #tpu.memory_space<vmem>>)
    %dma_wait3A_58 = tpu.memref_slice %arg3[%add3A_56] : memref<262144xf32, #tpu.memory_space<hbm>> -> memref<4096xf32, #tpu.memory_space<hbm>>
    %dma_wait3A_59 = tpu.memref_slice %arg3[%add3A_56] : memref<262144xf32, #tpu.memory_space<hbm>> -> memref<4096xf32, #tpu.memory_space<hbm>>
    tpu.wait_dma2 semaphore(%arg19 : memref<!tpu.dma_semaphore, #tpu.memory_space<semaphore_mem>>) src(%dma_wait3A_59 : memref<4096xf32, #tpu.memory_space<hbm>>) dst(%arg16 : memref<4096xf32, #tpu.memory_space<vmem>>)
    %add3A_60 = arith.constant 4096 : i32
    %add3A_61 = arith.addi %mul3A_34, %add3A_60 : i32
    %dma_start3A_62 = tpu.memref_slice %arg2[%add3A_61] : memref<262144xi32, #tpu.memory_space<hbm>> -> memref<4096xi32, #tpu.memory_space<hbm>>
    %dma_start3A_63 = tpu.memref_slice %arg2[%add3A_61] : memref<262144xi32, #tpu.memory_space<hbm>> -> memref<4096xi32, #tpu.memory_space<hbm>>
    tpu.enqueue_dma source(%dma_start3A_63 : memref<4096xi32, #tpu.memory_space<hbm>>) target(%arg15 : memref<4096xi32, #tpu.memory_space<vmem>>) target_semaphore(%arg18 : memref<!tpu.dma_semaphore, #tpu.memory_space<semaphore_mem>>)
    %dma_start3A_64 = tpu.memref_slice %arg3[%add3A_61] : memref<262144xf32, #tpu.memory_space<hbm>> -> memref<4096xf32, #tpu.memory_space<hbm>>
    %dma_start3A_65 = tpu.memref_slice %arg3[%add3A_61] : memref<262144xf32, #tpu.memory_space<hbm>> -> memref<4096xf32, #tpu.memory_space<hbm>>
    tpu.enqueue_dma source(%dma_start3A_65 : memref<4096xf32, #tpu.memory_space<hbm>>) target(%arg17 : memref<4096xf32, #tpu.memory_space<vmem>>) target_semaphore(%arg19 : memref<!tpu.dma_semaphore, #tpu.memory_space<semaphore_mem>>)
    %scan3A_66 = arith.constant 0 : i32
    %scan3A_67 = arith.constant 0 : i32
    %scan3A_68 = arith.constant 32 : i32
    %scan3A_69 = arith.addi %scan3A_67, %scan3A_68 : i32
    %scan3A_70 = arith.constant 1 : i32
    scf.for %scan3A_354 = %scan3A_67 to %scan3A_69 step %scan3A_70  : i32 {
      %mul3A_355 = arith.constant 128 : i32
      %mul3A_356 = arith.muli %scan3A_354, %mul3A_355 : i32
      %add3A_357 = arith.constant 0 : i32
      %add3A_358 = arith.addi %mul3A_356, %add3A_357 : i32
      %get3A = arith.index_cast %add3A_358 : i32 to index
      %get3A_359 = tpu.vector_load %arg14[%get3A] {strides = array<i32>} : memref<4096xi32, #tpu.memory_space<vmem>>, vector<16xi32>,
      %sub3A_360 = arith.subi %get3A_359, %add3A_37 : vector<16xi32>
      %bitcast3A_361 = vector.bitcast %sub3A_360 : vector<16xi32> to vector<16xi32>
      %min3A = arith.minui %bitcast3A_361, %bitcast3A : vector<16xi32>
      %bitcast3A_362 = vector.bitcast %min3A : vector<16xi32> to vector<16xi32>
      %add3A_363 = arith.constant 16 : i32
      %add3A_364 = arith.addi %mul3A_356, %add3A_363 : i32
      %get3A_365 = arith.index_cast %add3A_364 : i32 to index
      %get3A_366 = tpu.vector_load %arg14[%get3A_365] {strides = array<i32>} : memref<4096xi32, #tpu.memory_space<vmem>>, vector<16xi32>,
      %sub3A_367 = arith.subi %get3A_366, %add3A_37 : vector<16xi32>
      %bitcast3A_368 = vector.bitcast %sub3A_367 : vector<16xi32> to vector<16xi32>
      %min3A_369 = arith.minui %bitcast3A_368, %bitcast3A : vector<16xi32>
      %bitcast3A_370 = vector.bitcast %min3A_369 : vector<16xi32> to vector<16xi32>
      %add3A_371 = arith.constant 32 : i32
      %add3A_372 = arith.addi %mul3A_356, %add3A_371 : i32
      %get3A_373 = arith.index_cast %add3A_372 : i32 to index
      %get3A_374 = tpu.vector_load %arg14[%get3A_373] {strides = array<i32>} : memref<4096xi32, #tpu.memory_space<vmem>>, vector<16xi32>,
      %sub3A_375 = arith.subi %get3A_374, %add3A_37 : vector<16xi32>
      %bitcast3A_376 = vector.bitcast %sub3A_375 : vector<16xi32> to vector<16xi32>
      %min3A_377 = arith.minui %bitcast3A_376, %bitcast3A : vector<16xi32>
      %bitcast3A_378 = vector.bitcast %min3A_377 : vector<16xi32> to vector<16xi32>
      %add3A_379 = arith.constant 48 : i32
      %add3A_380 = arith.addi %mul3A_356, %add3A_379 : i32
      %get3A_381 = arith.index_cast %add3A_380 : i32 to index
      %get3A_382 = tpu.vector_load %arg14[%get3A_381] {strides = array<i32>} : memref<4096xi32, #tpu.memory_space<vmem>>, vector<16xi32>,
      %sub3A_383 = arith.subi %get3A_382, %add3A_37 : vector<16xi32>
      %bitcast3A_384 = vector.bitcast %sub3A_383 : vector<16xi32> to vector<16xi32>
      %min3A_385 = arith.minui %bitcast3A_384, %bitcast3A : vector<16xi32>
      %bitcast3A_386 = vector.bitcast %min3A_385 : vector<16xi32> to vector<16xi32>
      %add3A_387 = arith.constant 64 : i32
      %add3A_388 = arith.addi %mul3A_356, %add3A_387 : i32
      %get3A_389 = arith.index_cast %add3A_388 : i32 to index
      %get3A_390 = tpu.vector_load %arg14[%get3A_389] {strides = array<i32>} : memref<4096xi32, #tpu.memory_space<vmem>>, vector<16xi32>,
      %sub3A_391 = arith.subi %get3A_390, %add3A_37 : vector<16xi32>
      %bitcast3A_392 = vector.bitcast %sub3A_391 : vector<16xi32> to vector<16xi32>
      %min3A_393 = arith.minui %bitcast3A_392, %bitcast3A : vector<16xi32>
      %bitcast3A_394 = vector.bitcast %min3A_393 : vector<16xi32> to vector<16xi32>
      %add3A_395 = arith.constant 80 : i32
      %add3A_396 = arith.addi %mul3A_356, %add3A_395 : i32
      %get3A_397 = arith.index_cast %add3A_396 : i32 to index
      %get3A_398 = tpu.vector_load %arg14[%get3A_397] {strides = array<i32>} : memref<4096xi32, #tpu.memory_space<vmem>>, vector<16xi32>,
      %sub3A_399 = arith.subi %get3A_398, %add3A_37 : vector<16xi32>
      %bitcast3A_400 = vector.bitcast %sub3A_399 : vector<16xi32> to vector<16xi32>
      %min3A_401 = arith.minui %bitcast3A_400, %bitcast3A : vector<16xi32>
      %bitcast3A_402 = vector.bitcast %min3A_401 : vector<16xi32> to vector<16xi32>
      %add3A_403 = arith.constant 96 : i32
      %add3A_404 = arith.addi %mul3A_356, %add3A_403 : i32
      %get3A_405 = arith.index_cast %add3A_404 : i32 to index
      %get3A_406 = tpu.vector_load %arg14[%get3A_405] {strides = array<i32>} : memref<4096xi32, #tpu.memory_space<vmem>>, vector<16xi32>,
      %sub3A_407 = arith.subi %get3A_406, %add3A_37 : vector<16xi32>
      %bitcast3A_408 = vector.bitcast %sub3A_407 : vector<16xi32> to vector<16xi32>
      %min3A_409 = arith.minui %bitcast3A_408, %bitcast3A : vector<16xi32>
      %bitcast3A_410 = vector.bitcast %min3A_409 : vector<16xi32> to vector<16xi32>
      %add3A_411 = arith.constant 112 : i32
      %add3A_412 = arith.addi %mul3A_356, %add3A_411 : i32
      %get3A_413 = arith.index_cast %add3A_412 : i32 to index
      %get3A_414 = tpu.vector_load %arg14[%get3A_413] {strides = array<i32>} : memref<4096xi32, #tpu.memory_space<vmem>>, vector<16xi32>,
      %sub3A_415 = arith.subi %get3A_414, %add3A_37 : vector<16xi32>
      %bitcast3A_416 = vector.bitcast %sub3A_415 : vector<16xi32> to vector<16xi32>
      %min3A_417 = arith.minui %bitcast3A_416, %bitcast3A : vector<16xi32>
      %bitcast3A_418 = vector.bitcast %min3A_417 : vector<16xi32> to vector<16xi32>
      %add3A_419 = arith.constant 0 : i32
      %add3A_420 = arith.addi %mul3A_356, %add3A_419 : i32
      %get3A_421 = arith.index_cast %add3A_420 : i32 to index
      %get3A_422 = tpu.vector_load %arg16[%get3A_421] {strides = array<i32>} : memref<4096xf32, #tpu.memory_space<vmem>>, vector<16xf32>,
      %add3A_423 = arith.constant 16 : i32
      %add3A_424 = arith.addi %mul3A_356, %add3A_423 : i32
      %get3A_425 = arith.index_cast %add3A_424 : i32 to index
      %get3A_426 = tpu.vector_load %arg16[%get3A_425] {strides = array<i32>} : memref<4096xf32, #tpu.memory_space<vmem>>, vector<16xf32>,
      %add3A_427 = arith.constant 32 : i32
      %add3A_428 = arith.addi %mul3A_356, %add3A_427 : i32
      %get3A_429 = arith.index_cast %add3A_428 : i32 to index
      %get3A_430 = tpu.vector_load %arg16[%get3A_429] {strides = array<i32>} : memref<4096xf32, #tpu.memory_space<vmem>>, vector<16xf32>,
      %add3A_431 = arith.constant 48 : i32
      %add3A_432 = arith.addi %mul3A_356, %add3A_431 : i32
      %get3A_433 = arith.index_cast %add3A_432 : i32 to index
      %get3A_434 = tpu.vector_load %arg16[%get3A_433] {strides = array<i32>} : memref<4096xf32, #tpu.memory_space<vmem>>, vector<16xf32>,
      %add3A_435 = arith.constant 64 : i32
      %add3A_436 = arith.addi %mul3A_356, %add3A_435 : i32
      %get3A_437 = arith.index_cast %add3A_436 : i32 to index
      %get3A_438 = tpu.vector_load %arg16[%get3A_437] {strides = array<i32>} : memref<4096xf32, #tpu.memory_space<vmem>>, vector<16xf32>,
      %add3A_439 = arith.constant 80 : i32
      %add3A_440 = arith.addi %mul3A_356, %add3A_439 : i32
      %get3A_441 = arith.index_cast %add3A_440 : i32 to index
      %get3A_442 = tpu.vector_load %arg16[%get3A_441] {strides = array<i32>} : memref<4096xf32, #tpu.memory_space<vmem>>, vector<16xf32>,
      %add3A_443 = arith.constant 96 : i32
      %add3A_444 = arith.addi %mul3A_356, %add3A_443 : i32
      %get3A_445 = arith.index_cast %add3A_444 : i32 to index
      %get3A_446 = tpu.vector_load %arg16[%get3A_445] {strides = array<i32>} : memref<4096xf32, #tpu.memory_space<vmem>>, vector<16xf32>,
      %add3A_447 = arith.constant 112 : i32
      %add3A_448 = arith.addi %mul3A_356, %add3A_447 : i32
      %get3A_449 = arith.index_cast %add3A_448 : i32 to index
      %get3A_450 = tpu.vector_load %arg16[%get3A_449] {strides = array<i32>} : memref<4096xf32, #tpu.memory_space<vmem>>, vector<16xf32>,
      tpu.vector_store_idx %arg12[%bitcast3A_362], %get3A_422 : memref<49168xf32, #tpu.memory_space<vmem>>[vector<16xi32>], vector<16xf32>,
      tpu.vector_store_idx %arg13[%bitcast3A_362], %broadcast_in_dim3A_42 : memref<49168xf32, #tpu.memory_space<vmem>>[vector<16xi32>], vector<16xf32>,
      tpu.vector_store_idx %arg12[%bitcast3A_370], %get3A_426 : memref<49168xf32, #tpu.memory_space<vmem>>[vector<16xi32>], vector<16xf32>,
      tpu.vector_store_idx %arg13[%bitcast3A_370], %broadcast_in_dim3A_42 : memref<49168xf32, #tpu.memory_space<vmem>>[vector<16xi32>], vector<16xf32>,
      tpu.vector_store_idx %arg12[%bitcast3A_378], %get3A_430 : memref<49168xf32, #tpu.memory_space<vmem>>[vector<16xi32>], vector<16xf32>,
      tpu.vector_store_idx %arg13[%bitcast3A_378], %broadcast_in_dim3A_42 : memref<49168xf32, #tpu.memory_space<vmem>>[vector<16xi32>], vector<16xf32>,
      tpu.vector_store_idx %arg12[%bitcast3A_386], %get3A_434 : memref<49168xf32, #tpu.memory_space<vmem>>[vector<16xi32>], vector<16xf32>,
      tpu.vector_store_idx %arg13[%bitcast3A_386], %broadcast_in_dim3A_42 : memref<49168xf32, #tpu.memory_space<vmem>>[vector<16xi32>], vector<16xf32>,
      tpu.vector_store_idx %arg12[%bitcast3A_394], %get3A_438 : memref<49168xf32, #tpu.memory_space<vmem>>[vector<16xi32>], vector<16xf32>,
      tpu.vector_store_idx %arg13[%bitcast3A_394], %broadcast_in_dim3A_42 : memref<49168xf32, #tpu.memory_space<vmem>>[vector<16xi32>], vector<16xf32>,
      tpu.vector_store_idx %arg12[%bitcast3A_402], %get3A_442 : memref<49168xf32, #tpu.memory_space<vmem>>[vector<16xi32>], vector<16xf32>,
      tpu.vector_store_idx %arg13[%bitcast3A_402], %broadcast_in_dim3A_42 : memref<49168xf32, #tpu.memory_space<vmem>>[vector<16xi32>], vector<16xf32>,
      tpu.vector_store_idx %arg12[%bitcast3A_410], %get3A_446 : memref<49168xf32, #tpu.memory_space<vmem>>[vector<16xi32>], vector<16xf32>,
      tpu.vector_store_idx %arg13[%bitcast3A_410], %broadcast_in_dim3A_42 : memref<49168xf32, #tpu.memory_space<vmem>>[vector<16xi32>], vector<16xf32>,
      tpu.vector_store_idx %arg12[%bitcast3A_418], %get3A_450 : memref<49168xf32, #tpu.memory_space<vmem>>[vector<16xi32>], vector<16xf32>,
      tpu.vector_store_idx %arg13[%bitcast3A_418], %broadcast_in_dim3A_42 : memref<49168xf32, #tpu.memory_space<vmem>>[vector<16xi32>], vector<16xf32>,
    }
    %scan3A_71 = arith.constant 32 : i32
    %add3A_72 = arith.constant 4096 : i32
    %add3A_73 = arith.addi %mul3A_34, %add3A_72 : i32
    %dma_wait3A_74 = tpu.memref_slice %arg2[%add3A_73] : memref<262144xi32, #tpu.memory_space<hbm>> -> memref<4096xi32, #tpu.memory_space<hbm>>
    %dma_wait3A_75 = tpu.memref_slice %arg2[%add3A_73] : memref<262144xi32, #tpu.memory_space<hbm>> -> memref<4096xi32, #tpu.memory_space<hbm>>
    tpu.wait_dma2 semaphore(%arg18 : memref<!tpu.dma_semaphore, #tpu.memory_space<semaphore_mem>>) src(%dma_wait3A_75 : memref<4096xi32, #tpu.memory_space<hbm>>) dst(%arg15 : memref<4096xi32, #tpu.memory_space<vmem>>)
    %dma_wait3A_76 = tpu.memref_slice %arg3[%add3A_73] : memref<262144xf32, #tpu.memory_space<hbm>> -> memref<4096xf32, #tpu.memory_space<hbm>>
    %dma_wait3A_77 = tpu.memref_slice %arg3[%add3A_73] : memref<262144xf32, #tpu.memory_space<hbm>> -> memref<4096xf32, #tpu.memory_space<hbm>>
    tpu.wait_dma2 semaphore(%arg19 : memref<!tpu.dma_semaphore, #tpu.memory_space<semaphore_mem>>) src(%dma_wait3A_77 : memref<4096xf32, #tpu.memory_space<hbm>>) dst(%arg17 : memref<4096xf32, #tpu.memory_space<vmem>>)
    %add3A_78 = arith.constant 8192 : i32
    %add3A_79 = arith.addi %mul3A_34, %add3A_78 : i32
    %dma_start3A_80 = tpu.memref_slice %arg2[%add3A_79] : memref<262144xi32, #tpu.memory_space<hbm>> -> memref<4096xi32, #tpu.memory_space<hbm>>
    %dma_start3A_81 = tpu.memref_slice %arg2[%add3A_79] : memref<262144xi32, #tpu.memory_space<hbm>> -> memref<4096xi32, #tpu.memory_space<hbm>>
    tpu.enqueue_dma source(%dma_start3A_81 : memref<4096xi32, #tpu.memory_space<hbm>>) target(%arg14 : memref<4096xi32, #tpu.memory_space<vmem>>) target_semaphore(%arg18 : memref<!tpu.dma_semaphore, #tpu.memory_space<semaphore_mem>>)
    %dma_start3A_82 = tpu.memref_slice %arg3[%add3A_79] : memref<262144xf32, #tpu.memory_space<hbm>> -> memref<4096xf32, #tpu.memory_space<hbm>>
    %dma_start3A_83 = tpu.memref_slice %arg3[%add3A_79] : memref<262144xf32, #tpu.memory_space<hbm>> -> memref<4096xf32, #tpu.memory_space<hbm>>
    tpu.enqueue_dma source(%dma_start3A_83 : memref<4096xf32, #tpu.memory_space<hbm>>) target(%arg16 : memref<4096xf32, #tpu.memory_space<vmem>>) target_semaphore(%arg19 : memref<!tpu.dma_semaphore, #tpu.memory_space<semaphore_mem>>)
    %scan3A_84 = arith.constant 0 : i32
    %scan3A_85 = arith.constant 0 : i32
    %scan3A_86 = arith.constant 32 : i32
    %scan3A_87 = arith.addi %scan3A_85, %scan3A_86 : i32
    %scan3A_88 = arith.constant 1 : i32
    scf.for %scan3A_354 = %scan3A_85 to %scan3A_87 step %scan3A_88  : i32 {
      %mul3A_355 = arith.constant 128 : i32
      %mul3A_356 = arith.muli %scan3A_354, %mul3A_355 : i32
      %add3A_357 = arith.constant 0 : i32
      %add3A_358 = arith.addi %mul3A_356, %add3A_357 : i32
      %get3A = arith.index_cast %add3A_358 : i32 to index
      %get3A_359 = tpu.vector_load %arg15[%get3A] {strides = array<i32>} : memref<4096xi32, #tpu.memory_space<vmem>>, vector<16xi32>,
      %sub3A_360 = arith.subi %get3A_359, %add3A_37 : vector<16xi32>
      %bitcast3A_361 = vector.bitcast %sub3A_360 : vector<16xi32> to vector<16xi32>
      %min3A = arith.minui %bitcast3A_361, %bitcast3A : vector<16xi32>
      %bitcast3A_362 = vector.bitcast %min3A : vector<16xi32> to vector<16xi32>
      %add3A_363 = arith.constant 16 : i32
      %add3A_364 = arith.addi %mul3A_356, %add3A_363 : i32
      %get3A_365 = arith.index_cast %add3A_364 : i32 to index
      %get3A_366 = tpu.vector_load %arg15[%get3A_365] {strides = array<i32>} : memref<4096xi32, #tpu.memory_space<vmem>>, vector<16xi32>,
      %sub3A_367 = arith.subi %get3A_366, %add3A_37 : vector<16xi32>
      %bitcast3A_368 = vector.bitcast %sub3A_367 : vector<16xi32> to vector<16xi32>
      %min3A_369 = arith.minui %bitcast3A_368, %bitcast3A : vector<16xi32>
      %bitcast3A_370 = vector.bitcast %min3A_369 : vector<16xi32> to vector<16xi32>
      %add3A_371 = arith.constant 32 : i32
      %add3A_372 = arith.addi %mul3A_356, %add3A_371 : i32
      %get3A_373 = arith.index_cast %add3A_372 : i32 to index
      %get3A_374 = tpu.vector_load %arg15[%get3A_373] {strides = array<i32>} : memref<4096xi32, #tpu.memory_space<vmem>>, vector<16xi32>,
      %sub3A_375 = arith.subi %get3A_374, %add3A_37 : vector<16xi32>
      %bitcast3A_376 = vector.bitcast %sub3A_375 : vector<16xi32> to vector<16xi32>
      %min3A_377 = arith.minui %bitcast3A_376, %bitcast3A : vector<16xi32>
      %bitcast3A_378 = vector.bitcast %min3A_377 : vector<16xi32> to vector<16xi32>
      %add3A_379 = arith.constant 48 : i32
      %add3A_380 = arith.addi %mul3A_356, %add3A_379 : i32
      %get3A_381 = arith.index_cast %add3A_380 : i32 to index
      %get3A_382 = tpu.vector_load %arg15[%get3A_381] {strides = array<i32>} : memref<4096xi32, #tpu.memory_space<vmem>>, vector<16xi32>,
      %sub3A_383 = arith.subi %get3A_382, %add3A_37 : vector<16xi32>
      %bitcast3A_384 = vector.bitcast %sub3A_383 : vector<16xi32> to vector<16xi32>
      %min3A_385 = arith.minui %bitcast3A_384, %bitcast3A : vector<16xi32>
      %bitcast3A_386 = vector.bitcast %min3A_385 : vector<16xi32> to vector<16xi32>
      %add3A_387 = arith.constant 64 : i32
      %add3A_388 = arith.addi %mul3A_356, %add3A_387 : i32
      %get3A_389 = arith.index_cast %add3A_388 : i32 to index
      %get3A_390 = tpu.vector_load %arg15[%get3A_389] {strides = array<i32>} : memref<4096xi32, #tpu.memory_space<vmem>>, vector<16xi32>,
      %sub3A_391 = arith.subi %get3A_390, %add3A_37 : vector<16xi32>
      %bitcast3A_392 = vector.bitcast %sub3A_391 : vector<16xi32> to vector<16xi32>
      %min3A_393 = arith.minui %bitcast3A_392, %bitcast3A : vector<16xi32>
      %bitcast3A_394 = vector.bitcast %min3A_393 : vector<16xi32> to vector<16xi32>
      %add3A_395 = arith.constant 80 : i32
      %add3A_396 = arith.addi %mul3A_356, %add3A_395 : i32
      %get3A_397 = arith.index_cast %add3A_396 : i32 to index
      %get3A_398 = tpu.vector_load %arg15[%get3A_397] {strides = array<i32>} : memref<4096xi32, #tpu.memory_space<vmem>>, vector<16xi32>,
      %sub3A_399 = arith.subi %get3A_398, %add3A_37 : vector<16xi32>
      %bitcast3A_400 = vector.bitcast %sub3A_399 : vector<16xi32> to vector<16xi32>
      %min3A_401 = arith.minui %bitcast3A_400, %bitcast3A : vector<16xi32>
      %bitcast3A_402 = vector.bitcast %min3A_401 : vector<16xi32> to vector<16xi32>
      %add3A_403 = arith.constant 96 : i32
      %add3A_404 = arith.addi %mul3A_356, %add3A_403 : i32
      %get3A_405 = arith.index_cast %add3A_404 : i32 to index
      %get3A_406 = tpu.vector_load %arg15[%get3A_405] {strides = array<i32>} : memref<4096xi32, #tpu.memory_space<vmem>>, vector<16xi32>,
      %sub3A_407 = arith.subi %get3A_406, %add3A_37 : vector<16xi32>
      %bitcast3A_408 = vector.bitcast %sub3A_407 : vector<16xi32> to vector<16xi32>
      %min3A_409 = arith.minui %bitcast3A_408, %bitcast3A : vector<16xi32>
      %bitcast3A_410 = vector.bitcast %min3A_409 : vector<16xi32> to vector<16xi32>
      %add3A_411 = arith.constant 112 : i32
      %add3A_412 = arith.addi %mul3A_356, %add3A_411 : i32
      %get3A_413 = arith.index_cast %add3A_412 : i32 to index
      %get3A_414 = tpu.vector_load %arg15[%get3A_413] {strides = array<i32>} : memref<4096xi32, #tpu.memory_space<vmem>>, vector<16xi32>,
      %sub3A_415 = arith.subi %get3A_414, %add3A_37 : vector<16xi32>
      %bitcast3A_416 = vector.bitcast %sub3A_415 : vector<16xi32> to vector<16xi32>
      %min3A_417 = arith.minui %bitcast3A_416, %bitcast3A : vector<16xi32>
      %bitcast3A_418 = vector.bitcast %min3A_417 : vector<16xi32> to vector<16xi32>
      %add3A_419 = arith.constant 0 : i32
      %add3A_420 = arith.addi %mul3A_356, %add3A_419 : i32
      %get3A_421 = arith.index_cast %add3A_420 : i32 to index
      %get3A_422 = tpu.vector_load %arg17[%get3A_421] {strides = array<i32>} : memref<4096xf32, #tpu.memory_space<vmem>>, vector<16xf32>,
      %add3A_423 = arith.constant 16 : i32
      %add3A_424 = arith.addi %mul3A_356, %add3A_423 : i32
      %get3A_425 = arith.index_cast %add3A_424 : i32 to index
      %get3A_426 = tpu.vector_load %arg17[%get3A_425] {strides = array<i32>} : memref<4096xf32, #tpu.memory_space<vmem>>, vector<16xf32>,
      %add3A_427 = arith.constant 32 : i32
      %add3A_428 = arith.addi %mul3A_356, %add3A_427 : i32
      %get3A_429 = arith.index_cast %add3A_428 : i32 to index
      %get3A_430 = tpu.vector_load %arg17[%get3A_429] {strides = array<i32>} : memref<4096xf32, #tpu.memory_space<vmem>>, vector<16xf32>,
      %add3A_431 = arith.constant 48 : i32
      %add3A_432 = arith.addi %mul3A_356, %add3A_431 : i32
      %get3A_433 = arith.index_cast %add3A_432 : i32 to index
      %get3A_434 = tpu.vector_load %arg17[%get3A_433] {strides = array<i32>} : memref<4096xf32, #tpu.memory_space<vmem>>, vector<16xf32>,
      %add3A_435 = arith.constant 64 : i32
      %add3A_436 = arith.addi %mul3A_356, %add3A_435 : i32
      %get3A_437 = arith.index_cast %add3A_436 : i32 to index
      %get3A_438 = tpu.vector_load %arg17[%get3A_437] {strides = array<i32>} : memref<4096xf32, #tpu.memory_space<vmem>>, vector<16xf32>,
      %add3A_439 = arith.constant 80 : i32
      %add3A_440 = arith.addi %mul3A_356, %add3A_439 : i32
      %get3A_441 = arith.index_cast %add3A_440 : i32 to index
      %get3A_442 = tpu.vector_load %arg17[%get3A_441] {strides = array<i32>} : memref<4096xf32, #tpu.memory_space<vmem>>, vector<16xf32>,
      %add3A_443 = arith.constant 96 : i32
      %add3A_444 = arith.addi %mul3A_356, %add3A_443 : i32
      %get3A_445 = arith.index_cast %add3A_444 : i32 to index
      %get3A_446 = tpu.vector_load %arg17[%get3A_445] {strides = array<i32>} : memref<4096xf32, #tpu.memory_space<vmem>>, vector<16xf32>,
      %add3A_447 = arith.constant 112 : i32
      %add3A_448 = arith.addi %mul3A_356, %add3A_447 : i32
      %get3A_449 = arith.index_cast %add3A_448 : i32 to index
      %get3A_450 = tpu.vector_load %arg17[%get3A_449] {strides = array<i32>} : memref<4096xf32, #tpu.memory_space<vmem>>, vector<16xf32>,
      tpu.vector_store_idx %arg12[%bitcast3A_362], %get3A_422 : memref<49168xf32, #tpu.memory_space<vmem>>[vector<16xi32>], vector<16xf32>,
      tpu.vector_store_idx %arg13[%bitcast3A_362], %broadcast_in_dim3A_42 : memref<49168xf32, #tpu.memory_space<vmem>>[vector<16xi32>], vector<16xf32>,
      tpu.vector_store_idx %arg12[%bitcast3A_370], %get3A_426 : memref<49168xf32, #tpu.memory_space<vmem>>[vector<16xi32>], vector<16xf32>,
      tpu.vector_store_idx %arg13[%bitcast3A_370], %broadcast_in_dim3A_42 : memref<49168xf32, #tpu.memory_space<vmem>>[vector<16xi32>], vector<16xf32>,
      tpu.vector_store_idx %arg12[%bitcast3A_378], %get3A_430 : memref<49168xf32, #tpu.memory_space<vmem>>[vector<16xi32>], vector<16xf32>,
      tpu.vector_store_idx %arg13[%bitcast3A_378], %broadcast_in_dim3A_42 : memref<49168xf32, #tpu.memory_space<vmem>>[vector<16xi32>], vector<16xf32>,
      tpu.vector_store_idx %arg12[%bitcast3A_386], %get3A_434 : memref<49168xf32, #tpu.memory_space<vmem>>[vector<16xi32>], vector<16xf32>,
      tpu.vector_store_idx %arg13[%bitcast3A_386], %broadcast_in_dim3A_42 : memref<49168xf32, #tpu.memory_space<vmem>>[vector<16xi32>], vector<16xf32>,
      tpu.vector_store_idx %arg12[%bitcast3A_394], %get3A_438 : memref<49168xf32, #tpu.memory_space<vmem>>[vector<16xi32>], vector<16xf32>,
      tpu.vector_store_idx %arg13[%bitcast3A_394], %broadcast_in_dim3A_42 : memref<49168xf32, #tpu.memory_space<vmem>>[vector<16xi32>], vector<16xf32>,
      tpu.vector_store_idx %arg12[%bitcast3A_402], %get3A_442 : memref<49168xf32, #tpu.memory_space<vmem>>[vector<16xi32>], vector<16xf32>,
      tpu.vector_store_idx %arg13[%bitcast3A_402], %broadcast_in_dim3A_42 : memref<49168xf32, #tpu.memory_space<vmem>>[vector<16xi32>], vector<16xf32>,
      tpu.vector_store_idx %arg12[%bitcast3A_410], %get3A_446 : memref<49168xf32, #tpu.memory_space<vmem>>[vector<16xi32>], vector<16xf32>,
      tpu.vector_store_idx %arg13[%bitcast3A_410], %broadcast_in_dim3A_42 : memref<49168xf32, #tpu.memory_space<vmem>>[vector<16xi32>], vector<16xf32>,
      tpu.vector_store_idx %arg12[%bitcast3A_418], %get3A_450 : memref<49168xf32, #tpu.memory_space<vmem>>[vector<16xi32>], vector<16xf32>,
      tpu.vector_store_idx %arg13[%bitcast3A_418], %broadcast_in_dim3A_42 : memref<49168xf32, #tpu.memory_space<vmem>>[vector<16xi32>], vector<16xf32>,
    }
    %scan3A_89 = arith.constant 32 : i32
    %add3A_90 = arith.constant 8192 : i32
    %add3A_91 = arith.addi %mul3A_34, %add3A_90 : i32
    %dma_wait3A_92 = tpu.memref_slice %arg2[%add3A_91] : memref<262144xi32, #tpu.memory_space<hbm>> -> memref<4096xi32, #tpu.memory_space<hbm>>
    %dma_wait3A_93 = tpu.memref_slice %arg2[%add3A_91] : memref<262144xi32, #tpu.memory_space<hbm>> -> memref<4096xi32, #tpu.memory_space<hbm>>
    tpu.wait_dma2 semaphore(%arg18 : memref<!tpu.dma_semaphore, #tpu.memory_space<semaphore_mem>>) src(%dma_wait3A_93 : memref<4096xi32, #tpu.memory_space<hbm>>) dst(%arg14 : memref<4096xi32, #tpu.memory_space<vmem>>)
    %dma_wait3A_94 = tpu.memref_slice %arg3[%add3A_91] : memref<262144xf32, #tpu.memory_space<hbm>> -> memref<4096xf32, #tpu.memory_space<hbm>>
    %dma_wait3A_95 = tpu.memref_slice %arg3[%add3A_91] : memref<262144xf32, #tpu.memory_space<hbm>> -> memref<4096xf32, #tpu.memory_space<hbm>>
    tpu.wait_dma2 semaphore(%arg19 : memref<!tpu.dma_semaphore, #tpu.memory_space<semaphore_mem>>) src(%dma_wait3A_95 : memref<4096xf32, #tpu.memory_space<hbm>>) dst(%arg16 : memref<4096xf32, #tpu.memory_space<vmem>>)
    %add3A_96 = arith.constant 12288 : i32
    %add3A_97 = arith.addi %mul3A_34, %add3A_96 : i32
    %dma_start3A_98 = tpu.memref_slice %arg2[%add3A_97] : memref<262144xi32, #tpu.memory_space<hbm>> -> memref<4096xi32, #tpu.memory_space<hbm>>
    %dma_start3A_99 = tpu.memref_slice %arg2[%add3A_97] : memref<262144xi32, #tpu.memory_space<hbm>> -> memref<4096xi32, #tpu.memory_space<hbm>>
    tpu.enqueue_dma source(%dma_start3A_99 : memref<4096xi32, #tpu.memory_space<hbm>>) target(%arg15 : memref<4096xi32, #tpu.memory_space<vmem>>) target_semaphore(%arg18 : memref<!tpu.dma_semaphore, #tpu.memory_space<semaphore_mem>>)
    %dma_start3A_100 = tpu.memref_slice %arg3[%add3A_97] : memref<262144xf32, #tpu.memory_space<hbm>> -> memref<4096xf32, #tpu.memory_space<hbm>>
    %dma_start3A_101 = tpu.memref_slice %arg3[%add3A_97] : memref<262144xf32, #tpu.memory_space<hbm>> -> memref<4096xf32, #tpu.memory_space<hbm>>
    tpu.enqueue_dma source(%dma_start3A_101 : memref<4096xf32, #tpu.memory_space<hbm>>) target(%arg17 : memref<4096xf32, #tpu.memory_space<vmem>>) target_semaphore(%arg19 : memref<!tpu.dma_semaphore, #tpu.memory_space<semaphore_mem>>)
    %scan3A_102 = arith.constant 0 : i32
    %scan3A_103 = arith.constant 0 : i32
    %scan3A_104 = arith.constant 32 : i32
    %scan3A_105 = arith.addi %scan3A_103, %scan3A_104 : i32
    %scan3A_106 = arith.constant 1 : i32
    scf.for %scan3A_354 = %scan3A_103 to %scan3A_105 step %scan3A_106  : i32 {
      %mul3A_355 = arith.constant 128 : i32
      %mul3A_356 = arith.muli %scan3A_354, %mul3A_355 : i32
      %add3A_357 = arith.constant 0 : i32
      %add3A_358 = arith.addi %mul3A_356, %add3A_357 : i32
      %get3A = arith.index_cast %add3A_358 : i32 to index
      %get3A_359 = tpu.vector_load %arg14[%get3A] {strides = array<i32>} : memref<4096xi32, #tpu.memory_space<vmem>>, vector<16xi32>,
      %sub3A_360 = arith.subi %get3A_359, %add3A_37 : vector<16xi32>
      %bitcast3A_361 = vector.bitcast %sub3A_360 : vector<16xi32> to vector<16xi32>
      %min3A = arith.minui %bitcast3A_361, %bitcast3A : vector<16xi32>
      %bitcast3A_362 = vector.bitcast %min3A : vector<16xi32> to vector<16xi32>
      %add3A_363 = arith.constant 16 : i32
      %add3A_364 = arith.addi %mul3A_356, %add3A_363 : i32
      %get3A_365 = arith.index_cast %add3A_364 : i32 to index
      %get3A_366 = tpu.vector_load %arg14[%get3A_365] {strides = array<i32>} : memref<4096xi32, #tpu.memory_space<vmem>>, vector<16xi32>,
      %sub3A_367 = arith.subi %get3A_366, %add3A_37 : vector<16xi32>
      %bitcast3A_368 = vector.bitcast %sub3A_367 : vector<16xi32> to vector<16xi32>
      %min3A_369 = arith.minui %bitcast3A_368, %bitcast3A : vector<16xi32>
      %bitcast3A_370 = vector.bitcast %min3A_369 : vector<16xi32> to vector<16xi32>
      %add3A_371 = arith.constant 32 : i32
      %add3A_372 = arith.addi %mul3A_356, %add3A_371 : i32
      %get3A_373 = arith.index_cast %add3A_372 : i32 to index
      %get3A_374 = tpu.vector_load %arg14[%get3A_373] {strides = array<i32>} : memref<4096xi32, #tpu.memory_space<vmem>>, vector<16xi32>,
      %sub3A_375 = arith.subi %get3A_374, %add3A_37 : vector<16xi32>
      %bitcast3A_376 = vector.bitcast %sub3A_375 : vector<16xi32> to vector<16xi32>
      %min3A_377 = arith.minui %bitcast3A_376, %bitcast3A : vector<16xi32>
      %bitcast3A_378 = vector.bitcast %min3A_377 : vector<16xi32> to vector<16xi32>
      %add3A_379 = arith.constant 48 : i32
      %add3A_380 = arith.addi %mul3A_356, %add3A_379 : i32
      %get3A_381 = arith.index_cast %add3A_380 : i32 to index
      %get3A_382 = tpu.vector_load %arg14[%get3A_381] {strides = array<i32>} : memref<4096xi32, #tpu.memory_space<vmem>>, vector<16xi32>,
      %sub3A_383 = arith.subi %get3A_382, %add3A_37 : vector<16xi32>
      %bitcast3A_384 = vector.bitcast %sub3A_383 : vector<16xi32> to vector<16xi32>
      %min3A_385 = arith.minui %bitcast3A_384, %bitcast3A : vector<16xi32>
      %bitcast3A_386 = vector.bitcast %min3A_385 : vector<16xi32> to vector<16xi32>
      %add3A_387 = arith.constant 64 : i32
      %add3A_388 = arith.addi %mul3A_356, %add3A_387 : i32
      %get3A_389 = arith.index_cast %add3A_388 : i32 to index
      %get3A_390 = tpu.vector_load %arg14[%get3A_389] {strides = array<i32>} : memref<4096xi32, #tpu.memory_space<vmem>>, vector<16xi32>,
      %sub3A_391 = arith.subi %get3A_390, %add3A_37 : vector<16xi32>
      %bitcast3A_392 = vector.bitcast %sub3A_391 : vector<16xi32> to vector<16xi32>
      %min3A_393 = arith.minui %bitcast3A_392, %bitcast3A : vector<16xi32>
      %bitcast3A_394 = vector.bitcast %min3A_393 : vector<16xi32> to vector<16xi32>
      %add3A_395 = arith.constant 80 : i32
      %add3A_396 = arith.addi %mul3A_356, %add3A_395 : i32
      %get3A_397 = arith.index_cast %add3A_396 : i32 to index
      %get3A_398 = tpu.vector_load %arg14[%get3A_397] {strides = array<i32>} : memref<4096xi32, #tpu.memory_space<vmem>>, vector<16xi32>,
      %sub3A_399 = arith.subi %get3A_398, %add3A_37 : vector<16xi32>
      %bitcast3A_400 = vector.bitcast %sub3A_399 : vector<16xi32> to vector<16xi32>
      %min3A_401 = arith.minui %bitcast3A_400, %bitcast3A : vector<16xi32>
      %bitcast3A_402 = vector.bitcast %min3A_401 : vector<16xi32> to vector<16xi32>
      %add3A_403 = arith.constant 96 : i32
      %add3A_404 = arith.addi %mul3A_356, %add3A_403 : i32
      %get3A_405 = arith.index_cast %add3A_404 : i32 to index
      %get3A_406 = tpu.vector_load %arg14[%get3A_405] {strides = array<i32>} : memref<4096xi32, #tpu.memory_space<vmem>>, vector<16xi32>,
      %sub3A_407 = arith.subi %get3A_406, %add3A_37 : vector<16xi32>
      %bitcast3A_408 = vector.bitcast %sub3A_407 : vector<16xi32> to vector<16xi32>
      %min3A_409 = arith.minui %bitcast3A_408, %bitcast3A : vector<16xi32>
      %bitcast3A_410 = vector.bitcast %min3A_409 : vector<16xi32> to vector<16xi32>
      %add3A_411 = arith.constant 112 : i32
      %add3A_412 = arith.addi %mul3A_356, %add3A_411 : i32
      %get3A_413 = arith.index_cast %add3A_412 : i32 to index
      %get3A_414 = tpu.vector_load %arg14[%get3A_413] {strides = array<i32>} : memref<4096xi32, #tpu.memory_space<vmem>>, vector<16xi32>,
      %sub3A_415 = arith.subi %get3A_414, %add3A_37 : vector<16xi32>
      %bitcast3A_416 = vector.bitcast %sub3A_415 : vector<16xi32> to vector<16xi32>
      %min3A_417 = arith.minui %bitcast3A_416, %bitcast3A : vector<16xi32>
      %bitcast3A_418 = vector.bitcast %min3A_417 : vector<16xi32> to vector<16xi32>
      %add3A_419 = arith.constant 0 : i32
      %add3A_420 = arith.addi %mul3A_356, %add3A_419 : i32
      %get3A_421 = arith.index_cast %add3A_420 : i32 to index
      %get3A_422 = tpu.vector_load %arg16[%get3A_421] {strides = array<i32>} : memref<4096xf32, #tpu.memory_space<vmem>>, vector<16xf32>,
      %add3A_423 = arith.constant 16 : i32
      %add3A_424 = arith.addi %mul3A_356, %add3A_423 : i32
      %get3A_425 = arith.index_cast %add3A_424 : i32 to index
      %get3A_426 = tpu.vector_load %arg16[%get3A_425] {strides = array<i32>} : memref<4096xf32, #tpu.memory_space<vmem>>, vector<16xf32>,
      %add3A_427 = arith.constant 32 : i32
      %add3A_428 = arith.addi %mul3A_356, %add3A_427 : i32
      %get3A_429 = arith.index_cast %add3A_428 : i32 to index
      %get3A_430 = tpu.vector_load %arg16[%get3A_429] {strides = array<i32>} : memref<4096xf32, #tpu.memory_space<vmem>>, vector<16xf32>,
      %add3A_431 = arith.constant 48 : i32
      %add3A_432 = arith.addi %mul3A_356, %add3A_431 : i32
      %get3A_433 = arith.index_cast %add3A_432 : i32 to index
      %get3A_434 = tpu.vector_load %arg16[%get3A_433] {strides = array<i32>} : memref<4096xf32, #tpu.memory_space<vmem>>, vector<16xf32>,
      %add3A_435 = arith.constant 64 : i32
      %add3A_436 = arith.addi %mul3A_356, %add3A_435 : i32
      %get3A_437 = arith.index_cast %add3A_436 : i32 to index
      %get3A_438 = tpu.vector_load %arg16[%get3A_437] {strides = array<i32>} : memref<4096xf32, #tpu.memory_space<vmem>>, vector<16xf32>,
      %add3A_439 = arith.constant 80 : i32
      %add3A_440 = arith.addi %mul3A_356, %add3A_439 : i32
      %get3A_441 = arith.index_cast %add3A_440 : i32 to index
      %get3A_442 = tpu.vector_load %arg16[%get3A_441] {strides = array<i32>} : memref<4096xf32, #tpu.memory_space<vmem>>, vector<16xf32>,
      %add3A_443 = arith.constant 96 : i32
      %add3A_444 = arith.addi %mul3A_356, %add3A_443 : i32
      %get3A_445 = arith.index_cast %add3A_444 : i32 to index
      %get3A_446 = tpu.vector_load %arg16[%get3A_445] {strides = array<i32>} : memref<4096xf32, #tpu.memory_space<vmem>>, vector<16xf32>,
      %add3A_447 = arith.constant 112 : i32
      %add3A_448 = arith.addi %mul3A_356, %add3A_447 : i32
      %get3A_449 = arith.index_cast %add3A_448 : i32 to index
      %get3A_450 = tpu.vector_load %arg16[%get3A_449] {strides = array<i32>} : memref<4096xf32, #tpu.memory_space<vmem>>, vector<16xf32>,
      tpu.vector_store_idx %arg12[%bitcast3A_362], %get3A_422 : memref<49168xf32, #tpu.memory_space<vmem>>[vector<16xi32>], vector<16xf32>,
      tpu.vector_store_idx %arg13[%bitcast3A_362], %broadcast_in_dim3A_42 : memref<49168xf32, #tpu.memory_space<vmem>>[vector<16xi32>], vector<16xf32>,
      tpu.vector_store_idx %arg12[%bitcast3A_370], %get3A_426 : memref<49168xf32, #tpu.memory_space<vmem>>[vector<16xi32>], vector<16xf32>,
      tpu.vector_store_idx %arg13[%bitcast3A_370], %broadcast_in_dim3A_42 : memref<49168xf32, #tpu.memory_space<vmem>>[vector<16xi32>], vector<16xf32>,
      tpu.vector_store_idx %arg12[%bitcast3A_378], %get3A_430 : memref<49168xf32, #tpu.memory_space<vmem>>[vector<16xi32>], vector<16xf32>,
      tpu.vector_store_idx %arg13[%bitcast3A_378], %broadcast_in_dim3A_42 : memref<49168xf32, #tpu.memory_space<vmem>>[vector<16xi32>], vector<16xf32>,
      tpu.vector_store_idx %arg12[%bitcast3A_386], %get3A_434 : memref<49168xf32, #tpu.memory_space<vmem>>[vector<16xi32>], vector<16xf32>,
      tpu.vector_store_idx %arg13[%bitcast3A_386], %broadcast_in_dim3A_42 : memref<49168xf32, #tpu.memory_space<vmem>>[vector<16xi32>], vector<16xf32>,
      tpu.vector_store_idx %arg12[%bitcast3A_394], %get3A_438 : memref<49168xf32, #tpu.memory_space<vmem>>[vector<16xi32>], vector<16xf32>,
      tpu.vector_store_idx %arg13[%bitcast3A_394], %broadcast_in_dim3A_42 : memref<49168xf32, #tpu.memory_space<vmem>>[vector<16xi32>], vector<16xf32>,
      tpu.vector_store_idx %arg12[%bitcast3A_402], %get3A_442 : memref<49168xf32, #tpu.memory_space<vmem>>[vector<16xi32>], vector<16xf32>,
      tpu.vector_store_idx %arg13[%bitcast3A_402], %broadcast_in_dim3A_42 : memref<49168xf32, #tpu.memory_space<vmem>>[vector<16xi32>], vector<16xf32>,
      tpu.vector_store_idx %arg12[%bitcast3A_410], %get3A_446 : memref<49168xf32, #tpu.memory_space<vmem>>[vector<16xi32>], vector<16xf32>,
      tpu.vector_store_idx %arg13[%bitcast3A_410], %broadcast_in_dim3A_42 : memref<49168xf32, #tpu.memory_space<vmem>>[vector<16xi32>], vector<16xf32>,
      tpu.vector_store_idx %arg12[%bitcast3A_418], %get3A_450 : memref<49168xf32, #tpu.memory_space<vmem>>[vector<16xi32>], vector<16xf32>,
      tpu.vector_store_idx %arg13[%bitcast3A_418], %broadcast_in_dim3A_42 : memref<49168xf32, #tpu.memory_space<vmem>>[vector<16xi32>], vector<16xf32>,
    }
    %scan3A_107 = arith.constant 32 : i32
    %add3A_108 = arith.constant 12288 : i32
    %add3A_109 = arith.addi %mul3A_34, %add3A_108 : i32
    %dma_wait3A_110 = tpu.memref_slice %arg2[%add3A_109] : memref<262144xi32, #tpu.memory_space<hbm>> -> memref<4096xi32, #tpu.memory_space<hbm>>
    %dma_wait3A_111 = tpu.memref_slice %arg2[%add3A_109] : memref<262144xi32, #tpu.memory_space<hbm>> -> memref<4096xi32, #tpu.memory_space<hbm>>
    tpu.wait_dma2 semaphore(%arg18 : memref<!tpu.dma_semaphore, #tpu.memory_space<semaphore_mem>>) src(%dma_wait3A_111 : memref<4096xi32, #tpu.memory_space<hbm>>) dst(%arg15 : memref<4096xi32, #tpu.memory_space<vmem>>)
    %dma_wait3A_112 = tpu.memref_slice %arg3[%add3A_109] : memref<262144xf32, #tpu.memory_space<hbm>> -> memref<4096xf32, #tpu.memory_space<hbm>>
    %dma_wait3A_113 = tpu.memref_slice %arg3[%add3A_109] : memref<262144xf32, #tpu.memory_space<hbm>> -> memref<4096xf32, #tpu.memory_space<hbm>>
    tpu.wait_dma2 semaphore(%arg19 : memref<!tpu.dma_semaphore, #tpu.memory_space<semaphore_mem>>) src(%dma_wait3A_113 : memref<4096xf32, #tpu.memory_space<hbm>>) dst(%arg17 : memref<4096xf32, #tpu.memory_space<vmem>>)
    %add3A_114 = arith.constant 16384 : i32
    %add3A_115 = arith.addi %mul3A_34, %add3A_114 : i32
    %dma_start3A_116 = tpu.memref_slice %arg2[%add3A_115] : memref<262144xi32, #tpu.memory_space<hbm>> -> memref<4096xi32, #tpu.memory_space<hbm>>
    %dma_start3A_117 = tpu.memref_slice %arg2[%add3A_115] : memref<262144xi32, #tpu.memory_space<hbm>> -> memref<4096xi32, #tpu.memory_space<hbm>>
    tpu.enqueue_dma source(%dma_start3A_117 : memref<4096xi32, #tpu.memory_space<hbm>>) target(%arg14 : memref<4096xi32, #tpu.memory_space<vmem>>) target_semaphore(%arg18 : memref<!tpu.dma_semaphore, #tpu.memory_space<semaphore_mem>>)
    %dma_start3A_118 = tpu.memref_slice %arg3[%add3A_115] : memref<262144xf32, #tpu.memory_space<hbm>> -> memref<4096xf32, #tpu.memory_space<hbm>>
    %dma_start3A_119 = tpu.memref_slice %arg3[%add3A_115] : memref<262144xf32, #tpu.memory_space<hbm>> -> memref<4096xf32, #tpu.memory_space<hbm>>
    tpu.enqueue_dma source(%dma_start3A_119 : memref<4096xf32, #tpu.memory_space<hbm>>) target(%arg16 : memref<4096xf32, #tpu.memory_space<vmem>>) target_semaphore(%arg19 : memref<!tpu.dma_semaphore, #tpu.memory_space<semaphore_mem>>)
    %scan3A_120 = arith.constant 0 : i32
    %scan3A_121 = arith.constant 0 : i32
    %scan3A_122 = arith.constant 32 : i32
    %scan3A_123 = arith.addi %scan3A_121, %scan3A_122 : i32
    %scan3A_124 = arith.constant 1 : i32
    scf.for %scan3A_354 = %scan3A_121 to %scan3A_123 step %scan3A_124  : i32 {
      %mul3A_355 = arith.constant 128 : i32
      %mul3A_356 = arith.muli %scan3A_354, %mul3A_355 : i32
      %add3A_357 = arith.constant 0 : i32
      %add3A_358 = arith.addi %mul3A_356, %add3A_357 : i32
      %get3A = arith.index_cast %add3A_358 : i32 to index
      %get3A_359 = tpu.vector_load %arg15[%get3A] {strides = array<i32>} : memref<4096xi32, #tpu.memory_space<vmem>>, vector<16xi32>,
      %sub3A_360 = arith.subi %get3A_359, %add3A_37 : vector<16xi32>
      %bitcast3A_361 = vector.bitcast %sub3A_360 : vector<16xi32> to vector<16xi32>
      %min3A = arith.minui %bitcast3A_361, %bitcast3A : vector<16xi32>
      %bitcast3A_362 = vector.bitcast %min3A : vector<16xi32> to vector<16xi32>
      %add3A_363 = arith.constant 16 : i32
      %add3A_364 = arith.addi %mul3A_356, %add3A_363 : i32
      %get3A_365 = arith.index_cast %add3A_364 : i32 to index
      %get3A_366 = tpu.vector_load %arg15[%get3A_365] {strides = array<i32>} : memref<4096xi32, #tpu.memory_space<vmem>>, vector<16xi32>,
      %sub3A_367 = arith.subi %get3A_366, %add3A_37 : vector<16xi32>
      %bitcast3A_368 = vector.bitcast %sub3A_367 : vector<16xi32> to vector<16xi32>
      %min3A_369 = arith.minui %bitcast3A_368, %bitcast3A : vector<16xi32>
      %bitcast3A_370 = vector.bitcast %min3A_369 : vector<16xi32> to vector<16xi32>
      %add3A_371 = arith.constant 32 : i32
      %add3A_372 = arith.addi %mul3A_356, %add3A_371 : i32
      %get3A_373 = arith.index_cast %add3A_372 : i32 to index
      %get3A_374 = tpu.vector_load %arg15[%get3A_373] {strides = array<i32>} : memref<4096xi32, #tpu.memory_space<vmem>>, vector<16xi32>,
      %sub3A_375 = arith.subi %get3A_374, %add3A_37 : vector<16xi32>
      %bitcast3A_376 = vector.bitcast %sub3A_375 : vector<16xi32> to vector<16xi32>
      %min3A_377 = arith.minui %bitcast3A_376, %bitcast3A : vector<16xi32>
      %bitcast3A_378 = vector.bitcast %min3A_377 : vector<16xi32> to vector<16xi32>
      %add3A_379 = arith.constant 48 : i32
      %add3A_380 = arith.addi %mul3A_356, %add3A_379 : i32
      %get3A_381 = arith.index_cast %add3A_380 : i32 to index
      %get3A_382 = tpu.vector_load %arg15[%get3A_381] {strides = array<i32>} : memref<4096xi32, #tpu.memory_space<vmem>>, vector<16xi32>,
      %sub3A_383 = arith.subi %get3A_382, %add3A_37 : vector<16xi32>
      %bitcast3A_384 = vector.bitcast %sub3A_383 : vector<16xi32> to vector<16xi32>
      %min3A_385 = arith.minui %bitcast3A_384, %bitcast3A : vector<16xi32>
      %bitcast3A_386 = vector.bitcast %min3A_385 : vector<16xi32> to vector<16xi32>
      %add3A_387 = arith.constant 64 : i32
      %add3A_388 = arith.addi %mul3A_356, %add3A_387 : i32
      %get3A_389 = arith.index_cast %add3A_388 : i32 to index
      %get3A_390 = tpu.vector_load %arg15[%get3A_389] {strides = array<i32>} : memref<4096xi32, #tpu.memory_space<vmem>>, vector<16xi32>,
      %sub3A_391 = arith.subi %get3A_390, %add3A_37 : vector<16xi32>
      %bitcast3A_392 = vector.bitcast %sub3A_391 : vector<16xi32> to vector<16xi32>
      %min3A_393 = arith.minui %bitcast3A_392, %bitcast3A : vector<16xi32>
      %bitcast3A_394 = vector.bitcast %min3A_393 : vector<16xi32> to vector<16xi32>
      %add3A_395 = arith.constant 80 : i32
      %add3A_396 = arith.addi %mul3A_356, %add3A_395 : i32
      %get3A_397 = arith.index_cast %add3A_396 : i32 to index
      %get3A_398 = tpu.vector_load %arg15[%get3A_397] {strides = array<i32>} : memref<4096xi32, #tpu.memory_space<vmem>>, vector<16xi32>,
      %sub3A_399 = arith.subi %get3A_398, %add3A_37 : vector<16xi32>
      %bitcast3A_400 = vector.bitcast %sub3A_399 : vector<16xi32> to vector<16xi32>
      %min3A_401 = arith.minui %bitcast3A_400, %bitcast3A : vector<16xi32>
      %bitcast3A_402 = vector.bitcast %min3A_401 : vector<16xi32> to vector<16xi32>
      %add3A_403 = arith.constant 96 : i32
      %add3A_404 = arith.addi %mul3A_356, %add3A_403 : i32
      %get3A_405 = arith.index_cast %add3A_404 : i32 to index
      %get3A_406 = tpu.vector_load %arg15[%get3A_405] {strides = array<i32>} : memref<4096xi32, #tpu.memory_space<vmem>>, vector<16xi32>,
      %sub3A_407 = arith.subi %get3A_406, %add3A_37 : vector<16xi32>
      %bitcast3A_408 = vector.bitcast %sub3A_407 : vector<16xi32> to vector<16xi32>
      %min3A_409 = arith.minui %bitcast3A_408, %bitcast3A : vector<16xi32>
      %bitcast3A_410 = vector.bitcast %min3A_409 : vector<16xi32> to vector<16xi32>
      %add3A_411 = arith.constant 112 : i32
      %add3A_412 = arith.addi %mul3A_356, %add3A_411 : i32
      %get3A_413 = arith.index_cast %add3A_412 : i32 to index
      %get3A_414 = tpu.vector_load %arg15[%get3A_413] {strides = array<i32>} : memref<4096xi32, #tpu.memory_space<vmem>>, vector<16xi32>,
      %sub3A_415 = arith.subi %get3A_414, %add3A_37 : vector<16xi32>
      %bitcast3A_416 = vector.bitcast %sub3A_415 : vector<16xi32> to vector<16xi32>
      %min3A_417 = arith.minui %bitcast3A_416, %bitcast3A : vector<16xi32>
      %bitcast3A_418 = vector.bitcast %min3A_417 : vector<16xi32> to vector<16xi32>
      %add3A_419 = arith.constant 0 : i32
      %add3A_420 = arith.addi %mul3A_356, %add3A_419 : i32
      %get3A_421 = arith.index_cast %add3A_420 : i32 to index
      %get3A_422 = tpu.vector_load %arg17[%get3A_421] {strides = array<i32>} : memref<4096xf32, #tpu.memory_space<vmem>>, vector<16xf32>,
      %add3A_423 = arith.constant 16 : i32
      %add3A_424 = arith.addi %mul3A_356, %add3A_423 : i32
      %get3A_425 = arith.index_cast %add3A_424 : i32 to index
      %get3A_426 = tpu.vector_load %arg17[%get3A_425] {strides = array<i32>} : memref<4096xf32, #tpu.memory_space<vmem>>, vector<16xf32>,
      %add3A_427 = arith.constant 32 : i32
      %add3A_428 = arith.addi %mul3A_356, %add3A_427 : i32
      %get3A_429 = arith.index_cast %add3A_428 : i32 to index
      %get3A_430 = tpu.vector_load %arg17[%get3A_429] {strides = array<i32>} : memref<4096xf32, #tpu.memory_space<vmem>>, vector<16xf32>,
      %add3A_431 = arith.constant 48 : i32
      %add3A_432 = arith.addi %mul3A_356, %add3A_431 : i32
      %get3A_433 = arith.index_cast %add3A_432 : i32 to index
      %get3A_434 = tpu.vector_load %arg17[%get3A_433] {strides = array<i32>} : memref<4096xf32, #tpu.memory_space<vmem>>, vector<16xf32>,
      %add3A_435 = arith.constant 64 : i32
      %add3A_436 = arith.addi %mul3A_356, %add3A_435 : i32
      %get3A_437 = arith.index_cast %add3A_436 : i32 to index
      %get3A_438 = tpu.vector_load %arg17[%get3A_437] {strides = array<i32>} : memref<4096xf32, #tpu.memory_space<vmem>>, vector<16xf32>,
      %add3A_439 = arith.constant 80 : i32
      %add3A_440 = arith.addi %mul3A_356, %add3A_439 : i32
      %get3A_441 = arith.index_cast %add3A_440 : i32 to index
      %get3A_442 = tpu.vector_load %arg17[%get3A_441] {strides = array<i32>} : memref<4096xf32, #tpu.memory_space<vmem>>, vector<16xf32>,
      %add3A_443 = arith.constant 96 : i32
      %add3A_444 = arith.addi %mul3A_356, %add3A_443 : i32
      %get3A_445 = arith.index_cast %add3A_444 : i32 to index
      %get3A_446 = tpu.vector_load %arg17[%get3A_445] {strides = array<i32>} : memref<4096xf32, #tpu.memory_space<vmem>>, vector<16xf32>,
      %add3A_447 = arith.constant 112 : i32
      %add3A_448 = arith.addi %mul3A_356, %add3A_447 : i32
      %get3A_449 = arith.index_cast %add3A_448 : i32 to index
      %get3A_450 = tpu.vector_load %arg17[%get3A_449] {strides = array<i32>} : memref<4096xf32, #tpu.memory_space<vmem>>, vector<16xf32>,
      tpu.vector_store_idx %arg12[%bitcast3A_362], %get3A_422 : memref<49168xf32, #tpu.memory_space<vmem>>[vector<16xi32>], vector<16xf32>,
      tpu.vector_store_idx %arg13[%bitcast3A_362], %broadcast_in_dim3A_42 : memref<49168xf32, #tpu.memory_space<vmem>>[vector<16xi32>], vector<16xf32>,
      tpu.vector_store_idx %arg12[%bitcast3A_370], %get3A_426 : memref<49168xf32, #tpu.memory_space<vmem>>[vector<16xi32>], vector<16xf32>,
      tpu.vector_store_idx %arg13[%bitcast3A_370], %broadcast_in_dim3A_42 : memref<49168xf32, #tpu.memory_space<vmem>>[vector<16xi32>], vector<16xf32>,
      tpu.vector_store_idx %arg12[%bitcast3A_378], %get3A_430 : memref<49168xf32, #tpu.memory_space<vmem>>[vector<16xi32>], vector<16xf32>,
      tpu.vector_store_idx %arg13[%bitcast3A_378], %broadcast_in_dim3A_42 : memref<49168xf32, #tpu.memory_space<vmem>>[vector<16xi32>], vector<16xf32>,
      tpu.vector_store_idx %arg12[%bitcast3A_386], %get3A_434 : memref<49168xf32, #tpu.memory_space<vmem>>[vector<16xi32>], vector<16xf32>,
      tpu.vector_store_idx %arg13[%bitcast3A_386], %broadcast_in_dim3A_42 : memref<49168xf32, #tpu.memory_space<vmem>>[vector<16xi32>], vector<16xf32>,
      tpu.vector_store_idx %arg12[%bitcast3A_394], %get3A_438 : memref<49168xf32, #tpu.memory_space<vmem>>[vector<16xi32>], vector<16xf32>,
      tpu.vector_store_idx %arg13[%bitcast3A_394], %broadcast_in_dim3A_42 : memref<49168xf32, #tpu.memory_space<vmem>>[vector<16xi32>], vector<16xf32>,
      tpu.vector_store_idx %arg12[%bitcast3A_402], %get3A_442 : memref<49168xf32, #tpu.memory_space<vmem>>[vector<16xi32>], vector<16xf32>,
      tpu.vector_store_idx %arg13[%bitcast3A_402], %broadcast_in_dim3A_42 : memref<49168xf32, #tpu.memory_space<vmem>>[vector<16xi32>], vector<16xf32>,
      tpu.vector_store_idx %arg12[%bitcast3A_410], %get3A_446 : memref<49168xf32, #tpu.memory_space<vmem>>[vector<16xi32>], vector<16xf32>,
      tpu.vector_store_idx %arg13[%bitcast3A_410], %broadcast_in_dim3A_42 : memref<49168xf32, #tpu.memory_space<vmem>>[vector<16xi32>], vector<16xf32>,
      tpu.vector_store_idx %arg12[%bitcast3A_418], %get3A_450 : memref<49168xf32, #tpu.memory_space<vmem>>[vector<16xi32>], vector<16xf32>,
      tpu.vector_store_idx %arg13[%bitcast3A_418], %broadcast_in_dim3A_42 : memref<49168xf32, #tpu.memory_space<vmem>>[vector<16xi32>], vector<16xf32>,
    }
    %scan3A_125 = arith.constant 32 : i32
    %add3A_126 = arith.constant 16384 : i32
    %add3A_127 = arith.addi %mul3A_34, %add3A_126 : i32
    %dma_wait3A_128 = tpu.memref_slice %arg2[%add3A_127] : memref<262144xi32, #tpu.memory_space<hbm>> -> memref<4096xi32, #tpu.memory_space<hbm>>
    %dma_wait3A_129 = tpu.memref_slice %arg2[%add3A_127] : memref<262144xi32, #tpu.memory_space<hbm>> -> memref<4096xi32, #tpu.memory_space<hbm>>
    tpu.wait_dma2 semaphore(%arg18 : memref<!tpu.dma_semaphore, #tpu.memory_space<semaphore_mem>>) src(%dma_wait3A_129 : memref<4096xi32, #tpu.memory_space<hbm>>) dst(%arg14 : memref<4096xi32, #tpu.memory_space<vmem>>)
    %dma_wait3A_130 = tpu.memref_slice %arg3[%add3A_127] : memref<262144xf32, #tpu.memory_space<hbm>> -> memref<4096xf32, #tpu.memory_space<hbm>>
    %dma_wait3A_131 = tpu.memref_slice %arg3[%add3A_127] : memref<262144xf32, #tpu.memory_space<hbm>> -> memref<4096xf32, #tpu.memory_space<hbm>>
    tpu.wait_dma2 semaphore(%arg19 : memref<!tpu.dma_semaphore, #tpu.memory_space<semaphore_mem>>) src(%dma_wait3A_131 : memref<4096xf32, #tpu.memory_space<hbm>>) dst(%arg16 : memref<4096xf32, #tpu.memory_space<vmem>>)
    %add3A_132 = arith.constant 20480 : i32
    %add3A_133 = arith.addi %mul3A_34, %add3A_132 : i32
    %dma_start3A_134 = tpu.memref_slice %arg2[%add3A_133] : memref<262144xi32, #tpu.memory_space<hbm>> -> memref<4096xi32, #tpu.memory_space<hbm>>
    %dma_start3A_135 = tpu.memref_slice %arg2[%add3A_133] : memref<262144xi32, #tpu.memory_space<hbm>> -> memref<4096xi32, #tpu.memory_space<hbm>>
    tpu.enqueue_dma source(%dma_start3A_135 : memref<4096xi32, #tpu.memory_space<hbm>>) target(%arg15 : memref<4096xi32, #tpu.memory_space<vmem>>) target_semaphore(%arg18 : memref<!tpu.dma_semaphore, #tpu.memory_space<semaphore_mem>>)
    %dma_start3A_136 = tpu.memref_slice %arg3[%add3A_133] : memref<262144xf32, #tpu.memory_space<hbm>> -> memref<4096xf32, #tpu.memory_space<hbm>>
    %dma_start3A_137 = tpu.memref_slice %arg3[%add3A_133] : memref<262144xf32, #tpu.memory_space<hbm>> -> memref<4096xf32, #tpu.memory_space<hbm>>
    tpu.enqueue_dma source(%dma_start3A_137 : memref<4096xf32, #tpu.memory_space<hbm>>) target(%arg17 : memref<4096xf32, #tpu.memory_space<vmem>>) target_semaphore(%arg19 : memref<!tpu.dma_semaphore, #tpu.memory_space<semaphore_mem>>)
    %scan3A_138 = arith.constant 0 : i32
    %scan3A_139 = arith.constant 0 : i32
    %scan3A_140 = arith.constant 32 : i32
    %scan3A_141 = arith.addi %scan3A_139, %scan3A_140 : i32
    %scan3A_142 = arith.constant 1 : i32
    scf.for %scan3A_354 = %scan3A_139 to %scan3A_141 step %scan3A_142  : i32 {
      %mul3A_355 = arith.constant 128 : i32
      %mul3A_356 = arith.muli %scan3A_354, %mul3A_355 : i32
      %add3A_357 = arith.constant 0 : i32
      %add3A_358 = arith.addi %mul3A_356, %add3A_357 : i32
      %get3A = arith.index_cast %add3A_358 : i32 to index
      %get3A_359 = tpu.vector_load %arg14[%get3A] {strides = array<i32>} : memref<4096xi32, #tpu.memory_space<vmem>>, vector<16xi32>,
      %sub3A_360 = arith.subi %get3A_359, %add3A_37 : vector<16xi32>
      %bitcast3A_361 = vector.bitcast %sub3A_360 : vector<16xi32> to vector<16xi32>
      %min3A = arith.minui %bitcast3A_361, %bitcast3A : vector<16xi32>
      %bitcast3A_362 = vector.bitcast %min3A : vector<16xi32> to vector<16xi32>
      %add3A_363 = arith.constant 16 : i32
      %add3A_364 = arith.addi %mul3A_356, %add3A_363 : i32
      %get3A_365 = arith.index_cast %add3A_364 : i32 to index
      %get3A_366 = tpu.vector_load %arg14[%get3A_365] {strides = array<i32>} : memref<4096xi32, #tpu.memory_space<vmem>>, vector<16xi32>,
      %sub3A_367 = arith.subi %get3A_366, %add3A_37 : vector<16xi32>
      %bitcast3A_368 = vector.bitcast %sub3A_367 : vector<16xi32> to vector<16xi32>
      %min3A_369 = arith.minui %bitcast3A_368, %bitcast3A : vector<16xi32>
      %bitcast3A_370 = vector.bitcast %min3A_369 : vector<16xi32> to vector<16xi32>
      %add3A_371 = arith.constant 32 : i32
      %add3A_372 = arith.addi %mul3A_356, %add3A_371 : i32
      %get3A_373 = arith.index_cast %add3A_372 : i32 to index
      %get3A_374 = tpu.vector_load %arg14[%get3A_373] {strides = array<i32>} : memref<4096xi32, #tpu.memory_space<vmem>>, vector<16xi32>,
      %sub3A_375 = arith.subi %get3A_374, %add3A_37 : vector<16xi32>
      %bitcast3A_376 = vector.bitcast %sub3A_375 : vector<16xi32> to vector<16xi32>
      %min3A_377 = arith.minui %bitcast3A_376, %bitcast3A : vector<16xi32>
      %bitcast3A_378 = vector.bitcast %min3A_377 : vector<16xi32> to vector<16xi32>
      %add3A_379 = arith.constant 48 : i32
      %add3A_380 = arith.addi %mul3A_356, %add3A_379 : i32
      %get3A_381 = arith.index_cast %add3A_380 : i32 to index
      %get3A_382 = tpu.vector_load %arg14[%get3A_381] {strides = array<i32>} : memref<4096xi32, #tpu.memory_space<vmem>>, vector<16xi32>,
      %sub3A_383 = arith.subi %get3A_382, %add3A_37 : vector<16xi32>
      %bitcast3A_384 = vector.bitcast %sub3A_383 : vector<16xi32> to vector<16xi32>
      %min3A_385 = arith.minui %bitcast3A_384, %bitcast3A : vector<16xi32>
      %bitcast3A_386 = vector.bitcast %min3A_385 : vector<16xi32> to vector<16xi32>
      %add3A_387 = arith.constant 64 : i32
      %add3A_388 = arith.addi %mul3A_356, %add3A_387 : i32
      %get3A_389 = arith.index_cast %add3A_388 : i32 to index
      %get3A_390 = tpu.vector_load %arg14[%get3A_389] {strides = array<i32>} : memref<4096xi32, #tpu.memory_space<vmem>>, vector<16xi32>,
      %sub3A_391 = arith.subi %get3A_390, %add3A_37 : vector<16xi32>
      %bitcast3A_392 = vector.bitcast %sub3A_391 : vector<16xi32> to vector<16xi32>
      %min3A_393 = arith.minui %bitcast3A_392, %bitcast3A : vector<16xi32>
      %bitcast3A_394 = vector.bitcast %min3A_393 : vector<16xi32> to vector<16xi32>
      %add3A_395 = arith.constant 80 : i32
      %add3A_396 = arith.addi %mul3A_356, %add3A_395 : i32
      %get3A_397 = arith.index_cast %add3A_396 : i32 to index
      %get3A_398 = tpu.vector_load %arg14[%get3A_397] {strides = array<i32>} : memref<4096xi32, #tpu.memory_space<vmem>>, vector<16xi32>,
      %sub3A_399 = arith.subi %get3A_398, %add3A_37 : vector<16xi32>
      %bitcast3A_400 = vector.bitcast %sub3A_399 : vector<16xi32> to vector<16xi32>
      %min3A_401 = arith.minui %bitcast3A_400, %bitcast3A : vector<16xi32>
      %bitcast3A_402 = vector.bitcast %min3A_401 : vector<16xi32> to vector<16xi32>
      %add3A_403 = arith.constant 96 : i32
      %add3A_404 = arith.addi %mul3A_356, %add3A_403 : i32
      %get3A_405 = arith.index_cast %add3A_404 : i32 to index
      %get3A_406 = tpu.vector_load %arg14[%get3A_405] {strides = array<i32>} : memref<4096xi32, #tpu.memory_space<vmem>>, vector<16xi32>,
      %sub3A_407 = arith.subi %get3A_406, %add3A_37 : vector<16xi32>
      %bitcast3A_408 = vector.bitcast %sub3A_407 : vector<16xi32> to vector<16xi32>
      %min3A_409 = arith.minui %bitcast3A_408, %bitcast3A : vector<16xi32>
      %bitcast3A_410 = vector.bitcast %min3A_409 : vector<16xi32> to vector<16xi32>
      %add3A_411 = arith.constant 112 : i32
      %add3A_412 = arith.addi %mul3A_356, %add3A_411 : i32
      %get3A_413 = arith.index_cast %add3A_412 : i32 to index
      %get3A_414 = tpu.vector_load %arg14[%get3A_413] {strides = array<i32>} : memref<4096xi32, #tpu.memory_space<vmem>>, vector<16xi32>,
      %sub3A_415 = arith.subi %get3A_414, %add3A_37 : vector<16xi32>
      %bitcast3A_416 = vector.bitcast %sub3A_415 : vector<16xi32> to vector<16xi32>
      %min3A_417 = arith.minui %bitcast3A_416, %bitcast3A : vector<16xi32>
      %bitcast3A_418 = vector.bitcast %min3A_417 : vector<16xi32> to vector<16xi32>
      %add3A_419 = arith.constant 0 : i32
      %add3A_420 = arith.addi %mul3A_356, %add3A_419 : i32
      %get3A_421 = arith.index_cast %add3A_420 : i32 to index
      %get3A_422 = tpu.vector_load %arg16[%get3A_421] {strides = array<i32>} : memref<4096xf32, #tpu.memory_space<vmem>>, vector<16xf32>,
      %add3A_423 = arith.constant 16 : i32
      %add3A_424 = arith.addi %mul3A_356, %add3A_423 : i32
      %get3A_425 = arith.index_cast %add3A_424 : i32 to index
      %get3A_426 = tpu.vector_load %arg16[%get3A_425] {strides = array<i32>} : memref<4096xf32, #tpu.memory_space<vmem>>, vector<16xf32>,
      %add3A_427 = arith.constant 32 : i32
      %add3A_428 = arith.addi %mul3A_356, %add3A_427 : i32
      %get3A_429 = arith.index_cast %add3A_428 : i32 to index
      %get3A_430 = tpu.vector_load %arg16[%get3A_429] {strides = array<i32>} : memref<4096xf32, #tpu.memory_space<vmem>>, vector<16xf32>,
      %add3A_431 = arith.constant 48 : i32
      %add3A_432 = arith.addi %mul3A_356, %add3A_431 : i32
      %get3A_433 = arith.index_cast %add3A_432 : i32 to index
      %get3A_434 = tpu.vector_load %arg16[%get3A_433] {strides = array<i32>} : memref<4096xf32, #tpu.memory_space<vmem>>, vector<16xf32>,
      %add3A_435 = arith.constant 64 : i32
      %add3A_436 = arith.addi %mul3A_356, %add3A_435 : i32
      %get3A_437 = arith.index_cast %add3A_436 : i32 to index
      %get3A_438 = tpu.vector_load %arg16[%get3A_437] {strides = array<i32>} : memref<4096xf32, #tpu.memory_space<vmem>>, vector<16xf32>,
      %add3A_439 = arith.constant 80 : i32
      %add3A_440 = arith.addi %mul3A_356, %add3A_439 : i32
      %get3A_441 = arith.index_cast %add3A_440 : i32 to index
      %get3A_442 = tpu.vector_load %arg16[%get3A_441] {strides = array<i32>} : memref<4096xf32, #tpu.memory_space<vmem>>, vector<16xf32>,
      %add3A_443 = arith.constant 96 : i32
      %add3A_444 = arith.addi %mul3A_356, %add3A_443 : i32
      %get3A_445 = arith.index_cast %add3A_444 : i32 to index
      %get3A_446 = tpu.vector_load %arg16[%get3A_445] {strides = array<i32>} : memref<4096xf32, #tpu.memory_space<vmem>>, vector<16xf32>,
      %add3A_447 = arith.constant 112 : i32
      %add3A_448 = arith.addi %mul3A_356, %add3A_447 : i32
      %get3A_449 = arith.index_cast %add3A_448 : i32 to index
      %get3A_450 = tpu.vector_load %arg16[%get3A_449] {strides = array<i32>} : memref<4096xf32, #tpu.memory_space<vmem>>, vector<16xf32>,
      tpu.vector_store_idx %arg12[%bitcast3A_362], %get3A_422 : memref<49168xf32, #tpu.memory_space<vmem>>[vector<16xi32>], vector<16xf32>,
      tpu.vector_store_idx %arg13[%bitcast3A_362], %broadcast_in_dim3A_42 : memref<49168xf32, #tpu.memory_space<vmem>>[vector<16xi32>], vector<16xf32>,
      tpu.vector_store_idx %arg12[%bitcast3A_370], %get3A_426 : memref<49168xf32, #tpu.memory_space<vmem>>[vector<16xi32>], vector<16xf32>,
      tpu.vector_store_idx %arg13[%bitcast3A_370], %broadcast_in_dim3A_42 : memref<49168xf32, #tpu.memory_space<vmem>>[vector<16xi32>], vector<16xf32>,
      tpu.vector_store_idx %arg12[%bitcast3A_378], %get3A_430 : memref<49168xf32, #tpu.memory_space<vmem>>[vector<16xi32>], vector<16xf32>,
      tpu.vector_store_idx %arg13[%bitcast3A_378], %broadcast_in_dim3A_42 : memref<49168xf32, #tpu.memory_space<vmem>>[vector<16xi32>], vector<16xf32>,
      tpu.vector_store_idx %arg12[%bitcast3A_386], %get3A_434 : memref<49168xf32, #tpu.memory_space<vmem>>[vector<16xi32>], vector<16xf32>,
      tpu.vector_store_idx %arg13[%bitcast3A_386], %broadcast_in_dim3A_42 : memref<49168xf32, #tpu.memory_space<vmem>>[vector<16xi32>], vector<16xf32>,
      tpu.vector_store_idx %arg12[%bitcast3A_394], %get3A_438 : memref<49168xf32, #tpu.memory_space<vmem>>[vector<16xi32>], vector<16xf32>,
      tpu.vector_store_idx %arg13[%bitcast3A_394], %broadcast_in_dim3A_42 : memref<49168xf32, #tpu.memory_space<vmem>>[vector<16xi32>], vector<16xf32>,
      tpu.vector_store_idx %arg12[%bitcast3A_402], %get3A_442 : memref<49168xf32, #tpu.memory_space<vmem>>[vector<16xi32>], vector<16xf32>,
      tpu.vector_store_idx %arg13[%bitcast3A_402], %broadcast_in_dim3A_42 : memref<49168xf32, #tpu.memory_space<vmem>>[vector<16xi32>], vector<16xf32>,
      tpu.vector_store_idx %arg12[%bitcast3A_410], %get3A_446 : memref<49168xf32, #tpu.memory_space<vmem>>[vector<16xi32>], vector<16xf32>,
      tpu.vector_store_idx %arg13[%bitcast3A_410], %broadcast_in_dim3A_42 : memref<49168xf32, #tpu.memory_space<vmem>>[vector<16xi32>], vector<16xf32>,
      tpu.vector_store_idx %arg12[%bitcast3A_418], %get3A_450 : memref<49168xf32, #tpu.memory_space<vmem>>[vector<16xi32>], vector<16xf32>,
      tpu.vector_store_idx %arg13[%bitcast3A_418], %broadcast_in_dim3A_42 : memref<49168xf32, #tpu.memory_space<vmem>>[vector<16xi32>], vector<16xf32>,
    }
    %scan3A_143 = arith.constant 32 : i32
    %add3A_144 = arith.constant 20480 : i32
    %add3A_145 = arith.addi %mul3A_34, %add3A_144 : i32
    %dma_wait3A_146 = tpu.memref_slice %arg2[%add3A_145] : memref<262144xi32, #tpu.memory_space<hbm>> -> memref<4096xi32, #tpu.memory_space<hbm>>
    %dma_wait3A_147 = tpu.memref_slice %arg2[%add3A_145] : memref<262144xi32, #tpu.memory_space<hbm>> -> memref<4096xi32, #tpu.memory_space<hbm>>
    tpu.wait_dma2 semaphore(%arg18 : memref<!tpu.dma_semaphore, #tpu.memory_space<semaphore_mem>>) src(%dma_wait3A_147 : memref<4096xi32, #tpu.memory_space<hbm>>) dst(%arg15 : memref<4096xi32, #tpu.memory_space<vmem>>)
    %dma_wait3A_148 = tpu.memref_slice %arg3[%add3A_145] : memref<262144xf32, #tpu.memory_space<hbm>> -> memref<4096xf32, #tpu.memory_space<hbm>>
    %dma_wait3A_149 = tpu.memref_slice %arg3[%add3A_145] : memref<262144xf32, #tpu.memory_space<hbm>> -> memref<4096xf32, #tpu.memory_space<hbm>>
    tpu.wait_dma2 semaphore(%arg19 : memref<!tpu.dma_semaphore, #tpu.memory_space<semaphore_mem>>) src(%dma_wait3A_149 : memref<4096xf32, #tpu.memory_space<hbm>>) dst(%arg17 : memref<4096xf32, #tpu.memory_space<vmem>>)
    %add3A_150 = arith.constant 24576 : i32
    %add3A_151 = arith.addi %mul3A_34, %add3A_150 : i32
    %dma_start3A_152 = tpu.memref_slice %arg2[%add3A_151] : memref<262144xi32, #tpu.memory_space<hbm>> -> memref<4096xi32, #tpu.memory_space<hbm>>
    %dma_start3A_153 = tpu.memref_slice %arg2[%add3A_151] : memref<262144xi32, #tpu.memory_space<hbm>> -> memref<4096xi32, #tpu.memory_space<hbm>>
    tpu.enqueue_dma source(%dma_start3A_153 : memref<4096xi32, #tpu.memory_space<hbm>>) target(%arg14 : memref<4096xi32, #tpu.memory_space<vmem>>) target_semaphore(%arg18 : memref<!tpu.dma_semaphore, #tpu.memory_space<semaphore_mem>>)
    %dma_start3A_154 = tpu.memref_slice %arg3[%add3A_151] : memref<262144xf32, #tpu.memory_space<hbm>> -> memref<4096xf32, #tpu.memory_space<hbm>>
    %dma_start3A_155 = tpu.memref_slice %arg3[%add3A_151] : memref<262144xf32, #tpu.memory_space<hbm>> -> memref<4096xf32, #tpu.memory_space<hbm>>
    tpu.enqueue_dma source(%dma_start3A_155 : memref<4096xf32, #tpu.memory_space<hbm>>) target(%arg16 : memref<4096xf32, #tpu.memory_space<vmem>>) target_semaphore(%arg19 : memref<!tpu.dma_semaphore, #tpu.memory_space<semaphore_mem>>)
    %scan3A_156 = arith.constant 0 : i32
    %scan3A_157 = arith.constant 0 : i32
    %scan3A_158 = arith.constant 32 : i32
    %scan3A_159 = arith.addi %scan3A_157, %scan3A_158 : i32
    %scan3A_160 = arith.constant 1 : i32
    scf.for %scan3A_354 = %scan3A_157 to %scan3A_159 step %scan3A_160  : i32 {
      %mul3A_355 = arith.constant 128 : i32
      %mul3A_356 = arith.muli %scan3A_354, %mul3A_355 : i32
      %add3A_357 = arith.constant 0 : i32
      %add3A_358 = arith.addi %mul3A_356, %add3A_357 : i32
      %get3A = arith.index_cast %add3A_358 : i32 to index
      %get3A_359 = tpu.vector_load %arg15[%get3A] {strides = array<i32>} : memref<4096xi32, #tpu.memory_space<vmem>>, vector<16xi32>,
      %sub3A_360 = arith.subi %get3A_359, %add3A_37 : vector<16xi32>
      %bitcast3A_361 = vector.bitcast %sub3A_360 : vector<16xi32> to vector<16xi32>
      %min3A = arith.minui %bitcast3A_361, %bitcast3A : vector<16xi32>
      %bitcast3A_362 = vector.bitcast %min3A : vector<16xi32> to vector<16xi32>
      %add3A_363 = arith.constant 16 : i32
      %add3A_364 = arith.addi %mul3A_356, %add3A_363 : i32
      %get3A_365 = arith.index_cast %add3A_364 : i32 to index
      %get3A_366 = tpu.vector_load %arg15[%get3A_365] {strides = array<i32>} : memref<4096xi32, #tpu.memory_space<vmem>>, vector<16xi32>,
      %sub3A_367 = arith.subi %get3A_366, %add3A_37 : vector<16xi32>
      %bitcast3A_368 = vector.bitcast %sub3A_367 : vector<16xi32> to vector<16xi32>
      %min3A_369 = arith.minui %bitcast3A_368, %bitcast3A : vector<16xi32>
      %bitcast3A_370 = vector.bitcast %min3A_369 : vector<16xi32> to vector<16xi32>
      %add3A_371 = arith.constant 32 : i32
      %add3A_372 = arith.addi %mul3A_356, %add3A_371 : i32
      %get3A_373 = arith.index_cast %add3A_372 : i32 to index
      %get3A_374 = tpu.vector_load %arg15[%get3A_373] {strides = array<i32>} : memref<4096xi32, #tpu.memory_space<vmem>>, vector<16xi32>,
      %sub3A_375 = arith.subi %get3A_374, %add3A_37 : vector<16xi32>
      %bitcast3A_376 = vector.bitcast %sub3A_375 : vector<16xi32> to vector<16xi32>
      %min3A_377 = arith.minui %bitcast3A_376, %bitcast3A : vector<16xi32>
      %bitcast3A_378 = vector.bitcast %min3A_377 : vector<16xi32> to vector<16xi32>
      %add3A_379 = arith.constant 48 : i32
      %add3A_380 = arith.addi %mul3A_356, %add3A_379 : i32
      %get3A_381 = arith.index_cast %add3A_380 : i32 to index
      %get3A_382 = tpu.vector_load %arg15[%get3A_381] {strides = array<i32>} : memref<4096xi32, #tpu.memory_space<vmem>>, vector<16xi32>,
      %sub3A_383 = arith.subi %get3A_382, %add3A_37 : vector<16xi32>
      %bitcast3A_384 = vector.bitcast %sub3A_383 : vector<16xi32> to vector<16xi32>
      %min3A_385 = arith.minui %bitcast3A_384, %bitcast3A : vector<16xi32>
      %bitcast3A_386 = vector.bitcast %min3A_385 : vector<16xi32> to vector<16xi32>
      %add3A_387 = arith.constant 64 : i32
      %add3A_388 = arith.addi %mul3A_356, %add3A_387 : i32
      %get3A_389 = arith.index_cast %add3A_388 : i32 to index
      %get3A_390 = tpu.vector_load %arg15[%get3A_389] {strides = array<i32>} : memref<4096xi32, #tpu.memory_space<vmem>>, vector<16xi32>,
      %sub3A_391 = arith.subi %get3A_390, %add3A_37 : vector<16xi32>
      %bitcast3A_392 = vector.bitcast %sub3A_391 : vector<16xi32> to vector<16xi32>
      %min3A_393 = arith.minui %bitcast3A_392, %bitcast3A : vector<16xi32>
      %bitcast3A_394 = vector.bitcast %min3A_393 : vector<16xi32> to vector<16xi32>
      %add3A_395 = arith.constant 80 : i32
      %add3A_396 = arith.addi %mul3A_356, %add3A_395 : i32
      %get3A_397 = arith.index_cast %add3A_396 : i32 to index
      %get3A_398 = tpu.vector_load %arg15[%get3A_397] {strides = array<i32>} : memref<4096xi32, #tpu.memory_space<vmem>>, vector<16xi32>,
      %sub3A_399 = arith.subi %get3A_398, %add3A_37 : vector<16xi32>
      %bitcast3A_400 = vector.bitcast %sub3A_399 : vector<16xi32> to vector<16xi32>
      %min3A_401 = arith.minui %bitcast3A_400, %bitcast3A : vector<16xi32>
      %bitcast3A_402 = vector.bitcast %min3A_401 : vector<16xi32> to vector<16xi32>
      %add3A_403 = arith.constant 96 : i32
      %add3A_404 = arith.addi %mul3A_356, %add3A_403 : i32
      %get3A_405 = arith.index_cast %add3A_404 : i32 to index
      %get3A_406 = tpu.vector_load %arg15[%get3A_405] {strides = array<i32>} : memref<4096xi32, #tpu.memory_space<vmem>>, vector<16xi32>,
      %sub3A_407 = arith.subi %get3A_406, %add3A_37 : vector<16xi32>
      %bitcast3A_408 = vector.bitcast %sub3A_407 : vector<16xi32> to vector<16xi32>
      %min3A_409 = arith.minui %bitcast3A_408, %bitcast3A : vector<16xi32>
      %bitcast3A_410 = vector.bitcast %min3A_409 : vector<16xi32> to vector<16xi32>
      %add3A_411 = arith.constant 112 : i32
      %add3A_412 = arith.addi %mul3A_356, %add3A_411 : i32
      %get3A_413 = arith.index_cast %add3A_412 : i32 to index
      %get3A_414 = tpu.vector_load %arg15[%get3A_413] {strides = array<i32>} : memref<4096xi32, #tpu.memory_space<vmem>>, vector<16xi32>,
      %sub3A_415 = arith.subi %get3A_414, %add3A_37 : vector<16xi32>
      %bitcast3A_416 = vector.bitcast %sub3A_415 : vector<16xi32> to vector<16xi32>
      %min3A_417 = arith.minui %bitcast3A_416, %bitcast3A : vector<16xi32>
      %bitcast3A_418 = vector.bitcast %min3A_417 : vector<16xi32> to vector<16xi32>
      %add3A_419 = arith.constant 0 : i32
      %add3A_420 = arith.addi %mul3A_356, %add3A_419 : i32
      %get3A_421 = arith.index_cast %add3A_420 : i32 to index
      %get3A_422 = tpu.vector_load %arg17[%get3A_421] {strides = array<i32>} : memref<4096xf32, #tpu.memory_space<vmem>>, vector<16xf32>,
      %add3A_423 = arith.constant 16 : i32
      %add3A_424 = arith.addi %mul3A_356, %add3A_423 : i32
      %get3A_425 = arith.index_cast %add3A_424 : i32 to index
      %get3A_426 = tpu.vector_load %arg17[%get3A_425] {strides = array<i32>} : memref<4096xf32, #tpu.memory_space<vmem>>, vector<16xf32>,
      %add3A_427 = arith.constant 32 : i32
      %add3A_428 = arith.addi %mul3A_356, %add3A_427 : i32
      %get3A_429 = arith.index_cast %add3A_428 : i32 to index
      %get3A_430 = tpu.vector_load %arg17[%get3A_429] {strides = array<i32>} : memref<4096xf32, #tpu.memory_space<vmem>>, vector<16xf32>,
      %add3A_431 = arith.constant 48 : i32
      %add3A_432 = arith.addi %mul3A_356, %add3A_431 : i32
      %get3A_433 = arith.index_cast %add3A_432 : i32 to index
      %get3A_434 = tpu.vector_load %arg17[%get3A_433] {strides = array<i32>} : memref<4096xf32, #tpu.memory_space<vmem>>, vector<16xf32>,
      %add3A_435 = arith.constant 64 : i32
      %add3A_436 = arith.addi %mul3A_356, %add3A_435 : i32
      %get3A_437 = arith.index_cast %add3A_436 : i32 to index
      %get3A_438 = tpu.vector_load %arg17[%get3A_437] {strides = array<i32>} : memref<4096xf32, #tpu.memory_space<vmem>>, vector<16xf32>,
      %add3A_439 = arith.constant 80 : i32
      %add3A_440 = arith.addi %mul3A_356, %add3A_439 : i32
      %get3A_441 = arith.index_cast %add3A_440 : i32 to index
      %get3A_442 = tpu.vector_load %arg17[%get3A_441] {strides = array<i32>} : memref<4096xf32, #tpu.memory_space<vmem>>, vector<16xf32>,
      %add3A_443 = arith.constant 96 : i32
      %add3A_444 = arith.addi %mul3A_356, %add3A_443 : i32
      %get3A_445 = arith.index_cast %add3A_444 : i32 to index
      %get3A_446 = tpu.vector_load %arg17[%get3A_445] {strides = array<i32>} : memref<4096xf32, #tpu.memory_space<vmem>>, vector<16xf32>,
      %add3A_447 = arith.constant 112 : i32
      %add3A_448 = arith.addi %mul3A_356, %add3A_447 : i32
      %get3A_449 = arith.index_cast %add3A_448 : i32 to index
      %get3A_450 = tpu.vector_load %arg17[%get3A_449] {strides = array<i32>} : memref<4096xf32, #tpu.memory_space<vmem>>, vector<16xf32>,
      tpu.vector_store_idx %arg12[%bitcast3A_362], %get3A_422 : memref<49168xf32, #tpu.memory_space<vmem>>[vector<16xi32>], vector<16xf32>,
      tpu.vector_store_idx %arg13[%bitcast3A_362], %broadcast_in_dim3A_42 : memref<49168xf32, #tpu.memory_space<vmem>>[vector<16xi32>], vector<16xf32>,
      tpu.vector_store_idx %arg12[%bitcast3A_370], %get3A_426 : memref<49168xf32, #tpu.memory_space<vmem>>[vector<16xi32>], vector<16xf32>,
      tpu.vector_store_idx %arg13[%bitcast3A_370], %broadcast_in_dim3A_42 : memref<49168xf32, #tpu.memory_space<vmem>>[vector<16xi32>], vector<16xf32>,
      tpu.vector_store_idx %arg12[%bitcast3A_378], %get3A_430 : memref<49168xf32, #tpu.memory_space<vmem>>[vector<16xi32>], vector<16xf32>,
      tpu.vector_store_idx %arg13[%bitcast3A_378], %broadcast_in_dim3A_42 : memref<49168xf32, #tpu.memory_space<vmem>>[vector<16xi32>], vector<16xf32>,
      tpu.vector_store_idx %arg12[%bitcast3A_386], %get3A_434 : memref<49168xf32, #tpu.memory_space<vmem>>[vector<16xi32>], vector<16xf32>,
      tpu.vector_store_idx %arg13[%bitcast3A_386], %broadcast_in_dim3A_42 : memref<49168xf32, #tpu.memory_space<vmem>>[vector<16xi32>], vector<16xf32>,
      tpu.vector_store_idx %arg12[%bitcast3A_394], %get3A_438 : memref<49168xf32, #tpu.memory_space<vmem>>[vector<16xi32>], vector<16xf32>,
      tpu.vector_store_idx %arg13[%bitcast3A_394], %broadcast_in_dim3A_42 : memref<49168xf32, #tpu.memory_space<vmem>>[vector<16xi32>], vector<16xf32>,
      tpu.vector_store_idx %arg12[%bitcast3A_402], %get3A_442 : memref<49168xf32, #tpu.memory_space<vmem>>[vector<16xi32>], vector<16xf32>,
      tpu.vector_store_idx %arg13[%bitcast3A_402], %broadcast_in_dim3A_42 : memref<49168xf32, #tpu.memory_space<vmem>>[vector<16xi32>], vector<16xf32>,
      tpu.vector_store_idx %arg12[%bitcast3A_410], %get3A_446 : memref<49168xf32, #tpu.memory_space<vmem>>[vector<16xi32>], vector<16xf32>,
      tpu.vector_store_idx %arg13[%bitcast3A_410], %broadcast_in_dim3A_42 : memref<49168xf32, #tpu.memory_space<vmem>>[vector<16xi32>], vector<16xf32>,
      tpu.vector_store_idx %arg12[%bitcast3A_418], %get3A_450 : memref<49168xf32, #tpu.memory_space<vmem>>[vector<16xi32>], vector<16xf32>,
      tpu.vector_store_idx %arg13[%bitcast3A_418], %broadcast_in_dim3A_42 : memref<49168xf32, #tpu.memory_space<vmem>>[vector<16xi32>], vector<16xf32>,
    }
    %scan3A_161 = arith.constant 32 : i32
    %add3A_162 = arith.constant 24576 : i32
    %add3A_163 = arith.addi %mul3A_34, %add3A_162 : i32
    %dma_wait3A_164 = tpu.memref_slice %arg2[%add3A_163] : memref<262144xi32, #tpu.memory_space<hbm>> -> memref<4096xi32, #tpu.memory_space<hbm>>
    %dma_wait3A_165 = tpu.memref_slice %arg2[%add3A_163] : memref<262144xi32, #tpu.memory_space<hbm>> -> memref<4096xi32, #tpu.memory_space<hbm>>
    tpu.wait_dma2 semaphore(%arg18 : memref<!tpu.dma_semaphore, #tpu.memory_space<semaphore_mem>>) src(%dma_wait3A_165 : memref<4096xi32, #tpu.memory_space<hbm>>) dst(%arg14 : memref<4096xi32, #tpu.memory_space<vmem>>)
    %dma_wait3A_166 = tpu.memref_slice %arg3[%add3A_163] : memref<262144xf32, #tpu.memory_space<hbm>> -> memref<4096xf32, #tpu.memory_space<hbm>>
    %dma_wait3A_167 = tpu.memref_slice %arg3[%add3A_163] : memref<262144xf32, #tpu.memory_space<hbm>> -> memref<4096xf32, #tpu.memory_space<hbm>>
    tpu.wait_dma2 semaphore(%arg19 : memref<!tpu.dma_semaphore, #tpu.memory_space<semaphore_mem>>) src(%dma_wait3A_167 : memref<4096xf32, #tpu.memory_space<hbm>>) dst(%arg16 : memref<4096xf32, #tpu.memory_space<vmem>>)
    %add3A_168 = arith.constant 28672 : i32
    %add3A_169 = arith.addi %mul3A_34, %add3A_168 : i32
    %dma_start3A_170 = tpu.memref_slice %arg2[%add3A_169] : memref<262144xi32, #tpu.memory_space<hbm>> -> memref<4096xi32, #tpu.memory_space<hbm>>
    %dma_start3A_171 = tpu.memref_slice %arg2[%add3A_169] : memref<262144xi32, #tpu.memory_space<hbm>> -> memref<4096xi32, #tpu.memory_space<hbm>>
    tpu.enqueue_dma source(%dma_start3A_171 : memref<4096xi32, #tpu.memory_space<hbm>>) target(%arg15 : memref<4096xi32, #tpu.memory_space<vmem>>) target_semaphore(%arg18 : memref<!tpu.dma_semaphore, #tpu.memory_space<semaphore_mem>>)
    %dma_start3A_172 = tpu.memref_slice %arg3[%add3A_169] : memref<262144xf32, #tpu.memory_space<hbm>> -> memref<4096xf32, #tpu.memory_space<hbm>>
    %dma_start3A_173 = tpu.memref_slice %arg3[%add3A_169] : memref<262144xf32, #tpu.memory_space<hbm>> -> memref<4096xf32, #tpu.memory_space<hbm>>
    tpu.enqueue_dma source(%dma_start3A_173 : memref<4096xf32, #tpu.memory_space<hbm>>) target(%arg17 : memref<4096xf32, #tpu.memory_space<vmem>>) target_semaphore(%arg19 : memref<!tpu.dma_semaphore, #tpu.memory_space<semaphore_mem>>)
    %scan3A_174 = arith.constant 0 : i32
    %scan3A_175 = arith.constant 0 : i32
    %scan3A_176 = arith.constant 32 : i32
    %scan3A_177 = arith.addi %scan3A_175, %scan3A_176 : i32
    %scan3A_178 = arith.constant 1 : i32
    scf.for %scan3A_354 = %scan3A_175 to %scan3A_177 step %scan3A_178  : i32 {
      %mul3A_355 = arith.constant 128 : i32
      %mul3A_356 = arith.muli %scan3A_354, %mul3A_355 : i32
      %add3A_357 = arith.constant 0 : i32
      %add3A_358 = arith.addi %mul3A_356, %add3A_357 : i32
      %get3A = arith.index_cast %add3A_358 : i32 to index
      %get3A_359 = tpu.vector_load %arg14[%get3A] {strides = array<i32>} : memref<4096xi32, #tpu.memory_space<vmem>>, vector<16xi32>,
      %sub3A_360 = arith.subi %get3A_359, %add3A_37 : vector<16xi32>
      %bitcast3A_361 = vector.bitcast %sub3A_360 : vector<16xi32> to vector<16xi32>
      %min3A = arith.minui %bitcast3A_361, %bitcast3A : vector<16xi32>
      %bitcast3A_362 = vector.bitcast %min3A : vector<16xi32> to vector<16xi32>
      %add3A_363 = arith.constant 16 : i32
      %add3A_364 = arith.addi %mul3A_356, %add3A_363 : i32
      %get3A_365 = arith.index_cast %add3A_364 : i32 to index
      %get3A_366 = tpu.vector_load %arg14[%get3A_365] {strides = array<i32>} : memref<4096xi32, #tpu.memory_space<vmem>>, vector<16xi32>,
      %sub3A_367 = arith.subi %get3A_366, %add3A_37 : vector<16xi32>
      %bitcast3A_368 = vector.bitcast %sub3A_367 : vector<16xi32> to vector<16xi32>
      %min3A_369 = arith.minui %bitcast3A_368, %bitcast3A : vector<16xi32>
      %bitcast3A_370 = vector.bitcast %min3A_369 : vector<16xi32> to vector<16xi32>
      %add3A_371 = arith.constant 32 : i32
      %add3A_372 = arith.addi %mul3A_356, %add3A_371 : i32
      %get3A_373 = arith.index_cast %add3A_372 : i32 to index
      %get3A_374 = tpu.vector_load %arg14[%get3A_373] {strides = array<i32>} : memref<4096xi32, #tpu.memory_space<vmem>>, vector<16xi32>,
      %sub3A_375 = arith.subi %get3A_374, %add3A_37 : vector<16xi32>
      %bitcast3A_376 = vector.bitcast %sub3A_375 : vector<16xi32> to vector<16xi32>
      %min3A_377 = arith.minui %bitcast3A_376, %bitcast3A : vector<16xi32>
      %bitcast3A_378 = vector.bitcast %min3A_377 : vector<16xi32> to vector<16xi32>
      %add3A_379 = arith.constant 48 : i32
      %add3A_380 = arith.addi %mul3A_356, %add3A_379 : i32
      %get3A_381 = arith.index_cast %add3A_380 : i32 to index
      %get3A_382 = tpu.vector_load %arg14[%get3A_381] {strides = array<i32>} : memref<4096xi32, #tpu.memory_space<vmem>>, vector<16xi32>,
      %sub3A_383 = arith.subi %get3A_382, %add3A_37 : vector<16xi32>
      %bitcast3A_384 = vector.bitcast %sub3A_383 : vector<16xi32> to vector<16xi32>
      %min3A_385 = arith.minui %bitcast3A_384, %bitcast3A : vector<16xi32>
      %bitcast3A_386 = vector.bitcast %min3A_385 : vector<16xi32> to vector<16xi32>
      %add3A_387 = arith.constant 64 : i32
      %add3A_388 = arith.addi %mul3A_356, %add3A_387 : i32
      %get3A_389 = arith.index_cast %add3A_388 : i32 to index
      %get3A_390 = tpu.vector_load %arg14[%get3A_389] {strides = array<i32>} : memref<4096xi32, #tpu.memory_space<vmem>>, vector<16xi32>,
      %sub3A_391 = arith.subi %get3A_390, %add3A_37 : vector<16xi32>
      %bitcast3A_392 = vector.bitcast %sub3A_391 : vector<16xi32> to vector<16xi32>
      %min3A_393 = arith.minui %bitcast3A_392, %bitcast3A : vector<16xi32>
      %bitcast3A_394 = vector.bitcast %min3A_393 : vector<16xi32> to vector<16xi32>
      %add3A_395 = arith.constant 80 : i32
      %add3A_396 = arith.addi %mul3A_356, %add3A_395 : i32
      %get3A_397 = arith.index_cast %add3A_396 : i32 to index
      %get3A_398 = tpu.vector_load %arg14[%get3A_397] {strides = array<i32>} : memref<4096xi32, #tpu.memory_space<vmem>>, vector<16xi32>,
      %sub3A_399 = arith.subi %get3A_398, %add3A_37 : vector<16xi32>
      %bitcast3A_400 = vector.bitcast %sub3A_399 : vector<16xi32> to vector<16xi32>
      %min3A_401 = arith.minui %bitcast3A_400, %bitcast3A : vector<16xi32>
      %bitcast3A_402 = vector.bitcast %min3A_401 : vector<16xi32> to vector<16xi32>
      %add3A_403 = arith.constant 96 : i32
      %add3A_404 = arith.addi %mul3A_356, %add3A_403 : i32
      %get3A_405 = arith.index_cast %add3A_404 : i32 to index
      %get3A_406 = tpu.vector_load %arg14[%get3A_405] {strides = array<i32>} : memref<4096xi32, #tpu.memory_space<vmem>>, vector<16xi32>,
      %sub3A_407 = arith.subi %get3A_406, %add3A_37 : vector<16xi32>
      %bitcast3A_408 = vector.bitcast %sub3A_407 : vector<16xi32> to vector<16xi32>
      %min3A_409 = arith.minui %bitcast3A_408, %bitcast3A : vector<16xi32>
      %bitcast3A_410 = vector.bitcast %min3A_409 : vector<16xi32> to vector<16xi32>
      %add3A_411 = arith.constant 112 : i32
      %add3A_412 = arith.addi %mul3A_356, %add3A_411 : i32
      %get3A_413 = arith.index_cast %add3A_412 : i32 to index
      %get3A_414 = tpu.vector_load %arg14[%get3A_413] {strides = array<i32>} : memref<4096xi32, #tpu.memory_space<vmem>>, vector<16xi32>,
      %sub3A_415 = arith.subi %get3A_414, %add3A_37 : vector<16xi32>
      %bitcast3A_416 = vector.bitcast %sub3A_415 : vector<16xi32> to vector<16xi32>
      %min3A_417 = arith.minui %bitcast3A_416, %bitcast3A : vector<16xi32>
      %bitcast3A_418 = vector.bitcast %min3A_417 : vector<16xi32> to vector<16xi32>
      %add3A_419 = arith.constant 0 : i32
      %add3A_420 = arith.addi %mul3A_356, %add3A_419 : i32
      %get3A_421 = arith.index_cast %add3A_420 : i32 to index
      %get3A_422 = tpu.vector_load %arg16[%get3A_421] {strides = array<i32>} : memref<4096xf32, #tpu.memory_space<vmem>>, vector<16xf32>,
      %add3A_423 = arith.constant 16 : i32
      %add3A_424 = arith.addi %mul3A_356, %add3A_423 : i32
      %get3A_425 = arith.index_cast %add3A_424 : i32 to index
      %get3A_426 = tpu.vector_load %arg16[%get3A_425] {strides = array<i32>} : memref<4096xf32, #tpu.memory_space<vmem>>, vector<16xf32>,
      %add3A_427 = arith.constant 32 : i32
      %add3A_428 = arith.addi %mul3A_356, %add3A_427 : i32
      %get3A_429 = arith.index_cast %add3A_428 : i32 to index
      %get3A_430 = tpu.vector_load %arg16[%get3A_429] {strides = array<i32>} : memref<4096xf32, #tpu.memory_space<vmem>>, vector<16xf32>,
      %add3A_431 = arith.constant 48 : i32
      %add3A_432 = arith.addi %mul3A_356, %add3A_431 : i32
      %get3A_433 = arith.index_cast %add3A_432 : i32 to index
      %get3A_434 = tpu.vector_load %arg16[%get3A_433] {strides = array<i32>} : memref<4096xf32, #tpu.memory_space<vmem>>, vector<16xf32>,
      %add3A_435 = arith.constant 64 : i32
      %add3A_436 = arith.addi %mul3A_356, %add3A_435 : i32
      %get3A_437 = arith.index_cast %add3A_436 : i32 to index
      %get3A_438 = tpu.vector_load %arg16[%get3A_437] {strides = array<i32>} : memref<4096xf32, #tpu.memory_space<vmem>>, vector<16xf32>,
      %add3A_439 = arith.constant 80 : i32
      %add3A_440 = arith.addi %mul3A_356, %add3A_439 : i32
      %get3A_441 = arith.index_cast %add3A_440 : i32 to index
      %get3A_442 = tpu.vector_load %arg16[%get3A_441] {strides = array<i32>} : memref<4096xf32, #tpu.memory_space<vmem>>, vector<16xf32>,
      %add3A_443 = arith.constant 96 : i32
      %add3A_444 = arith.addi %mul3A_356, %add3A_443 : i32
      %get3A_445 = arith.index_cast %add3A_444 : i32 to index
      %get3A_446 = tpu.vector_load %arg16[%get3A_445] {strides = array<i32>} : memref<4096xf32, #tpu.memory_space<vmem>>, vector<16xf32>,
      %add3A_447 = arith.constant 112 : i32
      %add3A_448 = arith.addi %mul3A_356, %add3A_447 : i32
      %get3A_449 = arith.index_cast %add3A_448 : i32 to index
      %get3A_450 = tpu.vector_load %arg16[%get3A_449] {strides = array<i32>} : memref<4096xf32, #tpu.memory_space<vmem>>, vector<16xf32>,
      tpu.vector_store_idx %arg12[%bitcast3A_362], %get3A_422 : memref<49168xf32, #tpu.memory_space<vmem>>[vector<16xi32>], vector<16xf32>,
      tpu.vector_store_idx %arg13[%bitcast3A_362], %broadcast_in_dim3A_42 : memref<49168xf32, #tpu.memory_space<vmem>>[vector<16xi32>], vector<16xf32>,
      tpu.vector_store_idx %arg12[%bitcast3A_370], %get3A_426 : memref<49168xf32, #tpu.memory_space<vmem>>[vector<16xi32>], vector<16xf32>,
      tpu.vector_store_idx %arg13[%bitcast3A_370], %broadcast_in_dim3A_42 : memref<49168xf32, #tpu.memory_space<vmem>>[vector<16xi32>], vector<16xf32>,
      tpu.vector_store_idx %arg12[%bitcast3A_378], %get3A_430 : memref<49168xf32, #tpu.memory_space<vmem>>[vector<16xi32>], vector<16xf32>,
      tpu.vector_store_idx %arg13[%bitcast3A_378], %broadcast_in_dim3A_42 : memref<49168xf32, #tpu.memory_space<vmem>>[vector<16xi32>], vector<16xf32>,
      tpu.vector_store_idx %arg12[%bitcast3A_386], %get3A_434 : memref<49168xf32, #tpu.memory_space<vmem>>[vector<16xi32>], vector<16xf32>,
      tpu.vector_store_idx %arg13[%bitcast3A_386], %broadcast_in_dim3A_42 : memref<49168xf32, #tpu.memory_space<vmem>>[vector<16xi32>], vector<16xf32>,
      tpu.vector_store_idx %arg12[%bitcast3A_394], %get3A_438 : memref<49168xf32, #tpu.memory_space<vmem>>[vector<16xi32>], vector<16xf32>,
      tpu.vector_store_idx %arg13[%bitcast3A_394], %broadcast_in_dim3A_42 : memref<49168xf32, #tpu.memory_space<vmem>>[vector<16xi32>], vector<16xf32>,
      tpu.vector_store_idx %arg12[%bitcast3A_402], %get3A_442 : memref<49168xf32, #tpu.memory_space<vmem>>[vector<16xi32>], vector<16xf32>,
      tpu.vector_store_idx %arg13[%bitcast3A_402], %broadcast_in_dim3A_42 : memref<49168xf32, #tpu.memory_space<vmem>>[vector<16xi32>], vector<16xf32>,
      tpu.vector_store_idx %arg12[%bitcast3A_410], %get3A_446 : memref<49168xf32, #tpu.memory_space<vmem>>[vector<16xi32>], vector<16xf32>,
      tpu.vector_store_idx %arg13[%bitcast3A_410], %broadcast_in_dim3A_42 : memref<49168xf32, #tpu.memory_space<vmem>>[vector<16xi32>], vector<16xf32>,
      tpu.vector_store_idx %arg12[%bitcast3A_418], %get3A_450 : memref<49168xf32, #tpu.memory_space<vmem>>[vector<16xi32>], vector<16xf32>,
      tpu.vector_store_idx %arg13[%bitcast3A_418], %broadcast_in_dim3A_42 : memref<49168xf32, #tpu.memory_space<vmem>>[vector<16xi32>], vector<16xf32>,
    }
    %scan3A_179 = arith.constant 32 : i32
    %add3A_180 = arith.constant 28672 : i32
    %add3A_181 = arith.addi %mul3A_34, %add3A_180 : i32
    %dma_wait3A_182 = tpu.memref_slice %arg2[%add3A_181] : memref<262144xi32, #tpu.memory_space<hbm>> -> memref<4096xi32, #tpu.memory_space<hbm>>
    %dma_wait3A_183 = tpu.memref_slice %arg2[%add3A_181] : memref<262144xi32, #tpu.memory_space<hbm>> -> memref<4096xi32, #tpu.memory_space<hbm>>
    tpu.wait_dma2 semaphore(%arg18 : memref<!tpu.dma_semaphore, #tpu.memory_space<semaphore_mem>>) src(%dma_wait3A_183 : memref<4096xi32, #tpu.memory_space<hbm>>) dst(%arg15 : memref<4096xi32, #tpu.memory_space<vmem>>)
    %dma_wait3A_184 = tpu.memref_slice %arg3[%add3A_181] : memref<262144xf32, #tpu.memory_space<hbm>> -> memref<4096xf32, #tpu.memory_space<hbm>>
    %dma_wait3A_185 = tpu.memref_slice %arg3[%add3A_181] : memref<262144xf32, #tpu.memory_space<hbm>> -> memref<4096xf32, #tpu.memory_space<hbm>>
    tpu.wait_dma2 semaphore(%arg19 : memref<!tpu.dma_semaphore, #tpu.memory_space<semaphore_mem>>) src(%dma_wait3A_185 : memref<4096xf32, #tpu.memory_space<hbm>>) dst(%arg17 : memref<4096xf32, #tpu.memory_space<vmem>>)
    %add3A_186 = arith.constant 32768 : i32
    %add3A_187 = arith.addi %mul3A_34, %add3A_186 : i32
    %dma_start3A_188 = tpu.memref_slice %arg2[%add3A_187] : memref<262144xi32, #tpu.memory_space<hbm>> -> memref<4096xi32, #tpu.memory_space<hbm>>
    %dma_start3A_189 = tpu.memref_slice %arg2[%add3A_187] : memref<262144xi32, #tpu.memory_space<hbm>> -> memref<4096xi32, #tpu.memory_space<hbm>>
    tpu.enqueue_dma source(%dma_start3A_189 : memref<4096xi32, #tpu.memory_space<hbm>>) target(%arg14 : memref<4096xi32, #tpu.memory_space<vmem>>) target_semaphore(%arg18 : memref<!tpu.dma_semaphore, #tpu.memory_space<semaphore_mem>>)
    %dma_start3A_190 = tpu.memref_slice %arg3[%add3A_187] : memref<262144xf32, #tpu.memory_space<hbm>> -> memref<4096xf32, #tpu.memory_space<hbm>>
    %dma_start3A_191 = tpu.memref_slice %arg3[%add3A_187] : memref<262144xf32, #tpu.memory_space<hbm>> -> memref<4096xf32, #tpu.memory_space<hbm>>
    tpu.enqueue_dma source(%dma_start3A_191 : memref<4096xf32, #tpu.memory_space<hbm>>) target(%arg16 : memref<4096xf32, #tpu.memory_space<vmem>>) target_semaphore(%arg19 : memref<!tpu.dma_semaphore, #tpu.memory_space<semaphore_mem>>)
    %scan3A_192 = arith.constant 0 : i32
    %scan3A_193 = arith.constant 0 : i32
    %scan3A_194 = arith.constant 32 : i32
    %scan3A_195 = arith.addi %scan3A_193, %scan3A_194 : i32
    %scan3A_196 = arith.constant 1 : i32
    scf.for %scan3A_354 = %scan3A_193 to %scan3A_195 step %scan3A_196  : i32 {
      %mul3A_355 = arith.constant 128 : i32
      %mul3A_356 = arith.muli %scan3A_354, %mul3A_355 : i32
      %add3A_357 = arith.constant 0 : i32
      %add3A_358 = arith.addi %mul3A_356, %add3A_357 : i32
      %get3A = arith.index_cast %add3A_358 : i32 to index
      %get3A_359 = tpu.vector_load %arg15[%get3A] {strides = array<i32>} : memref<4096xi32, #tpu.memory_space<vmem>>, vector<16xi32>,
      %sub3A_360 = arith.subi %get3A_359, %add3A_37 : vector<16xi32>
      %bitcast3A_361 = vector.bitcast %sub3A_360 : vector<16xi32> to vector<16xi32>
      %min3A = arith.minui %bitcast3A_361, %bitcast3A : vector<16xi32>
      %bitcast3A_362 = vector.bitcast %min3A : vector<16xi32> to vector<16xi32>
      %add3A_363 = arith.constant 16 : i32
      %add3A_364 = arith.addi %mul3A_356, %add3A_363 : i32
      %get3A_365 = arith.index_cast %add3A_364 : i32 to index
      %get3A_366 = tpu.vector_load %arg15[%get3A_365] {strides = array<i32>} : memref<4096xi32, #tpu.memory_space<vmem>>, vector<16xi32>,
      %sub3A_367 = arith.subi %get3A_366, %add3A_37 : vector<16xi32>
      %bitcast3A_368 = vector.bitcast %sub3A_367 : vector<16xi32> to vector<16xi32>
      %min3A_369 = arith.minui %bitcast3A_368, %bitcast3A : vector<16xi32>
      %bitcast3A_370 = vector.bitcast %min3A_369 : vector<16xi32> to vector<16xi32>
      %add3A_371 = arith.constant 32 : i32
      %add3A_372 = arith.addi %mul3A_356, %add3A_371 : i32
      %get3A_373 = arith.index_cast %add3A_372 : i32 to index
      %get3A_374 = tpu.vector_load %arg15[%get3A_373] {strides = array<i32>} : memref<4096xi32, #tpu.memory_space<vmem>>, vector<16xi32>,
      %sub3A_375 = arith.subi %get3A_374, %add3A_37 : vector<16xi32>
      %bitcast3A_376 = vector.bitcast %sub3A_375 : vector<16xi32> to vector<16xi32>
      %min3A_377 = arith.minui %bitcast3A_376, %bitcast3A : vector<16xi32>
      %bitcast3A_378 = vector.bitcast %min3A_377 : vector<16xi32> to vector<16xi32>
      %add3A_379 = arith.constant 48 : i32
      %add3A_380 = arith.addi %mul3A_356, %add3A_379 : i32
      %get3A_381 = arith.index_cast %add3A_380 : i32 to index
      %get3A_382 = tpu.vector_load %arg15[%get3A_381] {strides = array<i32>} : memref<4096xi32, #tpu.memory_space<vmem>>, vector<16xi32>,
      %sub3A_383 = arith.subi %get3A_382, %add3A_37 : vector<16xi32>
      %bitcast3A_384 = vector.bitcast %sub3A_383 : vector<16xi32> to vector<16xi32>
      %min3A_385 = arith.minui %bitcast3A_384, %bitcast3A : vector<16xi32>
      %bitcast3A_386 = vector.bitcast %min3A_385 : vector<16xi32> to vector<16xi32>
      %add3A_387 = arith.constant 64 : i32
      %add3A_388 = arith.addi %mul3A_356, %add3A_387 : i32
      %get3A_389 = arith.index_cast %add3A_388 : i32 to index
      %get3A_390 = tpu.vector_load %arg15[%get3A_389] {strides = array<i32>} : memref<4096xi32, #tpu.memory_space<vmem>>, vector<16xi32>,
      %sub3A_391 = arith.subi %get3A_390, %add3A_37 : vector<16xi32>
      %bitcast3A_392 = vector.bitcast %sub3A_391 : vector<16xi32> to vector<16xi32>
      %min3A_393 = arith.minui %bitcast3A_392, %bitcast3A : vector<16xi32>
      %bitcast3A_394 = vector.bitcast %min3A_393 : vector<16xi32> to vector<16xi32>
      %add3A_395 = arith.constant 80 : i32
      %add3A_396 = arith.addi %mul3A_356, %add3A_395 : i32
      %get3A_397 = arith.index_cast %add3A_396 : i32 to index
      %get3A_398 = tpu.vector_load %arg15[%get3A_397] {strides = array<i32>} : memref<4096xi32, #tpu.memory_space<vmem>>, vector<16xi32>,
      %sub3A_399 = arith.subi %get3A_398, %add3A_37 : vector<16xi32>
      %bitcast3A_400 = vector.bitcast %sub3A_399 : vector<16xi32> to vector<16xi32>
      %min3A_401 = arith.minui %bitcast3A_400, %bitcast3A : vector<16xi32>
      %bitcast3A_402 = vector.bitcast %min3A_401 : vector<16xi32> to vector<16xi32>
      %add3A_403 = arith.constant 96 : i32
      %add3A_404 = arith.addi %mul3A_356, %add3A_403 : i32
      %get3A_405 = arith.index_cast %add3A_404 : i32 to index
      %get3A_406 = tpu.vector_load %arg15[%get3A_405] {strides = array<i32>} : memref<4096xi32, #tpu.memory_space<vmem>>, vector<16xi32>,
      %sub3A_407 = arith.subi %get3A_406, %add3A_37 : vector<16xi32>
      %bitcast3A_408 = vector.bitcast %sub3A_407 : vector<16xi32> to vector<16xi32>
      %min3A_409 = arith.minui %bitcast3A_408, %bitcast3A : vector<16xi32>
      %bitcast3A_410 = vector.bitcast %min3A_409 : vector<16xi32> to vector<16xi32>
      %add3A_411 = arith.constant 112 : i32
      %add3A_412 = arith.addi %mul3A_356, %add3A_411 : i32
      %get3A_413 = arith.index_cast %add3A_412 : i32 to index
      %get3A_414 = tpu.vector_load %arg15[%get3A_413] {strides = array<i32>} : memref<4096xi32, #tpu.memory_space<vmem>>, vector<16xi32>,
      %sub3A_415 = arith.subi %get3A_414, %add3A_37 : vector<16xi32>
      %bitcast3A_416 = vector.bitcast %sub3A_415 : vector<16xi32> to vector<16xi32>
      %min3A_417 = arith.minui %bitcast3A_416, %bitcast3A : vector<16xi32>
      %bitcast3A_418 = vector.bitcast %min3A_417 : vector<16xi32> to vector<16xi32>
      %add3A_419 = arith.constant 0 : i32
      %add3A_420 = arith.addi %mul3A_356, %add3A_419 : i32
      %get3A_421 = arith.index_cast %add3A_420 : i32 to index
      %get3A_422 = tpu.vector_load %arg17[%get3A_421] {strides = array<i32>} : memref<4096xf32, #tpu.memory_space<vmem>>, vector<16xf32>,
      %add3A_423 = arith.constant 16 : i32
      %add3A_424 = arith.addi %mul3A_356, %add3A_423 : i32
      %get3A_425 = arith.index_cast %add3A_424 : i32 to index
      %get3A_426 = tpu.vector_load %arg17[%get3A_425] {strides = array<i32>} : memref<4096xf32, #tpu.memory_space<vmem>>, vector<16xf32>,
      %add3A_427 = arith.constant 32 : i32
      %add3A_428 = arith.addi %mul3A_356, %add3A_427 : i32
      %get3A_429 = arith.index_cast %add3A_428 : i32 to index
      %get3A_430 = tpu.vector_load %arg17[%get3A_429] {strides = array<i32>} : memref<4096xf32, #tpu.memory_space<vmem>>, vector<16xf32>,
      %add3A_431 = arith.constant 48 : i32
      %add3A_432 = arith.addi %mul3A_356, %add3A_431 : i32
      %get3A_433 = arith.index_cast %add3A_432 : i32 to index
      %get3A_434 = tpu.vector_load %arg17[%get3A_433] {strides = array<i32>} : memref<4096xf32, #tpu.memory_space<vmem>>, vector<16xf32>,
      %add3A_435 = arith.constant 64 : i32
      %add3A_436 = arith.addi %mul3A_356, %add3A_435 : i32
      %get3A_437 = arith.index_cast %add3A_436 : i32 to index
      %get3A_438 = tpu.vector_load %arg17[%get3A_437] {strides = array<i32>} : memref<4096xf32, #tpu.memory_space<vmem>>, vector<16xf32>,
      %add3A_439 = arith.constant 80 : i32
      %add3A_440 = arith.addi %mul3A_356, %add3A_439 : i32
      %get3A_441 = arith.index_cast %add3A_440 : i32 to index
      %get3A_442 = tpu.vector_load %arg17[%get3A_441] {strides = array<i32>} : memref<4096xf32, #tpu.memory_space<vmem>>, vector<16xf32>,
      %add3A_443 = arith.constant 96 : i32
      %add3A_444 = arith.addi %mul3A_356, %add3A_443 : i32
      %get3A_445 = arith.index_cast %add3A_444 : i32 to index
      %get3A_446 = tpu.vector_load %arg17[%get3A_445] {strides = array<i32>} : memref<4096xf32, #tpu.memory_space<vmem>>, vector<16xf32>,
      %add3A_447 = arith.constant 112 : i32
      %add3A_448 = arith.addi %mul3A_356, %add3A_447 : i32
      %get3A_449 = arith.index_cast %add3A_448 : i32 to index
      %get3A_450 = tpu.vector_load %arg17[%get3A_449] {strides = array<i32>} : memref<4096xf32, #tpu.memory_space<vmem>>, vector<16xf32>,
      tpu.vector_store_idx %arg12[%bitcast3A_362], %get3A_422 : memref<49168xf32, #tpu.memory_space<vmem>>[vector<16xi32>], vector<16xf32>,
      tpu.vector_store_idx %arg13[%bitcast3A_362], %broadcast_in_dim3A_42 : memref<49168xf32, #tpu.memory_space<vmem>>[vector<16xi32>], vector<16xf32>,
      tpu.vector_store_idx %arg12[%bitcast3A_370], %get3A_426 : memref<49168xf32, #tpu.memory_space<vmem>>[vector<16xi32>], vector<16xf32>,
      tpu.vector_store_idx %arg13[%bitcast3A_370], %broadcast_in_dim3A_42 : memref<49168xf32, #tpu.memory_space<vmem>>[vector<16xi32>], vector<16xf32>,
      tpu.vector_store_idx %arg12[%bitcast3A_378], %get3A_430 : memref<49168xf32, #tpu.memory_space<vmem>>[vector<16xi32>], vector<16xf32>,
      tpu.vector_store_idx %arg13[%bitcast3A_378], %broadcast_in_dim3A_42 : memref<49168xf32, #tpu.memory_space<vmem>>[vector<16xi32>], vector<16xf32>,
      tpu.vector_store_idx %arg12[%bitcast3A_386], %get3A_434 : memref<49168xf32, #tpu.memory_space<vmem>>[vector<16xi32>], vector<16xf32>,
      tpu.vector_store_idx %arg13[%bitcast3A_386], %broadcast_in_dim3A_42 : memref<49168xf32, #tpu.memory_space<vmem>>[vector<16xi32>], vector<16xf32>,
      tpu.vector_store_idx %arg12[%bitcast3A_394], %get3A_438 : memref<49168xf32, #tpu.memory_space<vmem>>[vector<16xi32>], vector<16xf32>,
      tpu.vector_store_idx %arg13[%bitcast3A_394], %broadcast_in_dim3A_42 : memref<49168xf32, #tpu.memory_space<vmem>>[vector<16xi32>], vector<16xf32>,
      tpu.vector_store_idx %arg12[%bitcast3A_402], %get3A_442 : memref<49168xf32, #tpu.memory_space<vmem>>[vector<16xi32>], vector<16xf32>,
      tpu.vector_store_idx %arg13[%bitcast3A_402], %broadcast_in_dim3A_42 : memref<49168xf32, #tpu.memory_space<vmem>>[vector<16xi32>], vector<16xf32>,
      tpu.vector_store_idx %arg12[%bitcast3A_410], %get3A_446 : memref<49168xf32, #tpu.memory_space<vmem>>[vector<16xi32>], vector<16xf32>,
      tpu.vector_store_idx %arg13[%bitcast3A_410], %broadcast_in_dim3A_42 : memref<49168xf32, #tpu.memory_space<vmem>>[vector<16xi32>], vector<16xf32>,
      tpu.vector_store_idx %arg12[%bitcast3A_418], %get3A_450 : memref<49168xf32, #tpu.memory_space<vmem>>[vector<16xi32>], vector<16xf32>,
      tpu.vector_store_idx %arg13[%bitcast3A_418], %broadcast_in_dim3A_42 : memref<49168xf32, #tpu.memory_space<vmem>>[vector<16xi32>], vector<16xf32>,
    }
    %scan3A_197 = arith.constant 32 : i32
    %add3A_198 = arith.constant 32768 : i32
    %add3A_199 = arith.addi %mul3A_34, %add3A_198 : i32
    %dma_wait3A_200 = tpu.memref_slice %arg2[%add3A_199] : memref<262144xi32, #tpu.memory_space<hbm>> -> memref<4096xi32, #tpu.memory_space<hbm>>
    %dma_wait3A_201 = tpu.memref_slice %arg2[%add3A_199] : memref<262144xi32, #tpu.memory_space<hbm>> -> memref<4096xi32, #tpu.memory_space<hbm>>
    tpu.wait_dma2 semaphore(%arg18 : memref<!tpu.dma_semaphore, #tpu.memory_space<semaphore_mem>>) src(%dma_wait3A_201 : memref<4096xi32, #tpu.memory_space<hbm>>) dst(%arg14 : memref<4096xi32, #tpu.memory_space<vmem>>)
    %dma_wait3A_202 = tpu.memref_slice %arg3[%add3A_199] : memref<262144xf32, #tpu.memory_space<hbm>> -> memref<4096xf32, #tpu.memory_space<hbm>>
    %dma_wait3A_203 = tpu.memref_slice %arg3[%add3A_199] : memref<262144xf32, #tpu.memory_space<hbm>> -> memref<4096xf32, #tpu.memory_space<hbm>>
    tpu.wait_dma2 semaphore(%arg19 : memref<!tpu.dma_semaphore, #tpu.memory_space<semaphore_mem>>) src(%dma_wait3A_203 : memref<4096xf32, #tpu.memory_space<hbm>>) dst(%arg16 : memref<4096xf32, #tpu.memory_space<vmem>>)
    %add3A_204 = arith.constant 36864 : i32
    %add3A_205 = arith.addi %mul3A_34, %add3A_204 : i32
    %dma_start3A_206 = tpu.memref_slice %arg2[%add3A_205] : memref<262144xi32, #tpu.memory_space<hbm>> -> memref<4096xi32, #tpu.memory_space<hbm>>
    %dma_start3A_207 = tpu.memref_slice %arg2[%add3A_205] : memref<262144xi32, #tpu.memory_space<hbm>> -> memref<4096xi32, #tpu.memory_space<hbm>>
    tpu.enqueue_dma source(%dma_start3A_207 : memref<4096xi32, #tpu.memory_space<hbm>>) target(%arg15 : memref<4096xi32, #tpu.memory_space<vmem>>) target_semaphore(%arg18 : memref<!tpu.dma_semaphore, #tpu.memory_space<semaphore_mem>>)
    %dma_start3A_208 = tpu.memref_slice %arg3[%add3A_205] : memref<262144xf32, #tpu.memory_space<hbm>> -> memref<4096xf32, #tpu.memory_space<hbm>>
    %dma_start3A_209 = tpu.memref_slice %arg3[%add3A_205] : memref<262144xf32, #tpu.memory_space<hbm>> -> memref<4096xf32, #tpu.memory_space<hbm>>
    tpu.enqueue_dma source(%dma_start3A_209 : memref<4096xf32, #tpu.memory_space<hbm>>) target(%arg17 : memref<4096xf32, #tpu.memory_space<vmem>>) target_semaphore(%arg19 : memref<!tpu.dma_semaphore, #tpu.memory_space<semaphore_mem>>)
    %scan3A_210 = arith.constant 0 : i32
    %scan3A_211 = arith.constant 0 : i32
    %scan3A_212 = arith.constant 32 : i32
    %scan3A_213 = arith.addi %scan3A_211, %scan3A_212 : i32
    %scan3A_214 = arith.constant 1 : i32
    scf.for %scan3A_354 = %scan3A_211 to %scan3A_213 step %scan3A_214  : i32 {
      %mul3A_355 = arith.constant 128 : i32
      %mul3A_356 = arith.muli %scan3A_354, %mul3A_355 : i32
      %add3A_357 = arith.constant 0 : i32
      %add3A_358 = arith.addi %mul3A_356, %add3A_357 : i32
      %get3A = arith.index_cast %add3A_358 : i32 to index
      %get3A_359 = tpu.vector_load %arg14[%get3A] {strides = array<i32>} : memref<4096xi32, #tpu.memory_space<vmem>>, vector<16xi32>,
      %sub3A_360 = arith.subi %get3A_359, %add3A_37 : vector<16xi32>
      %bitcast3A_361 = vector.bitcast %sub3A_360 : vector<16xi32> to vector<16xi32>
      %min3A = arith.minui %bitcast3A_361, %bitcast3A : vector<16xi32>
      %bitcast3A_362 = vector.bitcast %min3A : vector<16xi32> to vector<16xi32>
      %add3A_363 = arith.constant 16 : i32
      %add3A_364 = arith.addi %mul3A_356, %add3A_363 : i32
      %get3A_365 = arith.index_cast %add3A_364 : i32 to index
      %get3A_366 = tpu.vector_load %arg14[%get3A_365] {strides = array<i32>} : memref<4096xi32, #tpu.memory_space<vmem>>, vector<16xi32>,
      %sub3A_367 = arith.subi %get3A_366, %add3A_37 : vector<16xi32>
      %bitcast3A_368 = vector.bitcast %sub3A_367 : vector<16xi32> to vector<16xi32>
      %min3A_369 = arith.minui %bitcast3A_368, %bitcast3A : vector<16xi32>
      %bitcast3A_370 = vector.bitcast %min3A_369 : vector<16xi32> to vector<16xi32>
      %add3A_371 = arith.constant 32 : i32
      %add3A_372 = arith.addi %mul3A_356, %add3A_371 : i32
      %get3A_373 = arith.index_cast %add3A_372 : i32 to index
      %get3A_374 = tpu.vector_load %arg14[%get3A_373] {strides = array<i32>} : memref<4096xi32, #tpu.memory_space<vmem>>, vector<16xi32>,
      %sub3A_375 = arith.subi %get3A_374, %add3A_37 : vector<16xi32>
      %bitcast3A_376 = vector.bitcast %sub3A_375 : vector<16xi32> to vector<16xi32>
      %min3A_377 = arith.minui %bitcast3A_376, %bitcast3A : vector<16xi32>
      %bitcast3A_378 = vector.bitcast %min3A_377 : vector<16xi32> to vector<16xi32>
      %add3A_379 = arith.constant 48 : i32
      %add3A_380 = arith.addi %mul3A_356, %add3A_379 : i32
      %get3A_381 = arith.index_cast %add3A_380 : i32 to index
      %get3A_382 = tpu.vector_load %arg14[%get3A_381] {strides = array<i32>} : memref<4096xi32, #tpu.memory_space<vmem>>, vector<16xi32>,
      %sub3A_383 = arith.subi %get3A_382, %add3A_37 : vector<16xi32>
      %bitcast3A_384 = vector.bitcast %sub3A_383 : vector<16xi32> to vector<16xi32>
      %min3A_385 = arith.minui %bitcast3A_384, %bitcast3A : vector<16xi32>
      %bitcast3A_386 = vector.bitcast %min3A_385 : vector<16xi32> to vector<16xi32>
      %add3A_387 = arith.constant 64 : i32
      %add3A_388 = arith.addi %mul3A_356, %add3A_387 : i32
      %get3A_389 = arith.index_cast %add3A_388 : i32 to index
      %get3A_390 = tpu.vector_load %arg14[%get3A_389] {strides = array<i32>} : memref<4096xi32, #tpu.memory_space<vmem>>, vector<16xi32>,
      %sub3A_391 = arith.subi %get3A_390, %add3A_37 : vector<16xi32>
      %bitcast3A_392 = vector.bitcast %sub3A_391 : vector<16xi32> to vector<16xi32>
      %min3A_393 = arith.minui %bitcast3A_392, %bitcast3A : vector<16xi32>
      %bitcast3A_394 = vector.bitcast %min3A_393 : vector<16xi32> to vector<16xi32>
      %add3A_395 = arith.constant 80 : i32
      %add3A_396 = arith.addi %mul3A_356, %add3A_395 : i32
      %get3A_397 = arith.index_cast %add3A_396 : i32 to index
      %get3A_398 = tpu.vector_load %arg14[%get3A_397] {strides = array<i32>} : memref<4096xi32, #tpu.memory_space<vmem>>, vector<16xi32>,
      %sub3A_399 = arith.subi %get3A_398, %add3A_37 : vector<16xi32>
      %bitcast3A_400 = vector.bitcast %sub3A_399 : vector<16xi32> to vector<16xi32>
      %min3A_401 = arith.minui %bitcast3A_400, %bitcast3A : vector<16xi32>
      %bitcast3A_402 = vector.bitcast %min3A_401 : vector<16xi32> to vector<16xi32>
      %add3A_403 = arith.constant 96 : i32
      %add3A_404 = arith.addi %mul3A_356, %add3A_403 : i32
      %get3A_405 = arith.index_cast %add3A_404 : i32 to index
      %get3A_406 = tpu.vector_load %arg14[%get3A_405] {strides = array<i32>} : memref<4096xi32, #tpu.memory_space<vmem>>, vector<16xi32>,
      %sub3A_407 = arith.subi %get3A_406, %add3A_37 : vector<16xi32>
      %bitcast3A_408 = vector.bitcast %sub3A_407 : vector<16xi32> to vector<16xi32>
      %min3A_409 = arith.minui %bitcast3A_408, %bitcast3A : vector<16xi32>
      %bitcast3A_410 = vector.bitcast %min3A_409 : vector<16xi32> to vector<16xi32>
      %add3A_411 = arith.constant 112 : i32
      %add3A_412 = arith.addi %mul3A_356, %add3A_411 : i32
      %get3A_413 = arith.index_cast %add3A_412 : i32 to index
      %get3A_414 = tpu.vector_load %arg14[%get3A_413] {strides = array<i32>} : memref<4096xi32, #tpu.memory_space<vmem>>, vector<16xi32>,
      %sub3A_415 = arith.subi %get3A_414, %add3A_37 : vector<16xi32>
      %bitcast3A_416 = vector.bitcast %sub3A_415 : vector<16xi32> to vector<16xi32>
      %min3A_417 = arith.minui %bitcast3A_416, %bitcast3A : vector<16xi32>
      %bitcast3A_418 = vector.bitcast %min3A_417 : vector<16xi32> to vector<16xi32>
      %add3A_419 = arith.constant 0 : i32
      %add3A_420 = arith.addi %mul3A_356, %add3A_419 : i32
      %get3A_421 = arith.index_cast %add3A_420 : i32 to index
      %get3A_422 = tpu.vector_load %arg16[%get3A_421] {strides = array<i32>} : memref<4096xf32, #tpu.memory_space<vmem>>, vector<16xf32>,
      %add3A_423 = arith.constant 16 : i32
      %add3A_424 = arith.addi %mul3A_356, %add3A_423 : i32
      %get3A_425 = arith.index_cast %add3A_424 : i32 to index
      %get3A_426 = tpu.vector_load %arg16[%get3A_425] {strides = array<i32>} : memref<4096xf32, #tpu.memory_space<vmem>>, vector<16xf32>,
      %add3A_427 = arith.constant 32 : i32
      %add3A_428 = arith.addi %mul3A_356, %add3A_427 : i32
      %get3A_429 = arith.index_cast %add3A_428 : i32 to index
      %get3A_430 = tpu.vector_load %arg16[%get3A_429] {strides = array<i32>} : memref<4096xf32, #tpu.memory_space<vmem>>, vector<16xf32>,
      %add3A_431 = arith.constant 48 : i32
      %add3A_432 = arith.addi %mul3A_356, %add3A_431 : i32
      %get3A_433 = arith.index_cast %add3A_432 : i32 to index
      %get3A_434 = tpu.vector_load %arg16[%get3A_433] {strides = array<i32>} : memref<4096xf32, #tpu.memory_space<vmem>>, vector<16xf32>,
      %add3A_435 = arith.constant 64 : i32
      %add3A_436 = arith.addi %mul3A_356, %add3A_435 : i32
      %get3A_437 = arith.index_cast %add3A_436 : i32 to index
      %get3A_438 = tpu.vector_load %arg16[%get3A_437] {strides = array<i32>} : memref<4096xf32, #tpu.memory_space<vmem>>, vector<16xf32>,
      %add3A_439 = arith.constant 80 : i32
      %add3A_440 = arith.addi %mul3A_356, %add3A_439 : i32
      %get3A_441 = arith.index_cast %add3A_440 : i32 to index
      %get3A_442 = tpu.vector_load %arg16[%get3A_441] {strides = array<i32>} : memref<4096xf32, #tpu.memory_space<vmem>>, vector<16xf32>,
      %add3A_443 = arith.constant 96 : i32
      %add3A_444 = arith.addi %mul3A_356, %add3A_443 : i32
      %get3A_445 = arith.index_cast %add3A_444 : i32 to index
      %get3A_446 = tpu.vector_load %arg16[%get3A_445] {strides = array<i32>} : memref<4096xf32, #tpu.memory_space<vmem>>, vector<16xf32>,
      %add3A_447 = arith.constant 112 : i32
      %add3A_448 = arith.addi %mul3A_356, %add3A_447 : i32
      %get3A_449 = arith.index_cast %add3A_448 : i32 to index
      %get3A_450 = tpu.vector_load %arg16[%get3A_449] {strides = array<i32>} : memref<4096xf32, #tpu.memory_space<vmem>>, vector<16xf32>,
      tpu.vector_store_idx %arg12[%bitcast3A_362], %get3A_422 : memref<49168xf32, #tpu.memory_space<vmem>>[vector<16xi32>], vector<16xf32>,
      tpu.vector_store_idx %arg13[%bitcast3A_362], %broadcast_in_dim3A_42 : memref<49168xf32, #tpu.memory_space<vmem>>[vector<16xi32>], vector<16xf32>,
      tpu.vector_store_idx %arg12[%bitcast3A_370], %get3A_426 : memref<49168xf32, #tpu.memory_space<vmem>>[vector<16xi32>], vector<16xf32>,
      tpu.vector_store_idx %arg13[%bitcast3A_370], %broadcast_in_dim3A_42 : memref<49168xf32, #tpu.memory_space<vmem>>[vector<16xi32>], vector<16xf32>,
      tpu.vector_store_idx %arg12[%bitcast3A_378], %get3A_430 : memref<49168xf32, #tpu.memory_space<vmem>>[vector<16xi32>], vector<16xf32>,
      tpu.vector_store_idx %arg13[%bitcast3A_378], %broadcast_in_dim3A_42 : memref<49168xf32, #tpu.memory_space<vmem>>[vector<16xi32>], vector<16xf32>,
      tpu.vector_store_idx %arg12[%bitcast3A_386], %get3A_434 : memref<49168xf32, #tpu.memory_space<vmem>>[vector<16xi32>], vector<16xf32>,
      tpu.vector_store_idx %arg13[%bitcast3A_386], %broadcast_in_dim3A_42 : memref<49168xf32, #tpu.memory_space<vmem>>[vector<16xi32>], vector<16xf32>,
      tpu.vector_store_idx %arg12[%bitcast3A_394], %get3A_438 : memref<49168xf32, #tpu.memory_space<vmem>>[vector<16xi32>], vector<16xf32>,
      tpu.vector_store_idx %arg13[%bitcast3A_394], %broadcast_in_dim3A_42 : memref<49168xf32, #tpu.memory_space<vmem>>[vector<16xi32>], vector<16xf32>,
      tpu.vector_store_idx %arg12[%bitcast3A_402], %get3A_442 : memref<49168xf32, #tpu.memory_space<vmem>>[vector<16xi32>], vector<16xf32>,
      tpu.vector_store_idx %arg13[%bitcast3A_402], %broadcast_in_dim3A_42 : memref<49168xf32, #tpu.memory_space<vmem>>[vector<16xi32>], vector<16xf32>,
      tpu.vector_store_idx %arg12[%bitcast3A_410], %get3A_446 : memref<49168xf32, #tpu.memory_space<vmem>>[vector<16xi32>], vector<16xf32>,
      tpu.vector_store_idx %arg13[%bitcast3A_410], %broadcast_in_dim3A_42 : memref<49168xf32, #tpu.memory_space<vmem>>[vector<16xi32>], vector<16xf32>,
      tpu.vector_store_idx %arg12[%bitcast3A_418], %get3A_450 : memref<49168xf32, #tpu.memory_space<vmem>>[vector<16xi32>], vector<16xf32>,
      tpu.vector_store_idx %arg13[%bitcast3A_418], %broadcast_in_dim3A_42 : memref<49168xf32, #tpu.memory_space<vmem>>[vector<16xi32>], vector<16xf32>,
    }
    %scan3A_215 = arith.constant 32 : i32
    %add3A_216 = arith.constant 36864 : i32
    %add3A_217 = arith.addi %mul3A_34, %add3A_216 : i32
    %dma_wait3A_218 = tpu.memref_slice %arg2[%add3A_217] : memref<262144xi32, #tpu.memory_space<hbm>> -> memref<4096xi32, #tpu.memory_space<hbm>>
    %dma_wait3A_219 = tpu.memref_slice %arg2[%add3A_217] : memref<262144xi32, #tpu.memory_space<hbm>> -> memref<4096xi32, #tpu.memory_space<hbm>>
    tpu.wait_dma2 semaphore(%arg18 : memref<!tpu.dma_semaphore, #tpu.memory_space<semaphore_mem>>) src(%dma_wait3A_219 : memref<4096xi32, #tpu.memory_space<hbm>>) dst(%arg15 : memref<4096xi32, #tpu.memory_space<vmem>>)
    %dma_wait3A_220 = tpu.memref_slice %arg3[%add3A_217] : memref<262144xf32, #tpu.memory_space<hbm>> -> memref<4096xf32, #tpu.memory_space<hbm>>
    %dma_wait3A_221 = tpu.memref_slice %arg3[%add3A_217] : memref<262144xf32, #tpu.memory_space<hbm>> -> memref<4096xf32, #tpu.memory_space<hbm>>
    tpu.wait_dma2 semaphore(%arg19 : memref<!tpu.dma_semaphore, #tpu.memory_space<semaphore_mem>>) src(%dma_wait3A_221 : memref<4096xf32, #tpu.memory_space<hbm>>) dst(%arg17 : memref<4096xf32, #tpu.memory_space<vmem>>)
    %add3A_222 = arith.constant 40960 : i32
    %add3A_223 = arith.addi %mul3A_34, %add3A_222 : i32
    %dma_start3A_224 = tpu.memref_slice %arg2[%add3A_223] : memref<262144xi32, #tpu.memory_space<hbm>> -> memref<4096xi32, #tpu.memory_space<hbm>>
    %dma_start3A_225 = tpu.memref_slice %arg2[%add3A_223] : memref<262144xi32, #tpu.memory_space<hbm>> -> memref<4096xi32, #tpu.memory_space<hbm>>
    tpu.enqueue_dma source(%dma_start3A_225 : memref<4096xi32, #tpu.memory_space<hbm>>) target(%arg14 : memref<4096xi32, #tpu.memory_space<vmem>>) target_semaphore(%arg18 : memref<!tpu.dma_semaphore, #tpu.memory_space<semaphore_mem>>)
    %dma_start3A_226 = tpu.memref_slice %arg3[%add3A_223] : memref<262144xf32, #tpu.memory_space<hbm>> -> memref<4096xf32, #tpu.memory_space<hbm>>
    %dma_start3A_227 = tpu.memref_slice %arg3[%add3A_223] : memref<262144xf32, #tpu.memory_space<hbm>> -> memref<4096xf32, #tpu.memory_space<hbm>>
    tpu.enqueue_dma source(%dma_start3A_227 : memref<4096xf32, #tpu.memory_space<hbm>>) target(%arg16 : memref<4096xf32, #tpu.memory_space<vmem>>) target_semaphore(%arg19 : memref<!tpu.dma_semaphore, #tpu.memory_space<semaphore_mem>>)
    %scan3A_228 = arith.constant 0 : i32
    %scan3A_229 = arith.constant 0 : i32
    %scan3A_230 = arith.constant 32 : i32
    %scan3A_231 = arith.addi %scan3A_229, %scan3A_230 : i32
    %scan3A_232 = arith.constant 1 : i32
    scf.for %scan3A_354 = %scan3A_229 to %scan3A_231 step %scan3A_232  : i32 {
      %mul3A_355 = arith.constant 128 : i32
      %mul3A_356 = arith.muli %scan3A_354, %mul3A_355 : i32
      %add3A_357 = arith.constant 0 : i32
      %add3A_358 = arith.addi %mul3A_356, %add3A_357 : i32
      %get3A = arith.index_cast %add3A_358 : i32 to index
      %get3A_359 = tpu.vector_load %arg15[%get3A] {strides = array<i32>} : memref<4096xi32, #tpu.memory_space<vmem>>, vector<16xi32>,
      %sub3A_360 = arith.subi %get3A_359, %add3A_37 : vector<16xi32>
      %bitcast3A_361 = vector.bitcast %sub3A_360 : vector<16xi32> to vector<16xi32>
      %min3A = arith.minui %bitcast3A_361, %bitcast3A : vector<16xi32>
      %bitcast3A_362 = vector.bitcast %min3A : vector<16xi32> to vector<16xi32>
      %add3A_363 = arith.constant 16 : i32
      %add3A_364 = arith.addi %mul3A_356, %add3A_363 : i32
      %get3A_365 = arith.index_cast %add3A_364 : i32 to index
      %get3A_366 = tpu.vector_load %arg15[%get3A_365] {strides = array<i32>} : memref<4096xi32, #tpu.memory_space<vmem>>, vector<16xi32>,
      %sub3A_367 = arith.subi %get3A_366, %add3A_37 : vector<16xi32>
      %bitcast3A_368 = vector.bitcast %sub3A_367 : vector<16xi32> to vector<16xi32>
      %min3A_369 = arith.minui %bitcast3A_368, %bitcast3A : vector<16xi32>
      %bitcast3A_370 = vector.bitcast %min3A_369 : vector<16xi32> to vector<16xi32>
      %add3A_371 = arith.constant 32 : i32
      %add3A_372 = arith.addi %mul3A_356, %add3A_371 : i32
      %get3A_373 = arith.index_cast %add3A_372 : i32 to index
      %get3A_374 = tpu.vector_load %arg15[%get3A_373] {strides = array<i32>} : memref<4096xi32, #tpu.memory_space<vmem>>, vector<16xi32>,
      %sub3A_375 = arith.subi %get3A_374, %add3A_37 : vector<16xi32>
      %bitcast3A_376 = vector.bitcast %sub3A_375 : vector<16xi32> to vector<16xi32>
      %min3A_377 = arith.minui %bitcast3A_376, %bitcast3A : vector<16xi32>
      %bitcast3A_378 = vector.bitcast %min3A_377 : vector<16xi32> to vector<16xi32>
      %add3A_379 = arith.constant 48 : i32
      %add3A_380 = arith.addi %mul3A_356, %add3A_379 : i32
      %get3A_381 = arith.index_cast %add3A_380 : i32 to index
      %get3A_382 = tpu.vector_load %arg15[%get3A_381] {strides = array<i32>} : memref<4096xi32, #tpu.memory_space<vmem>>, vector<16xi32>,
      %sub3A_383 = arith.subi %get3A_382, %add3A_37 : vector<16xi32>
      %bitcast3A_384 = vector.bitcast %sub3A_383 : vector<16xi32> to vector<16xi32>
      %min3A_385 = arith.minui %bitcast3A_384, %bitcast3A : vector<16xi32>
      %bitcast3A_386 = vector.bitcast %min3A_385 : vector<16xi32> to vector<16xi32>
      %add3A_387 = arith.constant 64 : i32
      %add3A_388 = arith.addi %mul3A_356, %add3A_387 : i32
      %get3A_389 = arith.index_cast %add3A_388 : i32 to index
      %get3A_390 = tpu.vector_load %arg15[%get3A_389] {strides = array<i32>} : memref<4096xi32, #tpu.memory_space<vmem>>, vector<16xi32>,
      %sub3A_391 = arith.subi %get3A_390, %add3A_37 : vector<16xi32>
      %bitcast3A_392 = vector.bitcast %sub3A_391 : vector<16xi32> to vector<16xi32>
      %min3A_393 = arith.minui %bitcast3A_392, %bitcast3A : vector<16xi32>
      %bitcast3A_394 = vector.bitcast %min3A_393 : vector<16xi32> to vector<16xi32>
      %add3A_395 = arith.constant 80 : i32
      %add3A_396 = arith.addi %mul3A_356, %add3A_395 : i32
      %get3A_397 = arith.index_cast %add3A_396 : i32 to index
      %get3A_398 = tpu.vector_load %arg15[%get3A_397] {strides = array<i32>} : memref<4096xi32, #tpu.memory_space<vmem>>, vector<16xi32>,
      %sub3A_399 = arith.subi %get3A_398, %add3A_37 : vector<16xi32>
      %bitcast3A_400 = vector.bitcast %sub3A_399 : vector<16xi32> to vector<16xi32>
      %min3A_401 = arith.minui %bitcast3A_400, %bitcast3A : vector<16xi32>
      %bitcast3A_402 = vector.bitcast %min3A_401 : vector<16xi32> to vector<16xi32>
      %add3A_403 = arith.constant 96 : i32
      %add3A_404 = arith.addi %mul3A_356, %add3A_403 : i32
      %get3A_405 = arith.index_cast %add3A_404 : i32 to index
      %get3A_406 = tpu.vector_load %arg15[%get3A_405] {strides = array<i32>} : memref<4096xi32, #tpu.memory_space<vmem>>, vector<16xi32>,
      %sub3A_407 = arith.subi %get3A_406, %add3A_37 : vector<16xi32>
      %bitcast3A_408 = vector.bitcast %sub3A_407 : vector<16xi32> to vector<16xi32>
      %min3A_409 = arith.minui %bitcast3A_408, %bitcast3A : vector<16xi32>
      %bitcast3A_410 = vector.bitcast %min3A_409 : vector<16xi32> to vector<16xi32>
      %add3A_411 = arith.constant 112 : i32
      %add3A_412 = arith.addi %mul3A_356, %add3A_411 : i32
      %get3A_413 = arith.index_cast %add3A_412 : i32 to index
      %get3A_414 = tpu.vector_load %arg15[%get3A_413] {strides = array<i32>} : memref<4096xi32, #tpu.memory_space<vmem>>, vector<16xi32>,
      %sub3A_415 = arith.subi %get3A_414, %add3A_37 : vector<16xi32>
      %bitcast3A_416 = vector.bitcast %sub3A_415 : vector<16xi32> to vector<16xi32>
      %min3A_417 = arith.minui %bitcast3A_416, %bitcast3A : vector<16xi32>
      %bitcast3A_418 = vector.bitcast %min3A_417 : vector<16xi32> to vector<16xi32>
      %add3A_419 = arith.constant 0 : i32
      %add3A_420 = arith.addi %mul3A_356, %add3A_419 : i32
      %get3A_421 = arith.index_cast %add3A_420 : i32 to index
      %get3A_422 = tpu.vector_load %arg17[%get3A_421] {strides = array<i32>} : memref<4096xf32, #tpu.memory_space<vmem>>, vector<16xf32>,
      %add3A_423 = arith.constant 16 : i32
      %add3A_424 = arith.addi %mul3A_356, %add3A_423 : i32
      %get3A_425 = arith.index_cast %add3A_424 : i32 to index
      %get3A_426 = tpu.vector_load %arg17[%get3A_425] {strides = array<i32>} : memref<4096xf32, #tpu.memory_space<vmem>>, vector<16xf32>,
      %add3A_427 = arith.constant 32 : i32
      %add3A_428 = arith.addi %mul3A_356, %add3A_427 : i32
      %get3A_429 = arith.index_cast %add3A_428 : i32 to index
      %get3A_430 = tpu.vector_load %arg17[%get3A_429] {strides = array<i32>} : memref<4096xf32, #tpu.memory_space<vmem>>, vector<16xf32>,
      %add3A_431 = arith.constant 48 : i32
      %add3A_432 = arith.addi %mul3A_356, %add3A_431 : i32
      %get3A_433 = arith.index_cast %add3A_432 : i32 to index
      %get3A_434 = tpu.vector_load %arg17[%get3A_433] {strides = array<i32>} : memref<4096xf32, #tpu.memory_space<vmem>>, vector<16xf32>,
      %add3A_435 = arith.constant 64 : i32
      %add3A_436 = arith.addi %mul3A_356, %add3A_435 : i32
      %get3A_437 = arith.index_cast %add3A_436 : i32 to index
      %get3A_438 = tpu.vector_load %arg17[%get3A_437] {strides = array<i32>} : memref<4096xf32, #tpu.memory_space<vmem>>, vector<16xf32>,
      %add3A_439 = arith.constant 80 : i32
      %add3A_440 = arith.addi %mul3A_356, %add3A_439 : i32
      %get3A_441 = arith.index_cast %add3A_440 : i32 to index
      %get3A_442 = tpu.vector_load %arg17[%get3A_441] {strides = array<i32>} : memref<4096xf32, #tpu.memory_space<vmem>>, vector<16xf32>,
      %add3A_443 = arith.constant 96 : i32
      %add3A_444 = arith.addi %mul3A_356, %add3A_443 : i32
      %get3A_445 = arith.index_cast %add3A_444 : i32 to index
      %get3A_446 = tpu.vector_load %arg17[%get3A_445] {strides = array<i32>} : memref<4096xf32, #tpu.memory_space<vmem>>, vector<16xf32>,
      %add3A_447 = arith.constant 112 : i32
      %add3A_448 = arith.addi %mul3A_356, %add3A_447 : i32
      %get3A_449 = arith.index_cast %add3A_448 : i32 to index
      %get3A_450 = tpu.vector_load %arg17[%get3A_449] {strides = array<i32>} : memref<4096xf32, #tpu.memory_space<vmem>>, vector<16xf32>,
      tpu.vector_store_idx %arg12[%bitcast3A_362], %get3A_422 : memref<49168xf32, #tpu.memory_space<vmem>>[vector<16xi32>], vector<16xf32>,
      tpu.vector_store_idx %arg13[%bitcast3A_362], %broadcast_in_dim3A_42 : memref<49168xf32, #tpu.memory_space<vmem>>[vector<16xi32>], vector<16xf32>,
      tpu.vector_store_idx %arg12[%bitcast3A_370], %get3A_426 : memref<49168xf32, #tpu.memory_space<vmem>>[vector<16xi32>], vector<16xf32>,
      tpu.vector_store_idx %arg13[%bitcast3A_370], %broadcast_in_dim3A_42 : memref<49168xf32, #tpu.memory_space<vmem>>[vector<16xi32>], vector<16xf32>,
      tpu.vector_store_idx %arg12[%bitcast3A_378], %get3A_430 : memref<49168xf32, #tpu.memory_space<vmem>>[vector<16xi32>], vector<16xf32>,
      tpu.vector_store_idx %arg13[%bitcast3A_378], %broadcast_in_dim3A_42 : memref<49168xf32, #tpu.memory_space<vmem>>[vector<16xi32>], vector<16xf32>,
      tpu.vector_store_idx %arg12[%bitcast3A_386], %get3A_434 : memref<49168xf32, #tpu.memory_space<vmem>>[vector<16xi32>], vector<16xf32>,
      tpu.vector_store_idx %arg13[%bitcast3A_386], %broadcast_in_dim3A_42 : memref<49168xf32, #tpu.memory_space<vmem>>[vector<16xi32>], vector<16xf32>,
      tpu.vector_store_idx %arg12[%bitcast3A_394], %get3A_438 : memref<49168xf32, #tpu.memory_space<vmem>>[vector<16xi32>], vector<16xf32>,
      tpu.vector_store_idx %arg13[%bitcast3A_394], %broadcast_in_dim3A_42 : memref<49168xf32, #tpu.memory_space<vmem>>[vector<16xi32>], vector<16xf32>,
      tpu.vector_store_idx %arg12[%bitcast3A_402], %get3A_442 : memref<49168xf32, #tpu.memory_space<vmem>>[vector<16xi32>], vector<16xf32>,
      tpu.vector_store_idx %arg13[%bitcast3A_402], %broadcast_in_dim3A_42 : memref<49168xf32, #tpu.memory_space<vmem>>[vector<16xi32>], vector<16xf32>,
      tpu.vector_store_idx %arg12[%bitcast3A_410], %get3A_446 : memref<49168xf32, #tpu.memory_space<vmem>>[vector<16xi32>], vector<16xf32>,
      tpu.vector_store_idx %arg13[%bitcast3A_410], %broadcast_in_dim3A_42 : memref<49168xf32, #tpu.memory_space<vmem>>[vector<16xi32>], vector<16xf32>,
      tpu.vector_store_idx %arg12[%bitcast3A_418], %get3A_450 : memref<49168xf32, #tpu.memory_space<vmem>>[vector<16xi32>], vector<16xf32>,
      tpu.vector_store_idx %arg13[%bitcast3A_418], %broadcast_in_dim3A_42 : memref<49168xf32, #tpu.memory_space<vmem>>[vector<16xi32>], vector<16xf32>,
    }
    %scan3A_233 = arith.constant 32 : i32
    %add3A_234 = arith.constant 40960 : i32
    %add3A_235 = arith.addi %mul3A_34, %add3A_234 : i32
    %dma_wait3A_236 = tpu.memref_slice %arg2[%add3A_235] : memref<262144xi32, #tpu.memory_space<hbm>> -> memref<4096xi32, #tpu.memory_space<hbm>>
    %dma_wait3A_237 = tpu.memref_slice %arg2[%add3A_235] : memref<262144xi32, #tpu.memory_space<hbm>> -> memref<4096xi32, #tpu.memory_space<hbm>>
    tpu.wait_dma2 semaphore(%arg18 : memref<!tpu.dma_semaphore, #tpu.memory_space<semaphore_mem>>) src(%dma_wait3A_237 : memref<4096xi32, #tpu.memory_space<hbm>>) dst(%arg14 : memref<4096xi32, #tpu.memory_space<vmem>>)
    %dma_wait3A_238 = tpu.memref_slice %arg3[%add3A_235] : memref<262144xf32, #tpu.memory_space<hbm>> -> memref<4096xf32, #tpu.memory_space<hbm>>
    %dma_wait3A_239 = tpu.memref_slice %arg3[%add3A_235] : memref<262144xf32, #tpu.memory_space<hbm>> -> memref<4096xf32, #tpu.memory_space<hbm>>
    tpu.wait_dma2 semaphore(%arg19 : memref<!tpu.dma_semaphore, #tpu.memory_space<semaphore_mem>>) src(%dma_wait3A_239 : memref<4096xf32, #tpu.memory_space<hbm>>) dst(%arg16 : memref<4096xf32, #tpu.memory_space<vmem>>)
    %add3A_240 = arith.constant 45056 : i32
    %add3A_241 = arith.addi %mul3A_34, %add3A_240 : i32
    %dma_start3A_242 = tpu.memref_slice %arg2[%add3A_241] : memref<262144xi32, #tpu.memory_space<hbm>> -> memref<4096xi32, #tpu.memory_space<hbm>>
    %dma_start3A_243 = tpu.memref_slice %arg2[%add3A_241] : memref<262144xi32, #tpu.memory_space<hbm>> -> memref<4096xi32, #tpu.memory_space<hbm>>
    tpu.enqueue_dma source(%dma_start3A_243 : memref<4096xi32, #tpu.memory_space<hbm>>) target(%arg15 : memref<4096xi32, #tpu.memory_space<vmem>>) target_semaphore(%arg18 : memref<!tpu.dma_semaphore, #tpu.memory_space<semaphore_mem>>)
    %dma_start3A_244 = tpu.memref_slice %arg3[%add3A_241] : memref<262144xf32, #tpu.memory_space<hbm>> -> memref<4096xf32, #tpu.memory_space<hbm>>
    %dma_start3A_245 = tpu.memref_slice %arg3[%add3A_241] : memref<262144xf32, #tpu.memory_space<hbm>> -> memref<4096xf32, #tpu.memory_space<hbm>>
    tpu.enqueue_dma source(%dma_start3A_245 : memref<4096xf32, #tpu.memory_space<hbm>>) target(%arg17 : memref<4096xf32, #tpu.memory_space<vmem>>) target_semaphore(%arg19 : memref<!tpu.dma_semaphore, #tpu.memory_space<semaphore_mem>>)
    %scan3A_246 = arith.constant 0 : i32
    %scan3A_247 = arith.constant 0 : i32
    %scan3A_248 = arith.constant 32 : i32
    %scan3A_249 = arith.addi %scan3A_247, %scan3A_248 : i32
    %scan3A_250 = arith.constant 1 : i32
    scf.for %scan3A_354 = %scan3A_247 to %scan3A_249 step %scan3A_250  : i32 {
      %mul3A_355 = arith.constant 128 : i32
      %mul3A_356 = arith.muli %scan3A_354, %mul3A_355 : i32
      %add3A_357 = arith.constant 0 : i32
      %add3A_358 = arith.addi %mul3A_356, %add3A_357 : i32
      %get3A = arith.index_cast %add3A_358 : i32 to index
      %get3A_359 = tpu.vector_load %arg14[%get3A] {strides = array<i32>} : memref<4096xi32, #tpu.memory_space<vmem>>, vector<16xi32>,
      %sub3A_360 = arith.subi %get3A_359, %add3A_37 : vector<16xi32>
      %bitcast3A_361 = vector.bitcast %sub3A_360 : vector<16xi32> to vector<16xi32>
      %min3A = arith.minui %bitcast3A_361, %bitcast3A : vector<16xi32>
      %bitcast3A_362 = vector.bitcast %min3A : vector<16xi32> to vector<16xi32>
      %add3A_363 = arith.constant 16 : i32
      %add3A_364 = arith.addi %mul3A_356, %add3A_363 : i32
      %get3A_365 = arith.index_cast %add3A_364 : i32 to index
      %get3A_366 = tpu.vector_load %arg14[%get3A_365] {strides = array<i32>} : memref<4096xi32, #tpu.memory_space<vmem>>, vector<16xi32>,
      %sub3A_367 = arith.subi %get3A_366, %add3A_37 : vector<16xi32>
      %bitcast3A_368 = vector.bitcast %sub3A_367 : vector<16xi32> to vector<16xi32>
      %min3A_369 = arith.minui %bitcast3A_368, %bitcast3A : vector<16xi32>
      %bitcast3A_370 = vector.bitcast %min3A_369 : vector<16xi32> to vector<16xi32>
      %add3A_371 = arith.constant 32 : i32
      %add3A_372 = arith.addi %mul3A_356, %add3A_371 : i32
      %get3A_373 = arith.index_cast %add3A_372 : i32 to index
      %get3A_374 = tpu.vector_load %arg14[%get3A_373] {strides = array<i32>} : memref<4096xi32, #tpu.memory_space<vmem>>, vector<16xi32>,
      %sub3A_375 = arith.subi %get3A_374, %add3A_37 : vector<16xi32>
      %bitcast3A_376 = vector.bitcast %sub3A_375 : vector<16xi32> to vector<16xi32>
      %min3A_377 = arith.minui %bitcast3A_376, %bitcast3A : vector<16xi32>
      %bitcast3A_378 = vector.bitcast %min3A_377 : vector<16xi32> to vector<16xi32>
      %add3A_379 = arith.constant 48 : i32
      %add3A_380 = arith.addi %mul3A_356, %add3A_379 : i32
      %get3A_381 = arith.index_cast %add3A_380 : i32 to index
      %get3A_382 = tpu.vector_load %arg14[%get3A_381] {strides = array<i32>} : memref<4096xi32, #tpu.memory_space<vmem>>, vector<16xi32>,
      %sub3A_383 = arith.subi %get3A_382, %add3A_37 : vector<16xi32>
      %bitcast3A_384 = vector.bitcast %sub3A_383 : vector<16xi32> to vector<16xi32>
      %min3A_385 = arith.minui %bitcast3A_384, %bitcast3A : vector<16xi32>
      %bitcast3A_386 = vector.bitcast %min3A_385 : vector<16xi32> to vector<16xi32>
      %add3A_387 = arith.constant 64 : i32
      %add3A_388 = arith.addi %mul3A_356, %add3A_387 : i32
      %get3A_389 = arith.index_cast %add3A_388 : i32 to index
      %get3A_390 = tpu.vector_load %arg14[%get3A_389] {strides = array<i32>} : memref<4096xi32, #tpu.memory_space<vmem>>, vector<16xi32>,
      %sub3A_391 = arith.subi %get3A_390, %add3A_37 : vector<16xi32>
      %bitcast3A_392 = vector.bitcast %sub3A_391 : vector<16xi32> to vector<16xi32>
      %min3A_393 = arith.minui %bitcast3A_392, %bitcast3A : vector<16xi32>
      %bitcast3A_394 = vector.bitcast %min3A_393 : vector<16xi32> to vector<16xi32>
      %add3A_395 = arith.constant 80 : i32
      %add3A_396 = arith.addi %mul3A_356, %add3A_395 : i32
      %get3A_397 = arith.index_cast %add3A_396 : i32 to index
      %get3A_398 = tpu.vector_load %arg14[%get3A_397] {strides = array<i32>} : memref<4096xi32, #tpu.memory_space<vmem>>, vector<16xi32>,
      %sub3A_399 = arith.subi %get3A_398, %add3A_37 : vector<16xi32>
      %bitcast3A_400 = vector.bitcast %sub3A_399 : vector<16xi32> to vector<16xi32>
      %min3A_401 = arith.minui %bitcast3A_400, %bitcast3A : vector<16xi32>
      %bitcast3A_402 = vector.bitcast %min3A_401 : vector<16xi32> to vector<16xi32>
      %add3A_403 = arith.constant 96 : i32
      %add3A_404 = arith.addi %mul3A_356, %add3A_403 : i32
      %get3A_405 = arith.index_cast %add3A_404 : i32 to index
      %get3A_406 = tpu.vector_load %arg14[%get3A_405] {strides = array<i32>} : memref<4096xi32, #tpu.memory_space<vmem>>, vector<16xi32>,
      %sub3A_407 = arith.subi %get3A_406, %add3A_37 : vector<16xi32>
      %bitcast3A_408 = vector.bitcast %sub3A_407 : vector<16xi32> to vector<16xi32>
      %min3A_409 = arith.minui %bitcast3A_408, %bitcast3A : vector<16xi32>
      %bitcast3A_410 = vector.bitcast %min3A_409 : vector<16xi32> to vector<16xi32>
      %add3A_411 = arith.constant 112 : i32
      %add3A_412 = arith.addi %mul3A_356, %add3A_411 : i32
      %get3A_413 = arith.index_cast %add3A_412 : i32 to index
      %get3A_414 = tpu.vector_load %arg14[%get3A_413] {strides = array<i32>} : memref<4096xi32, #tpu.memory_space<vmem>>, vector<16xi32>,
      %sub3A_415 = arith.subi %get3A_414, %add3A_37 : vector<16xi32>
      %bitcast3A_416 = vector.bitcast %sub3A_415 : vector<16xi32> to vector<16xi32>
      %min3A_417 = arith.minui %bitcast3A_416, %bitcast3A : vector<16xi32>
      %bitcast3A_418 = vector.bitcast %min3A_417 : vector<16xi32> to vector<16xi32>
      %add3A_419 = arith.constant 0 : i32
      %add3A_420 = arith.addi %mul3A_356, %add3A_419 : i32
      %get3A_421 = arith.index_cast %add3A_420 : i32 to index
      %get3A_422 = tpu.vector_load %arg16[%get3A_421] {strides = array<i32>} : memref<4096xf32, #tpu.memory_space<vmem>>, vector<16xf32>,
      %add3A_423 = arith.constant 16 : i32
      %add3A_424 = arith.addi %mul3A_356, %add3A_423 : i32
      %get3A_425 = arith.index_cast %add3A_424 : i32 to index
      %get3A_426 = tpu.vector_load %arg16[%get3A_425] {strides = array<i32>} : memref<4096xf32, #tpu.memory_space<vmem>>, vector<16xf32>,
      %add3A_427 = arith.constant 32 : i32
      %add3A_428 = arith.addi %mul3A_356, %add3A_427 : i32
      %get3A_429 = arith.index_cast %add3A_428 : i32 to index
      %get3A_430 = tpu.vector_load %arg16[%get3A_429] {strides = array<i32>} : memref<4096xf32, #tpu.memory_space<vmem>>, vector<16xf32>,
      %add3A_431 = arith.constant 48 : i32
      %add3A_432 = arith.addi %mul3A_356, %add3A_431 : i32
      %get3A_433 = arith.index_cast %add3A_432 : i32 to index
      %get3A_434 = tpu.vector_load %arg16[%get3A_433] {strides = array<i32>} : memref<4096xf32, #tpu.memory_space<vmem>>, vector<16xf32>,
      %add3A_435 = arith.constant 64 : i32
      %add3A_436 = arith.addi %mul3A_356, %add3A_435 : i32
      %get3A_437 = arith.index_cast %add3A_436 : i32 to index
      %get3A_438 = tpu.vector_load %arg16[%get3A_437] {strides = array<i32>} : memref<4096xf32, #tpu.memory_space<vmem>>, vector<16xf32>,
      %add3A_439 = arith.constant 80 : i32
      %add3A_440 = arith.addi %mul3A_356, %add3A_439 : i32
      %get3A_441 = arith.index_cast %add3A_440 : i32 to index
      %get3A_442 = tpu.vector_load %arg16[%get3A_441] {strides = array<i32>} : memref<4096xf32, #tpu.memory_space<vmem>>, vector<16xf32>,
      %add3A_443 = arith.constant 96 : i32
      %add3A_444 = arith.addi %mul3A_356, %add3A_443 : i32
      %get3A_445 = arith.index_cast %add3A_444 : i32 to index
      %get3A_446 = tpu.vector_load %arg16[%get3A_445] {strides = array<i32>} : memref<4096xf32, #tpu.memory_space<vmem>>, vector<16xf32>,
      %add3A_447 = arith.constant 112 : i32
      %add3A_448 = arith.addi %mul3A_356, %add3A_447 : i32
      %get3A_449 = arith.index_cast %add3A_448 : i32 to index
      %get3A_450 = tpu.vector_load %arg16[%get3A_449] {strides = array<i32>} : memref<4096xf32, #tpu.memory_space<vmem>>, vector<16xf32>,
      tpu.vector_store_idx %arg12[%bitcast3A_362], %get3A_422 : memref<49168xf32, #tpu.memory_space<vmem>>[vector<16xi32>], vector<16xf32>,
      tpu.vector_store_idx %arg13[%bitcast3A_362], %broadcast_in_dim3A_42 : memref<49168xf32, #tpu.memory_space<vmem>>[vector<16xi32>], vector<16xf32>,
      tpu.vector_store_idx %arg12[%bitcast3A_370], %get3A_426 : memref<49168xf32, #tpu.memory_space<vmem>>[vector<16xi32>], vector<16xf32>,
      tpu.vector_store_idx %arg13[%bitcast3A_370], %broadcast_in_dim3A_42 : memref<49168xf32, #tpu.memory_space<vmem>>[vector<16xi32>], vector<16xf32>,
      tpu.vector_store_idx %arg12[%bitcast3A_378], %get3A_430 : memref<49168xf32, #tpu.memory_space<vmem>>[vector<16xi32>], vector<16xf32>,
      tpu.vector_store_idx %arg13[%bitcast3A_378], %broadcast_in_dim3A_42 : memref<49168xf32, #tpu.memory_space<vmem>>[vector<16xi32>], vector<16xf32>,
      tpu.vector_store_idx %arg12[%bitcast3A_386], %get3A_434 : memref<49168xf32, #tpu.memory_space<vmem>>[vector<16xi32>], vector<16xf32>,
      tpu.vector_store_idx %arg13[%bitcast3A_386], %broadcast_in_dim3A_42 : memref<49168xf32, #tpu.memory_space<vmem>>[vector<16xi32>], vector<16xf32>,
      tpu.vector_store_idx %arg12[%bitcast3A_394], %get3A_438 : memref<49168xf32, #tpu.memory_space<vmem>>[vector<16xi32>], vector<16xf32>,
      tpu.vector_store_idx %arg13[%bitcast3A_394], %broadcast_in_dim3A_42 : memref<49168xf32, #tpu.memory_space<vmem>>[vector<16xi32>], vector<16xf32>,
      tpu.vector_store_idx %arg12[%bitcast3A_402], %get3A_442 : memref<49168xf32, #tpu.memory_space<vmem>>[vector<16xi32>], vector<16xf32>,
      tpu.vector_store_idx %arg13[%bitcast3A_402], %broadcast_in_dim3A_42 : memref<49168xf32, #tpu.memory_space<vmem>>[vector<16xi32>], vector<16xf32>,
      tpu.vector_store_idx %arg12[%bitcast3A_410], %get3A_446 : memref<49168xf32, #tpu.memory_space<vmem>>[vector<16xi32>], vector<16xf32>,
      tpu.vector_store_idx %arg13[%bitcast3A_410], %broadcast_in_dim3A_42 : memref<49168xf32, #tpu.memory_space<vmem>>[vector<16xi32>], vector<16xf32>,
      tpu.vector_store_idx %arg12[%bitcast3A_418], %get3A_450 : memref<49168xf32, #tpu.memory_space<vmem>>[vector<16xi32>], vector<16xf32>,
      tpu.vector_store_idx %arg13[%bitcast3A_418], %broadcast_in_dim3A_42 : memref<49168xf32, #tpu.memory_space<vmem>>[vector<16xi32>], vector<16xf32>,
    }
    %scan3A_251 = arith.constant 32 : i32
    %add3A_252 = arith.constant 45056 : i32
    %add3A_253 = arith.addi %mul3A_34, %add3A_252 : i32
    %dma_wait3A_254 = tpu.memref_slice %arg2[%add3A_253] : memref<262144xi32, #tpu.memory_space<hbm>> -> memref<4096xi32, #tpu.memory_space<hbm>>
    %dma_wait3A_255 = tpu.memref_slice %arg2[%add3A_253] : memref<262144xi32, #tpu.memory_space<hbm>> -> memref<4096xi32, #tpu.memory_space<hbm>>
    tpu.wait_dma2 semaphore(%arg18 : memref<!tpu.dma_semaphore, #tpu.memory_space<semaphore_mem>>) src(%dma_wait3A_255 : memref<4096xi32, #tpu.memory_space<hbm>>) dst(%arg15 : memref<4096xi32, #tpu.memory_space<vmem>>)
    %dma_wait3A_256 = tpu.memref_slice %arg3[%add3A_253] : memref<262144xf32, #tpu.memory_space<hbm>> -> memref<4096xf32, #tpu.memory_space<hbm>>
    %dma_wait3A_257 = tpu.memref_slice %arg3[%add3A_253] : memref<262144xf32, #tpu.memory_space<hbm>> -> memref<4096xf32, #tpu.memory_space<hbm>>
    tpu.wait_dma2 semaphore(%arg19 : memref<!tpu.dma_semaphore, #tpu.memory_space<semaphore_mem>>) src(%dma_wait3A_257 : memref<4096xf32, #tpu.memory_space<hbm>>) dst(%arg17 : memref<4096xf32, #tpu.memory_space<vmem>>)
    %add3A_258 = arith.constant 49152 : i32
    %add3A_259 = arith.addi %mul3A_34, %add3A_258 : i32
    %dma_start3A_260 = tpu.memref_slice %arg2[%add3A_259] : memref<262144xi32, #tpu.memory_space<hbm>> -> memref<4096xi32, #tpu.memory_space<hbm>>
    %dma_start3A_261 = tpu.memref_slice %arg2[%add3A_259] : memref<262144xi32, #tpu.memory_space<hbm>> -> memref<4096xi32, #tpu.memory_space<hbm>>
    tpu.enqueue_dma source(%dma_start3A_261 : memref<4096xi32, #tpu.memory_space<hbm>>) target(%arg14 : memref<4096xi32, #tpu.memory_space<vmem>>) target_semaphore(%arg18 : memref<!tpu.dma_semaphore, #tpu.memory_space<semaphore_mem>>)
    %dma_start3A_262 = tpu.memref_slice %arg3[%add3A_259] : memref<262144xf32, #tpu.memory_space<hbm>> -> memref<4096xf32, #tpu.memory_space<hbm>>
    %dma_start3A_263 = tpu.memref_slice %arg3[%add3A_259] : memref<262144xf32, #tpu.memory_space<hbm>> -> memref<4096xf32, #tpu.memory_space<hbm>>
    tpu.enqueue_dma source(%dma_start3A_263 : memref<4096xf32, #tpu.memory_space<hbm>>) target(%arg16 : memref<4096xf32, #tpu.memory_space<vmem>>) target_semaphore(%arg19 : memref<!tpu.dma_semaphore, #tpu.memory_space<semaphore_mem>>)
    %scan3A_264 = arith.constant 0 : i32
    %scan3A_265 = arith.constant 0 : i32
    %scan3A_266 = arith.constant 32 : i32
    %scan3A_267 = arith.addi %scan3A_265, %scan3A_266 : i32
    %scan3A_268 = arith.constant 1 : i32
    scf.for %scan3A_354 = %scan3A_265 to %scan3A_267 step %scan3A_268  : i32 {
      %mul3A_355 = arith.constant 128 : i32
      %mul3A_356 = arith.muli %scan3A_354, %mul3A_355 : i32
      %add3A_357 = arith.constant 0 : i32
      %add3A_358 = arith.addi %mul3A_356, %add3A_357 : i32
      %get3A = arith.index_cast %add3A_358 : i32 to index
      %get3A_359 = tpu.vector_load %arg15[%get3A] {strides = array<i32>} : memref<4096xi32, #tpu.memory_space<vmem>>, vector<16xi32>,
      %sub3A_360 = arith.subi %get3A_359, %add3A_37 : vector<16xi32>
      %bitcast3A_361 = vector.bitcast %sub3A_360 : vector<16xi32> to vector<16xi32>
      %min3A = arith.minui %bitcast3A_361, %bitcast3A : vector<16xi32>
      %bitcast3A_362 = vector.bitcast %min3A : vector<16xi32> to vector<16xi32>
      %add3A_363 = arith.constant 16 : i32
      %add3A_364 = arith.addi %mul3A_356, %add3A_363 : i32
      %get3A_365 = arith.index_cast %add3A_364 : i32 to index
      %get3A_366 = tpu.vector_load %arg15[%get3A_365] {strides = array<i32>} : memref<4096xi32, #tpu.memory_space<vmem>>, vector<16xi32>,
      %sub3A_367 = arith.subi %get3A_366, %add3A_37 : vector<16xi32>
      %bitcast3A_368 = vector.bitcast %sub3A_367 : vector<16xi32> to vector<16xi32>
      %min3A_369 = arith.minui %bitcast3A_368, %bitcast3A : vector<16xi32>
      %bitcast3A_370 = vector.bitcast %min3A_369 : vector<16xi32> to vector<16xi32>
      %add3A_371 = arith.constant 32 : i32
      %add3A_372 = arith.addi %mul3A_356, %add3A_371 : i32
      %get3A_373 = arith.index_cast %add3A_372 : i32 to index
      %get3A_374 = tpu.vector_load %arg15[%get3A_373] {strides = array<i32>} : memref<4096xi32, #tpu.memory_space<vmem>>, vector<16xi32>,
      %sub3A_375 = arith.subi %get3A_374, %add3A_37 : vector<16xi32>
      %bitcast3A_376 = vector.bitcast %sub3A_375 : vector<16xi32> to vector<16xi32>
      %min3A_377 = arith.minui %bitcast3A_376, %bitcast3A : vector<16xi32>
      %bitcast3A_378 = vector.bitcast %min3A_377 : vector<16xi32> to vector<16xi32>
      %add3A_379 = arith.constant 48 : i32
      %add3A_380 = arith.addi %mul3A_356, %add3A_379 : i32
      %get3A_381 = arith.index_cast %add3A_380 : i32 to index
      %get3A_382 = tpu.vector_load %arg15[%get3A_381] {strides = array<i32>} : memref<4096xi32, #tpu.memory_space<vmem>>, vector<16xi32>,
      %sub3A_383 = arith.subi %get3A_382, %add3A_37 : vector<16xi32>
      %bitcast3A_384 = vector.bitcast %sub3A_383 : vector<16xi32> to vector<16xi32>
      %min3A_385 = arith.minui %bitcast3A_384, %bitcast3A : vector<16xi32>
      %bitcast3A_386 = vector.bitcast %min3A_385 : vector<16xi32> to vector<16xi32>
      %add3A_387 = arith.constant 64 : i32
      %add3A_388 = arith.addi %mul3A_356, %add3A_387 : i32
      %get3A_389 = arith.index_cast %add3A_388 : i32 to index
      %get3A_390 = tpu.vector_load %arg15[%get3A_389] {strides = array<i32>} : memref<4096xi32, #tpu.memory_space<vmem>>, vector<16xi32>,
      %sub3A_391 = arith.subi %get3A_390, %add3A_37 : vector<16xi32>
      %bitcast3A_392 = vector.bitcast %sub3A_391 : vector<16xi32> to vector<16xi32>
      %min3A_393 = arith.minui %bitcast3A_392, %bitcast3A : vector<16xi32>
      %bitcast3A_394 = vector.bitcast %min3A_393 : vector<16xi32> to vector<16xi32>
      %add3A_395 = arith.constant 80 : i32
      %add3A_396 = arith.addi %mul3A_356, %add3A_395 : i32
      %get3A_397 = arith.index_cast %add3A_396 : i32 to index
      %get3A_398 = tpu.vector_load %arg15[%get3A_397] {strides = array<i32>} : memref<4096xi32, #tpu.memory_space<vmem>>, vector<16xi32>,
      %sub3A_399 = arith.subi %get3A_398, %add3A_37 : vector<16xi32>
      %bitcast3A_400 = vector.bitcast %sub3A_399 : vector<16xi32> to vector<16xi32>
      %min3A_401 = arith.minui %bitcast3A_400, %bitcast3A : vector<16xi32>
      %bitcast3A_402 = vector.bitcast %min3A_401 : vector<16xi32> to vector<16xi32>
      %add3A_403 = arith.constant 96 : i32
      %add3A_404 = arith.addi %mul3A_356, %add3A_403 : i32
      %get3A_405 = arith.index_cast %add3A_404 : i32 to index
      %get3A_406 = tpu.vector_load %arg15[%get3A_405] {strides = array<i32>} : memref<4096xi32, #tpu.memory_space<vmem>>, vector<16xi32>,
      %sub3A_407 = arith.subi %get3A_406, %add3A_37 : vector<16xi32>
      %bitcast3A_408 = vector.bitcast %sub3A_407 : vector<16xi32> to vector<16xi32>
      %min3A_409 = arith.minui %bitcast3A_408, %bitcast3A : vector<16xi32>
      %bitcast3A_410 = vector.bitcast %min3A_409 : vector<16xi32> to vector<16xi32>
      %add3A_411 = arith.constant 112 : i32
      %add3A_412 = arith.addi %mul3A_356, %add3A_411 : i32
      %get3A_413 = arith.index_cast %add3A_412 : i32 to index
      %get3A_414 = tpu.vector_load %arg15[%get3A_413] {strides = array<i32>} : memref<4096xi32, #tpu.memory_space<vmem>>, vector<16xi32>,
      %sub3A_415 = arith.subi %get3A_414, %add3A_37 : vector<16xi32>
      %bitcast3A_416 = vector.bitcast %sub3A_415 : vector<16xi32> to vector<16xi32>
      %min3A_417 = arith.minui %bitcast3A_416, %bitcast3A : vector<16xi32>
      %bitcast3A_418 = vector.bitcast %min3A_417 : vector<16xi32> to vector<16xi32>
      %add3A_419 = arith.constant 0 : i32
      %add3A_420 = arith.addi %mul3A_356, %add3A_419 : i32
      %get3A_421 = arith.index_cast %add3A_420 : i32 to index
      %get3A_422 = tpu.vector_load %arg17[%get3A_421] {strides = array<i32>} : memref<4096xf32, #tpu.memory_space<vmem>>, vector<16xf32>,
      %add3A_423 = arith.constant 16 : i32
      %add3A_424 = arith.addi %mul3A_356, %add3A_423 : i32
      %get3A_425 = arith.index_cast %add3A_424 : i32 to index
      %get3A_426 = tpu.vector_load %arg17[%get3A_425] {strides = array<i32>} : memref<4096xf32, #tpu.memory_space<vmem>>, vector<16xf32>,
      %add3A_427 = arith.constant 32 : i32
      %add3A_428 = arith.addi %mul3A_356, %add3A_427 : i32
      %get3A_429 = arith.index_cast %add3A_428 : i32 to index
      %get3A_430 = tpu.vector_load %arg17[%get3A_429] {strides = array<i32>} : memref<4096xf32, #tpu.memory_space<vmem>>, vector<16xf32>,
      %add3A_431 = arith.constant 48 : i32
      %add3A_432 = arith.addi %mul3A_356, %add3A_431 : i32
      %get3A_433 = arith.index_cast %add3A_432 : i32 to index
      %get3A_434 = tpu.vector_load %arg17[%get3A_433] {strides = array<i32>} : memref<4096xf32, #tpu.memory_space<vmem>>, vector<16xf32>,
      %add3A_435 = arith.constant 64 : i32
      %add3A_436 = arith.addi %mul3A_356, %add3A_435 : i32
      %get3A_437 = arith.index_cast %add3A_436 : i32 to index
      %get3A_438 = tpu.vector_load %arg17[%get3A_437] {strides = array<i32>} : memref<4096xf32, #tpu.memory_space<vmem>>, vector<16xf32>,
      %add3A_439 = arith.constant 80 : i32
      %add3A_440 = arith.addi %mul3A_356, %add3A_439 : i32
      %get3A_441 = arith.index_cast %add3A_440 : i32 to index
      %get3A_442 = tpu.vector_load %arg17[%get3A_441] {strides = array<i32>} : memref<4096xf32, #tpu.memory_space<vmem>>, vector<16xf32>,
      %add3A_443 = arith.constant 96 : i32
      %add3A_444 = arith.addi %mul3A_356, %add3A_443 : i32
      %get3A_445 = arith.index_cast %add3A_444 : i32 to index
      %get3A_446 = tpu.vector_load %arg17[%get3A_445] {strides = array<i32>} : memref<4096xf32, #tpu.memory_space<vmem>>, vector<16xf32>,
      %add3A_447 = arith.constant 112 : i32
      %add3A_448 = arith.addi %mul3A_356, %add3A_447 : i32
      %get3A_449 = arith.index_cast %add3A_448 : i32 to index
      %get3A_450 = tpu.vector_load %arg17[%get3A_449] {strides = array<i32>} : memref<4096xf32, #tpu.memory_space<vmem>>, vector<16xf32>,
      tpu.vector_store_idx %arg12[%bitcast3A_362], %get3A_422 : memref<49168xf32, #tpu.memory_space<vmem>>[vector<16xi32>], vector<16xf32>,
      tpu.vector_store_idx %arg13[%bitcast3A_362], %broadcast_in_dim3A_42 : memref<49168xf32, #tpu.memory_space<vmem>>[vector<16xi32>], vector<16xf32>,
      tpu.vector_store_idx %arg12[%bitcast3A_370], %get3A_426 : memref<49168xf32, #tpu.memory_space<vmem>>[vector<16xi32>], vector<16xf32>,
      tpu.vector_store_idx %arg13[%bitcast3A_370], %broadcast_in_dim3A_42 : memref<49168xf32, #tpu.memory_space<vmem>>[vector<16xi32>], vector<16xf32>,
      tpu.vector_store_idx %arg12[%bitcast3A_378], %get3A_430 : memref<49168xf32, #tpu.memory_space<vmem>>[vector<16xi32>], vector<16xf32>,
      tpu.vector_store_idx %arg13[%bitcast3A_378], %broadcast_in_dim3A_42 : memref<49168xf32, #tpu.memory_space<vmem>>[vector<16xi32>], vector<16xf32>,
      tpu.vector_store_idx %arg12[%bitcast3A_386], %get3A_434 : memref<49168xf32, #tpu.memory_space<vmem>>[vector<16xi32>], vector<16xf32>,
      tpu.vector_store_idx %arg13[%bitcast3A_386], %broadcast_in_dim3A_42 : memref<49168xf32, #tpu.memory_space<vmem>>[vector<16xi32>], vector<16xf32>,
      tpu.vector_store_idx %arg12[%bitcast3A_394], %get3A_438 : memref<49168xf32, #tpu.memory_space<vmem>>[vector<16xi32>], vector<16xf32>,
      tpu.vector_store_idx %arg13[%bitcast3A_394], %broadcast_in_dim3A_42 : memref<49168xf32, #tpu.memory_space<vmem>>[vector<16xi32>], vector<16xf32>,
      tpu.vector_store_idx %arg12[%bitcast3A_402], %get3A_442 : memref<49168xf32, #tpu.memory_space<vmem>>[vector<16xi32>], vector<16xf32>,
      tpu.vector_store_idx %arg13[%bitcast3A_402], %broadcast_in_dim3A_42 : memref<49168xf32, #tpu.memory_space<vmem>>[vector<16xi32>], vector<16xf32>,
      tpu.vector_store_idx %arg12[%bitcast3A_410], %get3A_446 : memref<49168xf32, #tpu.memory_space<vmem>>[vector<16xi32>], vector<16xf32>,
      tpu.vector_store_idx %arg13[%bitcast3A_410], %broadcast_in_dim3A_42 : memref<49168xf32, #tpu.memory_space<vmem>>[vector<16xi32>], vector<16xf32>,
      tpu.vector_store_idx %arg12[%bitcast3A_418], %get3A_450 : memref<49168xf32, #tpu.memory_space<vmem>>[vector<16xi32>], vector<16xf32>,
      tpu.vector_store_idx %arg13[%bitcast3A_418], %broadcast_in_dim3A_42 : memref<49168xf32, #tpu.memory_space<vmem>>[vector<16xi32>], vector<16xf32>,
    }
    %scan3A_269 = arith.constant 32 : i32
    %add3A_270 = arith.constant 49152 : i32
    %add3A_271 = arith.addi %mul3A_34, %add3A_270 : i32
    %dma_wait3A_272 = tpu.memref_slice %arg2[%add3A_271] : memref<262144xi32, #tpu.memory_space<hbm>> -> memref<4096xi32, #tpu.memory_space<hbm>>
    %dma_wait3A_273 = tpu.memref_slice %arg2[%add3A_271] : memref<262144xi32, #tpu.memory_space<hbm>> -> memref<4096xi32, #tpu.memory_space<hbm>>
    tpu.wait_dma2 semaphore(%arg18 : memref<!tpu.dma_semaphore, #tpu.memory_space<semaphore_mem>>) src(%dma_wait3A_273 : memref<4096xi32, #tpu.memory_space<hbm>>) dst(%arg14 : memref<4096xi32, #tpu.memory_space<vmem>>)
    %dma_wait3A_274 = tpu.memref_slice %arg3[%add3A_271] : memref<262144xf32, #tpu.memory_space<hbm>> -> memref<4096xf32, #tpu.memory_space<hbm>>
    %dma_wait3A_275 = tpu.memref_slice %arg3[%add3A_271] : memref<262144xf32, #tpu.memory_space<hbm>> -> memref<4096xf32, #tpu.memory_space<hbm>>
    tpu.wait_dma2 semaphore(%arg19 : memref<!tpu.dma_semaphore, #tpu.memory_space<semaphore_mem>>) src(%dma_wait3A_275 : memref<4096xf32, #tpu.memory_space<hbm>>) dst(%arg16 : memref<4096xf32, #tpu.memory_space<vmem>>)
    %add3A_276 = arith.constant 53248 : i32
    %add3A_277 = arith.addi %mul3A_34, %add3A_276 : i32
    %dma_start3A_278 = tpu.memref_slice %arg2[%add3A_277] : memref<262144xi32, #tpu.memory_space<hbm>> -> memref<4096xi32, #tpu.memory_space<hbm>>
    %dma_start3A_279 = tpu.memref_slice %arg2[%add3A_277] : memref<262144xi32, #tpu.memory_space<hbm>> -> memref<4096xi32, #tpu.memory_space<hbm>>
    tpu.enqueue_dma source(%dma_start3A_279 : memref<4096xi32, #tpu.memory_space<hbm>>) target(%arg15 : memref<4096xi32, #tpu.memory_space<vmem>>) target_semaphore(%arg18 : memref<!tpu.dma_semaphore, #tpu.memory_space<semaphore_mem>>)
    %dma_start3A_280 = tpu.memref_slice %arg3[%add3A_277] : memref<262144xf32, #tpu.memory_space<hbm>> -> memref<4096xf32, #tpu.memory_space<hbm>>
    %dma_start3A_281 = tpu.memref_slice %arg3[%add3A_277] : memref<262144xf32, #tpu.memory_space<hbm>> -> memref<4096xf32, #tpu.memory_space<hbm>>
    tpu.enqueue_dma source(%dma_start3A_281 : memref<4096xf32, #tpu.memory_space<hbm>>) target(%arg17 : memref<4096xf32, #tpu.memory_space<vmem>>) target_semaphore(%arg19 : memref<!tpu.dma_semaphore, #tpu.memory_space<semaphore_mem>>)
    %scan3A_282 = arith.constant 0 : i32
    %scan3A_283 = arith.constant 0 : i32
    %scan3A_284 = arith.constant 32 : i32
    %scan3A_285 = arith.addi %scan3A_283, %scan3A_284 : i32
    %scan3A_286 = arith.constant 1 : i32
    scf.for %scan3A_354 = %scan3A_283 to %scan3A_285 step %scan3A_286  : i32 {
      %mul3A_355 = arith.constant 128 : i32
      %mul3A_356 = arith.muli %scan3A_354, %mul3A_355 : i32
      %add3A_357 = arith.constant 0 : i32
      %add3A_358 = arith.addi %mul3A_356, %add3A_357 : i32
      %get3A = arith.index_cast %add3A_358 : i32 to index
      %get3A_359 = tpu.vector_load %arg14[%get3A] {strides = array<i32>} : memref<4096xi32, #tpu.memory_space<vmem>>, vector<16xi32>,
      %sub3A_360 = arith.subi %get3A_359, %add3A_37 : vector<16xi32>
      %bitcast3A_361 = vector.bitcast %sub3A_360 : vector<16xi32> to vector<16xi32>
      %min3A = arith.minui %bitcast3A_361, %bitcast3A : vector<16xi32>
      %bitcast3A_362 = vector.bitcast %min3A : vector<16xi32> to vector<16xi32>
      %add3A_363 = arith.constant 16 : i32
      %add3A_364 = arith.addi %mul3A_356, %add3A_363 : i32
      %get3A_365 = arith.index_cast %add3A_364 : i32 to index
      %get3A_366 = tpu.vector_load %arg14[%get3A_365] {strides = array<i32>} : memref<4096xi32, #tpu.memory_space<vmem>>, vector<16xi32>,
      %sub3A_367 = arith.subi %get3A_366, %add3A_37 : vector<16xi32>
      %bitcast3A_368 = vector.bitcast %sub3A_367 : vector<16xi32> to vector<16xi32>
      %min3A_369 = arith.minui %bitcast3A_368, %bitcast3A : vector<16xi32>
      %bitcast3A_370 = vector.bitcast %min3A_369 : vector<16xi32> to vector<16xi32>
      %add3A_371 = arith.constant 32 : i32
      %add3A_372 = arith.addi %mul3A_356, %add3A_371 : i32
      %get3A_373 = arith.index_cast %add3A_372 : i32 to index
      %get3A_374 = tpu.vector_load %arg14[%get3A_373] {strides = array<i32>} : memref<4096xi32, #tpu.memory_space<vmem>>, vector<16xi32>,
      %sub3A_375 = arith.subi %get3A_374, %add3A_37 : vector<16xi32>
      %bitcast3A_376 = vector.bitcast %sub3A_375 : vector<16xi32> to vector<16xi32>
      %min3A_377 = arith.minui %bitcast3A_376, %bitcast3A : vector<16xi32>
      %bitcast3A_378 = vector.bitcast %min3A_377 : vector<16xi32> to vector<16xi32>
      %add3A_379 = arith.constant 48 : i32
      %add3A_380 = arith.addi %mul3A_356, %add3A_379 : i32
      %get3A_381 = arith.index_cast %add3A_380 : i32 to index
      %get3A_382 = tpu.vector_load %arg14[%get3A_381] {strides = array<i32>} : memref<4096xi32, #tpu.memory_space<vmem>>, vector<16xi32>,
      %sub3A_383 = arith.subi %get3A_382, %add3A_37 : vector<16xi32>
      %bitcast3A_384 = vector.bitcast %sub3A_383 : vector<16xi32> to vector<16xi32>
      %min3A_385 = arith.minui %bitcast3A_384, %bitcast3A : vector<16xi32>
      %bitcast3A_386 = vector.bitcast %min3A_385 : vector<16xi32> to vector<16xi32>
      %add3A_387 = arith.constant 64 : i32
      %add3A_388 = arith.addi %mul3A_356, %add3A_387 : i32
      %get3A_389 = arith.index_cast %add3A_388 : i32 to index
      %get3A_390 = tpu.vector_load %arg14[%get3A_389] {strides = array<i32>} : memref<4096xi32, #tpu.memory_space<vmem>>, vector<16xi32>,
      %sub3A_391 = arith.subi %get3A_390, %add3A_37 : vector<16xi32>
      %bitcast3A_392 = vector.bitcast %sub3A_391 : vector<16xi32> to vector<16xi32>
      %min3A_393 = arith.minui %bitcast3A_392, %bitcast3A : vector<16xi32>
      %bitcast3A_394 = vector.bitcast %min3A_393 : vector<16xi32> to vector<16xi32>
      %add3A_395 = arith.constant 80 : i32
      %add3A_396 = arith.addi %mul3A_356, %add3A_395 : i32
      %get3A_397 = arith.index_cast %add3A_396 : i32 to index
      %get3A_398 = tpu.vector_load %arg14[%get3A_397] {strides = array<i32>} : memref<4096xi32, #tpu.memory_space<vmem>>, vector<16xi32>,
      %sub3A_399 = arith.subi %get3A_398, %add3A_37 : vector<16xi32>
      %bitcast3A_400 = vector.bitcast %sub3A_399 : vector<16xi32> to vector<16xi32>
      %min3A_401 = arith.minui %bitcast3A_400, %bitcast3A : vector<16xi32>
      %bitcast3A_402 = vector.bitcast %min3A_401 : vector<16xi32> to vector<16xi32>
      %add3A_403 = arith.constant 96 : i32
      %add3A_404 = arith.addi %mul3A_356, %add3A_403 : i32
      %get3A_405 = arith.index_cast %add3A_404 : i32 to index
      %get3A_406 = tpu.vector_load %arg14[%get3A_405] {strides = array<i32>} : memref<4096xi32, #tpu.memory_space<vmem>>, vector<16xi32>,
      %sub3A_407 = arith.subi %get3A_406, %add3A_37 : vector<16xi32>
      %bitcast3A_408 = vector.bitcast %sub3A_407 : vector<16xi32> to vector<16xi32>
      %min3A_409 = arith.minui %bitcast3A_408, %bitcast3A : vector<16xi32>
      %bitcast3A_410 = vector.bitcast %min3A_409 : vector<16xi32> to vector<16xi32>
      %add3A_411 = arith.constant 112 : i32
      %add3A_412 = arith.addi %mul3A_356, %add3A_411 : i32
      %get3A_413 = arith.index_cast %add3A_412 : i32 to index
      %get3A_414 = tpu.vector_load %arg14[%get3A_413] {strides = array<i32>} : memref<4096xi32, #tpu.memory_space<vmem>>, vector<16xi32>,
      %sub3A_415 = arith.subi %get3A_414, %add3A_37 : vector<16xi32>
      %bitcast3A_416 = vector.bitcast %sub3A_415 : vector<16xi32> to vector<16xi32>
      %min3A_417 = arith.minui %bitcast3A_416, %bitcast3A : vector<16xi32>
      %bitcast3A_418 = vector.bitcast %min3A_417 : vector<16xi32> to vector<16xi32>
      %add3A_419 = arith.constant 0 : i32
      %add3A_420 = arith.addi %mul3A_356, %add3A_419 : i32
      %get3A_421 = arith.index_cast %add3A_420 : i32 to index
      %get3A_422 = tpu.vector_load %arg16[%get3A_421] {strides = array<i32>} : memref<4096xf32, #tpu.memory_space<vmem>>, vector<16xf32>,
      %add3A_423 = arith.constant 16 : i32
      %add3A_424 = arith.addi %mul3A_356, %add3A_423 : i32
      %get3A_425 = arith.index_cast %add3A_424 : i32 to index
      %get3A_426 = tpu.vector_load %arg16[%get3A_425] {strides = array<i32>} : memref<4096xf32, #tpu.memory_space<vmem>>, vector<16xf32>,
      %add3A_427 = arith.constant 32 : i32
      %add3A_428 = arith.addi %mul3A_356, %add3A_427 : i32
      %get3A_429 = arith.index_cast %add3A_428 : i32 to index
      %get3A_430 = tpu.vector_load %arg16[%get3A_429] {strides = array<i32>} : memref<4096xf32, #tpu.memory_space<vmem>>, vector<16xf32>,
      %add3A_431 = arith.constant 48 : i32
      %add3A_432 = arith.addi %mul3A_356, %add3A_431 : i32
      %get3A_433 = arith.index_cast %add3A_432 : i32 to index
      %get3A_434 = tpu.vector_load %arg16[%get3A_433] {strides = array<i32>} : memref<4096xf32, #tpu.memory_space<vmem>>, vector<16xf32>,
      %add3A_435 = arith.constant 64 : i32
      %add3A_436 = arith.addi %mul3A_356, %add3A_435 : i32
      %get3A_437 = arith.index_cast %add3A_436 : i32 to index
      %get3A_438 = tpu.vector_load %arg16[%get3A_437] {strides = array<i32>} : memref<4096xf32, #tpu.memory_space<vmem>>, vector<16xf32>,
      %add3A_439 = arith.constant 80 : i32
      %add3A_440 = arith.addi %mul3A_356, %add3A_439 : i32
      %get3A_441 = arith.index_cast %add3A_440 : i32 to index
      %get3A_442 = tpu.vector_load %arg16[%get3A_441] {strides = array<i32>} : memref<4096xf32, #tpu.memory_space<vmem>>, vector<16xf32>,
      %add3A_443 = arith.constant 96 : i32
      %add3A_444 = arith.addi %mul3A_356, %add3A_443 : i32
      %get3A_445 = arith.index_cast %add3A_444 : i32 to index
      %get3A_446 = tpu.vector_load %arg16[%get3A_445] {strides = array<i32>} : memref<4096xf32, #tpu.memory_space<vmem>>, vector<16xf32>,
      %add3A_447 = arith.constant 112 : i32
      %add3A_448 = arith.addi %mul3A_356, %add3A_447 : i32
      %get3A_449 = arith.index_cast %add3A_448 : i32 to index
      %get3A_450 = tpu.vector_load %arg16[%get3A_449] {strides = array<i32>} : memref<4096xf32, #tpu.memory_space<vmem>>, vector<16xf32>,
      tpu.vector_store_idx %arg12[%bitcast3A_362], %get3A_422 : memref<49168xf32, #tpu.memory_space<vmem>>[vector<16xi32>], vector<16xf32>,
      tpu.vector_store_idx %arg13[%bitcast3A_362], %broadcast_in_dim3A_42 : memref<49168xf32, #tpu.memory_space<vmem>>[vector<16xi32>], vector<16xf32>,
      tpu.vector_store_idx %arg12[%bitcast3A_370], %get3A_426 : memref<49168xf32, #tpu.memory_space<vmem>>[vector<16xi32>], vector<16xf32>,
      tpu.vector_store_idx %arg13[%bitcast3A_370], %broadcast_in_dim3A_42 : memref<49168xf32, #tpu.memory_space<vmem>>[vector<16xi32>], vector<16xf32>,
      tpu.vector_store_idx %arg12[%bitcast3A_378], %get3A_430 : memref<49168xf32, #tpu.memory_space<vmem>>[vector<16xi32>], vector<16xf32>,
      tpu.vector_store_idx %arg13[%bitcast3A_378], %broadcast_in_dim3A_42 : memref<49168xf32, #tpu.memory_space<vmem>>[vector<16xi32>], vector<16xf32>,
      tpu.vector_store_idx %arg12[%bitcast3A_386], %get3A_434 : memref<49168xf32, #tpu.memory_space<vmem>>[vector<16xi32>], vector<16xf32>,
      tpu.vector_store_idx %arg13[%bitcast3A_386], %broadcast_in_dim3A_42 : memref<49168xf32, #tpu.memory_space<vmem>>[vector<16xi32>], vector<16xf32>,
      tpu.vector_store_idx %arg12[%bitcast3A_394], %get3A_438 : memref<49168xf32, #tpu.memory_space<vmem>>[vector<16xi32>], vector<16xf32>,
      tpu.vector_store_idx %arg13[%bitcast3A_394], %broadcast_in_dim3A_42 : memref<49168xf32, #tpu.memory_space<vmem>>[vector<16xi32>], vector<16xf32>,
      tpu.vector_store_idx %arg12[%bitcast3A_402], %get3A_442 : memref<49168xf32, #tpu.memory_space<vmem>>[vector<16xi32>], vector<16xf32>,
      tpu.vector_store_idx %arg13[%bitcast3A_402], %broadcast_in_dim3A_42 : memref<49168xf32, #tpu.memory_space<vmem>>[vector<16xi32>], vector<16xf32>,
      tpu.vector_store_idx %arg12[%bitcast3A_410], %get3A_446 : memref<49168xf32, #tpu.memory_space<vmem>>[vector<16xi32>], vector<16xf32>,
      tpu.vector_store_idx %arg13[%bitcast3A_410], %broadcast_in_dim3A_42 : memref<49168xf32, #tpu.memory_space<vmem>>[vector<16xi32>], vector<16xf32>,
      tpu.vector_store_idx %arg12[%bitcast3A_418], %get3A_450 : memref<49168xf32, #tpu.memory_space<vmem>>[vector<16xi32>], vector<16xf32>,
      tpu.vector_store_idx %arg13[%bitcast3A_418], %broadcast_in_dim3A_42 : memref<49168xf32, #tpu.memory_space<vmem>>[vector<16xi32>], vector<16xf32>,
    }
    %scan3A_287 = arith.constant 32 : i32
    %add3A_288 = arith.constant 53248 : i32
    %add3A_289 = arith.addi %mul3A_34, %add3A_288 : i32
    %dma_wait3A_290 = tpu.memref_slice %arg2[%add3A_289] : memref<262144xi32, #tpu.memory_space<hbm>> -> memref<4096xi32, #tpu.memory_space<hbm>>
    %dma_wait3A_291 = tpu.memref_slice %arg2[%add3A_289] : memref<262144xi32, #tpu.memory_space<hbm>> -> memref<4096xi32, #tpu.memory_space<hbm>>
    tpu.wait_dma2 semaphore(%arg18 : memref<!tpu.dma_semaphore, #tpu.memory_space<semaphore_mem>>) src(%dma_wait3A_291 : memref<4096xi32, #tpu.memory_space<hbm>>) dst(%arg15 : memref<4096xi32, #tpu.memory_space<vmem>>)
    %dma_wait3A_292 = tpu.memref_slice %arg3[%add3A_289] : memref<262144xf32, #tpu.memory_space<hbm>> -> memref<4096xf32, #tpu.memory_space<hbm>>
    %dma_wait3A_293 = tpu.memref_slice %arg3[%add3A_289] : memref<262144xf32, #tpu.memory_space<hbm>> -> memref<4096xf32, #tpu.memory_space<hbm>>
    tpu.wait_dma2 semaphore(%arg19 : memref<!tpu.dma_semaphore, #tpu.memory_space<semaphore_mem>>) src(%dma_wait3A_293 : memref<4096xf32, #tpu.memory_space<hbm>>) dst(%arg17 : memref<4096xf32, #tpu.memory_space<vmem>>)
    %add3A_294 = arith.constant 57344 : i32
    %add3A_295 = arith.addi %mul3A_34, %add3A_294 : i32
    %dma_start3A_296 = tpu.memref_slice %arg2[%add3A_295] : memref<262144xi32, #tpu.memory_space<hbm>> -> memref<4096xi32, #tpu.memory_space<hbm>>
    %dma_start3A_297 = tpu.memref_slice %arg2[%add3A_295] : memref<262144xi32, #tpu.memory_space<hbm>> -> memref<4096xi32, #tpu.memory_space<hbm>>
    tpu.enqueue_dma source(%dma_start3A_297 : memref<4096xi32, #tpu.memory_space<hbm>>) target(%arg14 : memref<4096xi32, #tpu.memory_space<vmem>>) target_semaphore(%arg18 : memref<!tpu.dma_semaphore, #tpu.memory_space<semaphore_mem>>)
    %dma_start3A_298 = tpu.memref_slice %arg3[%add3A_295] : memref<262144xf32, #tpu.memory_space<hbm>> -> memref<4096xf32, #tpu.memory_space<hbm>>
    %dma_start3A_299 = tpu.memref_slice %arg3[%add3A_295] : memref<262144xf32, #tpu.memory_space<hbm>> -> memref<4096xf32, #tpu.memory_space<hbm>>
    tpu.enqueue_dma source(%dma_start3A_299 : memref<4096xf32, #tpu.memory_space<hbm>>) target(%arg16 : memref<4096xf32, #tpu.memory_space<vmem>>) target_semaphore(%arg19 : memref<!tpu.dma_semaphore, #tpu.memory_space<semaphore_mem>>)
    %scan3A_300 = arith.constant 0 : i32
    %scan3A_301 = arith.constant 0 : i32
    %scan3A_302 = arith.constant 32 : i32
    %scan3A_303 = arith.addi %scan3A_301, %scan3A_302 : i32
    %scan3A_304 = arith.constant 1 : i32
    scf.for %scan3A_354 = %scan3A_301 to %scan3A_303 step %scan3A_304  : i32 {
      %mul3A_355 = arith.constant 128 : i32
      %mul3A_356 = arith.muli %scan3A_354, %mul3A_355 : i32
      %add3A_357 = arith.constant 0 : i32
      %add3A_358 = arith.addi %mul3A_356, %add3A_357 : i32
      %get3A = arith.index_cast %add3A_358 : i32 to index
      %get3A_359 = tpu.vector_load %arg15[%get3A] {strides = array<i32>} : memref<4096xi32, #tpu.memory_space<vmem>>, vector<16xi32>,
      %sub3A_360 = arith.subi %get3A_359, %add3A_37 : vector<16xi32>
      %bitcast3A_361 = vector.bitcast %sub3A_360 : vector<16xi32> to vector<16xi32>
      %min3A = arith.minui %bitcast3A_361, %bitcast3A : vector<16xi32>
      %bitcast3A_362 = vector.bitcast %min3A : vector<16xi32> to vector<16xi32>
      %add3A_363 = arith.constant 16 : i32
      %add3A_364 = arith.addi %mul3A_356, %add3A_363 : i32
      %get3A_365 = arith.index_cast %add3A_364 : i32 to index
      %get3A_366 = tpu.vector_load %arg15[%get3A_365] {strides = array<i32>} : memref<4096xi32, #tpu.memory_space<vmem>>, vector<16xi32>,
      %sub3A_367 = arith.subi %get3A_366, %add3A_37 : vector<16xi32>
      %bitcast3A_368 = vector.bitcast %sub3A_367 : vector<16xi32> to vector<16xi32>
      %min3A_369 = arith.minui %bitcast3A_368, %bitcast3A : vector<16xi32>
      %bitcast3A_370 = vector.bitcast %min3A_369 : vector<16xi32> to vector<16xi32>
      %add3A_371 = arith.constant 32 : i32
      %add3A_372 = arith.addi %mul3A_356, %add3A_371 : i32
      %get3A_373 = arith.index_cast %add3A_372 : i32 to index
      %get3A_374 = tpu.vector_load %arg15[%get3A_373] {strides = array<i32>} : memref<4096xi32, #tpu.memory_space<vmem>>, vector<16xi32>,
      %sub3A_375 = arith.subi %get3A_374, %add3A_37 : vector<16xi32>
      %bitcast3A_376 = vector.bitcast %sub3A_375 : vector<16xi32> to vector<16xi32>
      %min3A_377 = arith.minui %bitcast3A_376, %bitcast3A : vector<16xi32>
      %bitcast3A_378 = vector.bitcast %min3A_377 : vector<16xi32> to vector<16xi32>
      %add3A_379 = arith.constant 48 : i32
      %add3A_380 = arith.addi %mul3A_356, %add3A_379 : i32
      %get3A_381 = arith.index_cast %add3A_380 : i32 to index
      %get3A_382 = tpu.vector_load %arg15[%get3A_381] {strides = array<i32>} : memref<4096xi32, #tpu.memory_space<vmem>>, vector<16xi32>,
      %sub3A_383 = arith.subi %get3A_382, %add3A_37 : vector<16xi32>
      %bitcast3A_384 = vector.bitcast %sub3A_383 : vector<16xi32> to vector<16xi32>
      %min3A_385 = arith.minui %bitcast3A_384, %bitcast3A : vector<16xi32>
      %bitcast3A_386 = vector.bitcast %min3A_385 : vector<16xi32> to vector<16xi32>
      %add3A_387 = arith.constant 64 : i32
      %add3A_388 = arith.addi %mul3A_356, %add3A_387 : i32
      %get3A_389 = arith.index_cast %add3A_388 : i32 to index
      %get3A_390 = tpu.vector_load %arg15[%get3A_389] {strides = array<i32>} : memref<4096xi32, #tpu.memory_space<vmem>>, vector<16xi32>,
      %sub3A_391 = arith.subi %get3A_390, %add3A_37 : vector<16xi32>
      %bitcast3A_392 = vector.bitcast %sub3A_391 : vector<16xi32> to vector<16xi32>
      %min3A_393 = arith.minui %bitcast3A_392, %bitcast3A : vector<16xi32>
      %bitcast3A_394 = vector.bitcast %min3A_393 : vector<16xi32> to vector<16xi32>
      %add3A_395 = arith.constant 80 : i32
      %add3A_396 = arith.addi %mul3A_356, %add3A_395 : i32
      %get3A_397 = arith.index_cast %add3A_396 : i32 to index
      %get3A_398 = tpu.vector_load %arg15[%get3A_397] {strides = array<i32>} : memref<4096xi32, #tpu.memory_space<vmem>>, vector<16xi32>,
      %sub3A_399 = arith.subi %get3A_398, %add3A_37 : vector<16xi32>
      %bitcast3A_400 = vector.bitcast %sub3A_399 : vector<16xi32> to vector<16xi32>
      %min3A_401 = arith.minui %bitcast3A_400, %bitcast3A : vector<16xi32>
      %bitcast3A_402 = vector.bitcast %min3A_401 : vector<16xi32> to vector<16xi32>
      %add3A_403 = arith.constant 96 : i32
      %add3A_404 = arith.addi %mul3A_356, %add3A_403 : i32
      %get3A_405 = arith.index_cast %add3A_404 : i32 to index
      %get3A_406 = tpu.vector_load %arg15[%get3A_405] {strides = array<i32>} : memref<4096xi32, #tpu.memory_space<vmem>>, vector<16xi32>,
      %sub3A_407 = arith.subi %get3A_406, %add3A_37 : vector<16xi32>
      %bitcast3A_408 = vector.bitcast %sub3A_407 : vector<16xi32> to vector<16xi32>
      %min3A_409 = arith.minui %bitcast3A_408, %bitcast3A : vector<16xi32>
      %bitcast3A_410 = vector.bitcast %min3A_409 : vector<16xi32> to vector<16xi32>
      %add3A_411 = arith.constant 112 : i32
      %add3A_412 = arith.addi %mul3A_356, %add3A_411 : i32
      %get3A_413 = arith.index_cast %add3A_412 : i32 to index
      %get3A_414 = tpu.vector_load %arg15[%get3A_413] {strides = array<i32>} : memref<4096xi32, #tpu.memory_space<vmem>>, vector<16xi32>,
      %sub3A_415 = arith.subi %get3A_414, %add3A_37 : vector<16xi32>
      %bitcast3A_416 = vector.bitcast %sub3A_415 : vector<16xi32> to vector<16xi32>
      %min3A_417 = arith.minui %bitcast3A_416, %bitcast3A : vector<16xi32>
      %bitcast3A_418 = vector.bitcast %min3A_417 : vector<16xi32> to vector<16xi32>
      %add3A_419 = arith.constant 0 : i32
      %add3A_420 = arith.addi %mul3A_356, %add3A_419 : i32
      %get3A_421 = arith.index_cast %add3A_420 : i32 to index
      %get3A_422 = tpu.vector_load %arg17[%get3A_421] {strides = array<i32>} : memref<4096xf32, #tpu.memory_space<vmem>>, vector<16xf32>,
      %add3A_423 = arith.constant 16 : i32
      %add3A_424 = arith.addi %mul3A_356, %add3A_423 : i32
      %get3A_425 = arith.index_cast %add3A_424 : i32 to index
      %get3A_426 = tpu.vector_load %arg17[%get3A_425] {strides = array<i32>} : memref<4096xf32, #tpu.memory_space<vmem>>, vector<16xf32>,
      %add3A_427 = arith.constant 32 : i32
      %add3A_428 = arith.addi %mul3A_356, %add3A_427 : i32
      %get3A_429 = arith.index_cast %add3A_428 : i32 to index
      %get3A_430 = tpu.vector_load %arg17[%get3A_429] {strides = array<i32>} : memref<4096xf32, #tpu.memory_space<vmem>>, vector<16xf32>,
      %add3A_431 = arith.constant 48 : i32
      %add3A_432 = arith.addi %mul3A_356, %add3A_431 : i32
      %get3A_433 = arith.index_cast %add3A_432 : i32 to index
      %get3A_434 = tpu.vector_load %arg17[%get3A_433] {strides = array<i32>} : memref<4096xf32, #tpu.memory_space<vmem>>, vector<16xf32>,
      %add3A_435 = arith.constant 64 : i32
      %add3A_436 = arith.addi %mul3A_356, %add3A_435 : i32
      %get3A_437 = arith.index_cast %add3A_436 : i32 to index
      %get3A_438 = tpu.vector_load %arg17[%get3A_437] {strides = array<i32>} : memref<4096xf32, #tpu.memory_space<vmem>>, vector<16xf32>,
      %add3A_439 = arith.constant 80 : i32
      %add3A_440 = arith.addi %mul3A_356, %add3A_439 : i32
      %get3A_441 = arith.index_cast %add3A_440 : i32 to index
      %get3A_442 = tpu.vector_load %arg17[%get3A_441] {strides = array<i32>} : memref<4096xf32, #tpu.memory_space<vmem>>, vector<16xf32>,
      %add3A_443 = arith.constant 96 : i32
      %add3A_444 = arith.addi %mul3A_356, %add3A_443 : i32
      %get3A_445 = arith.index_cast %add3A_444 : i32 to index
      %get3A_446 = tpu.vector_load %arg17[%get3A_445] {strides = array<i32>} : memref<4096xf32, #tpu.memory_space<vmem>>, vector<16xf32>,
      %add3A_447 = arith.constant 112 : i32
      %add3A_448 = arith.addi %mul3A_356, %add3A_447 : i32
      %get3A_449 = arith.index_cast %add3A_448 : i32 to index
      %get3A_450 = tpu.vector_load %arg17[%get3A_449] {strides = array<i32>} : memref<4096xf32, #tpu.memory_space<vmem>>, vector<16xf32>,
      tpu.vector_store_idx %arg12[%bitcast3A_362], %get3A_422 : memref<49168xf32, #tpu.memory_space<vmem>>[vector<16xi32>], vector<16xf32>,
      tpu.vector_store_idx %arg13[%bitcast3A_362], %broadcast_in_dim3A_42 : memref<49168xf32, #tpu.memory_space<vmem>>[vector<16xi32>], vector<16xf32>,
      tpu.vector_store_idx %arg12[%bitcast3A_370], %get3A_426 : memref<49168xf32, #tpu.memory_space<vmem>>[vector<16xi32>], vector<16xf32>,
      tpu.vector_store_idx %arg13[%bitcast3A_370], %broadcast_in_dim3A_42 : memref<49168xf32, #tpu.memory_space<vmem>>[vector<16xi32>], vector<16xf32>,
      tpu.vector_store_idx %arg12[%bitcast3A_378], %get3A_430 : memref<49168xf32, #tpu.memory_space<vmem>>[vector<16xi32>], vector<16xf32>,
      tpu.vector_store_idx %arg13[%bitcast3A_378], %broadcast_in_dim3A_42 : memref<49168xf32, #tpu.memory_space<vmem>>[vector<16xi32>], vector<16xf32>,
      tpu.vector_store_idx %arg12[%bitcast3A_386], %get3A_434 : memref<49168xf32, #tpu.memory_space<vmem>>[vector<16xi32>], vector<16xf32>,
      tpu.vector_store_idx %arg13[%bitcast3A_386], %broadcast_in_dim3A_42 : memref<49168xf32, #tpu.memory_space<vmem>>[vector<16xi32>], vector<16xf32>,
      tpu.vector_store_idx %arg12[%bitcast3A_394], %get3A_438 : memref<49168xf32, #tpu.memory_space<vmem>>[vector<16xi32>], vector<16xf32>,
      tpu.vector_store_idx %arg13[%bitcast3A_394], %broadcast_in_dim3A_42 : memref<49168xf32, #tpu.memory_space<vmem>>[vector<16xi32>], vector<16xf32>,
      tpu.vector_store_idx %arg12[%bitcast3A_402], %get3A_442 : memref<49168xf32, #tpu.memory_space<vmem>>[vector<16xi32>], vector<16xf32>,
      tpu.vector_store_idx %arg13[%bitcast3A_402], %broadcast_in_dim3A_42 : memref<49168xf32, #tpu.memory_space<vmem>>[vector<16xi32>], vector<16xf32>,
      tpu.vector_store_idx %arg12[%bitcast3A_410], %get3A_446 : memref<49168xf32, #tpu.memory_space<vmem>>[vector<16xi32>], vector<16xf32>,
      tpu.vector_store_idx %arg13[%bitcast3A_410], %broadcast_in_dim3A_42 : memref<49168xf32, #tpu.memory_space<vmem>>[vector<16xi32>], vector<16xf32>,
      tpu.vector_store_idx %arg12[%bitcast3A_418], %get3A_450 : memref<49168xf32, #tpu.memory_space<vmem>>[vector<16xi32>], vector<16xf32>,
      tpu.vector_store_idx %arg13[%bitcast3A_418], %broadcast_in_dim3A_42 : memref<49168xf32, #tpu.memory_space<vmem>>[vector<16xi32>], vector<16xf32>,
    }
    %scan3A_305 = arith.constant 32 : i32
    %add3A_306 = arith.constant 57344 : i32
    %add3A_307 = arith.addi %mul3A_34, %add3A_306 : i32
    %dma_wait3A_308 = tpu.memref_slice %arg2[%add3A_307] : memref<262144xi32, #tpu.memory_space<hbm>> -> memref<4096xi32, #tpu.memory_space<hbm>>
    %dma_wait3A_309 = tpu.memref_slice %arg2[%add3A_307] : memref<262144xi32, #tpu.memory_space<hbm>> -> memref<4096xi32, #tpu.memory_space<hbm>>
    tpu.wait_dma2 semaphore(%arg18 : memref<!tpu.dma_semaphore, #tpu.memory_space<semaphore_mem>>) src(%dma_wait3A_309 : memref<4096xi32, #tpu.memory_space<hbm>>) dst(%arg14 : memref<4096xi32, #tpu.memory_space<vmem>>)
    %dma_wait3A_310 = tpu.memref_slice %arg3[%add3A_307] : memref<262144xf32, #tpu.memory_space<hbm>> -> memref<4096xf32, #tpu.memory_space<hbm>>
    %dma_wait3A_311 = tpu.memref_slice %arg3[%add3A_307] : memref<262144xf32, #tpu.memory_space<hbm>> -> memref<4096xf32, #tpu.memory_space<hbm>>
    tpu.wait_dma2 semaphore(%arg19 : memref<!tpu.dma_semaphore, #tpu.memory_space<semaphore_mem>>) src(%dma_wait3A_311 : memref<4096xf32, #tpu.memory_space<hbm>>) dst(%arg16 : memref<4096xf32, #tpu.memory_space<vmem>>)
    %add3A_312 = arith.constant 61440 : i32
    %add3A_313 = arith.addi %mul3A_34, %add3A_312 : i32
    %dma_start3A_314 = tpu.memref_slice %arg2[%add3A_313] : memref<262144xi32, #tpu.memory_space<hbm>> -> memref<4096xi32, #tpu.memory_space<hbm>>
    %dma_start3A_315 = tpu.memref_slice %arg2[%add3A_313] : memref<262144xi32, #tpu.memory_space<hbm>> -> memref<4096xi32, #tpu.memory_space<hbm>>
    tpu.enqueue_dma source(%dma_start3A_315 : memref<4096xi32, #tpu.memory_space<hbm>>) target(%arg15 : memref<4096xi32, #tpu.memory_space<vmem>>) target_semaphore(%arg18 : memref<!tpu.dma_semaphore, #tpu.memory_space<semaphore_mem>>)
    %dma_start3A_316 = tpu.memref_slice %arg3[%add3A_313] : memref<262144xf32, #tpu.memory_space<hbm>> -> memref<4096xf32, #tpu.memory_space<hbm>>
    %dma_start3A_317 = tpu.memref_slice %arg3[%add3A_313] : memref<262144xf32, #tpu.memory_space<hbm>> -> memref<4096xf32, #tpu.memory_space<hbm>>
    tpu.enqueue_dma source(%dma_start3A_317 : memref<4096xf32, #tpu.memory_space<hbm>>) target(%arg17 : memref<4096xf32, #tpu.memory_space<vmem>>) target_semaphore(%arg19 : memref<!tpu.dma_semaphore, #tpu.memory_space<semaphore_mem>>)
    %scan3A_318 = arith.constant 0 : i32
    %scan3A_319 = arith.constant 0 : i32
    %scan3A_320 = arith.constant 32 : i32
    %scan3A_321 = arith.addi %scan3A_319, %scan3A_320 : i32
    %scan3A_322 = arith.constant 1 : i32
    scf.for %scan3A_354 = %scan3A_319 to %scan3A_321 step %scan3A_322  : i32 {
      %mul3A_355 = arith.constant 128 : i32
      %mul3A_356 = arith.muli %scan3A_354, %mul3A_355 : i32
      %add3A_357 = arith.constant 0 : i32
      %add3A_358 = arith.addi %mul3A_356, %add3A_357 : i32
      %get3A = arith.index_cast %add3A_358 : i32 to index
      %get3A_359 = tpu.vector_load %arg14[%get3A] {strides = array<i32>} : memref<4096xi32, #tpu.memory_space<vmem>>, vector<16xi32>,
      %sub3A_360 = arith.subi %get3A_359, %add3A_37 : vector<16xi32>
      %bitcast3A_361 = vector.bitcast %sub3A_360 : vector<16xi32> to vector<16xi32>
      %min3A = arith.minui %bitcast3A_361, %bitcast3A : vector<16xi32>
      %bitcast3A_362 = vector.bitcast %min3A : vector<16xi32> to vector<16xi32>
      %add3A_363 = arith.constant 16 : i32
      %add3A_364 = arith.addi %mul3A_356, %add3A_363 : i32
      %get3A_365 = arith.index_cast %add3A_364 : i32 to index
      %get3A_366 = tpu.vector_load %arg14[%get3A_365] {strides = array<i32>} : memref<4096xi32, #tpu.memory_space<vmem>>, vector<16xi32>,
      %sub3A_367 = arith.subi %get3A_366, %add3A_37 : vector<16xi32>
      %bitcast3A_368 = vector.bitcast %sub3A_367 : vector<16xi32> to vector<16xi32>
      %min3A_369 = arith.minui %bitcast3A_368, %bitcast3A : vector<16xi32>
      %bitcast3A_370 = vector.bitcast %min3A_369 : vector<16xi32> to vector<16xi32>
      %add3A_371 = arith.constant 32 : i32
      %add3A_372 = arith.addi %mul3A_356, %add3A_371 : i32
      %get3A_373 = arith.index_cast %add3A_372 : i32 to index
      %get3A_374 = tpu.vector_load %arg14[%get3A_373] {strides = array<i32>} : memref<4096xi32, #tpu.memory_space<vmem>>, vector<16xi32>,
      %sub3A_375 = arith.subi %get3A_374, %add3A_37 : vector<16xi32>
      %bitcast3A_376 = vector.bitcast %sub3A_375 : vector<16xi32> to vector<16xi32>
      %min3A_377 = arith.minui %bitcast3A_376, %bitcast3A : vector<16xi32>
      %bitcast3A_378 = vector.bitcast %min3A_377 : vector<16xi32> to vector<16xi32>
      %add3A_379 = arith.constant 48 : i32
      %add3A_380 = arith.addi %mul3A_356, %add3A_379 : i32
      %get3A_381 = arith.index_cast %add3A_380 : i32 to index
      %get3A_382 = tpu.vector_load %arg14[%get3A_381] {strides = array<i32>} : memref<4096xi32, #tpu.memory_space<vmem>>, vector<16xi32>,
      %sub3A_383 = arith.subi %get3A_382, %add3A_37 : vector<16xi32>
      %bitcast3A_384 = vector.bitcast %sub3A_383 : vector<16xi32> to vector<16xi32>
      %min3A_385 = arith.minui %bitcast3A_384, %bitcast3A : vector<16xi32>
      %bitcast3A_386 = vector.bitcast %min3A_385 : vector<16xi32> to vector<16xi32>
      %add3A_387 = arith.constant 64 : i32
      %add3A_388 = arith.addi %mul3A_356, %add3A_387 : i32
      %get3A_389 = arith.index_cast %add3A_388 : i32 to index
      %get3A_390 = tpu.vector_load %arg14[%get3A_389] {strides = array<i32>} : memref<4096xi32, #tpu.memory_space<vmem>>, vector<16xi32>,
      %sub3A_391 = arith.subi %get3A_390, %add3A_37 : vector<16xi32>
      %bitcast3A_392 = vector.bitcast %sub3A_391 : vector<16xi32> to vector<16xi32>
      %min3A_393 = arith.minui %bitcast3A_392, %bitcast3A : vector<16xi32>
      %bitcast3A_394 = vector.bitcast %min3A_393 : vector<16xi32> to vector<16xi32>
      %add3A_395 = arith.constant 80 : i32
      %add3A_396 = arith.addi %mul3A_356, %add3A_395 : i32
      %get3A_397 = arith.index_cast %add3A_396 : i32 to index
      %get3A_398 = tpu.vector_load %arg14[%get3A_397] {strides = array<i32>} : memref<4096xi32, #tpu.memory_space<vmem>>, vector<16xi32>,
      %sub3A_399 = arith.subi %get3A_398, %add3A_37 : vector<16xi32>
      %bitcast3A_400 = vector.bitcast %sub3A_399 : vector<16xi32> to vector<16xi32>
      %min3A_401 = arith.minui %bitcast3A_400, %bitcast3A : vector<16xi32>
      %bitcast3A_402 = vector.bitcast %min3A_401 : vector<16xi32> to vector<16xi32>
      %add3A_403 = arith.constant 96 : i32
      %add3A_404 = arith.addi %mul3A_356, %add3A_403 : i32
      %get3A_405 = arith.index_cast %add3A_404 : i32 to index
      %get3A_406 = tpu.vector_load %arg14[%get3A_405] {strides = array<i32>} : memref<4096xi32, #tpu.memory_space<vmem>>, vector<16xi32>,
      %sub3A_407 = arith.subi %get3A_406, %add3A_37 : vector<16xi32>
      %bitcast3A_408 = vector.bitcast %sub3A_407 : vector<16xi32> to vector<16xi32>
      %min3A_409 = arith.minui %bitcast3A_408, %bitcast3A : vector<16xi32>
      %bitcast3A_410 = vector.bitcast %min3A_409 : vector<16xi32> to vector<16xi32>
      %add3A_411 = arith.constant 112 : i32
      %add3A_412 = arith.addi %mul3A_356, %add3A_411 : i32
      %get3A_413 = arith.index_cast %add3A_412 : i32 to index
      %get3A_414 = tpu.vector_load %arg14[%get3A_413] {strides = array<i32>} : memref<4096xi32, #tpu.memory_space<vmem>>, vector<16xi32>,
      %sub3A_415 = arith.subi %get3A_414, %add3A_37 : vector<16xi32>
      %bitcast3A_416 = vector.bitcast %sub3A_415 : vector<16xi32> to vector<16xi32>
      %min3A_417 = arith.minui %bitcast3A_416, %bitcast3A : vector<16xi32>
      %bitcast3A_418 = vector.bitcast %min3A_417 : vector<16xi32> to vector<16xi32>
      %add3A_419 = arith.constant 0 : i32
      %add3A_420 = arith.addi %mul3A_356, %add3A_419 : i32
      %get3A_421 = arith.index_cast %add3A_420 : i32 to index
      %get3A_422 = tpu.vector_load %arg16[%get3A_421] {strides = array<i32>} : memref<4096xf32, #tpu.memory_space<vmem>>, vector<16xf32>,
      %add3A_423 = arith.constant 16 : i32
      %add3A_424 = arith.addi %mul3A_356, %add3A_423 : i32
      %get3A_425 = arith.index_cast %add3A_424 : i32 to index
      %get3A_426 = tpu.vector_load %arg16[%get3A_425] {strides = array<i32>} : memref<4096xf32, #tpu.memory_space<vmem>>, vector<16xf32>,
      %add3A_427 = arith.constant 32 : i32
      %add3A_428 = arith.addi %mul3A_356, %add3A_427 : i32
      %get3A_429 = arith.index_cast %add3A_428 : i32 to index
      %get3A_430 = tpu.vector_load %arg16[%get3A_429] {strides = array<i32>} : memref<4096xf32, #tpu.memory_space<vmem>>, vector<16xf32>,
      %add3A_431 = arith.constant 48 : i32
      %add3A_432 = arith.addi %mul3A_356, %add3A_431 : i32
      %get3A_433 = arith.index_cast %add3A_432 : i32 to index
      %get3A_434 = tpu.vector_load %arg16[%get3A_433] {strides = array<i32>} : memref<4096xf32, #tpu.memory_space<vmem>>, vector<16xf32>,
      %add3A_435 = arith.constant 64 : i32
      %add3A_436 = arith.addi %mul3A_356, %add3A_435 : i32
      %get3A_437 = arith.index_cast %add3A_436 : i32 to index
      %get3A_438 = tpu.vector_load %arg16[%get3A_437] {strides = array<i32>} : memref<4096xf32, #tpu.memory_space<vmem>>, vector<16xf32>,
      %add3A_439 = arith.constant 80 : i32
      %add3A_440 = arith.addi %mul3A_356, %add3A_439 : i32
      %get3A_441 = arith.index_cast %add3A_440 : i32 to index
      %get3A_442 = tpu.vector_load %arg16[%get3A_441] {strides = array<i32>} : memref<4096xf32, #tpu.memory_space<vmem>>, vector<16xf32>,
      %add3A_443 = arith.constant 96 : i32
      %add3A_444 = arith.addi %mul3A_356, %add3A_443 : i32
      %get3A_445 = arith.index_cast %add3A_444 : i32 to index
      %get3A_446 = tpu.vector_load %arg16[%get3A_445] {strides = array<i32>} : memref<4096xf32, #tpu.memory_space<vmem>>, vector<16xf32>,
      %add3A_447 = arith.constant 112 : i32
      %add3A_448 = arith.addi %mul3A_356, %add3A_447 : i32
      %get3A_449 = arith.index_cast %add3A_448 : i32 to index
      %get3A_450 = tpu.vector_load %arg16[%get3A_449] {strides = array<i32>} : memref<4096xf32, #tpu.memory_space<vmem>>, vector<16xf32>,
      tpu.vector_store_idx %arg12[%bitcast3A_362], %get3A_422 : memref<49168xf32, #tpu.memory_space<vmem>>[vector<16xi32>], vector<16xf32>,
      tpu.vector_store_idx %arg13[%bitcast3A_362], %broadcast_in_dim3A_42 : memref<49168xf32, #tpu.memory_space<vmem>>[vector<16xi32>], vector<16xf32>,
      tpu.vector_store_idx %arg12[%bitcast3A_370], %get3A_426 : memref<49168xf32, #tpu.memory_space<vmem>>[vector<16xi32>], vector<16xf32>,
      tpu.vector_store_idx %arg13[%bitcast3A_370], %broadcast_in_dim3A_42 : memref<49168xf32, #tpu.memory_space<vmem>>[vector<16xi32>], vector<16xf32>,
      tpu.vector_store_idx %arg12[%bitcast3A_378], %get3A_430 : memref<49168xf32, #tpu.memory_space<vmem>>[vector<16xi32>], vector<16xf32>,
      tpu.vector_store_idx %arg13[%bitcast3A_378], %broadcast_in_dim3A_42 : memref<49168xf32, #tpu.memory_space<vmem>>[vector<16xi32>], vector<16xf32>,
      tpu.vector_store_idx %arg12[%bitcast3A_386], %get3A_434 : memref<49168xf32, #tpu.memory_space<vmem>>[vector<16xi32>], vector<16xf32>,
      tpu.vector_store_idx %arg13[%bitcast3A_386], %broadcast_in_dim3A_42 : memref<49168xf32, #tpu.memory_space<vmem>>[vector<16xi32>], vector<16xf32>,
      tpu.vector_store_idx %arg12[%bitcast3A_394], %get3A_438 : memref<49168xf32, #tpu.memory_space<vmem>>[vector<16xi32>], vector<16xf32>,
      tpu.vector_store_idx %arg13[%bitcast3A_394], %broadcast_in_dim3A_42 : memref<49168xf32, #tpu.memory_space<vmem>>[vector<16xi32>], vector<16xf32>,
      tpu.vector_store_idx %arg12[%bitcast3A_402], %get3A_442 : memref<49168xf32, #tpu.memory_space<vmem>>[vector<16xi32>], vector<16xf32>,
      tpu.vector_store_idx %arg13[%bitcast3A_402], %broadcast_in_dim3A_42 : memref<49168xf32, #tpu.memory_space<vmem>>[vector<16xi32>], vector<16xf32>,
      tpu.vector_store_idx %arg12[%bitcast3A_410], %get3A_446 : memref<49168xf32, #tpu.memory_space<vmem>>[vector<16xi32>], vector<16xf32>,
      tpu.vector_store_idx %arg13[%bitcast3A_410], %broadcast_in_dim3A_42 : memref<49168xf32, #tpu.memory_space<vmem>>[vector<16xi32>], vector<16xf32>,
      tpu.vector_store_idx %arg12[%bitcast3A_418], %get3A_450 : memref<49168xf32, #tpu.memory_space<vmem>>[vector<16xi32>], vector<16xf32>,
      tpu.vector_store_idx %arg13[%bitcast3A_418], %broadcast_in_dim3A_42 : memref<49168xf32, #tpu.memory_space<vmem>>[vector<16xi32>], vector<16xf32>,
    }
    %scan3A_323 = arith.constant 32 : i32
    %add3A_324 = arith.constant 61440 : i32
    %add3A_325 = arith.addi %mul3A_34, %add3A_324 : i32
    %dma_wait3A_326 = tpu.memref_slice %arg2[%add3A_325] : memref<262144xi32, #tpu.memory_space<hbm>> -> memref<4096xi32, #tpu.memory_space<hbm>>
    %dma_wait3A_327 = tpu.memref_slice %arg2[%add3A_325] : memref<262144xi32, #tpu.memory_space<hbm>> -> memref<4096xi32, #tpu.memory_space<hbm>>
    tpu.wait_dma2 semaphore(%arg18 : memref<!tpu.dma_semaphore, #tpu.memory_space<semaphore_mem>>) src(%dma_wait3A_327 : memref<4096xi32, #tpu.memory_space<hbm>>) dst(%arg15 : memref<4096xi32, #tpu.memory_space<vmem>>)
    %dma_wait3A_328 = tpu.memref_slice %arg3[%add3A_325] : memref<262144xf32, #tpu.memory_space<hbm>> -> memref<4096xf32, #tpu.memory_space<hbm>>
    %dma_wait3A_329 = tpu.memref_slice %arg3[%add3A_325] : memref<262144xf32, #tpu.memory_space<hbm>> -> memref<4096xf32, #tpu.memory_space<hbm>>
    tpu.wait_dma2 semaphore(%arg19 : memref<!tpu.dma_semaphore, #tpu.memory_space<semaphore_mem>>) src(%dma_wait3A_329 : memref<4096xf32, #tpu.memory_space<hbm>>) dst(%arg17 : memref<4096xf32, #tpu.memory_space<vmem>>)
    %scan3A_330 = arith.constant 0 : i32
    %scan3A_331 = arith.constant 0 : i32
    %scan3A_332 = arith.constant 32 : i32
    %scan3A_333 = arith.addi %scan3A_331, %scan3A_332 : i32
    %scan3A_334 = arith.constant 1 : i32
    scf.for %scan3A_354 = %scan3A_331 to %scan3A_333 step %scan3A_334  : i32 {
      %mul3A_355 = arith.constant 128 : i32
      %mul3A_356 = arith.muli %scan3A_354, %mul3A_355 : i32
      %add3A_357 = arith.constant 0 : i32
      %add3A_358 = arith.addi %mul3A_356, %add3A_357 : i32
      %get3A = arith.index_cast %add3A_358 : i32 to index
      %get3A_359 = tpu.vector_load %arg15[%get3A] {strides = array<i32>} : memref<4096xi32, #tpu.memory_space<vmem>>, vector<16xi32>,
      %sub3A_360 = arith.subi %get3A_359, %add3A_37 : vector<16xi32>
      %bitcast3A_361 = vector.bitcast %sub3A_360 : vector<16xi32> to vector<16xi32>
      %min3A = arith.minui %bitcast3A_361, %bitcast3A : vector<16xi32>
      %bitcast3A_362 = vector.bitcast %min3A : vector<16xi32> to vector<16xi32>
      %add3A_363 = arith.constant 16 : i32
      %add3A_364 = arith.addi %mul3A_356, %add3A_363 : i32
      %get3A_365 = arith.index_cast %add3A_364 : i32 to index
      %get3A_366 = tpu.vector_load %arg15[%get3A_365] {strides = array<i32>} : memref<4096xi32, #tpu.memory_space<vmem>>, vector<16xi32>,
      %sub3A_367 = arith.subi %get3A_366, %add3A_37 : vector<16xi32>
      %bitcast3A_368 = vector.bitcast %sub3A_367 : vector<16xi32> to vector<16xi32>
      %min3A_369 = arith.minui %bitcast3A_368, %bitcast3A : vector<16xi32>
      %bitcast3A_370 = vector.bitcast %min3A_369 : vector<16xi32> to vector<16xi32>
      %add3A_371 = arith.constant 32 : i32
      %add3A_372 = arith.addi %mul3A_356, %add3A_371 : i32
      %get3A_373 = arith.index_cast %add3A_372 : i32 to index
      %get3A_374 = tpu.vector_load %arg15[%get3A_373] {strides = array<i32>} : memref<4096xi32, #tpu.memory_space<vmem>>, vector<16xi32>,
      %sub3A_375 = arith.subi %get3A_374, %add3A_37 : vector<16xi32>
      %bitcast3A_376 = vector.bitcast %sub3A_375 : vector<16xi32> to vector<16xi32>
      %min3A_377 = arith.minui %bitcast3A_376, %bitcast3A : vector<16xi32>
      %bitcast3A_378 = vector.bitcast %min3A_377 : vector<16xi32> to vector<16xi32>
      %add3A_379 = arith.constant 48 : i32
      %add3A_380 = arith.addi %mul3A_356, %add3A_379 : i32
      %get3A_381 = arith.index_cast %add3A_380 : i32 to index
      %get3A_382 = tpu.vector_load %arg15[%get3A_381] {strides = array<i32>} : memref<4096xi32, #tpu.memory_space<vmem>>, vector<16xi32>,
      %sub3A_383 = arith.subi %get3A_382, %add3A_37 : vector<16xi32>
      %bitcast3A_384 = vector.bitcast %sub3A_383 : vector<16xi32> to vector<16xi32>
      %min3A_385 = arith.minui %bitcast3A_384, %bitcast3A : vector<16xi32>
      %bitcast3A_386 = vector.bitcast %min3A_385 : vector<16xi32> to vector<16xi32>
      %add3A_387 = arith.constant 64 : i32
      %add3A_388 = arith.addi %mul3A_356, %add3A_387 : i32
      %get3A_389 = arith.index_cast %add3A_388 : i32 to index
      %get3A_390 = tpu.vector_load %arg15[%get3A_389] {strides = array<i32>} : memref<4096xi32, #tpu.memory_space<vmem>>, vector<16xi32>,
      %sub3A_391 = arith.subi %get3A_390, %add3A_37 : vector<16xi32>
      %bitcast3A_392 = vector.bitcast %sub3A_391 : vector<16xi32> to vector<16xi32>
      %min3A_393 = arith.minui %bitcast3A_392, %bitcast3A : vector<16xi32>
      %bitcast3A_394 = vector.bitcast %min3A_393 : vector<16xi32> to vector<16xi32>
      %add3A_395 = arith.constant 80 : i32
      %add3A_396 = arith.addi %mul3A_356, %add3A_395 : i32
      %get3A_397 = arith.index_cast %add3A_396 : i32 to index
      %get3A_398 = tpu.vector_load %arg15[%get3A_397] {strides = array<i32>} : memref<4096xi32, #tpu.memory_space<vmem>>, vector<16xi32>,
      %sub3A_399 = arith.subi %get3A_398, %add3A_37 : vector<16xi32>
      %bitcast3A_400 = vector.bitcast %sub3A_399 : vector<16xi32> to vector<16xi32>
      %min3A_401 = arith.minui %bitcast3A_400, %bitcast3A : vector<16xi32>
      %bitcast3A_402 = vector.bitcast %min3A_401 : vector<16xi32> to vector<16xi32>
      %add3A_403 = arith.constant 96 : i32
      %add3A_404 = arith.addi %mul3A_356, %add3A_403 : i32
      %get3A_405 = arith.index_cast %add3A_404 : i32 to index
      %get3A_406 = tpu.vector_load %arg15[%get3A_405] {strides = array<i32>} : memref<4096xi32, #tpu.memory_space<vmem>>, vector<16xi32>,
      %sub3A_407 = arith.subi %get3A_406, %add3A_37 : vector<16xi32>
      %bitcast3A_408 = vector.bitcast %sub3A_407 : vector<16xi32> to vector<16xi32>
      %min3A_409 = arith.minui %bitcast3A_408, %bitcast3A : vector<16xi32>
      %bitcast3A_410 = vector.bitcast %min3A_409 : vector<16xi32> to vector<16xi32>
      %add3A_411 = arith.constant 112 : i32
      %add3A_412 = arith.addi %mul3A_356, %add3A_411 : i32
      %get3A_413 = arith.index_cast %add3A_412 : i32 to index
      %get3A_414 = tpu.vector_load %arg15[%get3A_413] {strides = array<i32>} : memref<4096xi32, #tpu.memory_space<vmem>>, vector<16xi32>,
      %sub3A_415 = arith.subi %get3A_414, %add3A_37 : vector<16xi32>
      %bitcast3A_416 = vector.bitcast %sub3A_415 : vector<16xi32> to vector<16xi32>
      %min3A_417 = arith.minui %bitcast3A_416, %bitcast3A : vector<16xi32>
      %bitcast3A_418 = vector.bitcast %min3A_417 : vector<16xi32> to vector<16xi32>
      %add3A_419 = arith.constant 0 : i32
      %add3A_420 = arith.addi %mul3A_356, %add3A_419 : i32
      %get3A_421 = arith.index_cast %add3A_420 : i32 to index
      %get3A_422 = tpu.vector_load %arg17[%get3A_421] {strides = array<i32>} : memref<4096xf32, #tpu.memory_space<vmem>>, vector<16xf32>,
      %add3A_423 = arith.constant 16 : i32
      %add3A_424 = arith.addi %mul3A_356, %add3A_423 : i32
      %get3A_425 = arith.index_cast %add3A_424 : i32 to index
      %get3A_426 = tpu.vector_load %arg17[%get3A_425] {strides = array<i32>} : memref<4096xf32, #tpu.memory_space<vmem>>, vector<16xf32>,
      %add3A_427 = arith.constant 32 : i32
      %add3A_428 = arith.addi %mul3A_356, %add3A_427 : i32
      %get3A_429 = arith.index_cast %add3A_428 : i32 to index
      %get3A_430 = tpu.vector_load %arg17[%get3A_429] {strides = array<i32>} : memref<4096xf32, #tpu.memory_space<vmem>>, vector<16xf32>,
      %add3A_431 = arith.constant 48 : i32
      %add3A_432 = arith.addi %mul3A_356, %add3A_431 : i32
      %get3A_433 = arith.index_cast %add3A_432 : i32 to index
      %get3A_434 = tpu.vector_load %arg17[%get3A_433] {strides = array<i32>} : memref<4096xf32, #tpu.memory_space<vmem>>, vector<16xf32>,
      %add3A_435 = arith.constant 64 : i32
      %add3A_436 = arith.addi %mul3A_356, %add3A_435 : i32
      %get3A_437 = arith.index_cast %add3A_436 : i32 to index
      %get3A_438 = tpu.vector_load %arg17[%get3A_437] {strides = array<i32>} : memref<4096xf32, #tpu.memory_space<vmem>>, vector<16xf32>,
      %add3A_439 = arith.constant 80 : i32
      %add3A_440 = arith.addi %mul3A_356, %add3A_439 : i32
      %get3A_441 = arith.index_cast %add3A_440 : i32 to index
      %get3A_442 = tpu.vector_load %arg17[%get3A_441] {strides = array<i32>} : memref<4096xf32, #tpu.memory_space<vmem>>, vector<16xf32>,
      %add3A_443 = arith.constant 96 : i32
      %add3A_444 = arith.addi %mul3A_356, %add3A_443 : i32
      %get3A_445 = arith.index_cast %add3A_444 : i32 to index
      %get3A_446 = tpu.vector_load %arg17[%get3A_445] {strides = array<i32>} : memref<4096xf32, #tpu.memory_space<vmem>>, vector<16xf32>,
      %add3A_447 = arith.constant 112 : i32
      %add3A_448 = arith.addi %mul3A_356, %add3A_447 : i32
      %get3A_449 = arith.index_cast %add3A_448 : i32 to index
      %get3A_450 = tpu.vector_load %arg17[%get3A_449] {strides = array<i32>} : memref<4096xf32, #tpu.memory_space<vmem>>, vector<16xf32>,
      tpu.vector_store_idx %arg12[%bitcast3A_362], %get3A_422 : memref<49168xf32, #tpu.memory_space<vmem>>[vector<16xi32>], vector<16xf32>,
      tpu.vector_store_idx %arg13[%bitcast3A_362], %broadcast_in_dim3A_42 : memref<49168xf32, #tpu.memory_space<vmem>>[vector<16xi32>], vector<16xf32>,
      tpu.vector_store_idx %arg12[%bitcast3A_370], %get3A_426 : memref<49168xf32, #tpu.memory_space<vmem>>[vector<16xi32>], vector<16xf32>,
      tpu.vector_store_idx %arg13[%bitcast3A_370], %broadcast_in_dim3A_42 : memref<49168xf32, #tpu.memory_space<vmem>>[vector<16xi32>], vector<16xf32>,
      tpu.vector_store_idx %arg12[%bitcast3A_378], %get3A_430 : memref<49168xf32, #tpu.memory_space<vmem>>[vector<16xi32>], vector<16xf32>,
      tpu.vector_store_idx %arg13[%bitcast3A_378], %broadcast_in_dim3A_42 : memref<49168xf32, #tpu.memory_space<vmem>>[vector<16xi32>], vector<16xf32>,
      tpu.vector_store_idx %arg12[%bitcast3A_386], %get3A_434 : memref<49168xf32, #tpu.memory_space<vmem>>[vector<16xi32>], vector<16xf32>,
      tpu.vector_store_idx %arg13[%bitcast3A_386], %broadcast_in_dim3A_42 : memref<49168xf32, #tpu.memory_space<vmem>>[vector<16xi32>], vector<16xf32>,
      tpu.vector_store_idx %arg12[%bitcast3A_394], %get3A_438 : memref<49168xf32, #tpu.memory_space<vmem>>[vector<16xi32>], vector<16xf32>,
      tpu.vector_store_idx %arg13[%bitcast3A_394], %broadcast_in_dim3A_42 : memref<49168xf32, #tpu.memory_space<vmem>>[vector<16xi32>], vector<16xf32>,
      tpu.vector_store_idx %arg12[%bitcast3A_402], %get3A_442 : memref<49168xf32, #tpu.memory_space<vmem>>[vector<16xi32>], vector<16xf32>,
      tpu.vector_store_idx %arg13[%bitcast3A_402], %broadcast_in_dim3A_42 : memref<49168xf32, #tpu.memory_space<vmem>>[vector<16xi32>], vector<16xf32>,
      tpu.vector_store_idx %arg12[%bitcast3A_410], %get3A_446 : memref<49168xf32, #tpu.memory_space<vmem>>[vector<16xi32>], vector<16xf32>,
      tpu.vector_store_idx %arg13[%bitcast3A_410], %broadcast_in_dim3A_42 : memref<49168xf32, #tpu.memory_space<vmem>>[vector<16xi32>], vector<16xf32>,
      tpu.vector_store_idx %arg12[%bitcast3A_418], %get3A_450 : memref<49168xf32, #tpu.memory_space<vmem>>[vector<16xi32>], vector<16xf32>,
      tpu.vector_store_idx %arg13[%bitcast3A_418], %broadcast_in_dim3A_42 : memref<49168xf32, #tpu.memory_space<vmem>>[vector<16xi32>], vector<16xf32>,
    }
    %scan3A_335 = arith.constant 32 : i32
    %eq3A_336 = arith.constant 0 : i32
    %eq3A_337 = arith.cmpi eq, %add3A, %eq3A_336 : i32
    %convert_element_type3A = arith.extui %eq3A_337 : i1 to i32
    %cond3A = arith.constant 0 : i32
    %cond3A_338 = arith.cmpi ne, %convert_element_type3A, %cond3A : i32
    scf.if %cond3A_338 {
      "tpu.region"() ({
        %run_scoped3A = tpu.sem_alloc : memref<!tpu.dma_semaphore, #tpu.memory_space<semaphore_mem>>
        %dma_start3A_354 = arith.constant 0 : i32
        %dma_start3A_355 = tpu.memref_slice %arg12[%dma_start3A_354] : memref<49168xf32, #tpu.memory_space<vmem>> -> memref<49152xf32, #tpu.memory_space<vmem>>
        %dma_start3A_356 = tpu.memref_slice %arg4[%mul3A_32] : memref<393216xf32, #tpu.memory_space<hbm>> -> memref<49152xf32, #tpu.memory_space<hbm>>
        %dma_start3A_357 = tpu.memref_slice %arg4[%mul3A_32] : memref<393216xf32, #tpu.memory_space<hbm>> -> memref<49152xf32, #tpu.memory_space<hbm>>
        %dma_start3A_358 = arith.constant 0 : i32
        %dma_start3A_359 = tpu.memref_slice %arg12[%dma_start3A_358] : memref<49168xf32, #tpu.memory_space<vmem>> -> memref<49152xf32, #tpu.memory_space<vmem>>
        tpu.enqueue_dma source(%dma_start3A_359 : memref<49152xf32, #tpu.memory_space<vmem>>) target(%dma_start3A_357 : memref<49152xf32, #tpu.memory_space<hbm>>) target_semaphore(%run_scoped3A : memref<!tpu.dma_semaphore, #tpu.memory_space<semaphore_mem>>)
        %dma_wait3A_360 = arith.constant 0 : i32
        %dma_wait3A_361 = tpu.memref_slice %arg12[%dma_wait3A_360] : memref<49168xf32, #tpu.memory_space<vmem>> -> memref<49152xf32, #tpu.memory_space<vmem>>
        %dma_wait3A_362 = tpu.memref_slice %arg4[%mul3A_32] : memref<393216xf32, #tpu.memory_space<hbm>> -> memref<49152xf32, #tpu.memory_space<hbm>>
        %dma_wait3A_363 = tpu.memref_slice %arg4[%mul3A_32] : memref<393216xf32, #tpu.memory_space<hbm>> -> memref<49152xf32, #tpu.memory_space<hbm>>
        %dma_wait3A_364 = arith.constant 0 : i32
        %dma_wait3A_365 = tpu.memref_slice %arg12[%dma_wait3A_364] : memref<49168xf32, #tpu.memory_space<vmem>> -> memref<49152xf32, #tpu.memory_space<vmem>>
        tpu.wait_dma2 semaphore(%run_scoped3A : memref<!tpu.dma_semaphore, #tpu.memory_space<semaphore_mem>>) src(%dma_wait3A_365 : memref<49152xf32, #tpu.memory_space<vmem>>) dst(%dma_wait3A_363 : memref<49152xf32, #tpu.memory_space<hbm>>)
        tpu.yield
      }) : () -> ()
      "tpu.region"() ({
        %run_scoped3A = tpu.sem_alloc : memref<!tpu.dma_semaphore, #tpu.memory_space<semaphore_mem>>
        %dma_start3A_354 = arith.constant 0 : i32
        %dma_start3A_355 = tpu.memref_slice %arg13[%dma_start3A_354] : memref<49168xf32, #tpu.memory_space<vmem>> -> memref<49152xf32, #tpu.memory_space<vmem>>
        %dma_start3A_356 = tpu.memref_slice %arg8[%mul3A_32] : memref<393216xf32, #tpu.memory_space<hbm>> -> memref<49152xf32, #tpu.memory_space<hbm>>
        %dma_start3A_357 = tpu.memref_slice %arg8[%mul3A_32] : memref<393216xf32, #tpu.memory_space<hbm>> -> memref<49152xf32, #tpu.memory_space<hbm>>
        %dma_start3A_358 = arith.constant 0 : i32
        %dma_start3A_359 = tpu.memref_slice %arg13[%dma_start3A_358] : memref<49168xf32, #tpu.memory_space<vmem>> -> memref<49152xf32, #tpu.memory_space<vmem>>
        tpu.enqueue_dma source(%dma_start3A_359 : memref<49152xf32, #tpu.memory_space<vmem>>) target(%dma_start3A_357 : memref<49152xf32, #tpu.memory_space<hbm>>) target_semaphore(%run_scoped3A : memref<!tpu.dma_semaphore, #tpu.memory_space<semaphore_mem>>)
        %dma_wait3A_360 = arith.constant 0 : i32
        %dma_wait3A_361 = tpu.memref_slice %arg13[%dma_wait3A_360] : memref<49168xf32, #tpu.memory_space<vmem>> -> memref<49152xf32, #tpu.memory_space<vmem>>
        %dma_wait3A_362 = tpu.memref_slice %arg8[%mul3A_32] : memref<393216xf32, #tpu.memory_space<hbm>> -> memref<49152xf32, #tpu.memory_space<hbm>>
        %dma_wait3A_363 = tpu.memref_slice %arg8[%mul3A_32] : memref<393216xf32, #tpu.memory_space<hbm>> -> memref<49152xf32, #tpu.memory_space<hbm>>
        %dma_wait3A_364 = arith.constant 0 : i32
        %dma_wait3A_365 = tpu.memref_slice %arg13[%dma_wait3A_364] : memref<49168xf32, #tpu.memory_space<vmem>> -> memref<49152xf32, #tpu.memory_space<vmem>>
        tpu.wait_dma2 semaphore(%run_scoped3A : memref<!tpu.dma_semaphore, #tpu.memory_space<semaphore_mem>>) src(%dma_wait3A_365 : memref<49152xf32, #tpu.memory_space<vmem>>) dst(%dma_wait3A_363 : memref<49152xf32, #tpu.memory_space<hbm>>)
        tpu.yield
      }) : () -> ()
    } else {
    }
    %eq3A_339 = arith.constant 1 : i32
    %eq3A_340 = arith.cmpi eq, %add3A, %eq3A_339 : i32
    %convert_element_type3A_341 = arith.extui %eq3A_340 : i1 to i32
    %cond3A_342 = arith.constant 0 : i32
    %cond3A_343 = arith.cmpi ne, %convert_element_type3A_341, %cond3A_342 : i32
    scf.if %cond3A_343 {
      "tpu.region"() ({
        %run_scoped3A = tpu.sem_alloc : memref<!tpu.dma_semaphore, #tpu.memory_space<semaphore_mem>>
        %dma_start3A_354 = arith.constant 0 : i32
        %dma_start3A_355 = tpu.memref_slice %arg12[%dma_start3A_354] : memref<49168xf32, #tpu.memory_space<vmem>> -> memref<49152xf32, #tpu.memory_space<vmem>>
        %dma_start3A_356 = tpu.memref_slice %arg5[%mul3A_32] : memref<393216xf32, #tpu.memory_space<hbm>> -> memref<49152xf32, #tpu.memory_space<hbm>>
        %dma_start3A_357 = tpu.memref_slice %arg5[%mul3A_32] : memref<393216xf32, #tpu.memory_space<hbm>> -> memref<49152xf32, #tpu.memory_space<hbm>>
        %dma_start3A_358 = arith.constant 0 : i32
        %dma_start3A_359 = tpu.memref_slice %arg12[%dma_start3A_358] : memref<49168xf32, #tpu.memory_space<vmem>> -> memref<49152xf32, #tpu.memory_space<vmem>>
        tpu.enqueue_dma source(%dma_start3A_359 : memref<49152xf32, #tpu.memory_space<vmem>>) target(%dma_start3A_357 : memref<49152xf32, #tpu.memory_space<hbm>>) target_semaphore(%run_scoped3A : memref<!tpu.dma_semaphore, #tpu.memory_space<semaphore_mem>>)
        %dma_wait3A_360 = arith.constant 0 : i32
        %dma_wait3A_361 = tpu.memref_slice %arg12[%dma_wait3A_360] : memref<49168xf32, #tpu.memory_space<vmem>> -> memref<49152xf32, #tpu.memory_space<vmem>>
        %dma_wait3A_362 = tpu.memref_slice %arg5[%mul3A_32] : memref<393216xf32, #tpu.memory_space<hbm>> -> memref<49152xf32, #tpu.memory_space<hbm>>
        %dma_wait3A_363 = tpu.memref_slice %arg5[%mul3A_32] : memref<393216xf32, #tpu.memory_space<hbm>> -> memref<49152xf32, #tpu.memory_space<hbm>>
        %dma_wait3A_364 = arith.constant 0 : i32
        %dma_wait3A_365 = tpu.memref_slice %arg12[%dma_wait3A_364] : memref<49168xf32, #tpu.memory_space<vmem>> -> memref<49152xf32, #tpu.memory_space<vmem>>
        tpu.wait_dma2 semaphore(%run_scoped3A : memref<!tpu.dma_semaphore, #tpu.memory_space<semaphore_mem>>) src(%dma_wait3A_365 : memref<49152xf32, #tpu.memory_space<vmem>>) dst(%dma_wait3A_363 : memref<49152xf32, #tpu.memory_space<hbm>>)
        tpu.yield
      }) : () -> ()
      "tpu.region"() ({
        %run_scoped3A = tpu.sem_alloc : memref<!tpu.dma_semaphore, #tpu.memory_space<semaphore_mem>>
        %dma_start3A_354 = arith.constant 0 : i32
        %dma_start3A_355 = tpu.memref_slice %arg13[%dma_start3A_354] : memref<49168xf32, #tpu.memory_space<vmem>> -> memref<49152xf32, #tpu.memory_space<vmem>>
        %dma_start3A_356 = tpu.memref_slice %arg9[%mul3A_32] : memref<393216xf32, #tpu.memory_space<hbm>> -> memref<49152xf32, #tpu.memory_space<hbm>>
        %dma_start3A_357 = tpu.memref_slice %arg9[%mul3A_32] : memref<393216xf32, #tpu.memory_space<hbm>> -> memref<49152xf32, #tpu.memory_space<hbm>>
        %dma_start3A_358 = arith.constant 0 : i32
        %dma_start3A_359 = tpu.memref_slice %arg13[%dma_start3A_358] : memref<49168xf32, #tpu.memory_space<vmem>> -> memref<49152xf32, #tpu.memory_space<vmem>>
        tpu.enqueue_dma source(%dma_start3A_359 : memref<49152xf32, #tpu.memory_space<vmem>>) target(%dma_start3A_357 : memref<49152xf32, #tpu.memory_space<hbm>>) target_semaphore(%run_scoped3A : memref<!tpu.dma_semaphore, #tpu.memory_space<semaphore_mem>>)
        %dma_wait3A_360 = arith.constant 0 : i32
        %dma_wait3A_361 = tpu.memref_slice %arg13[%dma_wait3A_360] : memref<49168xf32, #tpu.memory_space<vmem>> -> memref<49152xf32, #tpu.memory_space<vmem>>
        %dma_wait3A_362 = tpu.memref_slice %arg9[%mul3A_32] : memref<393216xf32, #tpu.memory_space<hbm>> -> memref<49152xf32, #tpu.memory_space<hbm>>
        %dma_wait3A_363 = tpu.memref_slice %arg9[%mul3A_32] : memref<393216xf32, #tpu.memory_space<hbm>> -> memref<49152xf32, #tpu.memory_space<hbm>>
        %dma_wait3A_364 = arith.constant 0 : i32
        %dma_wait3A_365 = tpu.memref_slice %arg13[%dma_wait3A_364] : memref<49168xf32, #tpu.memory_space<vmem>> -> memref<49152xf32, #tpu.memory_space<vmem>>
        tpu.wait_dma2 semaphore(%run_scoped3A : memref<!tpu.dma_semaphore, #tpu.memory_space<semaphore_mem>>) src(%dma_wait3A_365 : memref<49152xf32, #tpu.memory_space<vmem>>) dst(%dma_wait3A_363 : memref<49152xf32, #tpu.memory_space<hbm>>)
        tpu.yield
      }) : () -> ()
    } else {
    }
    %eq3A_344 = arith.constant 2 : i32
    %eq3A_345 = arith.cmpi eq, %add3A, %eq3A_344 : i32
    %convert_element_type3A_346 = arith.extui %eq3A_345 : i1 to i32
    %cond3A_347 = arith.constant 0 : i32
    %cond3A_348 = arith.cmpi ne, %convert_element_type3A_346, %cond3A_347 : i32
    scf.if %cond3A_348 {
      "tpu.region"() ({
        %run_scoped3A = tpu.sem_alloc : memref<!tpu.dma_semaphore, #tpu.memory_space<semaphore_mem>>
        %dma_start3A_354 = arith.constant 0 : i32
        %dma_start3A_355 = tpu.memref_slice %arg12[%dma_start3A_354] : memref<49168xf32, #tpu.memory_space<vmem>> -> memref<49152xf32, #tpu.memory_space<vmem>>
        %dma_start3A_356 = tpu.memref_slice %arg6[%mul3A_32] : memref<393216xf32, #tpu.memory_space<hbm>> -> memref<49152xf32, #tpu.memory_space<hbm>>
        %dma_start3A_357 = tpu.memref_slice %arg6[%mul3A_32] : memref<393216xf32, #tpu.memory_space<hbm>> -> memref<49152xf32, #tpu.memory_space<hbm>>
        %dma_start3A_358 = arith.constant 0 : i32
        %dma_start3A_359 = tpu.memref_slice %arg12[%dma_start3A_358] : memref<49168xf32, #tpu.memory_space<vmem>> -> memref<49152xf32, #tpu.memory_space<vmem>>
        tpu.enqueue_dma source(%dma_start3A_359 : memref<49152xf32, #tpu.memory_space<vmem>>) target(%dma_start3A_357 : memref<49152xf32, #tpu.memory_space<hbm>>) target_semaphore(%run_scoped3A : memref<!tpu.dma_semaphore, #tpu.memory_space<semaphore_mem>>)
        %dma_wait3A_360 = arith.constant 0 : i32
        %dma_wait3A_361 = tpu.memref_slice %arg12[%dma_wait3A_360] : memref<49168xf32, #tpu.memory_space<vmem>> -> memref<49152xf32, #tpu.memory_space<vmem>>
        %dma_wait3A_362 = tpu.memref_slice %arg6[%mul3A_32] : memref<393216xf32, #tpu.memory_space<hbm>> -> memref<49152xf32, #tpu.memory_space<hbm>>
        %dma_wait3A_363 = tpu.memref_slice %arg6[%mul3A_32] : memref<393216xf32, #tpu.memory_space<hbm>> -> memref<49152xf32, #tpu.memory_space<hbm>>
        %dma_wait3A_364 = arith.constant 0 : i32
        %dma_wait3A_365 = tpu.memref_slice %arg12[%dma_wait3A_364] : memref<49168xf32, #tpu.memory_space<vmem>> -> memref<49152xf32, #tpu.memory_space<vmem>>
        tpu.wait_dma2 semaphore(%run_scoped3A : memref<!tpu.dma_semaphore, #tpu.memory_space<semaphore_mem>>) src(%dma_wait3A_365 : memref<49152xf32, #tpu.memory_space<vmem>>) dst(%dma_wait3A_363 : memref<49152xf32, #tpu.memory_space<hbm>>)
        tpu.yield
      }) : () -> ()
      "tpu.region"() ({
        %run_scoped3A = tpu.sem_alloc : memref<!tpu.dma_semaphore, #tpu.memory_space<semaphore_mem>>
        %dma_start3A_354 = arith.constant 0 : i32
        %dma_start3A_355 = tpu.memref_slice %arg13[%dma_start3A_354] : memref<49168xf32, #tpu.memory_space<vmem>> -> memref<49152xf32, #tpu.memory_space<vmem>>
        %dma_start3A_356 = tpu.memref_slice %arg10[%mul3A_32] : memref<393216xf32, #tpu.memory_space<hbm>> -> memref<49152xf32, #tpu.memory_space<hbm>>
        %dma_start3A_357 = tpu.memref_slice %arg10[%mul3A_32] : memref<393216xf32, #tpu.memory_space<hbm>> -> memref<49152xf32, #tpu.memory_space<hbm>>
        %dma_start3A_358 = arith.constant 0 : i32
        %dma_start3A_359 = tpu.memref_slice %arg13[%dma_start3A_358] : memref<49168xf32, #tpu.memory_space<vmem>> -> memref<49152xf32, #tpu.memory_space<vmem>>
        tpu.enqueue_dma source(%dma_start3A_359 : memref<49152xf32, #tpu.memory_space<vmem>>) target(%dma_start3A_357 : memref<49152xf32, #tpu.memory_space<hbm>>) target_semaphore(%run_scoped3A : memref<!tpu.dma_semaphore, #tpu.memory_space<semaphore_mem>>)
        %dma_wait3A_360 = arith.constant 0 : i32
        %dma_wait3A_361 = tpu.memref_slice %arg13[%dma_wait3A_360] : memref<49168xf32, #tpu.memory_space<vmem>> -> memref<49152xf32, #tpu.memory_space<vmem>>
        %dma_wait3A_362 = tpu.memref_slice %arg10[%mul3A_32] : memref<393216xf32, #tpu.memory_space<hbm>> -> memref<49152xf32, #tpu.memory_space<hbm>>
        %dma_wait3A_363 = tpu.memref_slice %arg10[%mul3A_32] : memref<393216xf32, #tpu.memory_space<hbm>> -> memref<49152xf32, #tpu.memory_space<hbm>>
        %dma_wait3A_364 = arith.constant 0 : i32
        %dma_wait3A_365 = tpu.memref_slice %arg13[%dma_wait3A_364] : memref<49168xf32, #tpu.memory_space<vmem>> -> memref<49152xf32, #tpu.memory_space<vmem>>
        tpu.wait_dma2 semaphore(%run_scoped3A : memref<!tpu.dma_semaphore, #tpu.memory_space<semaphore_mem>>) src(%dma_wait3A_365 : memref<49152xf32, #tpu.memory_space<vmem>>) dst(%dma_wait3A_363 : memref<49152xf32, #tpu.memory_space<hbm>>)
        tpu.yield
      }) : () -> ()
    } else {
    }
    %eq3A_349 = arith.constant 3 : i32
    %eq3A_350 = arith.cmpi eq, %add3A, %eq3A_349 : i32
    %convert_element_type3A_351 = arith.extui %eq3A_350 : i1 to i32
    %cond3A_352 = arith.constant 0 : i32
    %cond3A_353 = arith.cmpi ne, %convert_element_type3A_351, %cond3A_352 : i32
    scf.if %cond3A_353 {
      "tpu.region"() ({
        %run_scoped3A = tpu.sem_alloc : memref<!tpu.dma_semaphore, #tpu.memory_space<semaphore_mem>>
        %dma_start3A_354 = arith.constant 0 : i32
        %dma_start3A_355 = tpu.memref_slice %arg12[%dma_start3A_354] : memref<49168xf32, #tpu.memory_space<vmem>> -> memref<49152xf32, #tpu.memory_space<vmem>>
        %dma_start3A_356 = tpu.memref_slice %arg7[%mul3A_32] : memref<393216xf32, #tpu.memory_space<hbm>> -> memref<49152xf32, #tpu.memory_space<hbm>>
        %dma_start3A_357 = tpu.memref_slice %arg7[%mul3A_32] : memref<393216xf32, #tpu.memory_space<hbm>> -> memref<49152xf32, #tpu.memory_space<hbm>>
        %dma_start3A_358 = arith.constant 0 : i32
        %dma_start3A_359 = tpu.memref_slice %arg12[%dma_start3A_358] : memref<49168xf32, #tpu.memory_space<vmem>> -> memref<49152xf32, #tpu.memory_space<vmem>>
        tpu.enqueue_dma source(%dma_start3A_359 : memref<49152xf32, #tpu.memory_space<vmem>>) target(%dma_start3A_357 : memref<49152xf32, #tpu.memory_space<hbm>>) target_semaphore(%run_scoped3A : memref<!tpu.dma_semaphore, #tpu.memory_space<semaphore_mem>>)
        %dma_wait3A_360 = arith.constant 0 : i32
        %dma_wait3A_361 = tpu.memref_slice %arg12[%dma_wait3A_360] : memref<49168xf32, #tpu.memory_space<vmem>> -> memref<49152xf32, #tpu.memory_space<vmem>>
        %dma_wait3A_362 = tpu.memref_slice %arg7[%mul3A_32] : memref<393216xf32, #tpu.memory_space<hbm>> -> memref<49152xf32, #tpu.memory_space<hbm>>
        %dma_wait3A_363 = tpu.memref_slice %arg7[%mul3A_32] : memref<393216xf32, #tpu.memory_space<hbm>> -> memref<49152xf32, #tpu.memory_space<hbm>>
        %dma_wait3A_364 = arith.constant 0 : i32
        %dma_wait3A_365 = tpu.memref_slice %arg12[%dma_wait3A_364] : memref<49168xf32, #tpu.memory_space<vmem>> -> memref<49152xf32, #tpu.memory_space<vmem>>
        tpu.wait_dma2 semaphore(%run_scoped3A : memref<!tpu.dma_semaphore, #tpu.memory_space<semaphore_mem>>) src(%dma_wait3A_365 : memref<49152xf32, #tpu.memory_space<vmem>>) dst(%dma_wait3A_363 : memref<49152xf32, #tpu.memory_space<hbm>>)
        tpu.yield
      }) : () -> ()
      "tpu.region"() ({
        %run_scoped3A = tpu.sem_alloc : memref<!tpu.dma_semaphore, #tpu.memory_space<semaphore_mem>>
        %dma_start3A_354 = arith.constant 0 : i32
        %dma_start3A_355 = tpu.memref_slice %arg13[%dma_start3A_354] : memref<49168xf32, #tpu.memory_space<vmem>> -> memref<49152xf32, #tpu.memory_space<vmem>>
        %dma_start3A_356 = tpu.memref_slice %arg11[%mul3A_32] : memref<393216xf32, #tpu.memory_space<hbm>> -> memref<49152xf32, #tpu.memory_space<hbm>>
        %dma_start3A_357 = tpu.memref_slice %arg11[%mul3A_32] : memref<393216xf32, #tpu.memory_space<hbm>> -> memref<49152xf32, #tpu.memory_space<hbm>>
        %dma_start3A_358 = arith.constant 0 : i32
        %dma_start3A_359 = tpu.memref_slice %arg13[%dma_start3A_358] : memref<49168xf32, #tpu.memory_space<vmem>> -> memref<49152xf32, #tpu.memory_space<vmem>>
        tpu.enqueue_dma source(%dma_start3A_359 : memref<49152xf32, #tpu.memory_space<vmem>>) target(%dma_start3A_357 : memref<49152xf32, #tpu.memory_space<hbm>>) target_semaphore(%run_scoped3A : memref<!tpu.dma_semaphore, #tpu.memory_space<semaphore_mem>>)
        %dma_wait3A_360 = arith.constant 0 : i32
        %dma_wait3A_361 = tpu.memref_slice %arg13[%dma_wait3A_360] : memref<49168xf32, #tpu.memory_space<vmem>> -> memref<49152xf32, #tpu.memory_space<vmem>>
        %dma_wait3A_362 = tpu.memref_slice %arg11[%mul3A_32] : memref<393216xf32, #tpu.memory_space<hbm>> -> memref<49152xf32, #tpu.memory_space<hbm>>
        %dma_wait3A_363 = tpu.memref_slice %arg11[%mul3A_32] : memref<393216xf32, #tpu.memory_space<hbm>> -> memref<49152xf32, #tpu.memory_space<hbm>>
        %dma_wait3A_364 = arith.constant 0 : i32
        %dma_wait3A_365 = tpu.memref_slice %arg13[%dma_wait3A_364] : memref<49168xf32, #tpu.memory_space<vmem>> -> memref<49152xf32, #tpu.memory_space<vmem>>
        tpu.wait_dma2 semaphore(%run_scoped3A : memref<!tpu.dma_semaphore, #tpu.memory_space<semaphore_mem>>) src(%dma_wait3A_365 : memref<49152xf32, #tpu.memory_space<vmem>>) dst(%dma_wait3A_363 : memref<49152xf32, #tpu.memory_space<hbm>>)
        tpu.yield
      }) : () -> ()
    } else {
    }
    return
  }
}

#map = affine_map<(d0, d1) -> (0)>
module attributes {stable_mosaic.version = 14 : i64} {
  func.func @_gather_body(%arg0: i32, %arg1: i32, %arg2: memref<6000000xf32, #tpu.memory_space<hbm>>, %arg3: memref<262144xi32, #tpu.memory_space<hbm>>, %arg4: memref<262144xf32, #tpu.memory_space<hbm>>, %arg5: memref<8192xi32, #tpu.memory_space<vmem>>, %arg6: memref<8192xf32, #tpu.memory_space<vmem>>, %arg7: memref<!tpu.dma_semaphore, #tpu.memory_space<semaphore_mem>>) attributes {dimension_semantics = [#tpu.dimension_semantics<core_parallel>, #tpu.dimension_semantics<subcore_parallel>], iteration_bounds = array<i64: 2, 16>, scalar_prefetch = 0 : i64, scratch_operands = 3 : i64, tpu.core_type = #tpu.core_type<sc_vector_subcore>, window_params = [{transform_indices = #map}, {transform_indices = #map}, {transform_indices = #map}]} {
    %mul3A = arith.constant 2 : i32
    %mul3A_0 = arith.muli %arg1, %mul3A : i32
    %add3A = arith.addi %mul3A_0, %arg0 : i32
    %mul3A_1 = arith.constant 8192 : i32
    %mul3A_2 = arith.muli %add3A, %mul3A_1 : i32
    "tpu.region"() ({
      %run_scoped3A = tpu.sem_alloc : memref<!tpu.dma_semaphore, #tpu.memory_space<semaphore_mem>>
      %dma_start3A_5 = tpu.memref_slice %arg3[%mul3A_2] : memref<262144xi32, #tpu.memory_space<hbm>> -> memref<8192xi32, #tpu.memory_space<hbm>>
      %dma_start3A_6 = tpu.memref_slice %arg3[%mul3A_2] : memref<262144xi32, #tpu.memory_space<hbm>> -> memref<8192xi32, #tpu.memory_space<hbm>>
      tpu.enqueue_dma source(%dma_start3A_6 : memref<8192xi32, #tpu.memory_space<hbm>>) target(%arg5 : memref<8192xi32, #tpu.memory_space<vmem>>) target_semaphore(%run_scoped3A : memref<!tpu.dma_semaphore, #tpu.memory_space<semaphore_mem>>)
      %dma_wait3A_7 = tpu.memref_slice %arg3[%mul3A_2] : memref<262144xi32, #tpu.memory_space<hbm>> -> memref<8192xi32, #tpu.memory_space<hbm>>
      %dma_wait3A_8 = tpu.memref_slice %arg3[%mul3A_2] : memref<262144xi32, #tpu.memory_space<hbm>> -> memref<8192xi32, #tpu.memory_space<hbm>>
      tpu.wait_dma2 semaphore(%run_scoped3A : memref<!tpu.dma_semaphore, #tpu.memory_space<semaphore_mem>>) src(%dma_wait3A_8 : memref<8192xi32, #tpu.memory_space<hbm>>) dst(%arg5 : memref<8192xi32, #tpu.memory_space<vmem>>)
      tpu.yield
    }) : () -> ()
    %dma_start3A = arith.constant 0 : i32
    %dma_start3A_3 = tpu.memref_slice %arg2[%dma_start3A] : memref<6000000xf32, #tpu.memory_space<hbm>> -> memref<6000000xf32, #tpu.memory_space<hbm>>
    tpu.enqueue_indirect_dma source(%dma_start3A_3 : memref<6000000xf32, #tpu.memory_space<hbm>>) target(%arg6 : memref<8192xf32, #tpu.memory_space<vmem>>) offsets(%arg5 : memref<8192xi32, #tpu.memory_space<vmem>>) semaphore(%arg7 : memref<!tpu.dma_semaphore, #tpu.memory_space<semaphore_mem>>)
    %dma_wait3A = arith.constant 0 : i32
    %dma_wait3A_4 = tpu.memref_slice %arg2[%dma_wait3A] : memref<6000000xf32, #tpu.memory_space<hbm>> -> memref<6000000xf32, #tpu.memory_space<hbm>>
    tpu.wait_indirect_dma semaphore(%arg7 : memref<!tpu.dma_semaphore, #tpu.memory_space<semaphore_mem>>) src(%dma_wait3A_4 : memref<6000000xf32, #tpu.memory_space<hbm>>) dst(%arg6 : memref<8192xf32, #tpu.memory_space<vmem>>)
    "tpu.region"() ({
      %run_scoped3A = tpu.sem_alloc : memref<!tpu.dma_semaphore, #tpu.memory_space<semaphore_mem>>
      %dma_start3A_5 = tpu.memref_slice %arg4[%mul3A_2] : memref<262144xf32, #tpu.memory_space<hbm>> -> memref<8192xf32, #tpu.memory_space<hbm>>
      %dma_start3A_6 = tpu.memref_slice %arg4[%mul3A_2] : memref<262144xf32, #tpu.memory_space<hbm>> -> memref<8192xf32, #tpu.memory_space<hbm>>
      tpu.enqueue_dma source(%arg6 : memref<8192xf32, #tpu.memory_space<vmem>>) target(%dma_start3A_6 : memref<8192xf32, #tpu.memory_space<hbm>>) target_semaphore(%run_scoped3A : memref<!tpu.dma_semaphore, #tpu.memory_space<semaphore_mem>>)
      %dma_wait3A_7 = tpu.memref_slice %arg4[%mul3A_2] : memref<262144xf32, #tpu.memory_space<hbm>> -> memref<8192xf32, #tpu.memory_space<hbm>>
      %dma_wait3A_8 = tpu.memref_slice %arg4[%mul3A_2] : memref<262144xf32, #tpu.memory_space<hbm>> -> memref<8192xf32, #tpu.memory_space<hbm>>
      tpu.wait_dma2 semaphore(%run_scoped3A : memref<!tpu.dma_semaphore, #tpu.memory_space<semaphore_mem>>) src(%arg6 : memref<8192xf32, #tpu.memory_space<vmem>>) dst(%dma_wait3A_8 : memref<8192xf32, #tpu.memory_space<hbm>>)
      tpu.yield
    }) : () -> ()
    return
  }
}

#map = affine_map<(d0, d1) -> (0, 0)>
#map1 = affine_map<(d0, d1) -> (0)>
module attributes {stable_mosaic.version = 14 : i64} {
  func.func @_prep_body(%arg0: i32, %arg1: i32, %arg2: memref<6x1000000xf32, #tpu.memory_space<hbm>>, %arg3: memref<262144xi32, #tpu.memory_space<hbm>>, %arg4: memref<262144xi32, #tpu.memory_space<hbm>>, %arg5: memref<262144xi32, #tpu.memory_space<hbm>>, %arg6: memref<262144xi32, #tpu.memory_space<hbm>>, %arg7: memref<6000000xf32, #tpu.memory_space<hbm>>, %arg8: memref<262144xi32, #tpu.memory_space<hbm>>, %arg9: memref<262144xi32, #tpu.memory_space<hbm>>, %arg10: memref<8192xi32, #tpu.memory_space<vmem>>, %arg11: memref<8192xi32, #tpu.memory_space<vmem>>, %arg12: memref<8192xi32, #tpu.memory_space<vmem>>, %arg13: memref<8192xi32, #tpu.memory_space<vmem>>, %arg14: memref<8192xi32, #tpu.memory_space<vmem>>, %arg15: memref<8192xi32, #tpu.memory_space<vmem>>, %arg16: memref<32256xf32, #tpu.memory_space<vmem>>, %arg17: memref<32256xf32, #tpu.memory_space<vmem>>, %arg18: memref<6x64xf32, #tpu.memory_space<vmem>>, %arg19: memref<!tpu.dma_semaphore, #tpu.memory_space<semaphore_mem>>) attributes {dimension_semantics = [#tpu.dimension_semantics<core_parallel>, #tpu.dimension_semantics<subcore_parallel>], iteration_bounds = array<i64: 2, 16>, scalar_prefetch = 0 : i64, scratch_operands = 10 : i64, tpu.core_type = #tpu.core_type<sc_vector_subcore>, window_params = [{transform_indices = #map}, {transform_indices = #map1}, {transform_indices = #map1}, {transform_indices = #map1}, {transform_indices = #map1}, {transform_indices = #map1}, {transform_indices = #map1}, {transform_indices = #map1}]} {
    %mul3A = arith.constant 2 : i32
    %mul3A_0 = arith.muli %arg1, %mul3A : i32
    %add3A = arith.addi %mul3A_0, %arg0 : i32
    %mul3A_1 = arith.constant 8192 : i32
    %mul3A_2 = arith.muli %add3A, %mul3A_1 : i32
    %lt3A = arith.constant 31 : i32
    %lt3A_3 = arith.cmpi slt, %add3A, %lt3A : i32
    %convert_element_type3A = arith.extui %lt3A_3 : i1 to i32
    %cond3A = arith.constant 0 : i32
    %cond3A_4 = arith.cmpi ne, %convert_element_type3A, %cond3A : i32
    scf.if %cond3A_4 {
      %mul3A_14 = arith.constant 32256 : i32
      %mul3A_15 = arith.muli %add3A, %mul3A_14 : i32
      %mul3A_16 = arith.constant 32256 : i32
      %mul3A_17 = arith.muli %add3A, %mul3A_16 : i32
      %add3A_18 = arith.constant 0 : i32
      %add3A_19 = arith.addi %add3A_18, %mul3A_17 : i32
      %run_scoped3A = arith.constant 0 : i32
      "tpu.region"() ({
        %run_scoped3A_101 = tpu.sem_alloc : memref<!tpu.dma_semaphore, #tpu.memory_space<semaphore_mem>>
        %dma_start3A_102 = tpu.memref_slice %arg2[%run_scoped3A, %mul3A_15] : memref<6x1000000xf32, #tpu.memory_space<hbm>> -> memref<1x32256xf32, #tpu.memory_space<hbm>>
        %dma_start3A_103 = tpu.memref_squeeze %dma_start3A_102 : memref<1x32256xf32, #tpu.memory_space<hbm>> -> memref<32256xf32, #tpu.memory_space<hbm>>
        %dma_start3A_104 = tpu.memref_slice %arg2[%run_scoped3A, %mul3A_15] : memref<6x1000000xf32, #tpu.memory_space<hbm>> -> memref<1x32256xf32, #tpu.memory_space<hbm>>
        %dma_start3A_105 = tpu.memref_squeeze %dma_start3A_104 : memref<1x32256xf32, #tpu.memory_space<hbm>> -> memref<32256xf32, #tpu.memory_space<hbm>>
        tpu.enqueue_dma source(%dma_start3A_105 : memref<32256xf32, #tpu.memory_space<hbm>>) target(%arg16 : memref<32256xf32, #tpu.memory_space<vmem>>) target_semaphore(%run_scoped3A_101 : memref<!tpu.dma_semaphore, #tpu.memory_space<semaphore_mem>>)
        %dma_wait3A_106 = tpu.memref_slice %arg2[%run_scoped3A, %mul3A_15] : memref<6x1000000xf32, #tpu.memory_space<hbm>> -> memref<1x32256xf32, #tpu.memory_space<hbm>>
        %dma_wait3A_107 = tpu.memref_squeeze %dma_wait3A_106 : memref<1x32256xf32, #tpu.memory_space<hbm>> -> memref<32256xf32, #tpu.memory_space<hbm>>
        %dma_wait3A_108 = tpu.memref_slice %arg2[%run_scoped3A, %mul3A_15] : memref<6x1000000xf32, #tpu.memory_space<hbm>> -> memref<1x32256xf32, #tpu.memory_space<hbm>>
        %dma_wait3A_109 = tpu.memref_squeeze %dma_wait3A_108 : memref<1x32256xf32, #tpu.memory_space<hbm>> -> memref<32256xf32, #tpu.memory_space<hbm>>
        tpu.wait_dma2 semaphore(%run_scoped3A_101 : memref<!tpu.dma_semaphore, #tpu.memory_space<semaphore_mem>>) src(%dma_wait3A_109 : memref<32256xf32, #tpu.memory_space<hbm>>) dst(%arg16 : memref<32256xf32, #tpu.memory_space<vmem>>)
        tpu.yield
      }) : () -> ()
      %dma_start3A = tpu.memref_slice %arg7[%add3A_19] : memref<6000000xf32, #tpu.memory_space<hbm>> -> memref<32256xf32, #tpu.memory_space<hbm>>
      %dma_start3A_20 = tpu.memref_slice %arg7[%add3A_19] : memref<6000000xf32, #tpu.memory_space<hbm>> -> memref<32256xf32, #tpu.memory_space<hbm>>
      tpu.enqueue_dma source(%arg16 : memref<32256xf32, #tpu.memory_space<vmem>>) target(%dma_start3A_20 : memref<32256xf32, #tpu.memory_space<hbm>>) target_semaphore(%arg19 : memref<!tpu.dma_semaphore, #tpu.memory_space<semaphore_mem>>)
      %mul3A_21 = arith.constant 32256 : i32
      %mul3A_22 = arith.muli %add3A, %mul3A_21 : i32
      %mul3A_23 = arith.constant 32256 : i32
      %mul3A_24 = arith.muli %add3A, %mul3A_23 : i32
      %add3A_25 = arith.constant 1000000 : i32
      %add3A_26 = arith.addi %add3A_25, %mul3A_24 : i32
      %run_scoped3A_27 = arith.constant 1 : i32
      "tpu.region"() ({
        %run_scoped3A_101 = tpu.sem_alloc : memref<!tpu.dma_semaphore, #tpu.memory_space<semaphore_mem>>
        %dma_start3A_102 = tpu.memref_slice %arg2[%run_scoped3A_27, %mul3A_22] : memref<6x1000000xf32, #tpu.memory_space<hbm>> -> memref<1x32256xf32, #tpu.memory_space<hbm>>
        %dma_start3A_103 = tpu.memref_squeeze %dma_start3A_102 : memref<1x32256xf32, #tpu.memory_space<hbm>> -> memref<32256xf32, #tpu.memory_space<hbm>>
        %dma_start3A_104 = tpu.memref_slice %arg2[%run_scoped3A_27, %mul3A_22] : memref<6x1000000xf32, #tpu.memory_space<hbm>> -> memref<1x32256xf32, #tpu.memory_space<hbm>>
        %dma_start3A_105 = tpu.memref_squeeze %dma_start3A_104 : memref<1x32256xf32, #tpu.memory_space<hbm>> -> memref<32256xf32, #tpu.memory_space<hbm>>
        tpu.enqueue_dma source(%dma_start3A_105 : memref<32256xf32, #tpu.memory_space<hbm>>) target(%arg17 : memref<32256xf32, #tpu.memory_space<vmem>>) target_semaphore(%run_scoped3A_101 : memref<!tpu.dma_semaphore, #tpu.memory_space<semaphore_mem>>)
        %dma_wait3A_106 = tpu.memref_slice %arg2[%run_scoped3A_27, %mul3A_22] : memref<6x1000000xf32, #tpu.memory_space<hbm>> -> memref<1x32256xf32, #tpu.memory_space<hbm>>
        %dma_wait3A_107 = tpu.memref_squeeze %dma_wait3A_106 : memref<1x32256xf32, #tpu.memory_space<hbm>> -> memref<32256xf32, #tpu.memory_space<hbm>>
        %dma_wait3A_108 = tpu.memref_slice %arg2[%run_scoped3A_27, %mul3A_22] : memref<6x1000000xf32, #tpu.memory_space<hbm>> -> memref<1x32256xf32, #tpu.memory_space<hbm>>
        %dma_wait3A_109 = tpu.memref_squeeze %dma_wait3A_108 : memref<1x32256xf32, #tpu.memory_space<hbm>> -> memref<32256xf32, #tpu.memory_space<hbm>>
        tpu.wait_dma2 semaphore(%run_scoped3A_101 : memref<!tpu.dma_semaphore, #tpu.memory_space<semaphore_mem>>) src(%dma_wait3A_109 : memref<32256xf32, #tpu.memory_space<hbm>>) dst(%arg17 : memref<32256xf32, #tpu.memory_space<vmem>>)
        tpu.yield
      }) : () -> ()
      %dma_start3A_28 = tpu.memref_slice %arg7[%add3A_26] : memref<6000000xf32, #tpu.memory_space<hbm>> -> memref<32256xf32, #tpu.memory_space<hbm>>
      %dma_start3A_29 = tpu.memref_slice %arg7[%add3A_26] : memref<6000000xf32, #tpu.memory_space<hbm>> -> memref<32256xf32, #tpu.memory_space<hbm>>
      tpu.enqueue_dma source(%arg17 : memref<32256xf32, #tpu.memory_space<vmem>>) target(%dma_start3A_29 : memref<32256xf32, #tpu.memory_space<hbm>>) target_semaphore(%arg19 : memref<!tpu.dma_semaphore, #tpu.memory_space<semaphore_mem>>)
      %mul3A_30 = arith.constant 32256 : i32
      %mul3A_31 = arith.muli %add3A, %mul3A_30 : i32
      %mul3A_32 = arith.constant 32256 : i32
      %mul3A_33 = arith.muli %add3A, %mul3A_32 : i32
      %add3A_34 = arith.constant 2000000 : i32
      %add3A_35 = arith.addi %add3A_34, %mul3A_33 : i32
      %mul3A_36 = arith.constant 32256 : i32
      %mul3A_37 = arith.muli %add3A, %mul3A_36 : i32
      %add3A_38 = arith.constant 0 : i32
      %add3A_39 = arith.addi %add3A_38, %mul3A_37 : i32
      %dma_wait3A = tpu.memref_slice %arg7[%add3A_39] : memref<6000000xf32, #tpu.memory_space<hbm>> -> memref<32256xf32, #tpu.memory_space<hbm>>
      %dma_wait3A_40 = tpu.memref_slice %arg7[%add3A_39] : memref<6000000xf32, #tpu.memory_space<hbm>> -> memref<32256xf32, #tpu.memory_space<hbm>>
      tpu.wait_dma2 semaphore(%arg19 : memref<!tpu.dma_semaphore, #tpu.memory_space<semaphore_mem>>) src(%arg16 : memref<32256xf32, #tpu.memory_space<vmem>>) dst(%dma_wait3A_40 : memref<32256xf32, #tpu.memory_space<hbm>>)
      %run_scoped3A_41 = arith.constant 2 : i32
      "tpu.region"() ({
        %run_scoped3A_101 = tpu.sem_alloc : memref<!tpu.dma_semaphore, #tpu.memory_space<semaphore_mem>>
        %dma_start3A_102 = tpu.memref_slice %arg2[%run_scoped3A_41, %mul3A_31] : memref<6x1000000xf32, #tpu.memory_space<hbm>> -> memref<1x32256xf32, #tpu.memory_space<hbm>>
        %dma_start3A_103 = tpu.memref_squeeze %dma_start3A_102 : memref<1x32256xf32, #tpu.memory_space<hbm>> -> memref<32256xf32, #tpu.memory_space<hbm>>
        %dma_start3A_104 = tpu.memref_slice %arg2[%run_scoped3A_41, %mul3A_31] : memref<6x1000000xf32, #tpu.memory_space<hbm>> -> memref<1x32256xf32, #tpu.memory_space<hbm>>
        %dma_start3A_105 = tpu.memref_squeeze %dma_start3A_104 : memref<1x32256xf32, #tpu.memory_space<hbm>> -> memref<32256xf32, #tpu.memory_space<hbm>>
        tpu.enqueue_dma source(%dma_start3A_105 : memref<32256xf32, #tpu.memory_space<hbm>>) target(%arg16 : memref<32256xf32, #tpu.memory_space<vmem>>) target_semaphore(%run_scoped3A_101 : memref<!tpu.dma_semaphore, #tpu.memory_space<semaphore_mem>>)
        %dma_wait3A_106 = tpu.memref_slice %arg2[%run_scoped3A_41, %mul3A_31] : memref<6x1000000xf32, #tpu.memory_space<hbm>> -> memref<1x32256xf32, #tpu.memory_space<hbm>>
        %dma_wait3A_107 = tpu.memref_squeeze %dma_wait3A_106 : memref<1x32256xf32, #tpu.memory_space<hbm>> -> memref<32256xf32, #tpu.memory_space<hbm>>
        %dma_wait3A_108 = tpu.memref_slice %arg2[%run_scoped3A_41, %mul3A_31] : memref<6x1000000xf32, #tpu.memory_space<hbm>> -> memref<1x32256xf32, #tpu.memory_space<hbm>>
        %dma_wait3A_109 = tpu.memref_squeeze %dma_wait3A_108 : memref<1x32256xf32, #tpu.memory_space<hbm>> -> memref<32256xf32, #tpu.memory_space<hbm>>
        tpu.wait_dma2 semaphore(%run_scoped3A_101 : memref<!tpu.dma_semaphore, #tpu.memory_space<semaphore_mem>>) src(%dma_wait3A_109 : memref<32256xf32, #tpu.memory_space<hbm>>) dst(%arg16 : memref<32256xf32, #tpu.memory_space<vmem>>)
        tpu.yield
      }) : () -> ()
      %dma_start3A_42 = tpu.memref_slice %arg7[%add3A_35] : memref<6000000xf32, #tpu.memory_space<hbm>> -> memref<32256xf32, #tpu.memory_space<hbm>>
      %dma_start3A_43 = tpu.memref_slice %arg7[%add3A_35] : memref<6000000xf32, #tpu.memory_space<hbm>> -> memref<32256xf32, #tpu.memory_space<hbm>>
      tpu.enqueue_dma source(%arg16 : memref<32256xf32, #tpu.memory_space<vmem>>) target(%dma_start3A_43 : memref<32256xf32, #tpu.memory_space<hbm>>) target_semaphore(%arg19 : memref<!tpu.dma_semaphore, #tpu.memory_space<semaphore_mem>>)
      %mul3A_44 = arith.constant 32256 : i32
      %mul3A_45 = arith.muli %add3A, %mul3A_44 : i32
      %mul3A_46 = arith.constant 32256 : i32
      %mul3A_47 = arith.muli %add3A, %mul3A_46 : i32
      %add3A_48 = arith.constant 3000000 : i32
      %add3A_49 = arith.addi %add3A_48, %mul3A_47 : i32
      %mul3A_50 = arith.constant 32256 : i32
      %mul3A_51 = arith.muli %add3A, %mul3A_50 : i32
      %add3A_52 = arith.constant 1000000 : i32
      %add3A_53 = arith.addi %add3A_52, %mul3A_51 : i32
      %dma_wait3A_54 = tpu.memref_slice %arg7[%add3A_53] : memref<6000000xf32, #tpu.memory_space<hbm>> -> memref<32256xf32, #tpu.memory_space<hbm>>
      %dma_wait3A_55 = tpu.memref_slice %arg7[%add3A_53] : memref<6000000xf32, #tpu.memory_space<hbm>> -> memref<32256xf32, #tpu.memory_space<hbm>>
      tpu.wait_dma2 semaphore(%arg19 : memref<!tpu.dma_semaphore, #tpu.memory_space<semaphore_mem>>) src(%arg17 : memref<32256xf32, #tpu.memory_space<vmem>>) dst(%dma_wait3A_55 : memref<32256xf32, #tpu.memory_space<hbm>>)
      %run_scoped3A_56 = arith.constant 3 : i32
      "tpu.region"() ({
        %run_scoped3A_101 = tpu.sem_alloc : memref<!tpu.dma_semaphore, #tpu.memory_space<semaphore_mem>>
        %dma_start3A_102 = tpu.memref_slice %arg2[%run_scoped3A_56, %mul3A_45] : memref<6x1000000xf32, #tpu.memory_space<hbm>> -> memref<1x32256xf32, #tpu.memory_space<hbm>>
        %dma_start3A_103 = tpu.memref_squeeze %dma_start3A_102 : memref<1x32256xf32, #tpu.memory_space<hbm>> -> memref<32256xf32, #tpu.memory_space<hbm>>
        %dma_start3A_104 = tpu.memref_slice %arg2[%run_scoped3A_56, %mul3A_45] : memref<6x1000000xf32, #tpu.memory_space<hbm>> -> memref<1x32256xf32, #tpu.memory_space<hbm>>
        %dma_start3A_105 = tpu.memref_squeeze %dma_start3A_104 : memref<1x32256xf32, #tpu.memory_space<hbm>> -> memref<32256xf32, #tpu.memory_space<hbm>>
        tpu.enqueue_dma source(%dma_start3A_105 : memref<32256xf32, #tpu.memory_space<hbm>>) target(%arg17 : memref<32256xf32, #tpu.memory_space<vmem>>) target_semaphore(%run_scoped3A_101 : memref<!tpu.dma_semaphore, #tpu.memory_space<semaphore_mem>>)
        %dma_wait3A_106 = tpu.memref_slice %arg2[%run_scoped3A_56, %mul3A_45] : memref<6x1000000xf32, #tpu.memory_space<hbm>> -> memref<1x32256xf32, #tpu.memory_space<hbm>>
        %dma_wait3A_107 = tpu.memref_squeeze %dma_wait3A_106 : memref<1x32256xf32, #tpu.memory_space<hbm>> -> memref<32256xf32, #tpu.memory_space<hbm>>
        %dma_wait3A_108 = tpu.memref_slice %arg2[%run_scoped3A_56, %mul3A_45] : memref<6x1000000xf32, #tpu.memory_space<hbm>> -> memref<1x32256xf32, #tpu.memory_space<hbm>>
        %dma_wait3A_109 = tpu.memref_squeeze %dma_wait3A_108 : memref<1x32256xf32, #tpu.memory_space<hbm>> -> memref<32256xf32, #tpu.memory_space<hbm>>
        tpu.wait_dma2 semaphore(%run_scoped3A_101 : memref<!tpu.dma_semaphore, #tpu.memory_space<semaphore_mem>>) src(%dma_wait3A_109 : memref<32256xf32, #tpu.memory_space<hbm>>) dst(%arg17 : memref<32256xf32, #tpu.memory_space<vmem>>)
        tpu.yield
      }) : () -> ()
      %dma_start3A_57 = tpu.memref_slice %arg7[%add3A_49] : memref<6000000xf32, #tpu.memory_space<hbm>> -> memref<32256xf32, #tpu.memory_space<hbm>>
      %dma_start3A_58 = tpu.memref_slice %arg7[%add3A_49] : memref<6000000xf32, #tpu.memory_space<hbm>> -> memref<32256xf32, #tpu.memory_space<hbm>>
      tpu.enqueue_dma source(%arg17 : memref<32256xf32, #tpu.memory_space<vmem>>) target(%dma_start3A_58 : memref<32256xf32, #tpu.memory_space<hbm>>) target_semaphore(%arg19 : memref<!tpu.dma_semaphore, #tpu.memory_space<semaphore_mem>>)
      %mul3A_59 = arith.constant 32256 : i32
      %mul3A_60 = arith.muli %add3A, %mul3A_59 : i32
      %mul3A_61 = arith.constant 32256 : i32
      %mul3A_62 = arith.muli %add3A, %mul3A_61 : i32
      %add3A_63 = arith.constant 4000000 : i32
      %add3A_64 = arith.addi %add3A_63, %mul3A_62 : i32
      %mul3A_65 = arith.constant 32256 : i32
      %mul3A_66 = arith.muli %add3A, %mul3A_65 : i32
      %add3A_67 = arith.constant 2000000 : i32
      %add3A_68 = arith.addi %add3A_67, %mul3A_66 : i32
      %dma_wait3A_69 = tpu.memref_slice %arg7[%add3A_68] : memref<6000000xf32, #tpu.memory_space<hbm>> -> memref<32256xf32, #tpu.memory_space<hbm>>
      %dma_wait3A_70 = tpu.memref_slice %arg7[%add3A_68] : memref<6000000xf32, #tpu.memory_space<hbm>> -> memref<32256xf32, #tpu.memory_space<hbm>>
      tpu.wait_dma2 semaphore(%arg19 : memref<!tpu.dma_semaphore, #tpu.memory_space<semaphore_mem>>) src(%arg16 : memref<32256xf32, #tpu.memory_space<vmem>>) dst(%dma_wait3A_70 : memref<32256xf32, #tpu.memory_space<hbm>>)
      %run_scoped3A_71 = arith.constant 4 : i32
      "tpu.region"() ({
        %run_scoped3A_101 = tpu.sem_alloc : memref<!tpu.dma_semaphore, #tpu.memory_space<semaphore_mem>>
        %dma_start3A_102 = tpu.memref_slice %arg2[%run_scoped3A_71, %mul3A_60] : memref<6x1000000xf32, #tpu.memory_space<hbm>> -> memref<1x32256xf32, #tpu.memory_space<hbm>>
        %dma_start3A_103 = tpu.memref_squeeze %dma_start3A_102 : memref<1x32256xf32, #tpu.memory_space<hbm>> -> memref<32256xf32, #tpu.memory_space<hbm>>
        %dma_start3A_104 = tpu.memref_slice %arg2[%run_scoped3A_71, %mul3A_60] : memref<6x1000000xf32, #tpu.memory_space<hbm>> -> memref<1x32256xf32, #tpu.memory_space<hbm>>
        %dma_start3A_105 = tpu.memref_squeeze %dma_start3A_104 : memref<1x32256xf32, #tpu.memory_space<hbm>> -> memref<32256xf32, #tpu.memory_space<hbm>>
        tpu.enqueue_dma source(%dma_start3A_105 : memref<32256xf32, #tpu.memory_space<hbm>>) target(%arg16 : memref<32256xf32, #tpu.memory_space<vmem>>) target_semaphore(%run_scoped3A_101 : memref<!tpu.dma_semaphore, #tpu.memory_space<semaphore_mem>>)
        %dma_wait3A_106 = tpu.memref_slice %arg2[%run_scoped3A_71, %mul3A_60] : memref<6x1000000xf32, #tpu.memory_space<hbm>> -> memref<1x32256xf32, #tpu.memory_space<hbm>>
        %dma_wait3A_107 = tpu.memref_squeeze %dma_wait3A_106 : memref<1x32256xf32, #tpu.memory_space<hbm>> -> memref<32256xf32, #tpu.memory_space<hbm>>
        %dma_wait3A_108 = tpu.memref_slice %arg2[%run_scoped3A_71, %mul3A_60] : memref<6x1000000xf32, #tpu.memory_space<hbm>> -> memref<1x32256xf32, #tpu.memory_space<hbm>>
        %dma_wait3A_109 = tpu.memref_squeeze %dma_wait3A_108 : memref<1x32256xf32, #tpu.memory_space<hbm>> -> memref<32256xf32, #tpu.memory_space<hbm>>
        tpu.wait_dma2 semaphore(%run_scoped3A_101 : memref<!tpu.dma_semaphore, #tpu.memory_space<semaphore_mem>>) src(%dma_wait3A_109 : memref<32256xf32, #tpu.memory_space<hbm>>) dst(%arg16 : memref<32256xf32, #tpu.memory_space<vmem>>)
        tpu.yield
      }) : () -> ()
      %dma_start3A_72 = tpu.memref_slice %arg7[%add3A_64] : memref<6000000xf32, #tpu.memory_space<hbm>> -> memref<32256xf32, #tpu.memory_space<hbm>>
      %dma_start3A_73 = tpu.memref_slice %arg7[%add3A_64] : memref<6000000xf32, #tpu.memory_space<hbm>> -> memref<32256xf32, #tpu.memory_space<hbm>>
      tpu.enqueue_dma source(%arg16 : memref<32256xf32, #tpu.memory_space<vmem>>) target(%dma_start3A_73 : memref<32256xf32, #tpu.memory_space<hbm>>) target_semaphore(%arg19 : memref<!tpu.dma_semaphore, #tpu.memory_space<semaphore_mem>>)
      %mul3A_74 = arith.constant 32256 : i32
      %mul3A_75 = arith.muli %add3A, %mul3A_74 : i32
      %mul3A_76 = arith.constant 32256 : i32
      %mul3A_77 = arith.muli %add3A, %mul3A_76 : i32
      %add3A_78 = arith.constant 5000000 : i32
      %add3A_79 = arith.addi %add3A_78, %mul3A_77 : i32
      %mul3A_80 = arith.constant 32256 : i32
      %mul3A_81 = arith.muli %add3A, %mul3A_80 : i32
      %add3A_82 = arith.constant 3000000 : i32
      %add3A_83 = arith.addi %add3A_82, %mul3A_81 : i32
      %dma_wait3A_84 = tpu.memref_slice %arg7[%add3A_83] : memref<6000000xf32, #tpu.memory_space<hbm>> -> memref<32256xf32, #tpu.memory_space<hbm>>
      %dma_wait3A_85 = tpu.memref_slice %arg7[%add3A_83] : memref<6000000xf32, #tpu.memory_space<hbm>> -> memref<32256xf32, #tpu.memory_space<hbm>>
      tpu.wait_dma2 semaphore(%arg19 : memref<!tpu.dma_semaphore, #tpu.memory_space<semaphore_mem>>) src(%arg17 : memref<32256xf32, #tpu.memory_space<vmem>>) dst(%dma_wait3A_85 : memref<32256xf32, #tpu.memory_space<hbm>>)
      %run_scoped3A_86 = arith.constant 5 : i32
      "tpu.region"() ({
        %run_scoped3A_101 = tpu.sem_alloc : memref<!tpu.dma_semaphore, #tpu.memory_space<semaphore_mem>>
        %dma_start3A_102 = tpu.memref_slice %arg2[%run_scoped3A_86, %mul3A_75] : memref<6x1000000xf32, #tpu.memory_space<hbm>> -> memref<1x32256xf32, #tpu.memory_space<hbm>>
        %dma_start3A_103 = tpu.memref_squeeze %dma_start3A_102 : memref<1x32256xf32, #tpu.memory_space<hbm>> -> memref<32256xf32, #tpu.memory_space<hbm>>
        %dma_start3A_104 = tpu.memref_slice %arg2[%run_scoped3A_86, %mul3A_75] : memref<6x1000000xf32, #tpu.memory_space<hbm>> -> memref<1x32256xf32, #tpu.memory_space<hbm>>
        %dma_start3A_105 = tpu.memref_squeeze %dma_start3A_104 : memref<1x32256xf32, #tpu.memory_space<hbm>> -> memref<32256xf32, #tpu.memory_space<hbm>>
        tpu.enqueue_dma source(%dma_start3A_105 : memref<32256xf32, #tpu.memory_space<hbm>>) target(%arg17 : memref<32256xf32, #tpu.memory_space<vmem>>) target_semaphore(%run_scoped3A_101 : memref<!tpu.dma_semaphore, #tpu.memory_space<semaphore_mem>>)
        %dma_wait3A_106 = tpu.memref_slice %arg2[%run_scoped3A_86, %mul3A_75] : memref<6x1000000xf32, #tpu.memory_space<hbm>> -> memref<1x32256xf32, #tpu.memory_space<hbm>>
        %dma_wait3A_107 = tpu.memref_squeeze %dma_wait3A_106 : memref<1x32256xf32, #tpu.memory_space<hbm>> -> memref<32256xf32, #tpu.memory_space<hbm>>
        %dma_wait3A_108 = tpu.memref_slice %arg2[%run_scoped3A_86, %mul3A_75] : memref<6x1000000xf32, #tpu.memory_space<hbm>> -> memref<1x32256xf32, #tpu.memory_space<hbm>>
        %dma_wait3A_109 = tpu.memref_squeeze %dma_wait3A_108 : memref<1x32256xf32, #tpu.memory_space<hbm>> -> memref<32256xf32, #tpu.memory_space<hbm>>
        tpu.wait_dma2 semaphore(%run_scoped3A_101 : memref<!tpu.dma_semaphore, #tpu.memory_space<semaphore_mem>>) src(%dma_wait3A_109 : memref<32256xf32, #tpu.memory_space<hbm>>) dst(%arg17 : memref<32256xf32, #tpu.memory_space<vmem>>)
        tpu.yield
      }) : () -> ()
      %dma_start3A_87 = tpu.memref_slice %arg7[%add3A_79] : memref<6000000xf32, #tpu.memory_space<hbm>> -> memref<32256xf32, #tpu.memory_space<hbm>>
      %dma_start3A_88 = tpu.memref_slice %arg7[%add3A_79] : memref<6000000xf32, #tpu.memory_space<hbm>> -> memref<32256xf32, #tpu.memory_space<hbm>>
      tpu.enqueue_dma source(%arg17 : memref<32256xf32, #tpu.memory_space<vmem>>) target(%dma_start3A_88 : memref<32256xf32, #tpu.memory_space<hbm>>) target_semaphore(%arg19 : memref<!tpu.dma_semaphore, #tpu.memory_space<semaphore_mem>>)
      %mul3A_89 = arith.constant 32256 : i32
      %mul3A_90 = arith.muli %add3A, %mul3A_89 : i32
      %add3A_91 = arith.constant 4000000 : i32
      %add3A_92 = arith.addi %add3A_91, %mul3A_90 : i32
      %dma_wait3A_93 = tpu.memref_slice %arg7[%add3A_92] : memref<6000000xf32, #tpu.memory_space<hbm>> -> memref<32256xf32, #tpu.memory_space<hbm>>
      %dma_wait3A_94 = tpu.memref_slice %arg7[%add3A_92] : memref<6000000xf32, #tpu.memory_space<hbm>> -> memref<32256xf32, #tpu.memory_space<hbm>>
      tpu.wait_dma2 semaphore(%arg19 : memref<!tpu.dma_semaphore, #tpu.memory_space<semaphore_mem>>) src(%arg16 : memref<32256xf32, #tpu.memory_space<vmem>>) dst(%dma_wait3A_94 : memref<32256xf32, #tpu.memory_space<hbm>>)
      %mul3A_95 = arith.constant 32256 : i32
      %mul3A_96 = arith.muli %add3A, %mul3A_95 : i32
      %add3A_97 = arith.constant 5000000 : i32
      %add3A_98 = arith.addi %add3A_97, %mul3A_96 : i32
      %dma_wait3A_99 = tpu.memref_slice %arg7[%add3A_98] : memref<6000000xf32, #tpu.memory_space<hbm>> -> memref<32256xf32, #tpu.memory_space<hbm>>
      %dma_wait3A_100 = tpu.memref_slice %arg7[%add3A_98] : memref<6000000xf32, #tpu.memory_space<hbm>> -> memref<32256xf32, #tpu.memory_space<hbm>>
      tpu.wait_dma2 semaphore(%arg19 : memref<!tpu.dma_semaphore, #tpu.memory_space<semaphore_mem>>) src(%arg17 : memref<32256xf32, #tpu.memory_space<vmem>>) dst(%dma_wait3A_100 : memref<32256xf32, #tpu.memory_space<hbm>>)
    } else {
    }
    %eq3A = arith.constant 31 : i32
    %eq3A_5 = arith.cmpi eq, %add3A, %eq3A : i32
    %convert_element_type3A_6 = arith.extui %eq3A_5 : i1 to i32
    %cond3A_7 = arith.constant 0 : i32
    %cond3A_8 = arith.cmpi ne, %convert_element_type3A_6, %cond3A_7 : i32
    scf.if %cond3A_8 {
      "tpu.region"() ({
        %run_scoped3A_19 = tpu.sem_alloc : memref<!tpu.dma_semaphore, #tpu.memory_space<semaphore_mem>>
        %dma_start3A = arith.constant 0 : i32
        %dma_start3A_20 = arith.constant 999936 : i32
        %dma_start3A_21 = tpu.memref_slice %arg2[%dma_start3A, %dma_start3A_20] : memref<6x1000000xf32, #tpu.memory_space<hbm>> -> memref<6x64xf32, #tpu.memory_space<hbm>>
        %dma_start3A_22 = arith.constant 0 : i32
        %dma_start3A_23 = arith.constant 999936 : i32
        %dma_start3A_24 = tpu.memref_slice %arg2[%dma_start3A_22, %dma_start3A_23] : memref<6x1000000xf32, #tpu.memory_space<hbm>> -> memref<6x64xf32, #tpu.memory_space<hbm>>
        tpu.enqueue_dma source(%dma_start3A_24 : memref<6x64xf32, #tpu.memory_space<hbm>>) target(%arg18 : memref<6x64xf32, #tpu.memory_space<vmem>>) target_semaphore(%run_scoped3A_19 : memref<!tpu.dma_semaphore, #tpu.memory_space<semaphore_mem>>)
        %dma_wait3A = arith.constant 0 : i32
        %dma_wait3A_25 = arith.constant 999936 : i32
        %dma_wait3A_26 = tpu.memref_slice %arg2[%dma_wait3A, %dma_wait3A_25] : memref<6x1000000xf32, #tpu.memory_space<hbm>> -> memref<6x64xf32, #tpu.memory_space<hbm>>
        %dma_wait3A_27 = arith.constant 0 : i32
        %dma_wait3A_28 = arith.constant 999936 : i32
        %dma_wait3A_29 = tpu.memref_slice %arg2[%dma_wait3A_27, %dma_wait3A_28] : memref<6x1000000xf32, #tpu.memory_space<hbm>> -> memref<6x64xf32, #tpu.memory_space<hbm>>
        tpu.wait_dma2 semaphore(%run_scoped3A_19 : memref<!tpu.dma_semaphore, #tpu.memory_space<semaphore_mem>>) src(%dma_wait3A_29 : memref<6x64xf32, #tpu.memory_space<hbm>>) dst(%arg18 : memref<6x64xf32, #tpu.memory_space<vmem>>)
        tpu.yield
      }) : () -> ()
      %run_scoped3A = arith.constant 0 : i32
      "tpu.region"() ({
        %run_scoped3A_19 = tpu.sem_alloc : memref<!tpu.dma_semaphore, #tpu.memory_space<semaphore_mem>>
        %dma_start3A = arith.constant 0 : i32
        %dma_start3A_20 = tpu.memref_slice %arg18[%run_scoped3A, %dma_start3A] : memref<6x64xf32, #tpu.memory_space<vmem>> -> memref<1x64xf32, #tpu.memory_space<vmem>>
        %dma_start3A_21 = tpu.memref_squeeze %dma_start3A_20 : memref<1x64xf32, #tpu.memory_space<vmem>> -> memref<64xf32, #tpu.memory_space<vmem>>
        %dma_start3A_22 = arith.constant 999936 : i32
        %dma_start3A_23 = tpu.memref_slice %arg7[%dma_start3A_22] : memref<6000000xf32, #tpu.memory_space<hbm>> -> memref<64xf32, #tpu.memory_space<hbm>>
        %dma_start3A_24 = arith.constant 999936 : i32
        %dma_start3A_25 = tpu.memref_slice %arg7[%dma_start3A_24] : memref<6000000xf32, #tpu.memory_space<hbm>> -> memref<64xf32, #tpu.memory_space<hbm>>
        %dma_start3A_26 = arith.constant 0 : i32
        %dma_start3A_27 = tpu.memref_slice %arg18[%run_scoped3A, %dma_start3A_26] : memref<6x64xf32, #tpu.memory_space<vmem>> -> memref<1x64xf32, #tpu.memory_space<vmem>>
        %dma_start3A_28 = tpu.memref_squeeze %dma_start3A_27 : memref<1x64xf32, #tpu.memory_space<vmem>> -> memref<64xf32, #tpu.memory_space<vmem>>
        tpu.enqueue_dma source(%dma_start3A_28 : memref<64xf32, #tpu.memory_space<vmem>>) target(%dma_start3A_25 : memref<64xf32, #tpu.memory_space<hbm>>) target_semaphore(%run_scoped3A_19 : memref<!tpu.dma_semaphore, #tpu.memory_space<semaphore_mem>>)
        %dma_wait3A = arith.constant 0 : i32
        %dma_wait3A_29 = tpu.memref_slice %arg18[%run_scoped3A, %dma_wait3A] : memref<6x64xf32, #tpu.memory_space<vmem>> -> memref<1x64xf32, #tpu.memory_space<vmem>>
        %dma_wait3A_30 = tpu.memref_squeeze %dma_wait3A_29 : memref<1x64xf32, #tpu.memory_space<vmem>> -> memref<64xf32, #tpu.memory_space<vmem>>
        %dma_wait3A_31 = arith.constant 999936 : i32
        %dma_wait3A_32 = tpu.memref_slice %arg7[%dma_wait3A_31] : memref<6000000xf32, #tpu.memory_space<hbm>> -> memref<64xf32, #tpu.memory_space<hbm>>
        %dma_wait3A_33 = arith.constant 999936 : i32
        %dma_wait3A_34 = tpu.memref_slice %arg7[%dma_wait3A_33] : memref<6000000xf32, #tpu.memory_space<hbm>> -> memref<64xf32, #tpu.memory_space<hbm>>
        %dma_wait3A_35 = arith.constant 0 : i32
        %dma_wait3A_36 = tpu.memref_slice %arg18[%run_scoped3A, %dma_wait3A_35] : memref<6x64xf32, #tpu.memory_space<vmem>> -> memref<1x64xf32, #tpu.memory_space<vmem>>
        %dma_wait3A_37 = tpu.memref_squeeze %dma_wait3A_36 : memref<1x64xf32, #tpu.memory_space<vmem>> -> memref<64xf32, #tpu.memory_space<vmem>>
        tpu.wait_dma2 semaphore(%run_scoped3A_19 : memref<!tpu.dma_semaphore, #tpu.memory_space<semaphore_mem>>) src(%dma_wait3A_37 : memref<64xf32, #tpu.memory_space<vmem>>) dst(%dma_wait3A_34 : memref<64xf32, #tpu.memory_space<hbm>>)
        tpu.yield
      }) : () -> ()
      %run_scoped3A_14 = arith.constant 1 : i32
      "tpu.region"() ({
        %run_scoped3A_19 = tpu.sem_alloc : memref<!tpu.dma_semaphore, #tpu.memory_space<semaphore_mem>>
        %dma_start3A = arith.constant 0 : i32
        %dma_start3A_20 = tpu.memref_slice %arg18[%run_scoped3A_14, %dma_start3A] : memref<6x64xf32, #tpu.memory_space<vmem>> -> memref<1x64xf32, #tpu.memory_space<vmem>>
        %dma_start3A_21 = tpu.memref_squeeze %dma_start3A_20 : memref<1x64xf32, #tpu.memory_space<vmem>> -> memref<64xf32, #tpu.memory_space<vmem>>
        %dma_start3A_22 = arith.constant 1999936 : i32
        %dma_start3A_23 = tpu.memref_slice %arg7[%dma_start3A_22] : memref<6000000xf32, #tpu.memory_space<hbm>> -> memref<64xf32, #tpu.memory_space<hbm>>
        %dma_start3A_24 = arith.constant 1999936 : i32
        %dma_start3A_25 = tpu.memref_slice %arg7[%dma_start3A_24] : memref<6000000xf32, #tpu.memory_space<hbm>> -> memref<64xf32, #tpu.memory_space<hbm>>
        %dma_start3A_26 = arith.constant 0 : i32
        %dma_start3A_27 = tpu.memref_slice %arg18[%run_scoped3A_14, %dma_start3A_26] : memref<6x64xf32, #tpu.memory_space<vmem>> -> memref<1x64xf32, #tpu.memory_space<vmem>>
        %dma_start3A_28 = tpu.memref_squeeze %dma_start3A_27 : memref<1x64xf32, #tpu.memory_space<vmem>> -> memref<64xf32, #tpu.memory_space<vmem>>
        tpu.enqueue_dma source(%dma_start3A_28 : memref<64xf32, #tpu.memory_space<vmem>>) target(%dma_start3A_25 : memref<64xf32, #tpu.memory_space<hbm>>) target_semaphore(%run_scoped3A_19 : memref<!tpu.dma_semaphore, #tpu.memory_space<semaphore_mem>>)
        %dma_wait3A = arith.constant 0 : i32
        %dma_wait3A_29 = tpu.memref_slice %arg18[%run_scoped3A_14, %dma_wait3A] : memref<6x64xf32, #tpu.memory_space<vmem>> -> memref<1x64xf32, #tpu.memory_space<vmem>>
        %dma_wait3A_30 = tpu.memref_squeeze %dma_wait3A_29 : memref<1x64xf32, #tpu.memory_space<vmem>> -> memref<64xf32, #tpu.memory_space<vmem>>
        %dma_wait3A_31 = arith.constant 1999936 : i32
        %dma_wait3A_32 = tpu.memref_slice %arg7[%dma_wait3A_31] : memref<6000000xf32, #tpu.memory_space<hbm>> -> memref<64xf32, #tpu.memory_space<hbm>>
        %dma_wait3A_33 = arith.constant 1999936 : i32
        %dma_wait3A_34 = tpu.memref_slice %arg7[%dma_wait3A_33] : memref<6000000xf32, #tpu.memory_space<hbm>> -> memref<64xf32, #tpu.memory_space<hbm>>
        %dma_wait3A_35 = arith.constant 0 : i32
        %dma_wait3A_36 = tpu.memref_slice %arg18[%run_scoped3A_14, %dma_wait3A_35] : memref<6x64xf32, #tpu.memory_space<vmem>> -> memref<1x64xf32, #tpu.memory_space<vmem>>
        %dma_wait3A_37 = tpu.memref_squeeze %dma_wait3A_36 : memref<1x64xf32, #tpu.memory_space<vmem>> -> memref<64xf32, #tpu.memory_space<vmem>>
        tpu.wait_dma2 semaphore(%run_scoped3A_19 : memref<!tpu.dma_semaphore, #tpu.memory_space<semaphore_mem>>) src(%dma_wait3A_37 : memref<64xf32, #tpu.memory_space<vmem>>) dst(%dma_wait3A_34 : memref<64xf32, #tpu.memory_space<hbm>>)
        tpu.yield
      }) : () -> ()
      %run_scoped3A_15 = arith.constant 2 : i32
      "tpu.region"() ({
        %run_scoped3A_19 = tpu.sem_alloc : memref<!tpu.dma_semaphore, #tpu.memory_space<semaphore_mem>>
        %dma_start3A = arith.constant 0 : i32
        %dma_start3A_20 = tpu.memref_slice %arg18[%run_scoped3A_15, %dma_start3A] : memref<6x64xf32, #tpu.memory_space<vmem>> -> memref<1x64xf32, #tpu.memory_space<vmem>>
        %dma_start3A_21 = tpu.memref_squeeze %dma_start3A_20 : memref<1x64xf32, #tpu.memory_space<vmem>> -> memref<64xf32, #tpu.memory_space<vmem>>
        %dma_start3A_22 = arith.constant 2999936 : i32
        %dma_start3A_23 = tpu.memref_slice %arg7[%dma_start3A_22] : memref<6000000xf32, #tpu.memory_space<hbm>> -> memref<64xf32, #tpu.memory_space<hbm>>
        %dma_start3A_24 = arith.constant 2999936 : i32
        %dma_start3A_25 = tpu.memref_slice %arg7[%dma_start3A_24] : memref<6000000xf32, #tpu.memory_space<hbm>> -> memref<64xf32, #tpu.memory_space<hbm>>
        %dma_start3A_26 = arith.constant 0 : i32
        %dma_start3A_27 = tpu.memref_slice %arg18[%run_scoped3A_15, %dma_start3A_26] : memref<6x64xf32, #tpu.memory_space<vmem>> -> memref<1x64xf32, #tpu.memory_space<vmem>>
        %dma_start3A_28 = tpu.memref_squeeze %dma_start3A_27 : memref<1x64xf32, #tpu.memory_space<vmem>> -> memref<64xf32, #tpu.memory_space<vmem>>
        tpu.enqueue_dma source(%dma_start3A_28 : memref<64xf32, #tpu.memory_space<vmem>>) target(%dma_start3A_25 : memref<64xf32, #tpu.memory_space<hbm>>) target_semaphore(%run_scoped3A_19 : memref<!tpu.dma_semaphore, #tpu.memory_space<semaphore_mem>>)
        %dma_wait3A = arith.constant 0 : i32
        %dma_wait3A_29 = tpu.memref_slice %arg18[%run_scoped3A_15, %dma_wait3A] : memref<6x64xf32, #tpu.memory_space<vmem>> -> memref<1x64xf32, #tpu.memory_space<vmem>>
        %dma_wait3A_30 = tpu.memref_squeeze %dma_wait3A_29 : memref<1x64xf32, #tpu.memory_space<vmem>> -> memref<64xf32, #tpu.memory_space<vmem>>
        %dma_wait3A_31 = arith.constant 2999936 : i32
        %dma_wait3A_32 = tpu.memref_slice %arg7[%dma_wait3A_31] : memref<6000000xf32, #tpu.memory_space<hbm>> -> memref<64xf32, #tpu.memory_space<hbm>>
        %dma_wait3A_33 = arith.constant 2999936 : i32
        %dma_wait3A_34 = tpu.memref_slice %arg7[%dma_wait3A_33] : memref<6000000xf32, #tpu.memory_space<hbm>> -> memref<64xf32, #tpu.memory_space<hbm>>
        %dma_wait3A_35 = arith.constant 0 : i32
        %dma_wait3A_36 = tpu.memref_slice %arg18[%run_scoped3A_15, %dma_wait3A_35] : memref<6x64xf32, #tpu.memory_space<vmem>> -> memref<1x64xf32, #tpu.memory_space<vmem>>
        %dma_wait3A_37 = tpu.memref_squeeze %dma_wait3A_36 : memref<1x64xf32, #tpu.memory_space<vmem>> -> memref<64xf32, #tpu.memory_space<vmem>>
        tpu.wait_dma2 semaphore(%run_scoped3A_19 : memref<!tpu.dma_semaphore, #tpu.memory_space<semaphore_mem>>) src(%dma_wait3A_37 : memref<64xf32, #tpu.memory_space<vmem>>) dst(%dma_wait3A_34 : memref<64xf32, #tpu.memory_space<hbm>>)
        tpu.yield
      }) : () -> ()
      %run_scoped3A_16 = arith.constant 3 : i32
      "tpu.region"() ({
        %run_scoped3A_19 = tpu.sem_alloc : memref<!tpu.dma_semaphore, #tpu.memory_space<semaphore_mem>>
        %dma_start3A = arith.constant 0 : i32
        %dma_start3A_20 = tpu.memref_slice %arg18[%run_scoped3A_16, %dma_start3A] : memref<6x64xf32, #tpu.memory_space<vmem>> -> memref<1x64xf32, #tpu.memory_space<vmem>>
        %dma_start3A_21 = tpu.memref_squeeze %dma_start3A_20 : memref<1x64xf32, #tpu.memory_space<vmem>> -> memref<64xf32, #tpu.memory_space<vmem>>
        %dma_start3A_22 = arith.constant 3999936 : i32
        %dma_start3A_23 = tpu.memref_slice %arg7[%dma_start3A_22] : memref<6000000xf32, #tpu.memory_space<hbm>> -> memref<64xf32, #tpu.memory_space<hbm>>
        %dma_start3A_24 = arith.constant 3999936 : i32
        %dma_start3A_25 = tpu.memref_slice %arg7[%dma_start3A_24] : memref<6000000xf32, #tpu.memory_space<hbm>> -> memref<64xf32, #tpu.memory_space<hbm>>
        %dma_start3A_26 = arith.constant 0 : i32
        %dma_start3A_27 = tpu.memref_slice %arg18[%run_scoped3A_16, %dma_start3A_26] : memref<6x64xf32, #tpu.memory_space<vmem>> -> memref<1x64xf32, #tpu.memory_space<vmem>>
        %dma_start3A_28 = tpu.memref_squeeze %dma_start3A_27 : memref<1x64xf32, #tpu.memory_space<vmem>> -> memref<64xf32, #tpu.memory_space<vmem>>
        tpu.enqueue_dma source(%dma_start3A_28 : memref<64xf32, #tpu.memory_space<vmem>>) target(%dma_start3A_25 : memref<64xf32, #tpu.memory_space<hbm>>) target_semaphore(%run_scoped3A_19 : memref<!tpu.dma_semaphore, #tpu.memory_space<semaphore_mem>>)
        %dma_wait3A = arith.constant 0 : i32
        %dma_wait3A_29 = tpu.memref_slice %arg18[%run_scoped3A_16, %dma_wait3A] : memref<6x64xf32, #tpu.memory_space<vmem>> -> memref<1x64xf32, #tpu.memory_space<vmem>>
        %dma_wait3A_30 = tpu.memref_squeeze %dma_wait3A_29 : memref<1x64xf32, #tpu.memory_space<vmem>> -> memref<64xf32, #tpu.memory_space<vmem>>
        %dma_wait3A_31 = arith.constant 3999936 : i32
        %dma_wait3A_32 = tpu.memref_slice %arg7[%dma_wait3A_31] : memref<6000000xf32, #tpu.memory_space<hbm>> -> memref<64xf32, #tpu.memory_space<hbm>>
        %dma_wait3A_33 = arith.constant 3999936 : i32
        %dma_wait3A_34 = tpu.memref_slice %arg7[%dma_wait3A_33] : memref<6000000xf32, #tpu.memory_space<hbm>> -> memref<64xf32, #tpu.memory_space<hbm>>
        %dma_wait3A_35 = arith.constant 0 : i32
        %dma_wait3A_36 = tpu.memref_slice %arg18[%run_scoped3A_16, %dma_wait3A_35] : memref<6x64xf32, #tpu.memory_space<vmem>> -> memref<1x64xf32, #tpu.memory_space<vmem>>
        %dma_wait3A_37 = tpu.memref_squeeze %dma_wait3A_36 : memref<1x64xf32, #tpu.memory_space<vmem>> -> memref<64xf32, #tpu.memory_space<vmem>>
        tpu.wait_dma2 semaphore(%run_scoped3A_19 : memref<!tpu.dma_semaphore, #tpu.memory_space<semaphore_mem>>) src(%dma_wait3A_37 : memref<64xf32, #tpu.memory_space<vmem>>) dst(%dma_wait3A_34 : memref<64xf32, #tpu.memory_space<hbm>>)
        tpu.yield
      }) : () -> ()
      %run_scoped3A_17 = arith.constant 4 : i32
      "tpu.region"() ({
        %run_scoped3A_19 = tpu.sem_alloc : memref<!tpu.dma_semaphore, #tpu.memory_space<semaphore_mem>>
        %dma_start3A = arith.constant 0 : i32
        %dma_start3A_20 = tpu.memref_slice %arg18[%run_scoped3A_17, %dma_start3A] : memref<6x64xf32, #tpu.memory_space<vmem>> -> memref<1x64xf32, #tpu.memory_space<vmem>>
        %dma_start3A_21 = tpu.memref_squeeze %dma_start3A_20 : memref<1x64xf32, #tpu.memory_space<vmem>> -> memref<64xf32, #tpu.memory_space<vmem>>
        %dma_start3A_22 = arith.constant 4999936 : i32
        %dma_start3A_23 = tpu.memref_slice %arg7[%dma_start3A_22] : memref<6000000xf32, #tpu.memory_space<hbm>> -> memref<64xf32, #tpu.memory_space<hbm>>
        %dma_start3A_24 = arith.constant 4999936 : i32
        %dma_start3A_25 = tpu.memref_slice %arg7[%dma_start3A_24] : memref<6000000xf32, #tpu.memory_space<hbm>> -> memref<64xf32, #tpu.memory_space<hbm>>
        %dma_start3A_26 = arith.constant 0 : i32
        %dma_start3A_27 = tpu.memref_slice %arg18[%run_scoped3A_17, %dma_start3A_26] : memref<6x64xf32, #tpu.memory_space<vmem>> -> memref<1x64xf32, #tpu.memory_space<vmem>>
        %dma_start3A_28 = tpu.memref_squeeze %dma_start3A_27 : memref<1x64xf32, #tpu.memory_space<vmem>> -> memref<64xf32, #tpu.memory_space<vmem>>
        tpu.enqueue_dma source(%dma_start3A_28 : memref<64xf32, #tpu.memory_space<vmem>>) target(%dma_start3A_25 : memref<64xf32, #tpu.memory_space<hbm>>) target_semaphore(%run_scoped3A_19 : memref<!tpu.dma_semaphore, #tpu.memory_space<semaphore_mem>>)
        %dma_wait3A = arith.constant 0 : i32
        %dma_wait3A_29 = tpu.memref_slice %arg18[%run_scoped3A_17, %dma_wait3A] : memref<6x64xf32, #tpu.memory_space<vmem>> -> memref<1x64xf32, #tpu.memory_space<vmem>>
        %dma_wait3A_30 = tpu.memref_squeeze %dma_wait3A_29 : memref<1x64xf32, #tpu.memory_space<vmem>> -> memref<64xf32, #tpu.memory_space<vmem>>
        %dma_wait3A_31 = arith.constant 4999936 : i32
        %dma_wait3A_32 = tpu.memref_slice %arg7[%dma_wait3A_31] : memref<6000000xf32, #tpu.memory_space<hbm>> -> memref<64xf32, #tpu.memory_space<hbm>>
        %dma_wait3A_33 = arith.constant 4999936 : i32
        %dma_wait3A_34 = tpu.memref_slice %arg7[%dma_wait3A_33] : memref<6000000xf32, #tpu.memory_space<hbm>> -> memref<64xf32, #tpu.memory_space<hbm>>
        %dma_wait3A_35 = arith.constant 0 : i32
        %dma_wait3A_36 = tpu.memref_slice %arg18[%run_scoped3A_17, %dma_wait3A_35] : memref<6x64xf32, #tpu.memory_space<vmem>> -> memref<1x64xf32, #tpu.memory_space<vmem>>
        %dma_wait3A_37 = tpu.memref_squeeze %dma_wait3A_36 : memref<1x64xf32, #tpu.memory_space<vmem>> -> memref<64xf32, #tpu.memory_space<vmem>>
        tpu.wait_dma2 semaphore(%run_scoped3A_19 : memref<!tpu.dma_semaphore, #tpu.memory_space<semaphore_mem>>) src(%dma_wait3A_37 : memref<64xf32, #tpu.memory_space<vmem>>) dst(%dma_wait3A_34 : memref<64xf32, #tpu.memory_space<hbm>>)
        tpu.yield
      }) : () -> ()
      %run_scoped3A_18 = arith.constant 5 : i32
      "tpu.region"() ({
        %run_scoped3A_19 = tpu.sem_alloc : memref<!tpu.dma_semaphore, #tpu.memory_space<semaphore_mem>>
        %dma_start3A = arith.constant 0 : i32
        %dma_start3A_20 = tpu.memref_slice %arg18[%run_scoped3A_18, %dma_start3A] : memref<6x64xf32, #tpu.memory_space<vmem>> -> memref<1x64xf32, #tpu.memory_space<vmem>>
        %dma_start3A_21 = tpu.memref_squeeze %dma_start3A_20 : memref<1x64xf32, #tpu.memory_space<vmem>> -> memref<64xf32, #tpu.memory_space<vmem>>
        %dma_start3A_22 = arith.constant 5999936 : i32
        %dma_start3A_23 = tpu.memref_slice %arg7[%dma_start3A_22] : memref<6000000xf32, #tpu.memory_space<hbm>> -> memref<64xf32, #tpu.memory_space<hbm>>
        %dma_start3A_24 = arith.constant 5999936 : i32
        %dma_start3A_25 = tpu.memref_slice %arg7[%dma_start3A_24] : memref<6000000xf32, #tpu.memory_space<hbm>> -> memref<64xf32, #tpu.memory_space<hbm>>
        %dma_start3A_26 = arith.constant 0 : i32
        %dma_start3A_27 = tpu.memref_slice %arg18[%run_scoped3A_18, %dma_start3A_26] : memref<6x64xf32, #tpu.memory_space<vmem>> -> memref<1x64xf32, #tpu.memory_space<vmem>>
        %dma_start3A_28 = tpu.memref_squeeze %dma_start3A_27 : memref<1x64xf32, #tpu.memory_space<vmem>> -> memref<64xf32, #tpu.memory_space<vmem>>
        tpu.enqueue_dma source(%dma_start3A_28 : memref<64xf32, #tpu.memory_space<vmem>>) target(%dma_start3A_25 : memref<64xf32, #tpu.memory_space<hbm>>) target_semaphore(%run_scoped3A_19 : memref<!tpu.dma_semaphore, #tpu.memory_space<semaphore_mem>>)
        %dma_wait3A = arith.constant 0 : i32
        %dma_wait3A_29 = tpu.memref_slice %arg18[%run_scoped3A_18, %dma_wait3A] : memref<6x64xf32, #tpu.memory_space<vmem>> -> memref<1x64xf32, #tpu.memory_space<vmem>>
        %dma_wait3A_30 = tpu.memref_squeeze %dma_wait3A_29 : memref<1x64xf32, #tpu.memory_space<vmem>> -> memref<64xf32, #tpu.memory_space<vmem>>
        %dma_wait3A_31 = arith.constant 5999936 : i32
        %dma_wait3A_32 = tpu.memref_slice %arg7[%dma_wait3A_31] : memref<6000000xf32, #tpu.memory_space<hbm>> -> memref<64xf32, #tpu.memory_space<hbm>>
        %dma_wait3A_33 = arith.constant 5999936 : i32
        %dma_wait3A_34 = tpu.memref_slice %arg7[%dma_wait3A_33] : memref<6000000xf32, #tpu.memory_space<hbm>> -> memref<64xf32, #tpu.memory_space<hbm>>
        %dma_wait3A_35 = arith.constant 0 : i32
        %dma_wait3A_36 = tpu.memref_slice %arg18[%run_scoped3A_18, %dma_wait3A_35] : memref<6x64xf32, #tpu.memory_space<vmem>> -> memref<1x64xf32, #tpu.memory_space<vmem>>
        %dma_wait3A_37 = tpu.memref_squeeze %dma_wait3A_36 : memref<1x64xf32, #tpu.memory_space<vmem>> -> memref<64xf32, #tpu.memory_space<vmem>>
        tpu.wait_dma2 semaphore(%run_scoped3A_19 : memref<!tpu.dma_semaphore, #tpu.memory_space<semaphore_mem>>) src(%dma_wait3A_37 : memref<64xf32, #tpu.memory_space<vmem>>) dst(%dma_wait3A_34 : memref<64xf32, #tpu.memory_space<hbm>>)
        tpu.yield
      }) : () -> ()
    } else {
    }
    "tpu.region"() ({
      %run_scoped3A = tpu.sem_alloc : memref<!tpu.dma_semaphore, #tpu.memory_space<semaphore_mem>>
      %dma_start3A = tpu.memref_slice %arg3[%mul3A_2] : memref<262144xi32, #tpu.memory_space<hbm>> -> memref<8192xi32, #tpu.memory_space<hbm>>
      %dma_start3A_14 = tpu.memref_slice %arg3[%mul3A_2] : memref<262144xi32, #tpu.memory_space<hbm>> -> memref<8192xi32, #tpu.memory_space<hbm>>
      tpu.enqueue_dma source(%dma_start3A_14 : memref<8192xi32, #tpu.memory_space<hbm>>) target(%arg10 : memref<8192xi32, #tpu.memory_space<vmem>>) target_semaphore(%run_scoped3A : memref<!tpu.dma_semaphore, #tpu.memory_space<semaphore_mem>>)
      %dma_wait3A = tpu.memref_slice %arg3[%mul3A_2] : memref<262144xi32, #tpu.memory_space<hbm>> -> memref<8192xi32, #tpu.memory_space<hbm>>
      %dma_wait3A_15 = tpu.memref_slice %arg3[%mul3A_2] : memref<262144xi32, #tpu.memory_space<hbm>> -> memref<8192xi32, #tpu.memory_space<hbm>>
      tpu.wait_dma2 semaphore(%run_scoped3A : memref<!tpu.dma_semaphore, #tpu.memory_space<semaphore_mem>>) src(%dma_wait3A_15 : memref<8192xi32, #tpu.memory_space<hbm>>) dst(%arg10 : memref<8192xi32, #tpu.memory_space<vmem>>)
      tpu.yield
    }) : () -> ()
    "tpu.region"() ({
      %run_scoped3A = tpu.sem_alloc : memref<!tpu.dma_semaphore, #tpu.memory_space<semaphore_mem>>
      %dma_start3A = tpu.memref_slice %arg4[%mul3A_2] : memref<262144xi32, #tpu.memory_space<hbm>> -> memref<8192xi32, #tpu.memory_space<hbm>>
      %dma_start3A_14 = tpu.memref_slice %arg4[%mul3A_2] : memref<262144xi32, #tpu.memory_space<hbm>> -> memref<8192xi32, #tpu.memory_space<hbm>>
      tpu.enqueue_dma source(%dma_start3A_14 : memref<8192xi32, #tpu.memory_space<hbm>>) target(%arg11 : memref<8192xi32, #tpu.memory_space<vmem>>) target_semaphore(%run_scoped3A : memref<!tpu.dma_semaphore, #tpu.memory_space<semaphore_mem>>)
      %dma_wait3A = tpu.memref_slice %arg4[%mul3A_2] : memref<262144xi32, #tpu.memory_space<hbm>> -> memref<8192xi32, #tpu.memory_space<hbm>>
      %dma_wait3A_15 = tpu.memref_slice %arg4[%mul3A_2] : memref<262144xi32, #tpu.memory_space<hbm>> -> memref<8192xi32, #tpu.memory_space<hbm>>
      tpu.wait_dma2 semaphore(%run_scoped3A : memref<!tpu.dma_semaphore, #tpu.memory_space<semaphore_mem>>) src(%dma_wait3A_15 : memref<8192xi32, #tpu.memory_space<hbm>>) dst(%arg11 : memref<8192xi32, #tpu.memory_space<vmem>>)
      tpu.yield
    }) : () -> ()
    "tpu.region"() ({
      %run_scoped3A = tpu.sem_alloc : memref<!tpu.dma_semaphore, #tpu.memory_space<semaphore_mem>>
      %dma_start3A = tpu.memref_slice %arg5[%mul3A_2] : memref<262144xi32, #tpu.memory_space<hbm>> -> memref<8192xi32, #tpu.memory_space<hbm>>
      %dma_start3A_14 = tpu.memref_slice %arg5[%mul3A_2] : memref<262144xi32, #tpu.memory_space<hbm>> -> memref<8192xi32, #tpu.memory_space<hbm>>
      tpu.enqueue_dma source(%dma_start3A_14 : memref<8192xi32, #tpu.memory_space<hbm>>) target(%arg12 : memref<8192xi32, #tpu.memory_space<vmem>>) target_semaphore(%run_scoped3A : memref<!tpu.dma_semaphore, #tpu.memory_space<semaphore_mem>>)
      %dma_wait3A = tpu.memref_slice %arg5[%mul3A_2] : memref<262144xi32, #tpu.memory_space<hbm>> -> memref<8192xi32, #tpu.memory_space<hbm>>
      %dma_wait3A_15 = tpu.memref_slice %arg5[%mul3A_2] : memref<262144xi32, #tpu.memory_space<hbm>> -> memref<8192xi32, #tpu.memory_space<hbm>>
      tpu.wait_dma2 semaphore(%run_scoped3A : memref<!tpu.dma_semaphore, #tpu.memory_space<semaphore_mem>>) src(%dma_wait3A_15 : memref<8192xi32, #tpu.memory_space<hbm>>) dst(%arg12 : memref<8192xi32, #tpu.memory_space<vmem>>)
      tpu.yield
    }) : () -> ()
    "tpu.region"() ({
      %run_scoped3A = tpu.sem_alloc : memref<!tpu.dma_semaphore, #tpu.memory_space<semaphore_mem>>
      %dma_start3A = tpu.memref_slice %arg6[%mul3A_2] : memref<262144xi32, #tpu.memory_space<hbm>> -> memref<8192xi32, #tpu.memory_space<hbm>>
      %dma_start3A_14 = tpu.memref_slice %arg6[%mul3A_2] : memref<262144xi32, #tpu.memory_space<hbm>> -> memref<8192xi32, #tpu.memory_space<hbm>>
      tpu.enqueue_dma source(%dma_start3A_14 : memref<8192xi32, #tpu.memory_space<hbm>>) target(%arg13 : memref<8192xi32, #tpu.memory_space<vmem>>) target_semaphore(%run_scoped3A : memref<!tpu.dma_semaphore, #tpu.memory_space<semaphore_mem>>)
      %dma_wait3A = tpu.memref_slice %arg6[%mul3A_2] : memref<262144xi32, #tpu.memory_space<hbm>> -> memref<8192xi32, #tpu.memory_space<hbm>>
      %dma_wait3A_15 = tpu.memref_slice %arg6[%mul3A_2] : memref<262144xi32, #tpu.memory_space<hbm>> -> memref<8192xi32, #tpu.memory_space<hbm>>
      tpu.wait_dma2 semaphore(%run_scoped3A : memref<!tpu.dma_semaphore, #tpu.memory_space<semaphore_mem>>) src(%dma_wait3A_15 : memref<8192xi32, #tpu.memory_space<hbm>>) dst(%arg13 : memref<8192xi32, #tpu.memory_space<vmem>>)
      tpu.yield
    }) : () -> ()
    %scan3A = arith.constant 0 : i32
    %scan3A_9 = arith.constant 0 : i32
    %scan3A_10 = arith.constant 64 : i32
    %scan3A_11 = arith.addi %scan3A_9, %scan3A_10 : i32
    %scan3A_12 = arith.constant 1 : i32
    scf.for %scan3A_14 = %scan3A_9 to %scan3A_11 step %scan3A_12  : i32 {
      %mul3A_15 = arith.constant 128 : i32
      %mul3A_16 = arith.muli %scan3A_14, %mul3A_15 : i32
      %add3A_17 = arith.constant 0 : i32
      %add3A_18 = arith.addi %mul3A_16, %add3A_17 : i32
      %get3A = arith.index_cast %add3A_18 : i32 to index
      %get3A_19 = tpu.vector_load %arg10[%get3A] {strides = array<i32>} : memref<8192xi32, #tpu.memory_space<vmem>>, vector<16xi32>,
      %mul3A_20 = arith.constant 1000000 : i32
      %mul3A_21 = vector.broadcast %mul3A_20 : i32 to vector<16xi32>
      %mul3A_22 = arith.muli %get3A_19, %mul3A_21 : vector<16xi32>
      %get3A_23 = arith.index_cast %add3A_18 : i32 to index
      %get3A_24 = tpu.vector_load %arg11[%get3A_23] {strides = array<i32>} : memref<8192xi32, #tpu.memory_space<vmem>>, vector<16xi32>,
      %add3A_25 = arith.addi %mul3A_22, %get3A_24 : vector<16xi32>
      %swap3A = arith.index_cast %add3A_18 : i32 to index
      %swap3A_26 = tpu.vector_load %arg15[%swap3A] {strides = array<i32>} : memref<8192xi32, #tpu.memory_space<vmem>>, vector<16xi32>,
      tpu.vector_store %arg15[%swap3A], %add3A_25 {strides = array<i32>} : memref<8192xi32, #tpu.memory_space<vmem>>, vector<16xi32>,
      %mul3A_27 = arith.constant 65536 : i32
      %mul3A_28 = vector.broadcast %mul3A_27 : i32 to vector<16xi32>
      %mul3A_29 = arith.muli %get3A_19, %mul3A_28 : vector<16xi32>
      %get3A_30 = arith.index_cast %add3A_18 : i32 to index
      %get3A_31 = tpu.vector_load %arg12[%get3A_30] {strides = array<i32>} : memref<8192xi32, #tpu.memory_space<vmem>>, vector<16xi32>,
      %mul3A_32 = arith.constant 256 : i32
      %mul3A_33 = vector.broadcast %mul3A_32 : i32 to vector<16xi32>
      %mul3A_34 = arith.muli %get3A_31, %mul3A_33 : vector<16xi32>
      %add3A_35 = arith.addi %mul3A_29, %mul3A_34 : vector<16xi32>
      %get3A_36 = arith.index_cast %add3A_18 : i32 to index
      %get3A_37 = tpu.vector_load %arg13[%get3A_36] {strides = array<i32>} : memref<8192xi32, #tpu.memory_space<vmem>>, vector<16xi32>,
      %add3A_38 = arith.addi %add3A_35, %get3A_37 : vector<16xi32>
      %swap3A_39 = arith.index_cast %add3A_18 : i32 to index
      %swap3A_40 = tpu.vector_load %arg14[%swap3A_39] {strides = array<i32>} : memref<8192xi32, #tpu.memory_space<vmem>>, vector<16xi32>,
      tpu.vector_store %arg14[%swap3A_39], %add3A_38 {strides = array<i32>} : memref<8192xi32, #tpu.memory_space<vmem>>, vector<16xi32>,
      %add3A_41 = arith.constant 16 : i32
      %add3A_42 = arith.addi %mul3A_16, %add3A_41 : i32
      %get3A_43 = arith.index_cast %add3A_42 : i32 to index
      %get3A_44 = tpu.vector_load %arg10[%get3A_43] {strides = array<i32>} : memref<8192xi32, #tpu.memory_space<vmem>>, vector<16xi32>,
      %mul3A_45 = arith.constant 1000000 : i32
      %mul3A_46 = vector.broadcast %mul3A_45 : i32 to vector<16xi32>
      %mul3A_47 = arith.muli %get3A_44, %mul3A_46 : vector<16xi32>
      %get3A_48 = arith.index_cast %add3A_42 : i32 to index
      %get3A_49 = tpu.vector_load %arg11[%get3A_48] {strides = array<i32>} : memref<8192xi32, #tpu.memory_space<vmem>>, vector<16xi32>,
      %add3A_50 = arith.addi %mul3A_47, %get3A_49 : vector<16xi32>
      %swap3A_51 = arith.index_cast %add3A_42 : i32 to index
      %swap3A_52 = tpu.vector_load %arg15[%swap3A_51] {strides = array<i32>} : memref<8192xi32, #tpu.memory_space<vmem>>, vector<16xi32>,
      tpu.vector_store %arg15[%swap3A_51], %add3A_50 {strides = array<i32>} : memref<8192xi32, #tpu.memory_space<vmem>>, vector<16xi32>,
      %mul3A_53 = arith.constant 65536 : i32
      %mul3A_54 = vector.broadcast %mul3A_53 : i32 to vector<16xi32>
      %mul3A_55 = arith.muli %get3A_44, %mul3A_54 : vector<16xi32>
      %get3A_56 = arith.index_cast %add3A_42 : i32 to index
      %get3A_57 = tpu.vector_load %arg12[%get3A_56] {strides = array<i32>} : memref<8192xi32, #tpu.memory_space<vmem>>, vector<16xi32>,
      %mul3A_58 = arith.constant 256 : i32
      %mul3A_59 = vector.broadcast %mul3A_58 : i32 to vector<16xi32>
      %mul3A_60 = arith.muli %get3A_57, %mul3A_59 : vector<16xi32>
      %add3A_61 = arith.addi %mul3A_55, %mul3A_60 : vector<16xi32>
      %get3A_62 = arith.index_cast %add3A_42 : i32 to index
      %get3A_63 = tpu.vector_load %arg13[%get3A_62] {strides = array<i32>} : memref<8192xi32, #tpu.memory_space<vmem>>, vector<16xi32>,
      %add3A_64 = arith.addi %add3A_61, %get3A_63 : vector<16xi32>
      %swap3A_65 = arith.index_cast %add3A_42 : i32 to index
      %swap3A_66 = tpu.vector_load %arg14[%swap3A_65] {strides = array<i32>} : memref<8192xi32, #tpu.memory_space<vmem>>, vector<16xi32>,
      tpu.vector_store %arg14[%swap3A_65], %add3A_64 {strides = array<i32>} : memref<8192xi32, #tpu.memory_space<vmem>>, vector<16xi32>,
      %add3A_67 = arith.constant 32 : i32
      %add3A_68 = arith.addi %mul3A_16, %add3A_67 : i32
      %get3A_69 = arith.index_cast %add3A_68 : i32 to index
      %get3A_70 = tpu.vector_load %arg10[%get3A_69] {strides = array<i32>} : memref<8192xi32, #tpu.memory_space<vmem>>, vector<16xi32>,
      %mul3A_71 = arith.constant 1000000 : i32
      %mul3A_72 = vector.broadcast %mul3A_71 : i32 to vector<16xi32>
      %mul3A_73 = arith.muli %get3A_70, %mul3A_72 : vector<16xi32>
      %get3A_74 = arith.index_cast %add3A_68 : i32 to index
      %get3A_75 = tpu.vector_load %arg11[%get3A_74] {strides = array<i32>} : memref<8192xi32, #tpu.memory_space<vmem>>, vector<16xi32>,
      %add3A_76 = arith.addi %mul3A_73, %get3A_75 : vector<16xi32>
      %swap3A_77 = arith.index_cast %add3A_68 : i32 to index
      %swap3A_78 = tpu.vector_load %arg15[%swap3A_77] {strides = array<i32>} : memref<8192xi32, #tpu.memory_space<vmem>>, vector<16xi32>,
      tpu.vector_store %arg15[%swap3A_77], %add3A_76 {strides = array<i32>} : memref<8192xi32, #tpu.memory_space<vmem>>, vector<16xi32>,
      %mul3A_79 = arith.constant 65536 : i32
      %mul3A_80 = vector.broadcast %mul3A_79 : i32 to vector<16xi32>
      %mul3A_81 = arith.muli %get3A_70, %mul3A_80 : vector<16xi32>
      %get3A_82 = arith.index_cast %add3A_68 : i32 to index
      %get3A_83 = tpu.vector_load %arg12[%get3A_82] {strides = array<i32>} : memref<8192xi32, #tpu.memory_space<vmem>>, vector<16xi32>,
      %mul3A_84 = arith.constant 256 : i32
      %mul3A_85 = vector.broadcast %mul3A_84 : i32 to vector<16xi32>
      %mul3A_86 = arith.muli %get3A_83, %mul3A_85 : vector<16xi32>
      %add3A_87 = arith.addi %mul3A_81, %mul3A_86 : vector<16xi32>
      %get3A_88 = arith.index_cast %add3A_68 : i32 to index
      %get3A_89 = tpu.vector_load %arg13[%get3A_88] {strides = array<i32>} : memref<8192xi32, #tpu.memory_space<vmem>>, vector<16xi32>,
      %add3A_90 = arith.addi %add3A_87, %get3A_89 : vector<16xi32>
      %swap3A_91 = arith.index_cast %add3A_68 : i32 to index
      %swap3A_92 = tpu.vector_load %arg14[%swap3A_91] {strides = array<i32>} : memref<8192xi32, #tpu.memory_space<vmem>>, vector<16xi32>,
      tpu.vector_store %arg14[%swap3A_91], %add3A_90 {strides = array<i32>} : memref<8192xi32, #tpu.memory_space<vmem>>, vector<16xi32>,
      %add3A_93 = arith.constant 48 : i32
      %add3A_94 = arith.addi %mul3A_16, %add3A_93 : i32
      %get3A_95 = arith.index_cast %add3A_94 : i32 to index
      %get3A_96 = tpu.vector_load %arg10[%get3A_95] {strides = array<i32>} : memref<8192xi32, #tpu.memory_space<vmem>>, vector<16xi32>,
      %mul3A_97 = arith.constant 1000000 : i32
      %mul3A_98 = vector.broadcast %mul3A_97 : i32 to vector<16xi32>
      %mul3A_99 = arith.muli %get3A_96, %mul3A_98 : vector<16xi32>
      %get3A_100 = arith.index_cast %add3A_94 : i32 to index
      %get3A_101 = tpu.vector_load %arg11[%get3A_100] {strides = array<i32>} : memref<8192xi32, #tpu.memory_space<vmem>>, vector<16xi32>,
      %add3A_102 = arith.addi %mul3A_99, %get3A_101 : vector<16xi32>
      %swap3A_103 = arith.index_cast %add3A_94 : i32 to index
      %swap3A_104 = tpu.vector_load %arg15[%swap3A_103] {strides = array<i32>} : memref<8192xi32, #tpu.memory_space<vmem>>, vector<16xi32>,
      tpu.vector_store %arg15[%swap3A_103], %add3A_102 {strides = array<i32>} : memref<8192xi32, #tpu.memory_space<vmem>>, vector<16xi32>,
      %mul3A_105 = arith.constant 65536 : i32
      %mul3A_106 = vector.broadcast %mul3A_105 : i32 to vector<16xi32>
      %mul3A_107 = arith.muli %get3A_96, %mul3A_106 : vector<16xi32>
      %get3A_108 = arith.index_cast %add3A_94 : i32 to index
      %get3A_109 = tpu.vector_load %arg12[%get3A_108] {strides = array<i32>} : memref<8192xi32, #tpu.memory_space<vmem>>, vector<16xi32>,
      %mul3A_110 = arith.constant 256 : i32
      %mul3A_111 = vector.broadcast %mul3A_110 : i32 to vector<16xi32>
      %mul3A_112 = arith.muli %get3A_109, %mul3A_111 : vector<16xi32>
      %add3A_113 = arith.addi %mul3A_107, %mul3A_112 : vector<16xi32>
      %get3A_114 = arith.index_cast %add3A_94 : i32 to index
      %get3A_115 = tpu.vector_load %arg13[%get3A_114] {strides = array<i32>} : memref<8192xi32, #tpu.memory_space<vmem>>, vector<16xi32>,
      %add3A_116 = arith.addi %add3A_113, %get3A_115 : vector<16xi32>
      %swap3A_117 = arith.index_cast %add3A_94 : i32 to index
      %swap3A_118 = tpu.vector_load %arg14[%swap3A_117] {strides = array<i32>} : memref<8192xi32, #tpu.memory_space<vmem>>, vector<16xi32>,
      tpu.vector_store %arg14[%swap3A_117], %add3A_116 {strides = array<i32>} : memref<8192xi32, #tpu.memory_space<vmem>>, vector<16xi32>,
      %add3A_119 = arith.constant 64 : i32
      %add3A_120 = arith.addi %mul3A_16, %add3A_119 : i32
      %get3A_121 = arith.index_cast %add3A_120 : i32 to index
      %get3A_122 = tpu.vector_load %arg10[%get3A_121] {strides = array<i32>} : memref<8192xi32, #tpu.memory_space<vmem>>, vector<16xi32>,
      %mul3A_123 = arith.constant 1000000 : i32
      %mul3A_124 = vector.broadcast %mul3A_123 : i32 to vector<16xi32>
      %mul3A_125 = arith.muli %get3A_122, %mul3A_124 : vector<16xi32>
      %get3A_126 = arith.index_cast %add3A_120 : i32 to index
      %get3A_127 = tpu.vector_load %arg11[%get3A_126] {strides = array<i32>} : memref<8192xi32, #tpu.memory_space<vmem>>, vector<16xi32>,
      %add3A_128 = arith.addi %mul3A_125, %get3A_127 : vector<16xi32>
      %swap3A_129 = arith.index_cast %add3A_120 : i32 to index
      %swap3A_130 = tpu.vector_load %arg15[%swap3A_129] {strides = array<i32>} : memref<8192xi32, #tpu.memory_space<vmem>>, vector<16xi32>,
      tpu.vector_store %arg15[%swap3A_129], %add3A_128 {strides = array<i32>} : memref<8192xi32, #tpu.memory_space<vmem>>, vector<16xi32>,
      %mul3A_131 = arith.constant 65536 : i32
      %mul3A_132 = vector.broadcast %mul3A_131 : i32 to vector<16xi32>
      %mul3A_133 = arith.muli %get3A_122, %mul3A_132 : vector<16xi32>
      %get3A_134 = arith.index_cast %add3A_120 : i32 to index
      %get3A_135 = tpu.vector_load %arg12[%get3A_134] {strides = array<i32>} : memref<8192xi32, #tpu.memory_space<vmem>>, vector<16xi32>,
      %mul3A_136 = arith.constant 256 : i32
      %mul3A_137 = vector.broadcast %mul3A_136 : i32 to vector<16xi32>
      %mul3A_138 = arith.muli %get3A_135, %mul3A_137 : vector<16xi32>
      %add3A_139 = arith.addi %mul3A_133, %mul3A_138 : vector<16xi32>
      %get3A_140 = arith.index_cast %add3A_120 : i32 to index
      %get3A_141 = tpu.vector_load %arg13[%get3A_140] {strides = array<i32>} : memref<8192xi32, #tpu.memory_space<vmem>>, vector<16xi32>,
      %add3A_142 = arith.addi %add3A_139, %get3A_141 : vector<16xi32>
      %swap3A_143 = arith.index_cast %add3A_120 : i32 to index
      %swap3A_144 = tpu.vector_load %arg14[%swap3A_143] {strides = array<i32>} : memref<8192xi32, #tpu.memory_space<vmem>>, vector<16xi32>,
      tpu.vector_store %arg14[%swap3A_143], %add3A_142 {strides = array<i32>} : memref<8192xi32, #tpu.memory_space<vmem>>, vector<16xi32>,
      %add3A_145 = arith.constant 80 : i32
      %add3A_146 = arith.addi %mul3A_16, %add3A_145 : i32
      %get3A_147 = arith.index_cast %add3A_146 : i32 to index
      %get3A_148 = tpu.vector_load %arg10[%get3A_147] {strides = array<i32>} : memref<8192xi32, #tpu.memory_space<vmem>>, vector<16xi32>,
      %mul3A_149 = arith.constant 1000000 : i32
      %mul3A_150 = vector.broadcast %mul3A_149 : i32 to vector<16xi32>
      %mul3A_151 = arith.muli %get3A_148, %mul3A_150 : vector<16xi32>
      %get3A_152 = arith.index_cast %add3A_146 : i32 to index
      %get3A_153 = tpu.vector_load %arg11[%get3A_152] {strides = array<i32>} : memref<8192xi32, #tpu.memory_space<vmem>>, vector<16xi32>,
      %add3A_154 = arith.addi %mul3A_151, %get3A_153 : vector<16xi32>
      %swap3A_155 = arith.index_cast %add3A_146 : i32 to index
      %swap3A_156 = tpu.vector_load %arg15[%swap3A_155] {strides = array<i32>} : memref<8192xi32, #tpu.memory_space<vmem>>, vector<16xi32>,
      tpu.vector_store %arg15[%swap3A_155], %add3A_154 {strides = array<i32>} : memref<8192xi32, #tpu.memory_space<vmem>>, vector<16xi32>,
      %mul3A_157 = arith.constant 65536 : i32
      %mul3A_158 = vector.broadcast %mul3A_157 : i32 to vector<16xi32>
      %mul3A_159 = arith.muli %get3A_148, %mul3A_158 : vector<16xi32>
      %get3A_160 = arith.index_cast %add3A_146 : i32 to index
      %get3A_161 = tpu.vector_load %arg12[%get3A_160] {strides = array<i32>} : memref<8192xi32, #tpu.memory_space<vmem>>, vector<16xi32>,
      %mul3A_162 = arith.constant 256 : i32
      %mul3A_163 = vector.broadcast %mul3A_162 : i32 to vector<16xi32>
      %mul3A_164 = arith.muli %get3A_161, %mul3A_163 : vector<16xi32>
      %add3A_165 = arith.addi %mul3A_159, %mul3A_164 : vector<16xi32>
      %get3A_166 = arith.index_cast %add3A_146 : i32 to index
      %get3A_167 = tpu.vector_load %arg13[%get3A_166] {strides = array<i32>} : memref<8192xi32, #tpu.memory_space<vmem>>, vector<16xi32>,
      %add3A_168 = arith.addi %add3A_165, %get3A_167 : vector<16xi32>
      %swap3A_169 = arith.index_cast %add3A_146 : i32 to index
      %swap3A_170 = tpu.vector_load %arg14[%swap3A_169] {strides = array<i32>} : memref<8192xi32, #tpu.memory_space<vmem>>, vector<16xi32>,
      tpu.vector_store %arg14[%swap3A_169], %add3A_168 {strides = array<i32>} : memref<8192xi32, #tpu.memory_space<vmem>>, vector<16xi32>,
      %add3A_171 = arith.constant 96 : i32
      %add3A_172 = arith.addi %mul3A_16, %add3A_171 : i32
      %get3A_173 = arith.index_cast %add3A_172 : i32 to index
      %get3A_174 = tpu.vector_load %arg10[%get3A_173] {strides = array<i32>} : memref<8192xi32, #tpu.memory_space<vmem>>, vector<16xi32>,
      %mul3A_175 = arith.constant 1000000 : i32
      %mul3A_176 = vector.broadcast %mul3A_175 : i32 to vector<16xi32>
      %mul3A_177 = arith.muli %get3A_174, %mul3A_176 : vector<16xi32>
      %get3A_178 = arith.index_cast %add3A_172 : i32 to index
      %get3A_179 = tpu.vector_load %arg11[%get3A_178] {strides = array<i32>} : memref<8192xi32, #tpu.memory_space<vmem>>, vector<16xi32>,
      %add3A_180 = arith.addi %mul3A_177, %get3A_179 : vector<16xi32>
      %swap3A_181 = arith.index_cast %add3A_172 : i32 to index
      %swap3A_182 = tpu.vector_load %arg15[%swap3A_181] {strides = array<i32>} : memref<8192xi32, #tpu.memory_space<vmem>>, vector<16xi32>,
      tpu.vector_store %arg15[%swap3A_181], %add3A_180 {strides = array<i32>} : memref<8192xi32, #tpu.memory_space<vmem>>, vector<16xi32>,
      %mul3A_183 = arith.constant 65536 : i32
      %mul3A_184 = vector.broadcast %mul3A_183 : i32 to vector<16xi32>
      %mul3A_185 = arith.muli %get3A_174, %mul3A_184 : vector<16xi32>
      %get3A_186 = arith.index_cast %add3A_172 : i32 to index
      %get3A_187 = tpu.vector_load %arg12[%get3A_186] {strides = array<i32>} : memref<8192xi32, #tpu.memory_space<vmem>>, vector<16xi32>,
      %mul3A_188 = arith.constant 256 : i32
      %mul3A_189 = vector.broadcast %mul3A_188 : i32 to vector<16xi32>
      %mul3A_190 = arith.muli %get3A_187, %mul3A_189 : vector<16xi32>
      %add3A_191 = arith.addi %mul3A_185, %mul3A_190 : vector<16xi32>
      %get3A_192 = arith.index_cast %add3A_172 : i32 to index
      %get3A_193 = tpu.vector_load %arg13[%get3A_192] {strides = array<i32>} : memref<8192xi32, #tpu.memory_space<vmem>>, vector<16xi32>,
      %add3A_194 = arith.addi %add3A_191, %get3A_193 : vector<16xi32>
      %swap3A_195 = arith.index_cast %add3A_172 : i32 to index
      %swap3A_196 = tpu.vector_load %arg14[%swap3A_195] {strides = array<i32>} : memref<8192xi32, #tpu.memory_space<vmem>>, vector<16xi32>,
      tpu.vector_store %arg14[%swap3A_195], %add3A_194 {strides = array<i32>} : memref<8192xi32, #tpu.memory_space<vmem>>, vector<16xi32>,
      %add3A_197 = arith.constant 112 : i32
      %add3A_198 = arith.addi %mul3A_16, %add3A_197 : i32
      %get3A_199 = arith.index_cast %add3A_198 : i32 to index
      %get3A_200 = tpu.vector_load %arg10[%get3A_199] {strides = array<i32>} : memref<8192xi32, #tpu.memory_space<vmem>>, vector<16xi32>,
      %mul3A_201 = arith.constant 1000000 : i32
      %mul3A_202 = vector.broadcast %mul3A_201 : i32 to vector<16xi32>
      %mul3A_203 = arith.muli %get3A_200, %mul3A_202 : vector<16xi32>
      %get3A_204 = arith.index_cast %add3A_198 : i32 to index
      %get3A_205 = tpu.vector_load %arg11[%get3A_204] {strides = array<i32>} : memref<8192xi32, #tpu.memory_space<vmem>>, vector<16xi32>,
      %add3A_206 = arith.addi %mul3A_203, %get3A_205 : vector<16xi32>
      %swap3A_207 = arith.index_cast %add3A_198 : i32 to index
      %swap3A_208 = tpu.vector_load %arg15[%swap3A_207] {strides = array<i32>} : memref<8192xi32, #tpu.memory_space<vmem>>, vector<16xi32>,
      tpu.vector_store %arg15[%swap3A_207], %add3A_206 {strides = array<i32>} : memref<8192xi32, #tpu.memory_space<vmem>>, vector<16xi32>,
      %mul3A_209 = arith.constant 65536 : i32
      %mul3A_210 = vector.broadcast %mul3A_209 : i32 to vector<16xi32>
      %mul3A_211 = arith.muli %get3A_200, %mul3A_210 : vector<16xi32>
      %get3A_212 = arith.index_cast %add3A_198 : i32 to index
      %get3A_213 = tpu.vector_load %arg12[%get3A_212] {strides = array<i32>} : memref<8192xi32, #tpu.memory_space<vmem>>, vector<16xi32>,
      %mul3A_214 = arith.constant 256 : i32
      %mul3A_215 = vector.broadcast %mul3A_214 : i32 to vector<16xi32>
      %mul3A_216 = arith.muli %get3A_213, %mul3A_215 : vector<16xi32>
      %add3A_217 = arith.addi %mul3A_211, %mul3A_216 : vector<16xi32>
      %get3A_218 = arith.index_cast %add3A_198 : i32 to index
      %get3A_219 = tpu.vector_load %arg13[%get3A_218] {strides = array<i32>} : memref<8192xi32, #tpu.memory_space<vmem>>, vector<16xi32>,
      %add3A_220 = arith.addi %add3A_217, %get3A_219 : vector<16xi32>
      %swap3A_221 = arith.index_cast %add3A_198 : i32 to index
      %swap3A_222 = tpu.vector_load %arg14[%swap3A_221] {strides = array<i32>} : memref<8192xi32, #tpu.memory_space<vmem>>, vector<16xi32>,
      tpu.vector_store %arg14[%swap3A_221], %add3A_220 {strides = array<i32>} : memref<8192xi32, #tpu.memory_space<vmem>>, vector<16xi32>,
    }
    %scan3A_13 = arith.constant 64 : i32
    "tpu.region"() ({
      %run_scoped3A = tpu.sem_alloc : memref<!tpu.dma_semaphore, #tpu.memory_space<semaphore_mem>>
      %dma_start3A = tpu.memref_slice %arg8[%mul3A_2] : memref<262144xi32, #tpu.memory_space<hbm>> -> memref<8192xi32, #tpu.memory_space<hbm>>
      %dma_start3A_14 = tpu.memref_slice %arg8[%mul3A_2] : memref<262144xi32, #tpu.memory_space<hbm>> -> memref<8192xi32, #tpu.memory_space<hbm>>
      tpu.enqueue_dma source(%arg14 : memref<8192xi32, #tpu.memory_space<vmem>>) target(%dma_start3A_14 : memref<8192xi32, #tpu.memory_space<hbm>>) target_semaphore(%run_scoped3A : memref<!tpu.dma_semaphore, #tpu.memory_space<semaphore_mem>>)
      %dma_wait3A = tpu.memref_slice %arg8[%mul3A_2] : memref<262144xi32, #tpu.memory_space<hbm>> -> memref<8192xi32, #tpu.memory_space<hbm>>
      %dma_wait3A_15 = tpu.memref_slice %arg8[%mul3A_2] : memref<262144xi32, #tpu.memory_space<hbm>> -> memref<8192xi32, #tpu.memory_space<hbm>>
      tpu.wait_dma2 semaphore(%run_scoped3A : memref<!tpu.dma_semaphore, #tpu.memory_space<semaphore_mem>>) src(%arg14 : memref<8192xi32, #tpu.memory_space<vmem>>) dst(%dma_wait3A_15 : memref<8192xi32, #tpu.memory_space<hbm>>)
      tpu.yield
    }) : () -> ()
    "tpu.region"() ({
      %run_scoped3A = tpu.sem_alloc : memref<!tpu.dma_semaphore, #tpu.memory_space<semaphore_mem>>
      %dma_start3A = tpu.memref_slice %arg9[%mul3A_2] : memref<262144xi32, #tpu.memory_space<hbm>> -> memref<8192xi32, #tpu.memory_space<hbm>>
      %dma_start3A_14 = tpu.memref_slice %arg9[%mul3A_2] : memref<262144xi32, #tpu.memory_space<hbm>> -> memref<8192xi32, #tpu.memory_space<hbm>>
      tpu.enqueue_dma source(%arg15 : memref<8192xi32, #tpu.memory_space<vmem>>) target(%dma_start3A_14 : memref<8192xi32, #tpu.memory_space<hbm>>) target_semaphore(%run_scoped3A : memref<!tpu.dma_semaphore, #tpu.memory_space<semaphore_mem>>)
      %dma_wait3A = tpu.memref_slice %arg9[%mul3A_2] : memref<262144xi32, #tpu.memory_space<hbm>> -> memref<8192xi32, #tpu.memory_space<hbm>>
      %dma_wait3A_15 = tpu.memref_slice %arg9[%mul3A_2] : memref<262144xi32, #tpu.memory_space<hbm>> -> memref<8192xi32, #tpu.memory_space<hbm>>
      tpu.wait_dma2 semaphore(%run_scoped3A : memref<!tpu.dma_semaphore, #tpu.memory_space<semaphore_mem>>) src(%arg15 : memref<8192xi32, #tpu.memory_space<vmem>>) dst(%dma_wait3A_15 : memref<8192xi32, #tpu.memory_space<hbm>>)
      tpu.yield
    }) : () -> ()
    return
  }
}

module attributes {stable_mosaic.version = 14 : i64} {
  func.func @_tc_body(%arg0: i32, %arg1: memref<1x256x256xf32, #tpu.memory_space<vmem>>, %arg2: memref<1x256x256xf32, #tpu.memory_space<vmem>>, %arg3: memref<1x256x256xf32, #tpu.memory_space<vmem>>, %arg4: memref<1x256x256xf32, #tpu.memory_space<vmem>>, %arg5: memref<1x256x256xf32, #tpu.memory_space<vmem>>, %arg6: memref<1x256x256xf32, #tpu.memory_space<vmem>>, %arg7: memref<1x256x256xf32, #tpu.memory_space<vmem>>, %arg8: memref<1x256x256xf32, #tpu.memory_space<vmem>>, %arg9: memref<1x256x256xf32, #tpu.memory_space<vmem>>, %arg10: memref<1x256x256xf32, #tpu.memory_space<vmem>>, %arg11: memref<1x12x256xf32, #tpu.memory_space<vmem>>, %arg12: memref<1x12x256xf32, #tpu.memory_space<vmem>>, %arg13: memref<1x256x256xf32, #tpu.memory_space<vmem>>) attributes {dimension_semantics = [#tpu.dimension_semantics<arbitrary>], iteration_bounds = array<i64: 6>, scalar_prefetch = 0 : i64, scratch_operands = 0 : i64, tpu.core_type = #tpu.core_type<tc>, window_params = [{transform_indices = @transform_0, window_bounds = array<i64: 1, 256, 256>}, {transform_indices = @transform_1, window_bounds = array<i64: 1, 256, 256>}, {transform_indices = @transform_2, window_bounds = array<i64: 1, 256, 256>}, {transform_indices = @transform_3, window_bounds = array<i64: 1, 256, 256>}, {transform_indices = @transform_4, window_bounds = array<i64: 1, 256, 256>}, {transform_indices = @transform_5, window_bounds = array<i64: 1, 256, 256>}, {transform_indices = @transform_6, window_bounds = array<i64: 1, 256, 256>}, {transform_indices = @transform_7, window_bounds = array<i64: 1, 256, 256>}, {transform_indices = @transform_8, window_bounds = array<i64: 1, 256, 256>}, {transform_indices = @transform_9, window_bounds = array<i64: 1, 256, 256>}, {transform_indices = @transform_10, window_bounds = array<i64: 1, 12, 256>}, {transform_indices = @transform_11, window_bounds = array<i64: 1, 12, 256>}, {transform_indices = @transform_12, window_bounds = array<i64: 1, 256, 256>}]} {
    %get3A = arith.constant 0 : index
    %get3A_0 = arith.constant 0 : index
    %get3A_1 = arith.constant 0 : index
    %get3A_2 = vector.load %arg8[%get3A, %get3A_0, %get3A_1] : memref<1x256x256xf32, #tpu.memory_space<vmem>>, vector<1x256x256xf32>
    %get3A_3 = vector.shape_cast %get3A_2 : vector<1x256x256xf32> to vector<256x256xf32>
    %gt3A = arith.constant 5.000000e-01 : f32
    %gt3A_4 = vector.broadcast %gt3A : f32 to vector<256x256xf32>
    %gt3A_5 = arith.cmpf ogt, %get3A_3, %gt3A_4 : vector<256x256xf32>
    %get3A_6 = arith.constant 0 : index
    %get3A_7 = arith.constant 0 : index
    %get3A_8 = arith.constant 0 : index
    %get3A_9 = vector.load %arg4[%get3A_6, %get3A_7, %get3A_8] : memref<1x256x256xf32, #tpu.memory_space<vmem>>, vector<1x256x256xf32>
    %get3A_10 = vector.shape_cast %get3A_9 : vector<1x256x256xf32> to vector<256x256xf32>
    %get3A_11 = arith.constant 0 : index
    %get3A_12 = arith.constant 0 : index
    %get3A_13 = arith.constant 0 : index
    %get3A_14 = vector.load %arg7[%get3A_11, %get3A_12, %get3A_13] : memref<1x256x256xf32, #tpu.memory_space<vmem>>, vector<1x256x256xf32>
    %get3A_15 = vector.shape_cast %get3A_14 : vector<1x256x256xf32> to vector<256x256xf32>
    %gt3A_16 = arith.constant 5.000000e-01 : f32
    %gt3A_17 = vector.broadcast %gt3A_16 : f32 to vector<256x256xf32>
    %gt3A_18 = arith.cmpf ogt, %get3A_15, %gt3A_17 : vector<256x256xf32>
    %get3A_19 = arith.constant 0 : index
    %get3A_20 = arith.constant 0 : index
    %get3A_21 = arith.constant 0 : index
    %get3A_22 = vector.load %arg3[%get3A_19, %get3A_20, %get3A_21] : memref<1x256x256xf32, #tpu.memory_space<vmem>>, vector<1x256x256xf32>
    %get3A_23 = vector.shape_cast %get3A_22 : vector<1x256x256xf32> to vector<256x256xf32>
    %get3A_24 = arith.constant 0 : index
    %get3A_25 = arith.constant 0 : index
    %get3A_26 = arith.constant 0 : index
    %get3A_27 = vector.load %arg6[%get3A_24, %get3A_25, %get3A_26] : memref<1x256x256xf32, #tpu.memory_space<vmem>>, vector<1x256x256xf32>
    %get3A_28 = vector.shape_cast %get3A_27 : vector<1x256x256xf32> to vector<256x256xf32>
    %gt3A_29 = arith.constant 5.000000e-01 : f32
    %gt3A_30 = vector.broadcast %gt3A_29 : f32 to vector<256x256xf32>
    %gt3A_31 = arith.cmpf ogt, %get3A_28, %gt3A_30 : vector<256x256xf32>
    %get3A_32 = arith.constant 0 : index
    %get3A_33 = arith.constant 0 : index
    %get3A_34 = arith.constant 0 : index
    %get3A_35 = vector.load %arg2[%get3A_32, %get3A_33, %get3A_34] : memref<1x256x256xf32, #tpu.memory_space<vmem>>, vector<1x256x256xf32>
    %get3A_36 = vector.shape_cast %get3A_35 : vector<1x256x256xf32> to vector<256x256xf32>
    %get3A_37 = arith.constant 0 : index
    %get3A_38 = arith.constant 0 : index
    %get3A_39 = arith.constant 0 : index
    %get3A_40 = vector.load %arg5[%get3A_37, %get3A_38, %get3A_39] : memref<1x256x256xf32, #tpu.memory_space<vmem>>, vector<1x256x256xf32>
    %get3A_41 = vector.shape_cast %get3A_40 : vector<1x256x256xf32> to vector<256x256xf32>
    %gt3A_42 = arith.constant 5.000000e-01 : f32
    %gt3A_43 = vector.broadcast %gt3A_42 : f32 to vector<256x256xf32>
    %gt3A_44 = arith.cmpf ogt, %get3A_41, %gt3A_43 : vector<256x256xf32>
    %get3A_45 = arith.constant 0 : index
    %get3A_46 = arith.constant 0 : index
    %get3A_47 = arith.constant 0 : index
    %get3A_48 = vector.load %arg1[%get3A_45, %get3A_46, %get3A_47] : memref<1x256x256xf32, #tpu.memory_space<vmem>>, vector<1x256x256xf32>
    %get3A_49 = vector.shape_cast %get3A_48 : vector<1x256x256xf32> to vector<256x256xf32>
    %get3A_50 = arith.constant 0 : index
    %get3A_51 = arith.constant 0 : index
    %get3A_52 = arith.constant 0 : index
    %get3A_53 = vector.load %arg9[%get3A_50, %get3A_51, %get3A_52] : memref<1x256x256xf32, #tpu.memory_space<vmem>>, vector<1x256x256xf32>
    %get3A_54 = vector.shape_cast %get3A_53 : vector<1x256x256xf32> to vector<256x256xf32>
    %select_n3A = arith.select %gt3A_44, %get3A_49, %get3A_54 : vector<256x256xi1>, vector<256x256xf32>
    %select_n3A_55 = arith.select %gt3A_31, %get3A_36, %select_n3A : vector<256x256xi1>, vector<256x256xf32>
    %select_n3A_56 = arith.select %gt3A_18, %get3A_23, %select_n3A_55 : vector<256x256xi1>, vector<256x256xf32>
    %select_n3A_57 = arith.select %gt3A_5, %get3A_10, %select_n3A_56 : vector<256x256xi1>, vector<256x256xf32>
    %get3A_58 = arith.constant 0 : index
    %get3A_59 = arith.constant 0 : index
    %get3A_60 = arith.constant 0 : index
    %get3A_61 = vector.load %arg10[%get3A_58, %get3A_59, %get3A_60] : memref<1x256x256xf32, #tpu.memory_space<vmem>>, vector<1x256x256xf32>
    %get3A_62 = vector.shape_cast %get3A_61 : vector<1x256x256xf32> to vector<256x256xf32>
    %mul3A = arith.constant 9.750000e-01 : f32
    %mul3A_63 = vector.broadcast %mul3A : f32 to vector<256x256xf32>
    %mul3A_64 = arith.mulf %get3A_62, %mul3A_63 : vector<256x256xf32>
    %add3A = arith.addf %select_n3A_57, %mul3A_64 : vector<256x256xf32>
    %get3A_65 = arith.constant 0 : index
    %get3A_66 = arith.constant 0 : index
    %get3A_67 = arith.constant 0 : index
    %get3A_68 = vector.load %arg11[%get3A_65, %get3A_66, %get3A_67] : memref<1x12x256xf32, #tpu.memory_space<vmem>>, vector<1x12x256xf32>
    %get3A_69 = vector.shape_cast %get3A_68 : vector<1x12x256xf32> to vector<12x256xf32>
    %dot_general3A = arith.constant dense<0.000000e+00> : vector<12x256xf32>
    %dot_general3A_70 = tpu.matmul %get3A_69, %add3A, %dot_general3A {dimension_numbers = #tpu.dot_dimension_numbers<[1], [0], [0], [1], [0, 0, 1, 1], [], []>, transpose_lhs_hint = false} : vector<12x256xf32>, vector<256x256xf32>, vector<12x256xf32> -> vector<12x256xf32>
    %swap3A = arith.constant 0 : index
    %swap3A_71 = arith.constant 0 : index
    %swap3A_72 = arith.constant 0 : index
    %swap3A_73 = vector.load %arg12[%swap3A, %swap3A_71, %swap3A_72] : memref<1x12x256xf32, #tpu.memory_space<vmem>>, vector<1x12x256xf32>
    %swap3A_74 = vector.shape_cast %swap3A_73 : vector<1x12x256xf32> to vector<12x256xf32>
    %swap3A_75 = vector.shape_cast %dot_general3A_70 : vector<12x256xf32> to vector<1x12x256xf32>
    tpu.vector_store %arg12[%swap3A, %swap3A_71, %swap3A_72], %swap3A_75 {strides = array<i32>} : memref<1x12x256xf32, #tpu.memory_space<vmem>>, vector<1x12x256xf32>,
    %transpose3A = tpu.transpose %add3A, [1, 0] : vector<256x256xf32> -> vector<256x256xf32>
    %swap3A_76 = arith.constant 0 : index
    %swap3A_77 = arith.constant 0 : index
    %swap3A_78 = arith.constant 0 : index
    %swap3A_79 = vector.load %arg13[%swap3A_76, %swap3A_77, %swap3A_78] : memref<1x256x256xf32, #tpu.memory_space<vmem>>, vector<1x256x256xf32>
    %swap3A_80 = vector.shape_cast %swap3A_79 : vector<1x256x256xf32> to vector<256x256xf32>
    %swap3A_81 = vector.shape_cast %transpose3A : vector<256x256xf32> to vector<1x256x256xf32>
    tpu.vector_store %arg13[%swap3A_76, %swap3A_77, %swap3A_78], %swap3A_81 {strides = array<i32>} : memref<1x256x256xf32, #tpu.memory_space<vmem>>, vector<1x256x256xf32>,
    return
  }
  func.func @transform_0(%arg0: i32) -> (i32, i32, i32) {
    %c0_i32 = arith.constant 0 : i32
    %c0_i32_0 = arith.constant 0 : i32
    %c0_i32_1 = arith.constant 0 : i32
    return %arg0, %c0_i32, %c0_i32_0 : i32, i32, i32
  }
  func.func @transform_1(%arg0: i32) -> (i32, i32, i32) {
    %c0_i32 = arith.constant 0 : i32
    %c0_i32_0 = arith.constant 0 : i32
    %c0_i32_1 = arith.constant 0 : i32
    return %arg0, %c0_i32, %c0_i32_0 : i32, i32, i32
  }
  func.func @transform_2(%arg0: i32) -> (i32, i32, i32) {
    %c0_i32 = arith.constant 0 : i32
    %c0_i32_0 = arith.constant 0 : i32
    %c0_i32_1 = arith.constant 0 : i32
    return %arg0, %c0_i32, %c0_i32_0 : i32, i32, i32
  }
  func.func @transform_3(%arg0: i32) -> (i32, i32, i32) {
    %c0_i32 = arith.constant 0 : i32
    %c0_i32_0 = arith.constant 0 : i32
    %c0_i32_1 = arith.constant 0 : i32
    return %arg0, %c0_i32, %c0_i32_0 : i32, i32, i32
  }
  func.func @transform_4(%arg0: i32) -> (i32, i32, i32) {
    %c0_i32 = arith.constant 0 : i32
    %c0_i32_0 = arith.constant 0 : i32
    %c0_i32_1 = arith.constant 0 : i32
    return %arg0, %c0_i32, %c0_i32_0 : i32, i32, i32
  }
  func.func @transform_5(%arg0: i32) -> (i32, i32, i32) {
    %c0_i32 = arith.constant 0 : i32
    %c0_i32_0 = arith.constant 0 : i32
    %c0_i32_1 = arith.constant 0 : i32
    return %arg0, %c0_i32, %c0_i32_0 : i32, i32, i32
  }
  func.func @transform_6(%arg0: i32) -> (i32, i32, i32) {
    %c0_i32 = arith.constant 0 : i32
    %c0_i32_0 = arith.constant 0 : i32
    %c0_i32_1 = arith.constant 0 : i32
    return %arg0, %c0_i32, %c0_i32_0 : i32, i32, i32
  }
  func.func @transform_7(%arg0: i32) -> (i32, i32, i32) {
    %c0_i32 = arith.constant 0 : i32
    %c0_i32_0 = arith.constant 0 : i32
    %c0_i32_1 = arith.constant 0 : i32
    return %arg0, %c0_i32, %c0_i32_0 : i32, i32, i32
  }
  func.func @transform_8(%arg0: i32) -> (i32, i32, i32) {
    %c0_i32 = arith.constant 0 : i32
    %c0_i32_0 = arith.constant 0 : i32
    %c0_i32_1 = arith.constant 0 : i32
    return %arg0, %c0_i32, %c0_i32_0 : i32, i32, i32
  }
  func.func @transform_9(%arg0: i32) -> (i32, i32, i32) {
    %c0_i32 = arith.constant 0 : i32
    %c0_i32_0 = arith.constant 0 : i32
    %c0_i32_1 = arith.constant 0 : i32
    return %arg0, %c0_i32, %c0_i32_0 : i32, i32, i32
  }
  func.func @transform_10(%arg0: i32) -> (i32, i32, i32) {
    %c0_i32 = arith.constant 0 : i32
    %c0_i32_0 = arith.constant 0 : i32
    %c0_i32_1 = arith.constant 0 : i32
    return %arg0, %c0_i32, %c0_i32_0 : i32, i32, i32
  }
  func.func @transform_11(%arg0: i32) -> (i32, i32, i32) {
    %c0_i32 = arith.constant 0 : i32
    %c0_i32_0 = arith.constant 0 : i32
    %c0_i32_1 = arith.constant 0 : i32
    return %arg0, %c0_i32, %c0_i32_0 : i32, i32, i32
  }
  func.func @transform_12(%arg0: i32) -> (i32, i32, i32) {
    %c0_i32 = arith.constant 0 : i32
    %c0_i32_0 = arith.constant 0 : i32
    %c0_i32_1 = arith.constant 0 : i32
    return %arg0, %c0_i32, %c0_i32_0 : i32, i32, i32
  }
}

</mosaic_0001>

<sc_bundles>
// kernel: kernel.12.cloned.1.call-start
scs
__scs_entry_jumppad:
0x0: {  	(pc) =	sbr.rel $0x88, $3  }
0x1: {  	(tag) =	ssettag $0x0;
	lr =	simm.s32 $0x1  }
0x2: {  	[smem:$0x3F99] =	sst lr;
	_ =	strace $0xD0000000  }
0x3: {  	_ = 	snop  }
0x4: {  	_ = 	snop  }
0x5: {  	_ = 	snop  }
0x6: {  	_ = 	snop  }
0x7: {  	_ = 	snop  }
__scs_overlays_trampoline_lowered:
0x8: {  	[smem:$0x3FA8] =	sst s0  }
0x9: {  	[smem:$0x3FA9] =	sst s1  }
0xa: {  	[smem:$0x3FAA] =	sst s2  }
0xb: {  	[smem:$0x3FAB] =	sst s3  }
0xc: {  	[smem:$0x3FAC] =	sst s4  }
0xd: {  	[smem:$0x3FAD] =	sst s5  }
0xe: {  	[smem:$0x3FAE] =	sst s6  }
0xf: {  	[smem:$0x3FAF] =	sst s7  }
0x10: {  	[smem:$0x3FB0] =	sst s8  }
0x11: {  	[smem:$0x3FB1] =	sst s9;
	s0 =	simm.s32 @!p0 $0x0  }
0x12: {  	s1 =	sld [smem:$0x3F97];
	s0 =	simm.s32 @p0 $0x1  }
0x13: {  	[smem:$0x3FB2] =	sst s0;
	s0 =	simm.s32 @!p1 $0x0  }
0x14: {  	s2 =	sld [smem:$0x3F96];
	s0 =	simm.s32 @p1 $0x1  }
0x15: {  	[smem:$0x3FB3] =	sst s0;
	s0 =	simm.s32 @!p2 $0x0  }
0x16: {  	s3 =	sld [smem:$0x3FDB];
	s0 =	simm.s32 @p2 $0x1  }
0x17: {  	s4 =	simm.s32 $0x1BF5;
	[smem:$0x3FB5] =	sst s0  }
0x18: {  	s0 =	sld [smem:$0x3F98];
	_ =	swait.ge [sflag:s4], $0x0  }
0x19: {  	s7 =	sld [smem:$0x3F99]  }
0x1a: {  	s8 =	sadd.s32 $0xFFFFE003, lr  }
0x1b: {  	s9 =	sadd.s32 $0xFFFFFEF7, lr;
	s5 =	simm.s32 $0xFFFFFFFF;
	p2 =	slt.u32 s8, $0xFFFFF086  }
0x1c: {  	p1 =	slt.u32 s9, $0xF7A;
	s5 =	simm.s32 @!p2 $0x0  }
0x1d: {  	s5 =	simm.s32 @p1 $0x1;
	p0 =	seq.s32 s7, s2  }
0x1e: {  	s7 =	smul.u32 @!p0 $0xF7A, s2;
	p2 =	seq.s32 @!p0 s5, $0x0  }
0x1f: {  	s9 =	smul.u32 $0xF7A, s1;
	s8 =	simm.s32 @!p0 $0x1BF5;
	p2 =	por !p2, p0  }
0x20: {  	[sflag:s8] =	ssyncset.s32 @!p0 $0xFFFFF086;
	s6 =	sadd.s32 @!p0 s3, s7;
	s7 =	simm.s32 @!p0 $0x108  }
0x21: {  	s3 =	sadd.s32 s3, s9;
	s6 =	sadd.s32 @!p0 $0x88, s6;
	s7 =	simm.s32 @p2 $0x1082  }
0x22: {  	[simem:s7], [sflag:s8] =	dma.local @!p0 [hbm:s6], $0xF7A  }
0x23: {  	s9 =	sor.u32 $0xD0000000, s2;
	s6 =	simm.s32 $0x108;
	_ =	swait.ge @!p0 [sflag:s8], $0x0  }
0x24: {  	s3 =	sadd.s32 $0x88, s3;
	s6 =	simm.s32 @!p1 $0x1082;
	[sflag:s4] =	ssyncset.s32 $0xFFFFF086  }
0x25: {  	[simem:s6], [sflag:s4] =	dma.local [hbm:s3], $0xF7A  }
0x26: {  	[smem:$0x3F99] =	sst s1;
	(tag) =	ssettag s2;
	_ =	strace s9  }
0x27: {  	s1 =	sld [smem:$0x3FA9]  }
0x28: {  	s2 =	sld [smem:$0x3FAA]  }
0x29: {  	s4 =	sld [smem:$0x3FAC]  }
0x2a: {  	p0 =	seq.s32 s5, $0x0;
	s5 =	sld [smem:$0x3FAD]  }
0x2b: {  	s6 =	sld [smem:$0x3FAE]  }
0x2c: {  	s7 =	sld [smem:$0x3FAF]  }
0x2d: {  	s3 =	simm.s32 $0x108;
	s8 =	sld [smem:$0x3FB0]  }
0x2e: {  	s3 =	simm.s32 @!p0 $0x1082;
	s9 =	sld [smem:$0x3FB1]  }
0x2f: {  	lr =	sadd.s32 s0, s3;
	s0 =	sld [smem:$0x3FA8]  }
0x30: {  	s3 =	sld [smem:$0x3FAB]  }
0x31: {  	[smem:$0x3FB4] =	sst s10  }
0x32: {  	s10 =	sld [smem:$0x3FB2];
	_ =	sdelay $0x3  }
0x33: {  	p0 =	seq.s32 s10, $0x1;
	s10 =	sld [smem:$0x3FB4];
	_ =	sdelay $0x3  }
0x34: {  	[smem:$0x3FB4] =	sst s10  }
0x35: {  	s10 =	sld [smem:$0x3FB3];
	_ =	sdelay $0x3  }
0x36: {  	p1 =	seq.s32 s10, $0x1;
	s10 =	sld [smem:$0x3FB4];
	_ =	sdelay $0x3  }
0x37: {  	[smem:$0x3FB4] =	sst s10  }
0x38: {  	s10 =	sld [smem:$0x3FB5]  }
0x39: {  	_ = 	snop;
	(pc) =	sbr.ind lr, $3  }
0x3a: {  	_ = 	snop  }
0x3b: {  	_ = 	snop  }
0x3c: {  	p2 =	seq.s32 s10, $0x1;
	s10 =	sld [smem:$0x3FB4]  }
0x3d: {  	_ =	shalt  }
0x3e: {  	_ =	shalt  }
0x3f: {  	_ =	shalt  }
0x40: {  	_ =	shalt  }
0x41: {  	_ =	shalt  }
0x42: {  	_ =	shalt  }
0x43: {  	_ =	shalt  }
0x44: {  	_ =	shalt  }
0x45: {  	_ =	shalt  }
0x46: {  	_ =	shalt  }
0x47: {  	_ =	shalt  }
0x48: {  	_ =	shalt  }
0x49: {  	_ =	shalt  }
0x4a: {  	_ =	shalt  }
0x4b: {  	_ =	shalt  }
0x4c: {  	_ =	shalt  }
0x4d: {  	_ =	shalt  }
0x4e: {  	_ =	shalt  }
0x4f: {  	_ =	shalt  }
0x50: {  	_ =	shalt  }
0x51: {  	_ =	shalt  }
0x52: {  	_ =	shalt  }
0x53: {  	_ =	shalt  }
0x54: {  	_ =	shalt  }
0x55: {  	_ =	shalt  }
0x56: {  	_ =	shalt  }
0x57: {  	_ =	shalt  }
0x58: {  	_ =	shalt  }
0x59: {  	_ =	shalt  }
0x5a: {  	_ =	shalt  }
0x5b: {  	_ =	shalt  }
0x5c: {  	_ =	shalt  }
0x5d: {  	_ =	shalt  }
0x5e: {  	_ =	shalt  }
0x5f: {  	_ =	shalt  }
0x60: {  	_ =	shalt  }
0x61: {  	_ =	shalt  }
0x62: {  	_ =	shalt  }
0x63: {  	_ =	shalt  }
0x64: {  	_ =	shalt  }
0x65: {  	_ =	shalt  }
0x66: {  	_ =	shalt  }
0x67: {  	_ =	shalt  }
0x68: {  	_ =	shalt  }
0x69: {  	_ =	shalt  }
0x6a: {  	_ =	shalt  }
0x6b: {  	_ =	shalt  }
0x6c: {  	_ =	shalt  }
0x6d: {  	_ =	shalt  }
0x6e: {  	_ =	shalt  }
0x6f: {  	_ =	shalt  }
0x70: {  	_ =	shalt  }
0x71: {  	_ =	shalt  }
0x72: {  	_ =	shalt  }
0x73: {  	_ =	shalt  }
0x74: {  	_ =	shalt  }
0x75: {  	_ =	shalt  }
0x76: {  	_ =	shalt  }
0x77: {  	_ =	shalt  }
0x78: {  	_ =	shalt  }
0x79: {  	_ =	shalt  }
0x7a: {  	_ =	shalt  }
0x7b: {  	_ =	shalt  }
0x7c: {  	_ =	shalt  }
0x7d: {  	_ =	shalt  }
0x7e: {  	_ =	shalt  }
0x7f: {  	_ =	shalt  }
0x80: {  	_ =	shalt  }
0x81: {  	_ =	shalt  }
0x82: {  	_ =	shalt  }
0x83: {  	_ =	shalt  }
0x84: {  	_ =	shalt  }
0x85: {  	_ =	shalt  }
0x86: {  	_ =	shalt  }
0x87: {  	_ =	shalt  }
.Lfunc_end0:
.L_simem_size_0:
called_computation.2_lowered:
.L_overlay_start_0:
0x88: {  	s2 =	sld [smem:$0x3FD9]  }
0x89: {  	s3 =	sld [smem:$0x3FFE];
	_ =	sdelay $0x1  }
0x8a: {  	s1 =	srdreg.scid  }
0x8b: {  	s0 =	sand.u32 $0x1, s1  }
0x8c: {  	s14 =	sshll.u32 s0, $0xA;
	s2 =	sadd.s32 s3, s2  }
0x8d: {  	s2 =	sadd.s32 s2, s14  }
0x8e: {  	[smem:$0x3FC0] =	sst s2  }
0x8f: {  	_ = 	snop  }
0x90: {  	s2 =	sld [smem:$0x3FD0];
	_ =	sdelay $0x2  }
0x91: {  	s15 =	simm.s32 $0xA;
	s4 =	simm.s32 $0x10  }
0x92: {  	[smem:s4], [sflag:s15] =	dma.local [hbm:s2], $0x1  }
0x93: {  	_ =	swait.eq [sflag:s15], $0x1  }
0x94: {  	[sflag:s15] =	ssyncset.done $0x0  }
0x95: {  	[sflag:s15] =	ssyncadd.s32 $0xFFFFFFFF  }
0x96: {  	s16 =	sld [smem:$0x11];
	(tm) =	ssettm $0x1  }
0x97: {  	s17 =	sld [smem:$0x3FFB];
	_ =	sdelay $0x3  }
0x98: {  	_ =	strace s17  }
0x99: {  	s3 =	sld [smem:$0x3FFC];
	_ =	sdelay $0x3  }
0x9a: {  	_ =	strace s3  }
0x9b: {  	s3 =	sld [smem:$0x3FFD];
	_ =	sdelay $0x3  }
0x9c: {  	_ =	strace s3  }
0x9d: {  	_ =	strace $0x8FFFFFFF  }
0x9e: {  	s18 =	sld [smem:$0x3FDB];
	_ =	sdelay $0x1  }
0x9f: {  	s19 =	simm.s32 $_scs_section_size  }
0xa0: {  	s5 =	simm.s32 $_size__tile_overlayer_lowered;
	s6 =	simm.s32 $_tile_overlayer_lowered  }
0xa1: {  	s22 =	simm.s32 $0x1BFF;
	s21 =	sshll.u32 s6, $0x1;
	s3 =	sadd.s32 s19, s18  }
0xa2: {  	s7 =	simm.s32 $0x0;
	s20 =	sshll.u32 s5, $0x1;
	s5 =	sadd.s32 s21, s3  }
0xa3: {  	[timem:s7], [sflag:s22] =	dma.local [hbm:s5], s20  }
0xa4: {  	_ =	swait.ge [sflag:s22], s20  }
0xa5: {  	s4 =	ssub.s32 $0x0, s20;
	[sflag:s22] =	ssyncset.done $0x0  }
0xa6: {  	[sflag:s22] =	ssyncadd.s32 s4;
	_ =	sdelay $0x1  }
0xa7: {  	s23 =	simm.s32 $0x1B8B  }
0xa8: {  	_ =	swait.ge [sflag:s23], $0x1  }
0xa9: {  	[sflag:s23] =	ssyncset.done $0x0  }
0xaa: {  	s25 =	simm.s32 $0x1B8E;
	s24 =	sld [smem:$0x3FFE];
	[sflag:s23] =	ssyncadd.s32 $0xFFFFFFFF  }
0xab: {  	s26 =	simm.s32 $execute0_lowered;
	[smem:$0x3FD2] =	sst s25  }
0xac: {  	s5 =	sshll.u32 s26, $0x1;
	_ =	strace $0x8000004C;
	[dreg:$0x1] =	wrdreg $0xFFFFFFFF  }
0xad: {  	s28 =	simm.s32 $_size_execute0_lowered;
	s3 =	sadd.s32 s3, s5;
	[dreg:$0x0] =	wrdreg $0x0  }
0xae: {  	s5 =	sshll.u32 s28, $0x1;
	[dreg:$0x2] =	wrdreg s3  }
0xaf: {  	[dreg:$0x3] =	wrdreg s5  }
0xb0: {  	[dreg:$0x4] =	wrdreg $0xC0  }
0xb1: {  	_ =	task [dreg:s7], $0x5FFFF  }
0xb2: {  	[dreg:$0x1] =	wrdreg $0xFFFFFFFF  }
0xb3: {  	[dreg:$0x0] =	wrdreg $0x60  }
0xb4: {  	[dreg:$0x2] =	wrdreg s24  }
0xb5: {  	[dreg:$0x3] =	wrdreg s16  }
0xb6: {  	[dreg:$0x4] =	wrdreg $0x9  }
0xb7: {  	_ =	task.clear_ibuf [dreg:s7], $0x5FFFF;
	_ =	strace $0x9000004C  }
0xb8: {  	s29 =	simm.s32 $0x9;
	_ =	strace $0x8000004E  }
0xb9: {  	_ =	swait.ge [sflag:s29], $0x1  }
0xba: {  	[sflag:s29] =	ssyncadd.s32 $0xFFFFFFFF  }
0xbb: {  	_ =	strace $0x9000004E  }
0xbc: {  	_ =	sfence  }
0xbd: {  	s30 =	sld [smem:$0x0];
	_ =	sdelay $0x2  }
0xbe: {  	s31 =	sshll.u32 s1, $0xD;
	s1 =	sshrl.u32 s1, $0x2  }
0xbf: {  	s3 =	sand.u32 $0x4000, s31;
	s1 =	sadd.s32 s1, s30  }
0xc0: {  	s0 =	sor.u32 s3, s0;
	s1 =	sshll.u32 s1, $0x11  }
0xc1: {  	s0 =	sor.u32 s1, s0  }
0xc2: {  	s0 =	sadd.s32 $0x8F2B, s0  }
0xc3: {  	[sflag:s0] =	ssyncadd.remote.s32 $0x1  }
0xc4: {  	_ =	sfence.sel $0xFFFF  }
0xc5: {  	[dreg:$0x0] =	wrdreg $0xFFFFFFFF;
	(pc) =	sbr.abs _section_cstart, $3  }
0xc6: {  	[dreg:$0x1] =	wrdreg $0xFFFFFFFF  }
0xc7: {  	_ =	task.clear_ibuf [dreg:s7], $0x2FFFF;
	_ =	strace $0x9FFFFFFF  }
0xc8: {  	(tm) =	ssettm $0x7FFFFFFF  }
0xc9: {  	_ =	shalt  }
tec
execute0_lowered:
.L_overlay_start_1:
0x0: {  	(tag) =	ssettag $0x1  }
0x1: {  	s1 =	rddreg [dreg:$0x0]  }
0x2: {  	s4 =	rddreg [dreg:$0x1]  }
0x3: {  	s5 =	srdreg.scid;
	s15 =	stileid.u32;
	s0 =	sadd.s32 $0xB9C00, s1  }
0x4: {  	s2 =	sadd.s32 $0xC1C00, s1;
	s7 =	sadd.s32 $0x2A00, s1;
	s8 =	sadd.s32 $0xEA00, s1  }
0x5: {  	s9 =	sadd.s32 $0x1AA00, s1;
	s3 =	sadd.s32 $0x26A00, s1;
	s5 =	sand.u32 $0x1, s5  }
0x6: {  	s10 =	sadd.s32 $0x32A00, s1;
	s12 =	sshrl.u32 s15, $0x3;
	s11 =	sshll.u32 s5, $0x1  }
0x7: {  	s6 =	sadd.s32 $0x3EA00, s1;
	s5 =	ssub.s32 $0x2, s5;
	s11 =	sor.u32 s12, s11  }
0x8: {  	s1 =	sadd.s32 $0x4AA00, s1;
	s19 =	sshrl.u32 s5, $0x1;
	s13 =	sshll.u32 s11, $0xD  }
0x9: {  	s5 =	ssub.s32 s5, s19;
	p0 =	sgt.s32 s11, $0x1;
	s20 =	sor.u32 $0x200, s13  }
0xa: {  	s14 =	sor.u32 $0x400, s13;
	s23 =	sor.u32 $0x600, s13;
	s24 =	sor.u32 $0x800, s13  }
0xb: {  	s17 =	sor.u32 $0xA00, s13;
	s19 =	sor.u32 $0xC00, s13;
	s16 =	sadd.s32 s0, s20  }
0xc: {  	p1 =	seq.s32 @p0 s11, $0x2;
	s12 =	sadd.s32 s2, s20;
	[dreg:$0x3] =	wrdreg s16  }
0xd: {  	s30 =	sadd.s32 s0, s13;
	s21 =	sadd.s32 s0, s14;
	[dreg:$0x4] =	wrdreg s12  }
0xe: {  	s31 =	sadd.s32 s2, s13;
	s22 =	sadd.s32 s2, s14;
	[dreg:$0x5] =	wrdreg s21  }
0xf: {  	s5 =	smax.u32 s5, $0x1;
	s25 =	sadd.s32 s0, s23;
	[dreg:$0x6] =	wrdreg s22  }
0x10: {  	s26 =	sadd.s32 s0, s24;
	s18 =	sadd.s32 s0, s17;
	[dreg:$0x7] =	wrdreg s25  }
0x11: {  	s20 =	sadd.s32 s0, s19;
	p1 =	por !p1, !p0;
	[dreg:$0x9] =	wrdreg s26  }
0x12: {  	s14 =	sand.u32 $0x7, s15;
	s12 =	sadd.s32 s2, s23;
	[dreg:$0xb] =	wrdreg s18  }
0x13: {  	s16 =	sadd.s32 s2, s24;
	[dreg:$0xd] =	wrdreg s20;
	s21 =	sadd.s32 s2, s19  }
0x14: {  	s8 =	smov.u32 @p1 s9;
	s22 =	sor.u32 $0xE00, s13;
	s6 =	smov.u32 @p1 s1  }
0x15: {  	p1 =	seq.s32 @!p0 s11, $0x0;
	s25 =	sor.u32 $0x1000, s13;
	[dreg:$0x8] =	wrdreg s12  }
0x16: {  	s9 =	sor.u32 $0x1600, s13;
	s11 =	sor.u32 $0x1A00, s13;
	[dreg:$0xa] =	wrdreg s16  }
0x17: {  	s15 =	smul.u32 $0x1800, s14;
	s12 =	sadd.s32 s2, s17;
	[dreg:$0xe] =	wrdreg s21  }
0x18: {  	s23 =	sadd.s32 s0, s22;
	s24 =	sadd.s32 s2, s22;
	p1 =	por !p1, p0  }
0x19: {  	s26 =	sadd.s32 s0, s25;
	s1 =	sadd.s32 s2, s25;
	[dreg:$0xc] =	wrdreg s12  }
0x1a: {  	s21 =	sadd.s32 s0, s9;
	s22 =	sadd.s32 s2, s9;
	[dreg:$0xf] =	wrdreg s23  }
0x1b: {  	s25 =	sadd.s32 s0, s11;
	s16 =	smul.u32 $0xC000, s14;
	[dreg:$0x10] =	wrdreg s24  }
0x1c: {  	s9 =	simm.s32 $0x2;
	s14 =	simm.s32 $0x0;
	[dreg:$0x11] =	wrdreg s26  }
0x1d: {  	s4 =	smov.u32 @p1 s7;
	[dreg:$0x12] =	wrdreg s1;
	s3 =	smov.u32 @p1 s10  }
0x1e: {  	s7 =	sor.u32 $0x1200, s13;
	s10 =	sor.u32 $0x1800, s13;
	s26 =	sadd.s32 s2, s11  }
0x1f: {  	s12 =	sor.u32 $0x1C00, s13;
	s1 =	simm.s32 $0x0;
	s11 =	simm.s32 $0x1B100  }
0x20: {  	s4 =	smov.u32 @p0 s8;
	s17 =	sadd.s32 s0, s7;
	s18 =	sadd.s32 s2, s7  }
0x21: {  	s8 =	sor.u32 $0x1400, s13;
	s23 =	sadd.s32 s0, s10;
	s24 =	sadd.s32 s2, s10  }
0x22: {  	s28 =	sadd.s32 s0, s12;
	s29 =	sadd.s32 s2, s12;
	s13 =	sor.u32 $0x1E00, s13  }
0x23: {  	s3 =	smov.u32 @p0 s6;
	[smem:$0x7FF] =	sst s1;
	s6 =	simm.s32 $0x18100  }
0x24: {  	s7 =	simm.s32 $0x1A100;
	s10 =	simm.s32 $0x19100;
	s12 =	simm.s32 $0xC080  }
0x25: {  	s19 =	sadd.s32 s0, s8;
	s20 =	sadd.s32 s2, s8;
	s0 =	sadd.s32 s0, s13  }
0x26: {  	v2 =	vlaneseq.u32;
	v1 =	vimm.f32 $0.0e+00;
	s2 =	sadd.s32 s2, s13;
	s3 =	sadd.s32 s3, s15;
	s4 =	sadd.s32 s4, s15  }
0x27: {  	v3 =	vimm.f32 $1.000000000e+00;
	v2 =	vor.u32 $0xC000, v2;
	v0 =	vmov s16;
	_ =	strace $0x8000004D;
	s8 =	simm.s32 $0x1;
	s13 =	simm.s32 $0x3  }
.LBB2_1:
0x28: {  	s15 =	simm.s32 $0x0;
	s16 =	simm.s32 $0x200  }
.LBB2_2:
0x29: {  	p0 =	sne.s32 s16, $0x2FE00;
	[tilespmem:s15+$0xC0F0] =	vst v1  }
0x2a: {  	[tilespmem:s15+$0xC080] =	vst v1  }
0x2b: {  	[tilespmem:s15+$0xC090] =	vst v1  }
.Ltmp0:
0x2c: {  	[tilespmem:s15+$0xC0A0] =	vst v1;
	(pc) =	sbr.rel @p0 .LBB2_2-.Ltmp0, $4  }
0x2d: {  	[tilespmem:s15+$0xC0B0] =	vst v1  }
0x2e: {  	[tilespmem:s15+$0xC0C0] =	vst v1  }
0x2f: {  	[tilespmem:s15+$0xC0D0] =	vst v1  }
0x30: {  	[tilespmem:s15+$0xC0E0] =	vst v1;
	s15 =	sshra.s32 s16, $0x2;
	s16 =	sadd.s32 $0x200, s16  }
0x31: {  	[tilespmem:s15+$0xC0F0] =	vst v1  }
0x32: {  	[tilespmem:s15+$0xC080] =	vst v1  }
0x33: {  	[tilespmem:s15+$0xC090] =	vst v1  }
0x34: {  	[tilespmem:s15+$0xC0A0] =	vst v1  }
0x35: {  	[tilespmem:s15+$0xC0B0] =	vst v1  }
0x36: {  	[tilespmem:s15+$0xC0C0] =	vst v1  }
0x37: {  	[tilespmem:s15+$0xC0D0] =	vst v1  }
0x38: {  	[tilespmem:s15+$0xC0E0] =	vst v1;
	s15 =	simm.s32 $0x0  }
0x39: {  	[tilespmem:s6], [sflag:$0x1] =	stream.linear.gather [hbm4b:s30+s15], $0x1000, $0x38;
	[tilespmem:$0x1C100] =	vst v63  }
0x3a: {  	_ = 	snop  }
0x3b: {  	[tilespmem:s7], [sflag:$0x2] =	stream.linear.gather [hbm4b:s31+s15], $0x1000, $0x38;
	[tilespmem:$0x1C100] =	vst v63  }
0x3c: {  	_ =	swait.ge [sflag:s8], $0x1000  }
0x3d: {  	[sflag:s8] =	ssyncset.done $0x0  }
0x3e: {  	[sflag:s8] =	ssyncadd.s32 $0xFFFFF000  }
0x3f: {  	_ =	swait.ge [sflag:s9], $0x1000  }
0x40: {  	[sflag:s9] =	ssyncset.done $0x0  }
0x41: {  	s16 =	rddreg [dreg:$0x3];
	[sflag:s9] =	ssyncadd.s32 $0xFFFFF000  }
0x42: {  	[tilespmem:s10], [sflag:$0x1] =	stream.linear.gather [hbm4b:s16+s15], $0x1000, $0x38;
	[tilespmem:$0x1C100] =	vst v63  }
0x43: {  	s16 =	rddreg [dreg:$0x4]  }
0x44: {  	[tilespmem:s11], [sflag:$0x2] =	stream.linear.gather [hbm4b:s16+s15], $0x1000, $0x38;
	[tilespmem:$0x1C100] =	vst v63  }
0x45: {  	s16 =	simm.s32 $0x0  }
0x46: {  	v7 =	vld [tilespmem:s16+$0x18130]  }
0x47: {  	v8 =	vld [tilespmem:s16+$0x1A100]  }
0x48: {  	v5 =	vld [tilespmem:s16+$0x18120]  }
0x49: {  	v4 =	vld [tilespmem:s16+$0x1A150]  }
0x4a: {  	v9 =	vld [tilespmem:s16+$0x18100]  }
0x4b: {  	v6 =	vld [tilespmem:s16+$0x18110]  }
0x4c: {  	v10 =	vld [tilespmem:s16+$0x1A130]  }
0x4d: {  	v11 =	vld [tilespmem:s16+$0x1A110]  }
0x4e: {  	v12 =	vld [tilespmem:s16+$0x18140]  }
0x4f: {  	v13 =	vld [tilespmem:s16+$0x18160];
	v9 =	vsub.s32 v9, v0  }
0x50: {  	v14 =	vld [tilespmem:s16+$0x18150];
	v9 =	vmin.u32 v9, v2  }
0x51: {  	v15 =	vld [tilespmem:s16+$0x1A120];
	v6 =	vsub.s32 v6, v0  }
0x52: {  	v16 =	vld [tilespmem:s16+$0x18170];
	v17 =	vmin.u32 v6, v2  }
0x53: {  	v18 =	vld [tilespmem:s16+$0x1A140];
	v5 =	vsub.s32 v5, v0  }
0x54: {  	v6 =	vld [tilespmem:s16+$0x1A160];
	v19 =	vmin.u32 v5, v2  }
0x55: {  	v7 =	vsub.s32 v7, v0;
	v5 =	vld [tilespmem:s16+$0x1A170];
	[tilespmem:v9+s1+$0x0] =	vst.idx.msk $0xffff, v8  }
0x56: {  	v7 =	vmin.u32 v7, v2;
	[tilespmem:v9+s12+$0x0] =	vst.idx.msk $0xffff, v3  }
0x57: {  	[tilespmem:v17+s1+$0x0] =	vst.idx.msk $0xffff, v11  }
0x58: {  	[tilespmem:v17+s12+$0x0] =	vst.idx.msk $0xffff, v3  }
0x59: {  	v8 =	vsub.s32 v12, v0;
	[tilespmem:v19+s1+$0x0] =	vst.idx.msk $0xffff, v15  }
0x5a: {  	v11 =	vmin.u32 v8, v2;
	[tilespmem:v19+s12+$0x0] =	vst.idx.msk $0xffff, v3  }
0x5b: {  	v9 =	vsub.s32 v14, v0;
	[tilespmem:v7+s1+$0x0] =	vst.idx.msk $0xffff, v10  }
0x5c: {  	[tilespmem:v7+s12+$0x0] =	vst.idx.msk $0xffff, v3;
	v7 =	vmin.u32 v9, v2  }
0x5d: {  	v8 =	vsub.s32 v13, v0  }
0x5e: {  	v9 =	vmin.u32 v8, v2  }
0x5f: {  	v10 =	vsub.s32 v16, v0;
	[tilespmem:v11+s1+$0x0] =	vst.idx.msk $0xffff, v18  }
0x60: {  	s15 =	simm.s32 $0x200;
	v8 =	vmin.u32 v10, v2;
	[tilespmem:v11+s12+$0x0] =	vst.idx.msk $0xffff, v3  }
.LBB2_4:
0x61: {  	p0 =	sne.s32 s15, $0x3E00;
	[tilespmem:v7+s1+$0x0] =	vst.idx.msk $0xffff, v4;
	s16 =	smov.u32 s15;
	s15 =	sadd.s32 $0x200, s15  }
0x62: {  	[tilespmem:v7+s12+$0x0] =	vst.idx.msk $0xffff, v3  }
0x63: {  	[tilespmem:v9+s1+$0x0] =	vst.idx.msk $0xffff, v6  }
0x64: {  	[tilespmem:v9+s12+$0x0] =	vst.idx.msk $0xffff, v3  }
0x65: {  	[tilespmem:v8+s1+$0x0] =	vst.idx.msk $0xffff, v5  }
0x66: {  	s16 =	sshra.s32 s16, $0x2;
	[tilespmem:v8+s12+$0x0] =	vst.idx.msk $0xffff, v3  }
0x67: {  	v5 =	vld [tilespmem:s16+$0x18130]  }
0x68: {  	v7 =	vld [tilespmem:s16+$0x1A100]  }
0x69: {  	v6 =	vld [tilespmem:s16+$0x18120]  }
0x6a: {  	v4 =	vld [tilespmem:s16+$0x1A150]  }
0x6b: {  	v8 =	vld [tilespmem:s16+$0x18110]  }
0x6c: {  	v9 =	vld [tilespmem:s16+$0x18100]  }
0x6d: {  	v10 =	vld [tilespmem:s16+$0x1A130]  }
0x6e: {  	v6 =	vsub.s32 v6, v0;
	v11 =	vld [tilespmem:s16+$0x1A110]  }
0x6f: {  	v12 =	vld [tilespmem:s16+$0x18140]  }
0x70: {  	v8 =	vsub.s32 v8, v0;
	v13 =	vld [tilespmem:s16+$0x18160]  }
0x71: {  	v9 =	vsub.s32 v9, v0;
	v14 =	vld [tilespmem:s16+$0x18150]  }
0x72: {  	v15 =	vsub.s32 v5, v0;
	v9 =	vmin.u32 v9, v2;
	v16 =	vld [tilespmem:s16+$0x1A120]  }
0x73: {  	v8 =	vmin.u32 v8, v2;
	v17 =	vld [tilespmem:s16+$0x18170]  }
0x74: {  	v12 =	vsub.s32 v12, v0;
	v18 =	vld [tilespmem:s16+$0x1A140]  }
0x75: {  	v19 =	vmin.u32 v6, v2;
	v13 =	vsub.s32 v13, v0;
	v6 =	vld [tilespmem:s16+$0x1A160]  }
0x76: {  	v14 =	vsub.s32 v14, v0;
	v5 =	vld [tilespmem:s16+$0x1A170]  }
0x77: {  	v15 =	vmin.u32 v15, v2;
	[tilespmem:v9+s1+$0x0] =	vst.idx.msk $0xffff, v7  }
0x78: {  	v17 =	vsub.s32 v17, v0;
	[tilespmem:v9+s12+$0x0] =	vst.idx.msk $0xffff, v3  }
0x79: {  	v12 =	vmin.u32 v12, v2;
	[tilespmem:v8+s1+$0x0] =	vst.idx.msk $0xffff, v11  }
0x7a: {  	[tilespmem:v8+s12+$0x0] =	vst.idx.msk $0xffff, v3  }
0x7b: {  	v7 =	vmin.u32 v14, v2;
	[tilespmem:v19+s1+$0x0] =	vst.idx.msk $0xffff, v16  }
.Ltmp1:
0x7c: {  	[tilespmem:v19+s12+$0x0] =	vst.idx.msk $0xffff, v3;
	(pc) =	sbr.rel @p0 .LBB2_4-.Ltmp1, $4  }
0x7d: {  	v9 =	vmin.u32 v13, v2;
	[tilespmem:v15+s1+$0x0] =	vst.idx.msk $0xffff, v10  }
0x7e: {  	[tilespmem:v15+s12+$0x0] =	vst.idx.msk $0xffff, v3  }
0x7f: {  	v8 =	vmin.u32 v17, v2;
	[tilespmem:v12+s1+$0x0] =	vst.idx.msk $0xffff, v18  }
0x80: {  	[tilespmem:v12+s12+$0x0] =	vst.idx.msk $0xffff, v3  }
0x81: {  	_ =	sdelay $0x3  }
0x82: {  	[tilespmem:v7+s1+$0x0] =	vst.idx.msk $0xffff, v4  }
0x83: {  	[tilespmem:v7+s12+$0x0] =	vst.idx.msk $0xffff, v3  }
0x84: {  	[tilespmem:v9+s1+$0x0] =	vst.idx.msk $0xffff, v6  }
0x85: {  	[tilespmem:v9+s12+$0x0] =	vst.idx.msk $0xffff, v3  }
0x86: {  	[tilespmem:v8+s1+$0x0] =	vst.idx.msk $0xffff, v5  }
0x87: {  	[tilespmem:v8+s12+$0x0] =	vst.idx.msk $0xffff, v3  }
0x88: {  	_ =	swait.ge [sflag:s8], $0x1000  }
0x89: {  	[sflag:s8] =	ssyncset.done $0x0  }
0x8a: {  	[sflag:s8] =	ssyncadd.s32 $0xFFFFF000  }
0x8b: {  	_ =	swait.ge [sflag:s9], $0x1000  }
0x8c: {  	[sflag:s9] =	ssyncset.done $0x0  }
0x8d: {  	s15 =	simm.s32 $0x0;
	s16 =	rddreg [dreg:$0x5];
	[sflag:s9] =	ssyncadd.s32 $0xFFFFF000  }
0x8e: {  	[tilespmem:s6], [sflag:$0x1] =	stream.linear.gather [hbm4b:s16+s15], $0x1000, $0x38;
	[tilespmem:$0x1C100] =	vst v63  }
0x8f: {  	s16 =	rddreg [dreg:$0x6]  }
0x90: {  	[tilespmem:s7], [sflag:$0x2] =	stream.linear.gather [hbm4b:s16+s15], $0x1000, $0x38;
	[tilespmem:$0x1C100] =	vst v63  }
0x91: {  	s16 =	simm.s32 $0x0  }
0x92: {  	v7 =	vld [tilespmem:s16+$0x19130]  }
0x93: {  	v8 =	vld [tilespmem:s16+$0x1B100]  }
0x94: {  	v5 =	vld [tilespmem:s16+$0x19120]  }
0x95: {  	v4 =	vld [tilespmem:s16+$0x1B150]  }
0x96: {  	v9 =	vld [tilespmem:s16+$0x19100]  }
0x97: {  	v6 =	vld [tilespmem:s16+$0x19110]  }
0x98: {  	v10 =	vld [tilespmem:s16+$0x1B130]  }
0x99: {  	v11 =	vld [tilespmem:s16+$0x1B110]  }
0x9a: {  	v12 =	vld [tilespmem:s16+$0x19140]  }
0x9b: {  	v13 =	vld [tilespmem:s16+$0x19160];
	v9 =	vsub.s32 v9, v0  }
0x9c: {  	v14 =	vld [tilespmem:s16+$0x19150];
	v9 =	vmin.u32 v9, v2  }
0x9d: {  	v15 =	vld [tilespmem:s16+$0x1B120];
	v6 =	vsub.s32 v6, v0  }
0x9e: {  	v16 =	vld [tilespmem:s16+$0x19170];
	v17 =	vmin.u32 v6, v2  }
0x9f: {  	v18 =	vld [tilespmem:s16+$0x1B140];
	v5 =	vsub.s32 v5, v0  }
0xa0: {  	v6 =	vld [tilespmem:s16+$0x1B160];
	v19 =	vmin.u32 v5, v2  }
0xa1: {  	v7 =	vsub.s32 v7, v0;
	v5 =	vld [tilespmem:s16+$0x1B170];
	[tilespmem:v9+s1+$0x0] =	vst.idx.msk $0xffff, v8  }
0xa2: {  	v7 =	vmin.u32 v7, v2;
	[tilespmem:v9+s12+$0x0] =	vst.idx.msk $0xffff, v3  }
0xa3: {  	[tilespmem:v17+s1+$0x0] =	vst.idx.msk $0xffff, v11  }
0xa4: {  	[tilespmem:v17+s12+$0x0] =	vst.idx.msk $0xffff, v3  }
0xa5: {  	v8 =	vsub.s32 v12, v0;
	[tilespmem:v19+s1+$0x0] =	vst.idx.msk $0xffff, v15  }
0xa6: {  	v11 =	vmin.u32 v8, v2;
	[tilespmem:v19+s12+$0x0] =	vst.idx.msk $0xffff, v3  }
0xa7: {  	v9 =	vsub.s32 v14, v0;
	[tilespmem:v7+s1+$0x0] =	vst.idx.msk $0xffff, v10  }
0xa8: {  	[tilespmem:v7+s12+$0x0] =	vst.idx.msk $0xffff, v3;
	v7 =	vmin.u32 v9, v2  }
0xa9: {  	v8 =	vsub.s32 v13, v0  }
0xaa: {  	v9 =	vmin.u32 v8, v2  }
0xab: {  	v10 =	vsub.s32 v16, v0;
	[tilespmem:v11+s1+$0x0] =	vst.idx.msk $0xffff, v18  }
0xac: {  	s15 =	simm.s32 $0x200;
	v8 =	vmin.u32 v10, v2;
	[tilespmem:v11+s12+$0x0] =	vst.idx.msk $0xffff, v3  }
.LBB2_6:
0xad: {  	p0 =	sne.s32 s15, $0x3E00;
	[tilespmem:v7+s1+$0x0] =	vst.idx.msk $0xffff, v4;
	s16 =	smov.u32 s15;
	s15 =	sadd.s32 $0x200, s15  }
0xae: {  	[tilespmem:v7+s12+$0x0] =	vst.idx.msk $0xffff, v3  }
0xaf: {  	[tilespmem:v9+s1+$0x0] =	vst.idx.msk $0xffff, v6  }
0xb0: {  	[tilespmem:v9+s12+$0x0] =	vst.idx.msk $0xffff, v3  }
0xb1: {  	[tilespmem:v8+s1+$0x0] =	vst.idx.msk $0xffff, v5  }
0xb2: {  	s16 =	sshra.s32 s16, $0x2;
	[tilespmem:v8+s12+$0x0] =	vst.idx.msk $0xffff, v3  }
0xb3: {  	v5 =	vld [tilespmem:s16+$0x19130]  }
0xb4: {  	v7 =	vld [tilespmem:s16+$0x1B100]  }
0xb5: {  	v6 =	vld [tilespmem:s16+$0x19120]  }
0xb6: {  	v4 =	vld [tilespmem:s16+$0x1B150]  }
0xb7: {  	v8 =	vld [tilespmem:s16+$0x19110]  }
0xb8: {  	v9 =	vld [tilespmem:s16+$0x19100]  }
0xb9: {  	v10 =	vld [tilespmem:s16+$0x1B130]  }
0xba: {  	v6 =	vsub.s32 v6, v0;
	v11 =	vld [tilespmem:s16+$0x1B110]  }
0xbb: {  	v12 =	vld [tilespmem:s16+$0x19140]  }
0xbc: {  	v8 =	vsub.s32 v8, v0;
	v13 =	vld [tilespmem:s16+$0x19160]  }
0xbd: {  	v9 =	vsub.s32 v9, v0;
	v14 =	vld [tilespmem:s16+$0x19150]  }
0xbe: {  	v15 =	vsub.s32 v5, v0;
	v9 =	vmin.u32 v9, v2;
	v16 =	vld [tilespmem:s16+$0x1B120]  }
0xbf: {  	v8 =	vmin.u32 v8, v2;
	v17 =	vld [tilespmem:s16+$0x19170]  }
0xc0: {  	v12 =	vsub.s32 v12, v0;
	v18 =	vld [tilespmem:s16+$0x1B140]  }
0xc1: {  	v19 =	vmin.u32 v6, v2;
	v13 =	vsub.s32 v13, v0;
	v6 =	vld [tilespmem:s16+$0x1B160]  }
0xc2: {  	v14 =	vsub.s32 v14, v0;
	v5 =	vld [tilespmem:s16+$0x1B170]  }
0xc3: {  	v15 =	vmin.u32 v15, v2;
	[tilespmem:v9+s1+$0x0] =	vst.idx.msk $0xffff, v7  }
0xc4: {  	v17 =	vsub.s32 v17, v0;
	[tilespmem:v9+s12+$0x0] =	vst.idx.msk $0xffff, v3  }
0xc5: {  	v12 =	vmin.u32 v12, v2;
	[tilespmem:v8+s1+$0x0] =	vst.idx.msk $0xffff, v11  }
0xc6: {  	[tilespmem:v8+s12+$0x0] =	vst.idx.msk $0xffff, v3  }
0xc7: {  	v7 =	vmin.u32 v14, v2;
	[tilespmem:v19+s1+$0x0] =	vst.idx.msk $0xffff, v16  }
.Ltmp2:
0xc8: {  	[tilespmem:v19+s12+$0x0] =	vst.idx.msk $0xffff, v3;
	(pc) =	sbr.rel @p0 .LBB2_6-.Ltmp2, $4  }
0xc9: {  	v9 =	vmin.u32 v13, v2;
	[tilespmem:v15+s1+$0x0] =	vst.idx.msk $0xffff, v10  }
0xca: {  	[tilespmem:v15+s12+$0x0] =	vst.idx.msk $0xffff, v3  }
0xcb: {  	v8 =	vmin.u32 v17, v2;
	[tilespmem:v12+s1+$0x0] =	vst.idx.msk $0xffff, v18  }
0xcc: {  	[tilespmem:v12+s12+$0x0] =	vst.idx.msk $0xffff, v3  }
0xcd: {  	_ =	sdelay $0x3  }
0xce: {  	[tilespmem:v7+s1+$0x0] =	vst.idx.msk $0xffff, v4  }
0xcf: {  	[tilespmem:v7+s12+$0x0] =	vst.idx.msk $0xffff, v3  }
0xd0: {  	[tilespmem:v9+s1+$0x0] =	vst.idx.msk $0xffff, v6  }
0xd1: {  	[tilespmem:v9+s12+$0x0] =	vst.idx.msk $0xffff, v3  }
0xd2: {  	[tilespmem:v8+s1+$0x0] =	vst.idx.msk $0xffff, v5  }
0xd3: {  	[tilespmem:v8+s12+$0x0] =	vst.idx.msk $0xffff, v3  }
0xd4: {  	_ =	swait.ge [sflag:s8], $0x1000  }
0xd5: {  	[sflag:s8] =	ssyncset.done $0x0  }
0xd6: {  	[sflag:s8] =	ssyncadd.s32 $0xFFFFF000  }
0xd7: {  	_ =	swait.ge [sflag:s9], $0x1000  }
0xd8: {  	[sflag:s9] =	ssyncset.done $0x0  }
0xd9: {  	s15 =	simm.s32 $0x0;
	s16 =	rddreg [dreg:$0x7];
	[sflag:s9] =	ssyncadd.s32 $0xFFFFF000  }
0xda: {  	[tilespmem:s10], [sflag:$0x1] =	stream.linear.gather [hbm4b:s16+s15], $0x1000, $0x38;
	[tilespmem:$0x1C100] =	vst v63  }
0xdb: {  	s16 =	rddreg [dreg:$0x8]  }
0xdc: {  	[tilespmem:s11], [sflag:$0x2] =	stream.linear.gather [hbm4b:s16+s15], $0x1000, $0x38;
	[tilespmem:$0x1C100] =	vst v63  }
0xdd: {  	s16 =	simm.s32 $0x0  }
0xde: {  	v7 =	vld [tilespmem:s16+$0x18130]  }
0xdf: {  	v8 =	vld [tilespmem:s16+$0x1A100]  }
0xe0: {  	v5 =	vld [tilespmem:s16+$0x18120]  }
0xe1: {  	v4 =	vld [tilespmem:s16+$0x1A150]  }
0xe2: {  	v9 =	vld [tilespmem:s16+$0x18100]  }
0xe3: {  	v6 =	vld [tilespmem:s16+$0x18110]  }
0xe4: {  	v10 =	vld [tilespmem:s16+$0x1A130]  }
0xe5: {  	v11 =	vld [tilespmem:s16+$0x1A110]  }
0xe6: {  	v12 =	vld [tilespmem:s16+$0x18140]  }
0xe7: {  	v13 =	vld [tilespmem:s16+$0x18160];
	v9 =	vsub.s32 v9, v0  }
0xe8: {  	v14 =	vld [tilespmem:s16+$0x18150];
	v9 =	vmin.u32 v9, v2  }
0xe9: {  	v15 =	vld [tilespmem:s16+$0x1A120];
	v6 =	vsub.s32 v6, v0  }
0xea: {  	v16 =	vld [tilespmem:s16+$0x18170];
	v17 =	vmin.u32 v6, v2  }
0xeb: {  	v18 =	vld [tilespmem:s16+$0x1A140];
	v5 =	vsub.s32 v5, v0  }
0xec: {  	v6 =	vld [tilespmem:s16+$0x1A160];
	v19 =	vmin.u32 v5, v2  }
0xed: {  	v7 =	vsub.s32 v7, v0;
	v5 =	vld [tilespmem:s16+$0x1A170];
	[tilespmem:v9+s1+$0x0] =	vst.idx.msk $0xffff, v8  }
0xee: {  	v7 =	vmin.u32 v7, v2;
	[tilespmem:v9+s12+$0x0] =	vst.idx.msk $0xffff, v3  }
0xef: {  	[tilespmem:v17+s1+$0x0] =	vst.idx.msk $0xffff, v11  }
0xf0: {  	[tilespmem:v17+s12+$0x0] =	vst.idx.msk $0xffff, v3  }
0xf1: {  	v8 =	vsub.s32 v12, v0;
	[tilespmem:v19+s1+$0x0] =	vst.idx.msk $0xffff, v15  }
0xf2: {  	v11 =	vmin.u32 v8, v2;
	[tilespmem:v19+s12+$0x0] =	vst.idx.msk $0xffff, v3  }
0xf3: {  	v9 =	vsub.s32 v14, v0;
	[tilespmem:v7+s1+$0x0] =	vst.idx.msk $0xffff, v10  }
0xf4: {  	[tilespmem:v7+s12+$0x0] =	vst.idx.msk $0xffff, v3;
	v7 =	vmin.u32 v9, v2  }
0xf5: {  	v8 =	vsub.s32 v13, v0  }
0xf6: {  	v9 =	vmin.u32 v8, v2  }
0xf7: {  	v10 =	vsub.s32 v16, v0;
	[tilespmem:v11+s1+$0x0] =	vst.idx.msk $0xffff, v18  }
0xf8: {  	s15 =	simm.s32 $0x200;
	v8 =	vmin.u32 v10, v2;
	[tilespmem:v11+s12+$0x0] =	vst.idx.msk $0xffff, v3  }
.LBB2_8:
0xf9: {  	p0 =	sne.s32 s15, $0x3E00;
	[tilespmem:v7+s1+$0x0] =	vst.idx.msk $0xffff, v4;
	s16 =	smov.u32 s15;
	s15 =	sadd.s32 $0x200, s15  }
0xfa: {  	[tilespmem:v7+s12+$0x0] =	vst.idx.msk $0xffff, v3  }
0xfb: {  	[tilespmem:v9+s1+$0x0] =	vst.idx.msk $0xffff, v6  }
0xfc: {  	[tilespmem:v9+s12+$0x0] =	vst.idx.msk $0xffff, v3  }
0xfd: {  	[tilespmem:v8+s1+$0x0] =	vst.idx.msk $0xffff, v5  }
0xfe: {  	s16 =	sshra.s32 s16, $0x2;
	[tilespmem:v8+s12+$0x0] =	vst.idx.msk $0xffff, v3  }
0xff: {  	v5 =	vld [tilespmem:s16+$0x18130]  }
0x100: {  	v7 =	vld [tilespmem:s16+$0x1A100]  }
0x101: {  	v6 =	vld [tilespmem:s16+$0x18120]  }
0x102: {  	v4 =	vld [tilespmem:s16+$0x1A150]  }
0x103: {  	v8 =	vld [tilespmem:s16+$0x18110]  }
0x104: {  	v9 =	vld [tilespmem:s16+$0x18100]  }
0x105: {  	v10 =	vld [tilespmem:s16+$0x1A130]  }
0x106: {  	v6 =	vsub.s32 v6, v0;
	v11 =	vld [tilespmem:s16+$0x1A110]  }
0x107: {  	v12 =	vld [tilespmem:s16+$0x18140]  }
0x108: {  	v8 =	vsub.s32 v8, v0;
	v13 =	vld [tilespmem:s16+$0x18160]  }
0x109: {  	v9 =	vsub.s32 v9, v0;
	v14 =	vld [tilespmem:s16+$0x18150]  }
0x10a: {  	v15 =	vsub.s32 v5, v0;
	v9 =	vmin.u32 v9, v2;
	v16 =	vld [tilespmem:s16+$0x1A120]  }
0x10b: {  	v8 =	vmin.u32 v8, v2;
	v17 =	vld [tilespmem:s16+$0x18170]  }
0x10c: {  	v12 =	vsub.s32 v12, v0;
	v18 =	vld [tilespmem:s16+$0x1A140]  }
0x10d: {  	v19 =	vmin.u32 v6, v2;
	v13 =	vsub.s32 v13, v0;
	v6 =	vld [tilespmem:s16+$0x1A160]  }
0x10e: {  	v14 =	vsub.s32 v14, v0;
	v5 =	vld [tilespmem:s16+$0x1A170]  }
0x10f: {  	v15 =	vmin.u32 v15, v2;
	[tilespmem:v9+s1+$0x0] =	vst.idx.msk $0xffff, v7  }
0x110: {  	v17 =	vsub.s32 v17, v0;
	[tilespmem:v9+s12+$0x0] =	vst.idx.msk $0xffff, v3  }
0x111: {  	v12 =	vmin.u32 v12, v2;
	[tilespmem:v8+s1+$0x0] =	vst.idx.msk $0xffff, v11  }
0x112: {  	[tilespmem:v8+s12+$0x0] =	vst.idx.msk $0xffff, v3  }
0x113: {  	v7 =	vmin.u32 v14, v2;
	[tilespmem:v19+s1+$0x0] =	vst.idx.msk $0xffff, v16  }
.Ltmp3:
0x114: {  	[tilespmem:v19+s12+$0x0] =	vst.idx.msk $0xffff, v3;
	(pc) =	sbr.rel @p0 .LBB2_8-.Ltmp3, $4  }
0x115: {  	v9 =	vmin.u32 v13, v2;
	[tilespmem:v15+s1+$0x0] =	vst.idx.msk $0xffff, v10  }
0x116: {  	[tilespmem:v15+s12+$0x0] =	vst.idx.msk $0xffff, v3  }
0x117: {  	v8 =	vmin.u32 v17, v2;
	[tilespmem:v12+s1+$0x0] =	vst.idx.msk $0xffff, v18  }
0x118: {  	[tilespmem:v12+s12+$0x0] =	vst.idx.msk $0xffff, v3  }
0x119: {  	_ =	sdelay $0x3  }
0x11a: {  	[tilespmem:v7+s1+$0x0] =	vst.idx.msk $0xffff, v4  }
0x11b: {  	[tilespmem:v7+s12+$0x0] =	vst.idx.msk $0xffff, v3  }
0x11c: {  	[tilespmem:v9+s1+$0x0] =	vst.idx.msk $0xffff, v6  }
0x11d: {  	[tilespmem:v9+s12+$0x0] =	vst.idx.msk $0xffff, v3  }
0x11e: {  	[tilespmem:v8+s1+$0x0] =	vst.idx.msk $0xffff, v5  }
0x11f: {  	[tilespmem:v8+s12+$0x0] =	vst.idx.msk $0xffff, v3  }
0x120: {  	_ =	swait.ge [sflag:s8], $0x1000  }
0x121: {  	[sflag:s8] =	ssyncset.done $0x0  }
0x122: {  	[sflag:s8] =	ssyncadd.s32 $0xFFFFF000  }
0x123: {  	_ =	swait.ge [sflag:s9], $0x1000  }
0x124: {  	[sflag:s9] =	ssyncset.done $0x0  }
0x125: {  	s15 =	simm.s32 $0x0;
	s16 =	rddreg [dreg:$0x9];
	[sflag:s9] =	ssyncadd.s32 $0xFFFFF000  }
0x126: {  	[tilespmem:s6], [sflag:$0x1] =	stream.linear.gather [hbm4b:s16+s15], $0x1000, $0x38;
	[tilespmem:$0x1C100] =	vst v63  }
0x127: {  	s16 =	rddreg [dreg:$0xa]  }
0x128: {  	[tilespmem:s7], [sflag:$0x2] =	stream.linear.gather [hbm4b:s16+s15], $0x1000, $0x38;
	[tilespmem:$0x1C100] =	vst v63  }
0x129: {  	s16 =	simm.s32 $0x0  }
0x12a: {  	v7 =	vld [tilespmem:s16+$0x19130]  }
0x12b: {  	v8 =	vld [tilespmem:s16+$0x1B100]  }
0x12c: {  	v5 =	vld [tilespmem:s16+$0x19120]  }
0x12d: {  	v4 =	vld [tilespmem:s16+$0x1B150]  }
0x12e: {  	v9 =	vld [tilespmem:s16+$0x19100]  }
0x12f: {  	v6 =	vld [tilespmem:s16+$0x19110]  }
0x130: {  	v10 =	vld [tilespmem:s16+$0x1B130]  }
0x131: {  	v11 =	vld [tilespmem:s16+$0x1B110]  }
0x132: {  	v12 =	vld [tilespmem:s16+$0x19140]  }
0x133: {  	v13 =	vld [tilespmem:s16+$0x19160];
	v9 =	vsub.s32 v9, v0  }
0x134: {  	v14 =	vld [tilespmem:s16+$0x19150];
	v9 =	vmin.u32 v9, v2  }
0x135: {  	v15 =	vld [tilespmem:s16+$0x1B120];
	v6 =	vsub.s32 v6, v0  }
0x136: {  	v16 =	vld [tilespmem:s16+$0x19170];
	v17 =	vmin.u32 v6, v2  }
0x137: {  	v18 =	vld [tilespmem:s16+$0x1B140];
	v5 =	vsub.s32 v5, v0  }
0x138: {  	v6 =	vld [tilespmem:s16+$0x1B160];
	v19 =	vmin.u32 v5, v2  }
0x139: {  	v7 =	vsub.s32 v7, v0;
	v5 =	vld [tilespmem:s16+$0x1B170];
	[tilespmem:v9+s1+$0x0] =	vst.idx.msk $0xffff, v8  }
0x13a: {  	v7 =	vmin.u32 v7, v2;
	[tilespmem:v9+s12+$0x0] =	vst.idx.msk $0xffff, v3  }
0x13b: {  	[tilespmem:v17+s1+$0x0] =	vst.idx.msk $0xffff, v11  }
0x13c: {  	[tilespmem:v17+s12+$0x0] =	vst.idx.msk $0xffff, v3  }
0x13d: {  	v8 =	vsub.s32 v12, v0;
	[tilespmem:v19+s1+$0x0] =	vst.idx.msk $0xffff, v15  }
0x13e: {  	v11 =	vmin.u32 v8, v2;
	[tilespmem:v19+s12+$0x0] =	vst.idx.msk $0xffff, v3  }
0x13f: {  	v9 =	vsub.s32 v14, v0;
	[tilespmem:v7+s1+$0x0] =	vst.idx.msk $0xffff, v10  }
0x140: {  	[tilespmem:v7+s12+$0x0] =	vst.idx.msk $0xffff, v3;
	v7 =	vmin.u32 v9, v2  }
0x141: {  	v8 =	vsub.s32 v13, v0  }
0x142: {  	v9 =	vmin.u32 v8, v2  }
0x143: {  	v10 =	vsub.s32 v16, v0;
	[tilespmem:v11+s1+$0x0] =	vst.idx.msk $0xffff, v18  }
0x144: {  	s15 =	simm.s32 $0x200;
	v8 =	vmin.u32 v10, v2;
	[tilespmem:v11+s12+$0x0] =	vst.idx.msk $0xffff, v3  }
.LBB2_10:
0x145: {  	p0 =	sne.s32 s15, $0x3E00;
	[tilespmem:v7+s1+$0x0] =	vst.idx.msk $0xffff, v4;
	s16 =	smov.u32 s15;
	s15 =	sadd.s32 $0x200, s15  }
0x146: {  	[tilespmem:v7+s12+$0x0] =	vst.idx.msk $0xffff, v3  }
0x147: {  	[tilespmem:v9+s1+$0x0] =	vst.idx.msk $0xffff, v6  }
0x148: {  	[tilespmem:v9+s12+$0x0] =	vst.idx.msk $0xffff, v3  }
0x149: {  	[tilespmem:v8+s1+$0x0] =	vst.idx.msk $0xffff, v5  }
0x14a: {  	s16 =	sshra.s32 s16, $0x2;
	[tilespmem:v8+s12+$0x0] =	vst.idx.msk $0xffff, v3  }
0x14b: {  	v5 =	vld [tilespmem:s16+$0x19130]  }
0x14c: {  	v7 =	vld [tilespmem:s16+$0x1B100]  }
0x14d: {  	v6 =	vld [tilespmem:s16+$0x19120]  }
0x14e: {  	v4 =	vld [tilespmem:s16+$0x1B150]  }
0x14f: {  	v8 =	vld [tilespmem:s16+$0x19110]  }
0x150: {  	v9 =	vld [tilespmem:s16+$0x19100]  }
0x151: {  	v10 =	vld [tilespmem:s16+$0x1B130]  }
0x152: {  	v6 =	vsub.s32 v6, v0;
	v11 =	vld [tilespmem:s16+$0x1B110]  }
0x153: {  	v12 =	vld [tilespmem:s16+$0x19140]  }
0x154: {  	v8 =	vsub.s32 v8, v0;
	v13 =	vld [tilespmem:s16+$0x19160]  }
0x155: {  	v9 =	vsub.s32 v9, v0;
	v14 =	vld [tilespmem:s16+$0x19150]  }
0x156: {  	v15 =	vsub.s32 v5, v0;
	v9 =	vmin.u32 v9, v2;
	v16 =	vld [tilespmem:s16+$0x1B120]  }
0x157: {  	v8 =	vmin.u32 v8, v2;
	v17 =	vld [tilespmem:s16+$0x19170]  }
0x158: {  	v12 =	vsub.s32 v12, v0;
	v18 =	vld [tilespmem:s16+$0x1B140]  }
0x159: {  	v19 =	vmin.u32 v6, v2;
	v13 =	vsub.s32 v13, v0;
	v6 =	vld [tilespmem:s16+$0x1B160]  }
0x15a: {  	v14 =	vsub.s32 v14, v0;
	v5 =	vld [tilespmem:s16+$0x1B170]  }
0x15b: {  	v15 =	vmin.u32 v15, v2;
	[tilespmem:v9+s1+$0x0] =	vst.idx.msk $0xffff, v7  }
0x15c: {  	v17 =	vsub.s32 v17, v0;
	[tilespmem:v9+s12+$0x0] =	vst.idx.msk $0xffff, v3  }
0x15d: {  	v12 =	vmin.u32 v12, v2;
	[tilespmem:v8+s1+$0x0] =	vst.idx.msk $0xffff, v11  }
0x15e: {  	[tilespmem:v8+s12+$0x0] =	vst.idx.msk $0xffff, v3  }
0x15f: {  	v7 =	vmin.u32 v14, v2;
	[tilespmem:v19+s1+$0x0] =	vst.idx.msk $0xffff, v16  }
.Ltmp4:
0x160: {  	[tilespmem:v19+s12+$0x0] =	vst.idx.msk $0xffff, v3;
	(pc) =	sbr.rel @p0 .LBB2_10-.Ltmp4, $4  }
0x161: {  	v9 =	vmin.u32 v13, v2;
	[tilespmem:v15+s1+$0x0] =	vst.idx.msk $0xffff, v10  }
0x162: {  	[tilespmem:v15+s12+$0x0] =	vst.idx.msk $0xffff, v3  }
0x163: {  	v8 =	vmin.u32 v17, v2;
	[tilespmem:v12+s1+$0x0] =	vst.idx.msk $0xffff, v18  }
0x164: {  	[tilespmem:v12+s12+$0x0] =	vst.idx.msk $0xffff, v3  }
0x165: {  	_ =	sdelay $0x3  }
0x166: {  	[tilespmem:v7+s1+$0x0] =	vst.idx.msk $0xffff, v4  }
0x167: {  	[tilespmem:v7+s12+$0x0] =	vst.idx.msk $0xffff, v3  }
0x168: {  	[tilespmem:v9+s1+$0x0] =	vst.idx.msk $0xffff, v6  }
0x169: {  	[tilespmem:v9+s12+$0x0] =	vst.idx.msk $0xffff, v3  }
0x16a: {  	[tilespmem:v8+s1+$0x0] =	vst.idx.msk $0xffff, v5  }
0x16b: {  	[tilespmem:v8+s12+$0x0] =	vst.idx.msk $0xffff, v3  }
0x16c: {  	_ =	swait.ge [sflag:s8], $0x1000  }
0x16d: {  	[sflag:s8] =	ssyncset.done $0x0  }
0x16e: {  	[sflag:s8] =	ssyncadd.s32 $0xFFFFF000  }
0x16f: {  	_ =	swait.ge [sflag:s9], $0x1000  }
0x170: {  	[sflag:s9] =	ssyncset.done $0x0  }
0x171: {  	s15 =	simm.s32 $0x0;
	s16 =	rddreg [dreg:$0xb];
	[sflag:s9] =	ssyncadd.s32 $0xFFFFF000  }
0x172: {  	[tilespmem:s10], [sflag:$0x1] =	stream.linear.gather [hbm4b:s16+s15], $0x1000, $0x38;
	[tilespmem:$0x1C100] =	vst v63  }
0x173: {  	s16 =	rddreg [dreg:$0xc]  }
0x174: {  	[tilespmem:s11], [sflag:$0x2] =	stream.linear.gather [hbm4b:s16+s15], $0x1000, $0x38;
	[tilespmem:$0x1C100] =	vst v63  }
0x175: {  	s16 =	simm.s32 $0x0  }
0x176: {  	v7 =	vld [tilespmem:s16+$0x18130]  }
0x177: {  	v8 =	vld [tilespmem:s16+$0x1A100]  }
0x178: {  	v5 =	vld [tilespmem:s16+$0x18120]  }
0x179: {  	v4 =	vld [tilespmem:s16+$0x1A150]  }
0x17a: {  	v9 =	vld [tilespmem:s16+$0x18100]  }
0x17b: {  	v6 =	vld [tilespmem:s16+$0x18110]  }
0x17c: {  	v10 =	vld [tilespmem:s16+$0x1A130]  }
0x17d: {  	v11 =	vld [tilespmem:s16+$0x1A110]  }
0x17e: {  	v12 =	vld [tilespmem:s16+$0x18140]  }
0x17f: {  	v13 =	vld [tilespmem:s16+$0x18160];
	v9 =	vsub.s32 v9, v0  }
0x180: {  	v14 =	vld [tilespmem:s16+$0x18150];
	v9 =	vmin.u32 v9, v2  }
0x181: {  	v15 =	vld [tilespmem:s16+$0x1A120];
	v6 =	vsub.s32 v6, v0  }
0x182: {  	v16 =	vld [tilespmem:s16+$0x18170];
	v17 =	vmin.u32 v6, v2  }
0x183: {  	v18 =	vld [tilespmem:s16+$0x1A140];
	v5 =	vsub.s32 v5, v0  }
0x184: {  	v6 =	vld [tilespmem:s16+$0x1A160];
	v19 =	vmin.u32 v5, v2  }
0x185: {  	v7 =	vsub.s32 v7, v0;
	v5 =	vld [tilespmem:s16+$0x1A170];
	[tilespmem:v9+s1+$0x0] =	vst.idx.msk $0xffff, v8  }
0x186: {  	v7 =	vmin.u32 v7, v2;
	[tilespmem:v9+s12+$0x0] =	vst.idx.msk $0xffff, v3  }
0x187: {  	[tilespmem:v17+s1+$0x0] =	vst.idx.msk $0xffff, v11  }
0x188: {  	[tilespmem:v17+s12+$0x0] =	vst.idx.msk $0xffff, v3  }
0x189: {  	v8 =	vsub.s32 v12, v0;
	[tilespmem:v19+s1+$0x0] =	vst.idx.msk $0xffff, v15  }
0x18a: {  	v11 =	vmin.u32 v8, v2;
	[tilespmem:v19+s12+$0x0] =	vst.idx.msk $0xffff, v3  }
0x18b: {  	v9 =	vsub.s32 v14, v0;
	[tilespmem:v7+s1+$0x0] =	vst.idx.msk $0xffff, v10  }
0x18c: {  	[tilespmem:v7+s12+$0x0] =	vst.idx.msk $0xffff, v3;
	v7 =	vmin.u32 v9, v2  }
0x18d: {  	v8 =	vsub.s32 v13, v0  }
0x18e: {  	v9 =	vmin.u32 v8, v2  }
0x18f: {  	v10 =	vsub.s32 v16, v0;
	[tilespmem:v11+s1+$0x0] =	vst.idx.msk $0xffff, v18  }
0x190: {  	s15 =	simm.s32 $0x200;
	v8 =	vmin.u32 v10, v2;
	[tilespmem:v11+s12+$0x0] =	vst.idx.msk $0xffff, v3  }
.LBB2_12:
0x191: {  	p0 =	sne.s32 s15, $0x3E00;
	[tilespmem:v7+s1+$0x0] =	vst.idx.msk $0xffff, v4;
	s16 =	smov.u32 s15;
	s15 =	sadd.s32 $0x200, s15  }
0x192: {  	[tilespmem:v7+s12+$0x0] =	vst.idx.msk $0xffff, v3  }
0x193: {  	[tilespmem:v9+s1+$0x0] =	vst.idx.msk $0xffff, v6  }
0x194: {  	[tilespmem:v9+s12+$0x0] =	vst.idx.msk $0xffff, v3  }
0x195: {  	[tilespmem:v8+s1+$0x0] =	vst.idx.msk $0xffff, v5  }
0x196: {  	s16 =	sshra.s32 s16, $0x2;
	[tilespmem:v8+s12+$0x0] =	vst.idx.msk $0xffff, v3  }
0x197: {  	v5 =	vld [tilespmem:s16+$0x18130]  }
0x198: {  	v7 =	vld [tilespmem:s16+$0x1A100]  }
0x199: {  	v6 =	vld [tilespmem:s16+$0x18120]  }
0x19a: {  	v4 =	vld [tilespmem:s16+$0x1A150]  }
0x19b: {  	v8 =	vld [tilespmem:s16+$0x18110]  }
0x19c: {  	v9 =	vld [tilespmem:s16+$0x18100]  }
0x19d: {  	v10 =	vld [tilespmem:s16+$0x1A130]  }
0x19e: {  	v6 =	vsub.s32 v6, v0;
	v11 =	vld [tilespmem:s16+$0x1A110]  }
0x19f: {  	v12 =	vld [tilespmem:s16+$0x18140]  }
0x1a0: {  	v8 =	vsub.s32 v8, v0;
	v13 =	vld [tilespmem:s16+$0x18160]  }
0x1a1: {  	v9 =	vsub.s32 v9, v0;
	v14 =	vld [tilespmem:s16+$0x18150]  }
0x1a2: {  	v15 =	vsub.s32 v5, v0;
	v9 =	vmin.u32 v9, v2;
	v16 =	vld [tilespmem:s16+$0x1A120]  }
0x1a3: {  	v8 =	vmin.u32 v8, v2;
	v17 =	vld [tilespmem:s16+$0x18170]  }
0x1a4: {  	v12 =	vsub.s32 v12, v0;
	v18 =	vld [tilespmem:s16+$0x1A140]  }
0x1a5: {  	v19 =	vmin.u32 v6, v2;
	v13 =	vsub.s32 v13, v0;
	v6 =	vld [tilespmem:s16+$0x1A160]  }
0x1a6: {  	v14 =	vsub.s32 v14, v0;
	v5 =	vld [tilespmem:s16+$0x1A170]  }
0x1a7: {  	v15 =	vmin.u32 v15, v2;
	[tilespmem:v9+s1+$0x0] =	vst.idx.msk $0xffff, v7  }
0x1a8: {  	v17 =	vsub.s32 v17, v0;
	[tilespmem:v9+s12+$0x0] =	vst.idx.msk $0xffff, v3  }
0x1a9: {  	v12 =	vmin.u32 v12, v2;
	[tilespmem:v8+s1+$0x0] =	vst.idx.msk $0xffff, v11  }
0x1aa: {  	[tilespmem:v8+s12+$0x0] =	vst.idx.msk $0xffff, v3  }
0x1ab: {  	v7 =	vmin.u32 v14, v2;
	[tilespmem:v19+s1+$0x0] =	vst.idx.msk $0xffff, v16  }
.Ltmp5:
0x1ac: {  	[tilespmem:v19+s12+$0x0] =	vst.idx.msk $0xffff, v3;
	(pc) =	sbr.rel @p0 .LBB2_12-.Ltmp5, $4  }
0x1ad: {  	v9 =	vmin.u32 v13, v2;
	[tilespmem:v15+s1+$0x0] =	vst.idx.msk $0xffff, v10  }
0x1ae: {  	[tilespmem:v15+s12+$0x0] =	vst.idx.msk $0xffff, v3  }
0x1af: {  	v8 =	vmin.u32 v17, v2;
	[tilespmem:v12+s1+$0x0] =	vst.idx.msk $0xffff, v18  }
0x1b0: {  	[tilespmem:v12+s12+$0x0] =	vst.idx.msk $0xffff, v3  }
0x1b1: {  	_ =	sdelay $0x3  }
0x1b2: {  	[tilespmem:v7+s1+$0x0] =	vst.idx.msk $0xffff, v4  }
0x1b3: {  	[tilespmem:v7+s12+$0x0] =	vst.idx.msk $0xffff, v3  }
0x1b4: {  	[tilespmem:v9+s1+$0x0] =	vst.idx.msk $0xffff, v6  }
0x1b5: {  	[tilespmem:v9+s12+$0x0] =	vst.idx.msk $0xffff, v3  }
0x1b6: {  	[tilespmem:v8+s1+$0x0] =	vst.idx.msk $0xffff, v5  }
0x1b7: {  	[tilespmem:v8+s12+$0x0] =	vst.idx.msk $0xffff, v3  }
0x1b8: {  	_ =	swait.ge [sflag:s8], $0x1000  }
0x1b9: {  	[sflag:s8] =	ssyncset.done $0x0  }
0x1ba: {  	[sflag:s8] =	ssyncadd.s32 $0xFFFFF000  }
0x1bb: {  	_ =	swait.ge [sflag:s9], $0x1000  }
0x1bc: {  	[sflag:s9] =	ssyncset.done $0x0  }
0x1bd: {  	s15 =	simm.s32 $0x0;
	s16 =	rddreg [dreg:$0xd];
	[sflag:s9] =	ssyncadd.s32 $0xFFFFF000  }
0x1be: {  	[tilespmem:s6], [sflag:$0x1] =	stream.linear.gather [hbm4b:s16+s15], $0x1000, $0x38;
	[tilespmem:$0x1C100] =	vst v63  }
0x1bf: {  	s16 =	rddreg [dreg:$0xe]  }
0x1c0: {  	[tilespmem:s7], [sflag:$0x2] =	stream.linear.gather [hbm4b:s16+s15], $0x1000, $0x38;
	[tilespmem:$0x1C100] =	vst v63  }
0x1c1: {  	s16 =	simm.s32 $0x0  }
0x1c2: {  	v7 =	vld [tilespmem:s16+$0x19130]  }
0x1c3: {  	v8 =	vld [tilespmem:s16+$0x1B100]  }
0x1c4: {  	v5 =	vld [tilespmem:s16+$0x19120]  }
0x1c5: {  	v4 =	vld [tilespmem:s16+$0x1B150]  }
0x1c6: {  	v9 =	vld [tilespmem:s16+$0x19100]  }
0x1c7: {  	v6 =	vld [tilespmem:s16+$0x19110]  }
0x1c8: {  	v10 =	vld [tilespmem:s16+$0x1B130]  }
0x1c9: {  	v11 =	vld [tilespmem:s16+$0x1B110]  }
0x1ca: {  	v12 =	vld [tilespmem:s16+$0x19140]  }
0x1cb: {  	v13 =	vld [tilespmem:s16+$0x19160];
	v9 =	vsub.s32 v9, v0  }
0x1cc: {  	v14 =	vld [tilespmem:s16+$0x19150];
	v9 =	vmin.u32 v9, v2  }
0x1cd: {  	v15 =	vld [tilespmem:s16+$0x1B120];
	v6 =	vsub.s32 v6, v0  }
0x1ce: {  	v16 =	vld [tilespmem:s16+$0x19170];
	v17 =	vmin.u32 v6, v2  }
0x1cf: {  	v18 =	vld [tilespmem:s16+$0x1B140];
	v5 =	vsub.s32 v5, v0  }
0x1d0: {  	v6 =	vld [tilespmem:s16+$0x1B160];
	v19 =	vmin.u32 v5, v2  }
0x1d1: {  	v7 =	vsub.s32 v7, v0;
	v5 =	vld [tilespmem:s16+$0x1B170];
	[tilespmem:v9+s1+$0x0] =	vst.idx.msk $0xffff, v8  }
0x1d2: {  	v7 =	vmin.u32 v7, v2;
	[tilespmem:v9+s12+$0x0] =	vst.idx.msk $0xffff, v3  }
0x1d3: {  	[tilespmem:v17+s1+$0x0] =	vst.idx.msk $0xffff, v11  }
0x1d4: {  	[tilespmem:v17+s12+$0x0] =	vst.idx.msk $0xffff, v3  }
0x1d5: {  	v8 =	vsub.s32 v12, v0;
	[tilespmem:v19+s1+$0x0] =	vst.idx.msk $0xffff, v15  }
0x1d6: {  	v11 =	vmin.u32 v8, v2;
	[tilespmem:v19+s12+$0x0] =	vst.idx.msk $0xffff, v3  }
0x1d7: {  	v9 =	vsub.s32 v14, v0;
	[tilespmem:v7+s1+$0x0] =	vst.idx.msk $0xffff, v10  }
0x1d8: {  	[tilespmem:v7+s12+$0x0] =	vst.idx.msk $0xffff, v3;
	v7 =	vmin.u32 v9, v2  }
0x1d9: {  	v8 =	vsub.s32 v13, v0  }
0x1da: {  	v9 =	vmin.u32 v8, v2  }
0x1db: {  	v10 =	vsub.s32 v16, v0;
	[tilespmem:v11+s1+$0x0] =	vst.idx.msk $0xffff, v18  }
0x1dc: {  	s15 =	simm.s32 $0x200;
	v8 =	vmin.u32 v10, v2;
	[tilespmem:v11+s12+$0x0] =	vst.idx.msk $0xffff, v3  }
.LBB2_14:
0x1dd: {  	p0 =	sne.s32 s15, $0x3E00;
	[tilespmem:v7+s1+$0x0] =	vst.idx.msk $0xffff, v4;
	s16 =	smov.u32 s15;
	s15 =	sadd.s32 $0x200, s15  }
0x1de: {  	[tilespmem:v7+s12+$0x0] =	vst.idx.msk $0xffff, v3  }
0x1df: {  	[tilespmem:v9+s1+$0x0] =	vst.idx.msk $0xffff, v6  }
0x1e0: {  	[tilespmem:v9+s12+$0x0] =	vst.idx.msk $0xffff, v3  }
0x1e1: {  	[tilespmem:v8+s1+$0x0] =	vst.idx.msk $0xffff, v5  }
0x1e2: {  	s16 =	sshra.s32 s16, $0x2;
	[tilespmem:v8+s12+$0x0] =	vst.idx.msk $0xffff, v3  }
0x1e3: {  	v5 =	vld [tilespmem:s16+$0x19130]  }
0x1e4: {  	v7 =	vld [tilespmem:s16+$0x1B100]  }
0x1e5: {  	v6 =	vld [tilespmem:s16+$0x19120]  }
0x1e6: {  	v4 =	vld [tilespmem:s16+$0x1B150]  }
0x1e7: {  	v8 =	vld [tilespmem:s16+$0x19110]  }
0x1e8: {  	v9 =	vld [tilespmem:s16+$0x19100]  }
0x1e9: {  	v10 =	vld [tilespmem:s16+$0x1B130]  }
0x1ea: {  	v6 =	vsub.s32 v6, v0;
	v11 =	vld [tilespmem:s16+$0x1B110]  }
0x1eb: {  	v12 =	vld [tilespmem:s16+$0x19140]  }
0x1ec: {  	v8 =	vsub.s32 v8, v0;
	v13 =	vld [tilespmem:s16+$0x19160]  }
0x1ed: {  	v9 =	vsub.s32 v9, v0;
	v14 =	vld [tilespmem:s16+$0x19150]  }
0x1ee: {  	v15 =	vsub.s32 v5, v0;
	v9 =	vmin.u32 v9, v2;
	v16 =	vld [tilespmem:s16+$0x1B120]  }
0x1ef: {  	v8 =	vmin.u32 v8, v2;
	v17 =	vld [tilespmem:s16+$0x19170]  }
0x1f0: {  	v12 =	vsub.s32 v12, v0;
	v18 =	vld [tilespmem:s16+$0x1B140]  }
0x1f1: {  	v19 =	vmin.u32 v6, v2;
	v13 =	vsub.s32 v13, v0;
	v6 =	vld [tilespmem:s16+$0x1B160]  }
0x1f2: {  	v14 =	vsub.s32 v14, v0;
	v5 =	vld [tilespmem:s16+$0x1B170]  }
0x1f3: {  	v15 =	vmin.u32 v15, v2;
	[tilespmem:v9+s1+$0x0] =	vst.idx.msk $0xffff, v7  }
0x1f4: {  	v17 =	vsub.s32 v17, v0;
	[tilespmem:v9+s12+$0x0] =	vst.idx.msk $0xffff, v3  }
0x1f5: {  	v12 =	vmin.u32 v12, v2;
	[tilespmem:v8+s1+$0x0] =	vst.idx.msk $0xffff, v11  }
0x1f6: {  	[tilespmem:v8+s12+$0x0] =	vst.idx.msk $0xffff, v3  }
0x1f7: {  	v7 =	vmin.u32 v14, v2;
	[tilespmem:v19+s1+$0x0] =	vst.idx.msk $0xffff, v16  }
.Ltmp6:
0x1f8: {  	[tilespmem:v19+s12+$0x0] =	vst.idx.msk $0xffff, v3;
	(pc) =	sbr.rel @p0 .LBB2_14-.Ltmp6, $4  }
0x1f9: {  	v9 =	vmin.u32 v13, v2;
	[tilespmem:v15+s1+$0x0] =	vst.idx.msk $0xffff, v10  }
0x1fa: {  	[tilespmem:v15+s12+$0x0] =	vst.idx.msk $0xffff, v3  }
0x1fb: {  	v8 =	vmin.u32 v17, v2;
	[tilespmem:v12+s1+$0x0] =	vst.idx.msk $0xffff, v18  }
0x1fc: {  	[tilespmem:v12+s12+$0x0] =	vst.idx.msk $0xffff, v3  }
0x1fd: {  	_ =	sdelay $0x3  }
0x1fe: {  	[tilespmem:v7+s1+$0x0] =	vst.idx.msk $0xffff, v4  }
0x1ff: {  	[tilespmem:v7+s12+$0x0] =	vst.idx.msk $0xffff, v3  }
0x200: {  	[tilespmem:v9+s1+$0x0] =	vst.idx.msk $0xffff, v6  }
0x201: {  	[tilespmem:v9+s12+$0x0] =	vst.idx.msk $0xffff, v3  }
0x202: {  	[tilespmem:v8+s1+$0x0] =	vst.idx.msk $0xffff, v5  }
0x203: {  	[tilespmem:v8+s12+$0x0] =	vst.idx.msk $0xffff, v3  }
0x204: {  	_ =	swait.ge [sflag:s8], $0x1000  }
0x205: {  	[sflag:s8] =	ssyncset.done $0x0  }
0x206: {  	[sflag:s8] =	ssyncadd.s32 $0xFFFFF000  }
0x207: {  	_ =	swait.ge [sflag:s9], $0x1000  }
0x208: {  	[sflag:s9] =	ssyncset.done $0x0  }
0x209: {  	s15 =	simm.s32 $0x0;
	s16 =	rddreg [dreg:$0xf];
	[sflag:s9] =	ssyncadd.s32 $0xFFFFF000  }
0x20a: {  	[tilespmem:s10], [sflag:$0x1] =	stream.linear.gather [hbm4b:s16+s15], $0x1000, $0x38;
	[tilespmem:$0x1C100] =	vst v63  }
0x20b: {  	s16 =	rddreg [dreg:$0x10]  }
0x20c: {  	[tilespmem:s11], [sflag:$0x2] =	stream.linear.gather [hbm4b:s16+s15], $0x1000, $0x38;
	[tilespmem:$0x1C100] =	vst v63  }
0x20d: {  	s16 =	simm.s32 $0x0  }
0x20e: {  	v7 =	vld [tilespmem:s16+$0x18130]  }
0x20f: {  	v8 =	vld [tilespmem:s16+$0x1A100]  }
0x210: {  	v5 =	vld [tilespmem:s16+$0x18120]  }
0x211: {  	v4 =	vld [tilespmem:s16+$0x1A150]  }
0x212: {  	v9 =	vld [tilespmem:s16+$0x18100]  }
0x213: {  	v6 =	vld [tilespmem:s16+$0x18110]  }
0x214: {  	v10 =	vld [tilespmem:s16+$0x1A130]  }
0x215: {  	v11 =	vld [tilespmem:s16+$0x1A110]  }
0x216: {  	v12 =	vld [tilespmem:s16+$0x18140]  }
0x217: {  	v13 =	vld [tilespmem:s16+$0x18160];
	v9 =	vsub.s32 v9, v0  }
0x218: {  	v14 =	vld [tilespmem:s16+$0x18150];
	v9 =	vmin.u32 v9, v2  }
0x219: {  	v15 =	vld [tilespmem:s16+$0x1A120];
	v6 =	vsub.s32 v6, v0  }
0x21a: {  	v16 =	vld [tilespmem:s16+$0x18170];
	v17 =	vmin.u32 v6, v2  }
0x21b: {  	v18 =	vld [tilespmem:s16+$0x1A140];
	v5 =	vsub.s32 v5, v0  }
0x21c: {  	v6 =	vld [tilespmem:s16+$0x1A160];
	v19 =	vmin.u32 v5, v2  }
0x21d: {  	v7 =	vsub.s32 v7, v0;
	v5 =	vld [tilespmem:s16+$0x1A170];
	[tilespmem:v9+s1+$0x0] =	vst.idx.msk $0xffff, v8  }
0x21e: {  	v7 =	vmin.u32 v7, v2;
	[tilespmem:v9+s12+$0x0] =	vst.idx.msk $0xffff, v3  }
0x21f: {  	[tilespmem:v17+s1+$0x0] =	vst.idx.msk $0xffff, v11  }
0x220: {  	[tilespmem:v17+s12+$0x0] =	vst.idx.msk $0xffff, v3  }
0x221: {  	v8 =	vsub.s32 v12, v0;
	[tilespmem:v19+s1+$0x0] =	vst.idx.msk $0xffff, v15  }
0x222: {  	v11 =	vmin.u32 v8, v2;
	[tilespmem:v19+s12+$0x0] =	vst.idx.msk $0xffff, v3  }
0x223: {  	v9 =	vsub.s32 v14, v0;
	[tilespmem:v7+s1+$0x0] =	vst.idx.msk $0xffff, v10  }
0x224: {  	[tilespmem:v7+s12+$0x0] =	vst.idx.msk $0xffff, v3;
	v7 =	vmin.u32 v9, v2  }
0x225: {  	v8 =	vsub.s32 v13, v0  }
0x226: {  	v9 =	vmin.u32 v8, v2  }
0x227: {  	v10 =	vsub.s32 v16, v0;
	[tilespmem:v11+s1+$0x0] =	vst.idx.msk $0xffff, v18  }
0x228: {  	s15 =	simm.s32 $0x200;
	v8 =	vmin.u32 v10, v2;
	[tilespmem:v11+s12+$0x0] =	vst.idx.msk $0xffff, v3  }
.LBB2_16:
0x229: {  	p0 =	sne.s32 s15, $0x3E00;
	[tilespmem:v7+s1+$0x0] =	vst.idx.msk $0xffff, v4;
	s16 =	smov.u32 s15;
	s15 =	sadd.s32 $0x200, s15  }
0x22a: {  	[tilespmem:v7+s12+$0x0] =	vst.idx.msk $0xffff, v3  }
0x22b: {  	[tilespmem:v9+s1+$0x0] =	vst.idx.msk $0xffff, v6  }
0x22c: {  	[tilespmem:v9+s12+$0x0] =	vst.idx.msk $0xffff, v3  }
0x22d: {  	[tilespmem:v8+s1+$0x0] =	vst.idx.msk $0xffff, v5  }
0x22e: {  	s16 =	sshra.s32 s16, $0x2;
	[tilespmem:v8+s12+$0x0] =	vst.idx.msk $0xffff, v3  }
0x22f: {  	v5 =	vld [tilespmem:s16+$0x18130]  }
0x230: {  	v7 =	vld [tilespmem:s16+$0x1A100]  }
0x231: {  	v6 =	vld [tilespmem:s16+$0x18120]  }
0x232: {  	v4 =	vld [tilespmem:s16+$0x1A150]  }
0x233: {  	v8 =	vld [tilespmem:s16+$0x18110]  }
0x234: {  	v9 =	vld [tilespmem:s16+$0x18100]  }
0x235: {  	v10 =	vld [tilespmem:s16+$0x1A130]  }
0x236: {  	v6 =	vsub.s32 v6, v0;
	v11 =	vld [tilespmem:s16+$0x1A110]  }
0x237: {  	v12 =	vld [tilespmem:s16+$0x18140]  }
0x238: {  	v8 =	vsub.s32 v8, v0;
	v13 =	vld [tilespmem:s16+$0x18160]  }
0x239: {  	v9 =	vsub.s32 v9, v0;
	v14 =	vld [tilespmem:s16+$0x18150]  }
0x23a: {  	v15 =	vsub.s32 v5, v0;
	v9 =	vmin.u32 v9, v2;
	v16 =	vld [tilespmem:s16+$0x1A120]  }
0x23b: {  	v8 =	vmin.u32 v8, v2;
	v17 =	vld [tilespmem:s16+$0x18170]  }
0x23c: {  	v12 =	vsub.s32 v12, v0;
	v18 =	vld [tilespmem:s16+$0x1A140]  }
0x23d: {  	v19 =	vmin.u32 v6, v2;
	v13 =	vsub.s32 v13, v0;
	v6 =	vld [tilespmem:s16+$0x1A160]  }
0x23e: {  	v14 =	vsub.s32 v14, v0;
	v5 =	vld [tilespmem:s16+$0x1A170]  }
0x23f: {  	v15 =	vmin.u32 v15, v2;
	[tilespmem:v9+s1+$0x0] =	vst.idx.msk $0xffff, v7  }
0x240: {  	v17 =	vsub.s32 v17, v0;
	[tilespmem:v9+s12+$0x0] =	vst.idx.msk $0xffff, v3  }
0x241: {  	v12 =	vmin.u32 v12, v2;
	[tilespmem:v8+s1+$0x0] =	vst.idx.msk $0xffff, v11  }
0x242: {  	[tilespmem:v8+s12+$0x0] =	vst.idx.msk $0xffff, v3  }
0x243: {  	v7 =	vmin.u32 v14, v2;
	[tilespmem:v19+s1+$0x0] =	vst.idx.msk $0xffff, v16  }
.Ltmp7:
0x244: {  	[tilespmem:v19+s12+$0x0] =	vst.idx.msk $0xffff, v3;
	(pc) =	sbr.rel @p0 .LBB2_16-.Ltmp7, $4  }
0x245: {  	v9 =	vmin.u32 v13, v2;
	[tilespmem:v15+s1+$0x0] =	vst.idx.msk $0xffff, v10  }
0x246: {  	[tilespmem:v15+s12+$0x0] =	vst.idx.msk $0xffff, v3  }
0x247: {  	v8 =	vmin.u32 v17, v2;
	[tilespmem:v12+s1+$0x0] =	vst.idx.msk $0xffff, v18  }
0x248: {  	[tilespmem:v12+s12+$0x0] =	vst.idx.msk $0xffff, v3  }
0x249: {  	_ =	sdelay $0x3  }
0x24a: {  	[tilespmem:v7+s1+$0x0] =	vst.idx.msk $0xffff, v4  }
0x24b: {  	[tilespmem:v7+s12+$0x0] =	vst.idx.msk $0xffff, v3  }
0x24c: {  	[tilespmem:v9+s1+$0x0] =	vst.idx.msk $0xffff, v6  }
0x24d: {  	[tilespmem:v9+s12+$0x0] =	vst.idx.msk $0xffff, v3  }
0x24e: {  	[tilespmem:v8+s1+$0x0] =	vst.idx.msk $0xffff, v5  }
0x24f: {  	[tilespmem:v8+s12+$0x0] =	vst.idx.msk $0xffff, v3  }
0x250: {  	_ =	swait.ge [sflag:s8], $0x1000  }
0x251: {  	[sflag:s8] =	ssyncset.done $0x0  }
0x252: {  	[sflag:s8] =	ssyncadd.s32 $0xFFFFF000  }
0x253: {  	_ =	swait.ge [sflag:s9], $0x1000  }
0x254: {  	[sflag:s9] =	ssyncset.done $0x0  }
0x255: {  	s15 =	simm.s32 $0x0;
	s16 =	rddreg [dreg:$0x11];
	[sflag:s9] =	ssyncadd.s32 $0xFFFFF000  }
0x256: {  	[tilespmem:s6], [sflag:$0x1] =	stream.linear.gather [hbm4b:s16+s15], $0x1000, $0x38;
	[tilespmem:$0x1C100] =	vst v63  }
0x257: {  	s16 =	rddreg [dreg:$0x12]  }
0x258: {  	[tilespmem:s7], [sflag:$0x2] =	stream.linear.gather [hbm4b:s16+s15], $0x1000, $0x38;
	[tilespmem:$0x1C100] =	vst v63  }
0x259: {  	s16 =	simm.s32 $0x0  }
0x25a: {  	v7 =	vld [tilespmem:s16+$0x19130]  }
0x25b: {  	v8 =	vld [tilespmem:s16+$0x1B100]  }
0x25c: {  	v5 =	vld [tilespmem:s16+$0x19120]  }
0x25d: {  	v4 =	vld [tilespmem:s16+$0x1B150]  }
0x25e: {  	v9 =	vld [tilespmem:s16+$0x19100]  }
0x25f: {  	v6 =	vld [tilespmem:s16+$0x19110]  }
0x260: {  	v10 =	vld [tilespmem:s16+$0x1B130]  }
0x261: {  	v11 =	vld [tilespmem:s16+$0x1B110]  }
0x262: {  	v12 =	vld [tilespmem:s16+$0x19140]  }
0x263: {  	v13 =	vld [tilespmem:s16+$0x19160];
	v9 =	vsub.s32 v9, v0  }
0x264: {  	v14 =	vld [tilespmem:s16+$0x19150];
	v9 =	vmin.u32 v9, v2  }
0x265: {  	v15 =	vld [tilespmem:s16+$0x1B120];
	v6 =	vsub.s32 v6, v0  }
0x266: {  	v16 =	vld [tilespmem:s16+$0x19170];
	v17 =	vmin.u32 v6, v2  }
0x267: {  	v18 =	vld [tilespmem:s16+$0x1B140];
	v5 =	vsub.s32 v5, v0  }
0x268: {  	v6 =	vld [tilespmem:s16+$0x1B160];
	v19 =	vmin.u32 v5, v2  }
0x269: {  	v7 =	vsub.s32 v7, v0;
	v5 =	vld [tilespmem:s16+$0x1B170];
	[tilespmem:v9+s1+$0x0] =	vst.idx.msk $0xffff, v8  }
0x26a: {  	v7 =	vmin.u32 v7, v2;
	[tilespmem:v9+s12+$0x0] =	vst.idx.msk $0xffff, v3  }
0x26b: {  	[tilespmem:v17+s1+$0x0] =	vst.idx.msk $0xffff, v11  }
0x26c: {  	[tilespmem:v17+s12+$0x0] =	vst.idx.msk $0xffff, v3  }
0x26d: {  	v8 =	vsub.s32 v12, v0;
	[tilespmem:v19+s1+$0x0] =	vst.idx.msk $0xffff, v15  }
0x26e: {  	v11 =	vmin.u32 v8, v2;
	[tilespmem:v19+s12+$0x0] =	vst.idx.msk $0xffff, v3  }
0x26f: {  	v9 =	vsub.s32 v14, v0;
	[tilespmem:v7+s1+$0x0] =	vst.idx.msk $0xffff, v10  }
0x270: {  	[tilespmem:v7+s12+$0x0] =	vst.idx.msk $0xffff, v3;
	v7 =	vmin.u32 v9, v2  }
0x271: {  	v8 =	vsub.s32 v13, v0  }
0x272: {  	v9 =	vmin.u32 v8, v2  }
0x273: {  	v10 =	vsub.s32 v16, v0;
	[tilespmem:v11+s1+$0x0] =	vst.idx.msk $0xffff, v18  }
0x274: {  	s15 =	simm.s32 $0x200;
	v8 =	vmin.u32 v10, v2;
	[tilespmem:v11+s12+$0x0] =	vst.idx.msk $0xffff, v3  }
.LBB2_18:
0x275: {  	p0 =	sne.s32 s15, $0x3E00;
	[tilespmem:v7+s1+$0x0] =	vst.idx.msk $0xffff, v4;
	s16 =	smov.u32 s15;
	s15 =	sadd.s32 $0x200, s15  }
0x276: {  	[tilespmem:v7+s12+$0x0] =	vst.idx.msk $0xffff, v3  }
0x277: {  	[tilespmem:v9+s1+$0x0] =	vst.idx.msk $0xffff, v6  }
0x278: {  	[tilespmem:v9+s12+$0x0] =	vst.idx.msk $0xffff, v3  }
0x279: {  	[tilespmem:v8+s1+$0x0] =	vst.idx.msk $0xffff, v5  }
0x27a: {  	s16 =	sshra.s32 s16, $0x2;
	[tilespmem:v8+s12+$0x0] =	vst.idx.msk $0xffff, v3  }
0x27b: {  	v5 =	vld [tilespmem:s16+$0x19130]  }
0x27c: {  	v7 =	vld [tilespmem:s16+$0x1B100]  }
0x27d: {  	v6 =	vld [tilespmem:s16+$0x19120]  }
0x27e: {  	v4 =	vld [tilespmem:s16+$0x1B150]  }
0x27f: {  	v8 =	vld [tilespmem:s16+$0x19110]  }
0x280: {  	v9 =	vld [tilespmem:s16+$0x19100]  }
0x281: {  	v10 =	vld [tilespmem:s16+$0x1B130]  }
0x282: {  	v6 =	vsub.s32 v6, v0;
	v11 =	vld [tilespmem:s16+$0x1B110]  }
0x283: {  	v12 =	vld [tilespmem:s16+$0x19140]  }
0x284: {  	v8 =	vsub.s32 v8, v0;
	v13 =	vld [tilespmem:s16+$0x19160]  }
0x285: {  	v9 =	vsub.s32 v9, v0;
	v14 =	vld [tilespmem:s16+$0x19150]  }
0x286: {  	v15 =	vsub.s32 v5, v0;
	v9 =	vmin.u32 v9, v2;
	v16 =	vld [tilespmem:s16+$0x1B120]  }
0x287: {  	v8 =	vmin.u32 v8, v2;
	v17 =	vld [tilespmem:s16+$0x19170]  }
0x288: {  	v12 =	vsub.s32 v12, v0;
	v18 =	vld [tilespmem:s16+$0x1B140]  }
0x289: {  	v19 =	vmin.u32 v6, v2;
	v13 =	vsub.s32 v13, v0;
	v6 =	vld [tilespmem:s16+$0x1B160]  }
0x28a: {  	v14 =	vsub.s32 v14, v0;
	v5 =	vld [tilespmem:s16+$0x1B170]  }
0x28b: {  	v15 =	vmin.u32 v15, v2;
	[tilespmem:v9+s1+$0x0] =	vst.idx.msk $0xffff, v7  }
0x28c: {  	v17 =	vsub.s32 v17, v0;
	[tilespmem:v9+s12+$0x0] =	vst.idx.msk $0xffff, v3  }
0x28d: {  	v12 =	vmin.u32 v12, v2;
	[tilespmem:v8+s1+$0x0] =	vst.idx.msk $0xffff, v11  }
0x28e: {  	[tilespmem:v8+s12+$0x0] =	vst.idx.msk $0xffff, v3  }
0x28f: {  	v7 =	vmin.u32 v14, v2;
	[tilespmem:v19+s1+$0x0] =	vst.idx.msk $0xffff, v16  }
.Ltmp8:
0x290: {  	[tilespmem:v19+s12+$0x0] =	vst.idx.msk $0xffff, v3;
	(pc) =	sbr.rel @p0 .LBB2_18-.Ltmp8, $4  }
0x291: {  	v9 =	vmin.u32 v13, v2;
	[tilespmem:v15+s1+$0x0] =	vst.idx.msk $0xffff, v10  }
0x292: {  	[tilespmem:v15+s12+$0x0] =	vst.idx.msk $0xffff, v3  }
0x293: {  	v8 =	vmin.u32 v17, v2;
	[tilespmem:v12+s1+$0x0] =	vst.idx.msk $0xffff, v18  }
0x294: {  	[tilespmem:v12+s12+$0x0] =	vst.idx.msk $0xffff, v3  }
0x295: {  	_ =	sdelay $0x3  }
0x296: {  	[tilespmem:v7+s1+$0x0] =	vst.idx.msk $0xffff, v4  }
0x297: {  	[tilespmem:v7+s12+$0x0] =	vst.idx.msk $0xffff, v3  }
0x298: {  	[tilespmem:v9+s1+$0x0] =	vst.idx.msk $0xffff, v6  }
0x299: {  	[tilespmem:v9+s12+$0x0] =	vst.idx.msk $0xffff, v3  }
0x29a: {  	[tilespmem:v8+s1+$0x0] =	vst.idx.msk $0xffff, v5  }
0x29b: {  	[tilespmem:v8+s12+$0x0] =	vst.idx.msk $0xffff, v3  }
0x29c: {  	_ =	swait.ge [sflag:s8], $0x1000  }
0x29d: {  	[sflag:s8] =	ssyncset.done $0x0  }
0x29e: {  	[sflag:s8] =	ssyncadd.s32 $0xFFFFF000  }
0x29f: {  	_ =	swait.ge [sflag:s9], $0x1000  }
0x2a0: {  	[sflag:s9] =	ssyncset.done $0x0  }
0x2a1: {  	s15 =	simm.s32 $0x0;
	[sflag:s9] =	ssyncadd.s32 $0xFFFFF000  }
0x2a2: {  	[tilespmem:s10], [sflag:$0x1] =	stream.linear.gather [hbm4b:s17+s15], $0x1000, $0x38;
	[tilespmem:$0x1C100] =	vst v63  }
0x2a3: {  	s16 =	simm.s32 $0x0  }
0x2a4: {  	[tilespmem:s11], [sflag:$0x2] =	stream.linear.gather [hbm4b:s18+s15], $0x1000, $0x38;
	[tilespmem:$0x1C100] =	vst v63  }
0x2a5: {  	v7 =	vld [tilespmem:s16+$0x18130]  }
0x2a6: {  	v8 =	vld [tilespmem:s16+$0x1A100]  }
0x2a7: {  	v5 =	vld [tilespmem:s16+$0x18120]  }
0x2a8: {  	v4 =	vld [tilespmem:s16+$0x1A150]  }
0x2a9: {  	v9 =	vld [tilespmem:s16+$0x18100]  }
0x2aa: {  	v6 =	vld [tilespmem:s16+$0x18110]  }
0x2ab: {  	v10 =	vld [tilespmem:s16+$0x1A130]  }
0x2ac: {  	v11 =	vld [tilespmem:s16+$0x1A110]  }
0x2ad: {  	v12 =	vld [tilespmem:s16+$0x18140]  }
0x2ae: {  	v13 =	vld [tilespmem:s16+$0x18160];
	v9 =	vsub.s32 v9, v0  }
0x2af: {  	v14 =	vld [tilespmem:s16+$0x18150];
	v9 =	vmin.u32 v9, v2  }
0x2b0: {  	v15 =	vld [tilespmem:s16+$0x1A120];
	v6 =	vsub.s32 v6, v0  }
0x2b1: {  	v16 =	vld [tilespmem:s16+$0x18170];
	v17 =	vmin.u32 v6, v2  }
0x2b2: {  	v18 =	vld [tilespmem:s16+$0x1A140];
	v5 =	vsub.s32 v5, v0  }
0x2b3: {  	v6 =	vld [tilespmem:s16+$0x1A160];
	v19 =	vmin.u32 v5, v2  }
0x2b4: {  	v7 =	vsub.s32 v7, v0;
	v5 =	vld [tilespmem:s16+$0x1A170];
	[tilespmem:v9+s1+$0x0] =	vst.idx.msk $0xffff, v8  }
0x2b5: {  	v7 =	vmin.u32 v7, v2;
	[tilespmem:v9+s12+$0x0] =	vst.idx.msk $0xffff, v3  }
0x2b6: {  	[tilespmem:v17+s1+$0x0] =	vst.idx.msk $0xffff, v11  }
0x2b7: {  	[tilespmem:v17+s12+$0x0] =	vst.idx.msk $0xffff, v3  }
0x2b8: {  	v8 =	vsub.s32 v12, v0;
	[tilespmem:v19+s1+$0x0] =	vst.idx.msk $0xffff, v15  }
0x2b9: {  	v11 =	vmin.u32 v8, v2;
	[tilespmem:v19+s12+$0x0] =	vst.idx.msk $0xffff, v3  }
0x2ba: {  	v9 =	vsub.s32 v14, v0;
	[tilespmem:v7+s1+$0x0] =	vst.idx.msk $0xffff, v10  }
0x2bb: {  	[tilespmem:v7+s12+$0x0] =	vst.idx.msk $0xffff, v3;
	v7 =	vmin.u32 v9, v2  }
0x2bc: {  	v8 =	vsub.s32 v13, v0  }
0x2bd: {  	v9 =	vmin.u32 v8, v2  }
0x2be: {  	v10 =	vsub.s32 v16, v0;
	[tilespmem:v11+s1+$0x0] =	vst.idx.msk $0xffff, v18  }
0x2bf: {  	s15 =	simm.s32 $0x200;
	v8 =	vmin.u32 v10, v2;
	[tilespmem:v11+s12+$0x0] =	vst.idx.msk $0xffff, v3  }
.LBB2_20:
0x2c0: {  	p0 =	sne.s32 s15, $0x3E00;
	[tilespmem:v7+s1+$0x0] =	vst.idx.msk $0xffff, v4;
	s16 =	smov.u32 s15;
	s15 =	sadd.s32 $0x200, s15  }
0x2c1: {  	[tilespmem:v7+s12+$0x0] =	vst.idx.msk $0xffff, v3  }
0x2c2: {  	[tilespmem:v9+s1+$0x0] =	vst.idx.msk $0xffff, v6  }
0x2c3: {  	[tilespmem:v9+s12+$0x0] =	vst.idx.msk $0xffff, v3  }
0x2c4: {  	[tilespmem:v8+s1+$0x0] =	vst.idx.msk $0xffff, v5  }
0x2c5: {  	s16 =	sshra.s32 s16, $0x2;
	[tilespmem:v8+s12+$0x0] =	vst.idx.msk $0xffff, v3  }
0x2c6: {  	v5 =	vld [tilespmem:s16+$0x18130]  }
0x2c7: {  	v7 =	vld [tilespmem:s16+$0x1A100]  }
0x2c8: {  	v6 =	vld [tilespmem:s16+$0x18120]  }
0x2c9: {  	v4 =	vld [tilespmem:s16+$0x1A150]  }
0x2ca: {  	v8 =	vld [tilespmem:s16+$0x18110]  }
0x2cb: {  	v9 =	vld [tilespmem:s16+$0x18100]  }
0x2cc: {  	v10 =	vld [tilespmem:s16+$0x1A130]  }
0x2cd: {  	v6 =	vsub.s32 v6, v0;
	v11 =	vld [tilespmem:s16+$0x1A110]  }
0x2ce: {  	v12 =	vld [tilespmem:s16+$0x18140]  }
0x2cf: {  	v8 =	vsub.s32 v8, v0;
	v13 =	vld [tilespmem:s16+$0x18160]  }
0x2d0: {  	v9 =	vsub.s32 v9, v0;
	v14 =	vld [tilespmem:s16+$0x18150]  }
0x2d1: {  	v15 =	vsub.s32 v5, v0;
	v9 =	vmin.u32 v9, v2;
	v16 =	vld [tilespmem:s16+$0x1A120]  }
0x2d2: {  	v8 =	vmin.u32 v8, v2;
	v17 =	vld [tilespmem:s16+$0x18170]  }
0x2d3: {  	v12 =	vsub.s32 v12, v0;
	v18 =	vld [tilespmem:s16+$0x1A140]  }
0x2d4: {  	v19 =	vmin.u32 v6, v2;
	v13 =	vsub.s32 v13, v0;
	v6 =	vld [tilespmem:s16+$0x1A160]  }
0x2d5: {  	v14 =	vsub.s32 v14, v0;
	v5 =	vld [tilespmem:s16+$0x1A170]  }
0x2d6: {  	v15 =	vmin.u32 v15, v2;
	[tilespmem:v9+s1+$0x0] =	vst.idx.msk $0xffff, v7  }
0x2d7: {  	v17 =	vsub.s32 v17, v0;
	[tilespmem:v9+s12+$0x0] =	vst.idx.msk $0xffff, v3  }
0x2d8: {  	v12 =	vmin.u32 v12, v2;
	[tilespmem:v8+s1+$0x0] =	vst.idx.msk $0xffff, v11  }
0x2d9: {  	[tilespmem:v8+s12+$0x0] =	vst.idx.msk $0xffff, v3  }
0x2da: {  	v7 =	vmin.u32 v14, v2;
	[tilespmem:v19+s1+$0x0] =	vst.idx.msk $0xffff, v16  }
.Ltmp9:
0x2db: {  	[tilespmem:v19+s12+$0x0] =	vst.idx.msk $0xffff, v3;
	(pc) =	sbr.rel @p0 .LBB2_20-.Ltmp9, $4  }
0x2dc: {  	v9 =	vmin.u32 v13, v2;
	[tilespmem:v15+s1+$0x0] =	vst.idx.msk $0xffff, v10  }
0x2dd: {  	[tilespmem:v15+s12+$0x0] =	vst.idx.msk $0xffff, v3  }
0x2de: {  	v8 =	vmin.u32 v17, v2;
	[tilespmem:v12+s1+$0x0] =	vst.idx.msk $0xffff, v18  }
0x2df: {  	[tilespmem:v12+s12+$0x0] =	vst.idx.msk $0xffff, v3  }
0x2e0: {  	_ =	sdelay $0x3  }
0x2e1: {  	[tilespmem:v7+s1+$0x0] =	vst.idx.msk $0xffff, v4  }
0x2e2: {  	[tilespmem:v7+s12+$0x0] =	vst.idx.msk $0xffff, v3  }
0x2e3: {  	[tilespmem:v9+s1+$0x0] =	vst.idx.msk $0xffff, v6  }
0x2e4: {  	[tilespmem:v9+s12+$0x0] =	vst.idx.msk $0xffff, v3  }
0x2e5: {  	[tilespmem:v8+s1+$0x0] =	vst.idx.msk $0xffff, v5  }
0x2e6: {  	[tilespmem:v8+s12+$0x0] =	vst.idx.msk $0xffff, v3  }
0x2e7: {  	_ =	swait.ge [sflag:s8], $0x1000  }
0x2e8: {  	[sflag:s8] =	ssyncset.done $0x0  }
0x2e9: {  	[sflag:s8] =	ssyncadd.s32 $0xFFFFF000  }
0x2ea: {  	_ =	swait.ge [sflag:s9], $0x1000  }
0x2eb: {  	[sflag:s9] =	ssyncset.done $0x0  }
0x2ec: {  	s15 =	simm.s32 $0x0;
	[sflag:s9] =	ssyncadd.s32 $0xFFFFF000  }
0x2ed: {  	[tilespmem:s6], [sflag:$0x1] =	stream.linear.gather [hbm4b:s19+s15], $0x1000, $0x38;
	[tilespmem:$0x1C100] =	vst v63  }
0x2ee: {  	s16 =	simm.s32 $0x0  }
0x2ef: {  	[tilespmem:s7], [sflag:$0x2] =	stream.linear.gather [hbm4b:s20+s15], $0x1000, $0x38;
	[tilespmem:$0x1C100] =	vst v63  }
0x2f0: {  	v7 =	vld [tilespmem:s16+$0x19130]  }
0x2f1: {  	v8 =	vld [tilespmem:s16+$0x1B100]  }
0x2f2: {  	v5 =	vld [tilespmem:s16+$0x19120]  }
0x2f3: {  	v4 =	vld [tilespmem:s16+$0x1B150]  }
0x2f4: {  	v9 =	vld [tilespmem:s16+$0x19100]  }
0x2f5: {  	v6 =	vld [tilespmem:s16+$0x19110]  }
0x2f6: {  	v10 =	vld [tilespmem:s16+$0x1B130]  }
0x2f7: {  	v11 =	vld [tilespmem:s16+$0x1B110]  }
0x2f8: {  	v12 =	vld [tilespmem:s16+$0x19140]  }
0x2f9: {  	v13 =	vld [tilespmem:s16+$0x19160];
	v9 =	vsub.s32 v9, v0  }
0x2fa: {  	v14 =	vld [tilespmem:s16+$0x19150];
	v9 =	vmin.u32 v9, v2  }
0x2fb: {  	v15 =	vld [tilespmem:s16+$0x1B120];
	v6 =	vsub.s32 v6, v0  }
0x2fc: {  	v16 =	vld [tilespmem:s16+$0x19170];
	v17 =	vmin.u32 v6, v2  }
0x2fd: {  	v18 =	vld [tilespmem:s16+$0x1B140];
	v5 =	vsub.s32 v5, v0  }
0x2fe: {  	v6 =	vld [tilespmem:s16+$0x1B160];
	v19 =	vmin.u32 v5, v2  }
0x2ff: {  	v7 =	vsub.s32 v7, v0;
	v5 =	vld [tilespmem:s16+$0x1B170];
	[tilespmem:v9+s1+$0x0] =	vst.idx.msk $0xffff, v8  }
0x300: {  	v7 =	vmin.u32 v7, v2;
	[tilespmem:v9+s12+$0x0] =	vst.idx.msk $0xffff, v3  }
0x301: {  	[tilespmem:v17+s1+$0x0] =	vst.idx.msk $0xffff, v11  }
0x302: {  	[tilespmem:v17+s12+$0x0] =	vst.idx.msk $0xffff, v3  }
0x303: {  	v8 =	vsub.s32 v12, v0;
	[tilespmem:v19+s1+$0x0] =	vst.idx.msk $0xffff, v15  }
0x304: {  	v11 =	vmin.u32 v8, v2;
	[tilespmem:v19+s12+$0x0] =	vst.idx.msk $0xffff, v3  }
0x305: {  	v9 =	vsub.s32 v14, v0;
	[tilespmem:v7+s1+$0x0] =	vst.idx.msk $0xffff, v10  }
0x306: {  	[tilespmem:v7+s12+$0x0] =	vst.idx.msk $0xffff, v3;
	v7 =	vmin.u32 v9, v2  }
0x307: {  	v8 =	vsub.s32 v13, v0  }
0x308: {  	v9 =	vmin.u32 v8, v2  }
0x309: {  	v10 =	vsub.s32 v16, v0;
	[tilespmem:v11+s1+$0x0] =	vst.idx.msk $0xffff, v18  }
0x30a: {  	s15 =	simm.s32 $0x200;
	v8 =	vmin.u32 v10, v2;
	[tilespmem:v11+s12+$0x0] =	vst.idx.msk $0xffff, v3  }
.LBB2_22:
0x30b: {  	p0 =	sne.s32 s15, $0x3E00;
	[tilespmem:v7+s1+$0x0] =	vst.idx.msk $0xffff, v4;
	s16 =	smov.u32 s15;
	s15 =	sadd.s32 $0x200, s15  }
0x30c: {  	[tilespmem:v7+s12+$0x0] =	vst.idx.msk $0xffff, v3  }
0x30d: {  	[tilespmem:v9+s1+$0x0] =	vst.idx.msk $0xffff, v6  }
0x30e: {  	[tilespmem:v9+s12+$0x0] =	vst.idx.msk $0xffff, v3  }
0x30f: {  	[tilespmem:v8+s1+$0x0] =	vst.idx.msk $0xffff, v5  }
0x310: {  	s16 =	sshra.s32 s16, $0x2;
	[tilespmem:v8+s12+$0x0] =	vst.idx.msk $0xffff, v3  }
0x311: {  	v5 =	vld [tilespmem:s16+$0x19130]  }
0x312: {  	v7 =	vld [tilespmem:s16+$0x1B100]  }
0x313: {  	v6 =	vld [tilespmem:s16+$0x19120]  }
0x314: {  	v4 =	vld [tilespmem:s16+$0x1B150]  }
0x315: {  	v8 =	vld [tilespmem:s16+$0x19110]  }
0x316: {  	v9 =	vld [tilespmem:s16+$0x19100]  }
0x317: {  	v10 =	vld [tilespmem:s16+$0x1B130]  }
0x318: {  	v6 =	vsub.s32 v6, v0;
	v11 =	vld [tilespmem:s16+$0x1B110]  }
0x319: {  	v12 =	vld [tilespmem:s16+$0x19140]  }
0x31a: {  	v8 =	vsub.s32 v8, v0;
	v13 =	vld [tilespmem:s16+$0x19160]  }
0x31b: {  	v9 =	vsub.s32 v9, v0;
	v14 =	vld [tilespmem:s16+$0x19150]  }
0x31c: {  	v15 =	vsub.s32 v5, v0;
	v9 =	vmin.u32 v9, v2;
	v16 =	vld [tilespmem:s16+$0x1B120]  }
0x31d: {  	v8 =	vmin.u32 v8, v2;
	v17 =	vld [tilespmem:s16+$0x19170]  }
0x31e: {  	v12 =	vsub.s32 v12, v0;
	v18 =	vld [tilespmem:s16+$0x1B140]  }
0x31f: {  	v19 =	vmin.u32 v6, v2;
	v13 =	vsub.s32 v13, v0;
	v6 =	vld [tilespmem:s16+$0x1B160]  }
0x320: {  	v14 =	vsub.s32 v14, v0;
	v5 =	vld [tilespmem:s16+$0x1B170]  }
0x321: {  	v15 =	vmin.u32 v15, v2;
	[tilespmem:v9+s1+$0x0] =	vst.idx.msk $0xffff, v7  }
0x322: {  	v17 =	vsub.s32 v17, v0;
	[tilespmem:v9+s12+$0x0] =	vst.idx.msk $0xffff, v3  }
0x323: {  	v12 =	vmin.u32 v12, v2;
	[tilespmem:v8+s1+$0x0] =	vst.idx.msk $0xffff, v11  }
0x324: {  	[tilespmem:v8+s12+$0x0] =	vst.idx.msk $0xffff, v3  }
0x325: {  	v7 =	vmin.u32 v14, v2;
	[tilespmem:v19+s1+$0x0] =	vst.idx.msk $0xffff, v16  }
.Ltmp10:
0x326: {  	[tilespmem:v19+s12+$0x0] =	vst.idx.msk $0xffff, v3;
	(pc) =	sbr.rel @p0 .LBB2_22-.Ltmp10, $4  }
0x327: {  	v9 =	vmin.u32 v13, v2;
	[tilespmem:v15+s1+$0x0] =	vst.idx.msk $0xffff, v10  }
0x328: {  	[tilespmem:v15+s12+$0x0] =	vst.idx.msk $0xffff, v3  }
0x329: {  	v8 =	vmin.u32 v17, v2;
	[tilespmem:v12+s1+$0x0] =	vst.idx.msk $0xffff, v18  }
0x32a: {  	[tilespmem:v12+s12+$0x0] =	vst.idx.msk $0xffff, v3  }
0x32b: {  	_ =	sdelay $0x3  }
0x32c: {  	[tilespmem:v7+s1+$0x0] =	vst.idx.msk $0xffff, v4  }
0x32d: {  	[tilespmem:v7+s12+$0x0] =	vst.idx.msk $0xffff, v3  }
0x32e: {  	[tilespmem:v9+s1+$0x0] =	vst.idx.msk $0xffff, v6  }
0x32f: {  	[tilespmem:v9+s12+$0x0] =	vst.idx.msk $0xffff, v3  }
0x330: {  	[tilespmem:v8+s1+$0x0] =	vst.idx.msk $0xffff, v5  }
0x331: {  	[tilespmem:v8+s12+$0x0] =	vst.idx.msk $0xffff, v3  }
0x332: {  	_ =	swait.ge [sflag:s8], $0x1000  }
0x333: {  	[sflag:s8] =	ssyncset.done $0x0  }
0x334: {  	[sflag:s8] =	ssyncadd.s32 $0xFFFFF000  }
0x335: {  	_ =	swait.ge [sflag:s9], $0x1000  }
0x336: {  	[sflag:s9] =	ssyncset.done $0x0  }
0x337: {  	s15 =	simm.s32 $0x0;
	[sflag:s9] =	ssyncadd.s32 $0xFFFFF000  }
0x338: {  	[tilespmem:s10], [sflag:$0x1] =	stream.linear.gather [hbm4b:s21+s15], $0x1000, $0x38;
	[tilespmem:$0x1C100] =	vst v63  }
0x339: {  	s16 =	simm.s32 $0x0  }
0x33a: {  	[tilespmem:s11], [sflag:$0x2] =	stream.linear.gather [hbm4b:s22+s15], $0x1000, $0x38;
	[tilespmem:$0x1C100] =	vst v63  }
0x33b: {  	v7 =	vld [tilespmem:s16+$0x18130]  }
0x33c: {  	v8 =	vld [tilespmem:s16+$0x1A100]  }
0x33d: {  	v5 =	vld [tilespmem:s16+$0x18120]  }
0x33e: {  	v4 =	vld [tilespmem:s16+$0x1A150]  }
0x33f: {  	v9 =	vld [tilespmem:s16+$0x18100]  }
0x340: {  	v6 =	vld [tilespmem:s16+$0x18110]  }
0x341: {  	v10 =	vld [tilespmem:s16+$0x1A130]  }
0x342: {  	v11 =	vld [tilespmem:s16+$0x1A110]  }
0x343: {  	v12 =	vld [tilespmem:s16+$0x18140]  }
0x344: {  	v13 =	vld [tilespmem:s16+$0x18160];
	v9 =	vsub.s32 v9, v0  }
0x345: {  	v14 =	vld [tilespmem:s16+$0x18150];
	v9 =	vmin.u32 v9, v2  }
0x346: {  	v15 =	vld [tilespmem:s16+$0x1A120];
	v6 =	vsub.s32 v6, v0  }
0x347: {  	v16 =	vld [tilespmem:s16+$0x18170];
	v17 =	vmin.u32 v6, v2  }
0x348: {  	v18 =	vld [tilespmem:s16+$0x1A140];
	v5 =	vsub.s32 v5, v0  }
0x349: {  	v6 =	vld [tilespmem:s16+$0x1A160];
	v19 =	vmin.u32 v5, v2  }
0x34a: {  	v7 =	vsub.s32 v7, v0;
	v5 =	vld [tilespmem:s16+$0x1A170];
	[tilespmem:v9+s1+$0x0] =	vst.idx.msk $0xffff, v8  }
0x34b: {  	v7 =	vmin.u32 v7, v2;
	[tilespmem:v9+s12+$0x0] =	vst.idx.msk $0xffff, v3  }
0x34c: {  	[tilespmem:v17+s1+$0x0] =	vst.idx.msk $0xffff, v11  }
0x34d: {  	[tilespmem:v17+s12+$0x0] =	vst.idx.msk $0xffff, v3  }
0x34e: {  	v8 =	vsub.s32 v12, v0;
	[tilespmem:v19+s1+$0x0] =	vst.idx.msk $0xffff, v15  }
0x34f: {  	v11 =	vmin.u32 v8, v2;
	[tilespmem:v19+s12+$0x0] =	vst.idx.msk $0xffff, v3  }
0x350: {  	v9 =	vsub.s32 v14, v0;
	[tilespmem:v7+s1+$0x0] =	vst.idx.msk $0xffff, v10  }
0x351: {  	[tilespmem:v7+s12+$0x0] =	vst.idx.msk $0xffff, v3;
	v7 =	vmin.u32 v9, v2  }
0x352: {  	v8 =	vsub.s32 v13, v0  }
0x353: {  	v9 =	vmin.u32 v8, v2  }
0x354: {  	v10 =	vsub.s32 v16, v0;
	[tilespmem:v11+s1+$0x0] =	vst.idx.msk $0xffff, v18  }
0x355: {  	s15 =	simm.s32 $0x200;
	v8 =	vmin.u32 v10, v2;
	[tilespmem:v11+s12+$0x0] =	vst.idx.msk $0xffff, v3  }
.LBB2_24:
0x356: {  	p0 =	sne.s32 s15, $0x3E00;
	[tilespmem:v7+s1+$0x0] =	vst.idx.msk $0xffff, v4;
	s16 =	smov.u32 s15;
	s15 =	sadd.s32 $0x200, s15  }
0x357: {  	[tilespmem:v7+s12+$0x0] =	vst.idx.msk $0xffff, v3  }
0x358: {  	[tilespmem:v9+s1+$0x0] =	vst.idx.msk $0xffff, v6  }
0x359: {  	[tilespmem:v9+s12+$0x0] =	vst.idx.msk $0xffff, v3  }
0x35a: {  	[tilespmem:v8+s1+$0x0] =	vst.idx.msk $0xffff, v5  }
0x35b: {  	s16 =	sshra.s32 s16, $0x2;
	[tilespmem:v8+s12+$0x0] =	vst.idx.msk $0xffff, v3  }
0x35c: {  	v5 =	vld [tilespmem:s16+$0x18130]  }
0x35d: {  	v7 =	vld [tilespmem:s16+$0x1A100]  }
0x35e: {  	v6 =	vld [tilespmem:s16+$0x18120]  }
0x35f: {  	v4 =	vld [tilespmem:s16+$0x1A150]  }
0x360: {  	v8 =	vld [tilespmem:s16+$0x18110]  }
0x361: {  	v9 =	vld [tilespmem:s16+$0x18100]  }
0x362: {  	v10 =	vld [tilespmem:s16+$0x1A130]  }
0x363: {  	v6 =	vsub.s32 v6, v0;
	v11 =	vld [tilespmem:s16+$0x1A110]  }
0x364: {  	v12 =	vld [tilespmem:s16+$0x18140]  }
0x365: {  	v8 =	vsub.s32 v8, v0;
	v13 =	vld [tilespmem:s16+$0x18160]  }
0x366: {  	v9 =	vsub.s32 v9, v0;
	v14 =	vld [tilespmem:s16+$0x18150]  }
0x367: {  	v15 =	vsub.s32 v5, v0;
	v9 =	vmin.u32 v9, v2;
	v16 =	vld [tilespmem:s16+$0x1A120]  }
0x368: {  	v8 =	vmin.u32 v8, v2;
	v17 =	vld [tilespmem:s16+$0x18170]  }
0x369: {  	v12 =	vsub.s32 v12, v0;
	v18 =	vld [tilespmem:s16+$0x1A140]  }
0x36a: {  	v19 =	vmin.u32 v6, v2;
	v13 =	vsub.s32 v13, v0;
	v6 =	vld [tilespmem:s16+$0x1A160]  }
0x36b: {  	v14 =	vsub.s32 v14, v0;
	v5 =	vld [tilespmem:s16+$0x1A170]  }
0x36c: {  	v15 =	vmin.u32 v15, v2;
	[tilespmem:v9+s1+$0x0] =	vst.idx.msk $0xffff, v7  }
0x36d: {  	v17 =	vsub.s32 v17, v0;
	[tilespmem:v9+s12+$0x0] =	vst.idx.msk $0xffff, v3  }
0x36e: {  	v12 =	vmin.u32 v12, v2;
	[tilespmem:v8+s1+$0x0] =	vst.idx.msk $0xffff, v11  }
0x36f: {  	[tilespmem:v8+s12+$0x0] =	vst.idx.msk $0xffff, v3  }
0x370: {  	v7 =	vmin.u32 v14, v2;
	[tilespmem:v19+s1+$0x0] =	vst.idx.msk $0xffff, v16  }
.Ltmp11:
0x371: {  	[tilespmem:v19+s12+$0x0] =	vst.idx.msk $0xffff, v3;
	(pc) =	sbr.rel @p0 .LBB2_24-.Ltmp11, $4  }
0x372: {  	v9 =	vmin.u32 v13, v2;
	[tilespmem:v15+s1+$0x0] =	vst.idx.msk $0xffff, v10  }
0x373: {  	[tilespmem:v15+s12+$0x0] =	vst.idx.msk $0xffff, v3  }
0x374: {  	v8 =	vmin.u32 v17, v2;
	[tilespmem:v12+s1+$0x0] =	vst.idx.msk $0xffff, v18  }
0x375: {  	[tilespmem:v12+s12+$0x0] =	vst.idx.msk $0xffff, v3  }
0x376: {  	_ =	sdelay $0x3  }
0x377: {  	[tilespmem:v7+s1+$0x0] =	vst.idx.msk $0xffff, v4  }
0x378: {  	[tilespmem:v7+s12+$0x0] =	vst.idx.msk $0xffff, v3  }
0x379: {  	[tilespmem:v9+s1+$0x0] =	vst.idx.msk $0xffff, v6  }
0x37a: {  	[tilespmem:v9+s12+$0x0] =	vst.idx.msk $0xffff, v3  }
0x37b: {  	[tilespmem:v8+s1+$0x0] =	vst.idx.msk $0xffff, v5  }
0x37c: {  	[tilespmem:v8+s12+$0x0] =	vst.idx.msk $0xffff, v3  }
0x37d: {  	_ =	swait.ge [sflag:s8], $0x1000  }
0x37e: {  	[sflag:s8] =	ssyncset.done $0x0  }
0x37f: {  	[sflag:s8] =	ssyncadd.s32 $0xFFFFF000  }
0x380: {  	_ =	swait.ge [sflag:s9], $0x1000  }
0x381: {  	[sflag:s9] =	ssyncset.done $0x0  }
0x382: {  	s15 =	simm.s32 $0x0;
	[sflag:s9] =	ssyncadd.s32 $0xFFFFF000  }
0x383: {  	[tilespmem:s6], [sflag:$0x1] =	stream.linear.gather [hbm4b:s23+s15], $0x1000, $0x38;
	[tilespmem:$0x1C100] =	vst v63  }
0x384: {  	s16 =	simm.s32 $0x0  }
0x385: {  	[tilespmem:s7], [sflag:$0x2] =	stream.linear.gather [hbm4b:s24+s15], $0x1000, $0x38;
	[tilespmem:$0x1C100] =	vst v63  }
0x386: {  	v7 =	vld [tilespmem:s16+$0x19130]  }
0x387: {  	v8 =	vld [tilespmem:s16+$0x1B100]  }
0x388: {  	v5 =	vld [tilespmem:s16+$0x19120]  }
0x389: {  	v4 =	vld [tilespmem:s16+$0x1B150]  }
0x38a: {  	v9 =	vld [tilespmem:s16+$0x19100]  }
0x38b: {  	v6 =	vld [tilespmem:s16+$0x19110]  }
0x38c: {  	v10 =	vld [tilespmem:s16+$0x1B130]  }
0x38d: {  	v11 =	vld [tilespmem:s16+$0x1B110]  }
0x38e: {  	v12 =	vld [tilespmem:s16+$0x19140]  }
0x38f: {  	v13 =	vld [tilespmem:s16+$0x19160];
	v9 =	vsub.s32 v9, v0  }
0x390: {  	v14 =	vld [tilespmem:s16+$0x19150];
	v9 =	vmin.u32 v9, v2  }
0x391: {  	v15 =	vld [tilespmem:s16+$0x1B120];
	v6 =	vsub.s32 v6, v0  }
0x392: {  	v16 =	vld [tilespmem:s16+$0x19170];
	v17 =	vmin.u32 v6, v2  }
0x393: {  	v18 =	vld [tilespmem:s16+$0x1B140];
	v5 =	vsub.s32 v5, v0  }
0x394: {  	v6 =	vld [tilespmem:s16+$0x1B160];
	v19 =	vmin.u32 v5, v2  }
0x395: {  	v7 =	vsub.s32 v7, v0;
	v5 =	vld [tilespmem:s16+$0x1B170];
	[tilespmem:v9+s1+$0x0] =	vst.idx.msk $0xffff, v8  }
0x396: {  	v7 =	vmin.u32 v7, v2;
	[tilespmem:v9+s12+$0x0] =	vst.idx.msk $0xffff, v3  }
0x397: {  	[tilespmem:v17+s1+$0x0] =	vst.idx.msk $0xffff, v11  }
0x398: {  	[tilespmem:v17+s12+$0x0] =	vst.idx.msk $0xffff, v3  }
0x399: {  	v8 =	vsub.s32 v12, v0;
	[tilespmem:v19+s1+$0x0] =	vst.idx.msk $0xffff, v15  }
0x39a: {  	v11 =	vmin.u32 v8, v2;
	[tilespmem:v19+s12+$0x0] =	vst.idx.msk $0xffff, v3  }
0x39b: {  	v9 =	vsub.s32 v14, v0;
	[tilespmem:v7+s1+$0x0] =	vst.idx.msk $0xffff, v10  }
0x39c: {  	[tilespmem:v7+s12+$0x0] =	vst.idx.msk $0xffff, v3;
	v7 =	vmin.u32 v9, v2  }
0x39d: {  	v8 =	vsub.s32 v13, v0  }
0x39e: {  	v9 =	vmin.u32 v8, v2  }
0x39f: {  	v10 =	vsub.s32 v16, v0;
	[tilespmem:v11+s1+$0x0] =	vst.idx.msk $0xffff, v18  }
0x3a0: {  	s15 =	simm.s32 $0x200;
	v8 =	vmin.u32 v10, v2;
	[tilespmem:v11+s12+$0x0] =	vst.idx.msk $0xffff, v3  }
.LBB2_26:
0x3a1: {  	p0 =	sne.s32 s15, $0x3E00;
	[tilespmem:v7+s1+$0x0] =	vst.idx.msk $0xffff, v4;
	s16 =	smov.u32 s15;
	s15 =	sadd.s32 $0x200, s15  }
0x3a2: {  	[tilespmem:v7+s12+$0x0] =	vst.idx.msk $0xffff, v3  }
0x3a3: {  	[tilespmem:v9+s1+$0x0] =	vst.idx.msk $0xffff, v6  }
0x3a4: {  	[tilespmem:v9+s12+$0x0] =	vst.idx.msk $0xffff, v3  }
0x3a5: {  	[tilespmem:v8+s1+$0x0] =	vst.idx.msk $0xffff, v5  }
0x3a6: {  	s16 =	sshra.s32 s16, $0x2;
	[tilespmem:v8+s12+$0x0] =	vst.idx.msk $0xffff, v3  }
0x3a7: {  	v5 =	vld [tilespmem:s16+$0x19130]  }
0x3a8: {  	v7 =	vld [tilespmem:s16+$0x1B100]  }
0x3a9: {  	v6 =	vld [tilespmem:s16+$0x19120]  }
0x3aa: {  	v4 =	vld [tilespmem:s16+$0x1B150]  }
0x3ab: {  	v8 =	vld [tilespmem:s16+$0x19110]  }
0x3ac: {  	v9 =	vld [tilespmem:s16+$0x19100]  }
0x3ad: {  	v10 =	vld [tilespmem:s16+$0x1B130]  }
0x3ae: {  	v6 =	vsub.s32 v6, v0;
	v11 =	vld [tilespmem:s16+$0x1B110]  }
0x3af: {  	v12 =	vld [tilespmem:s16+$0x19140]  }
0x3b0: {  	v8 =	vsub.s32 v8, v0;
	v13 =	vld [tilespmem:s16+$0x19160]  }
0x3b1: {  	v9 =	vsub.s32 v9, v0;
	v14 =	vld [tilespmem:s16+$0x19150]  }
0x3b2: {  	v15 =	vsub.s32 v5, v0;
	v9 =	vmin.u32 v9, v2;
	v16 =	vld [tilespmem:s16+$0x1B120]  }
0x3b3: {  	v8 =	vmin.u32 v8, v2;
	v17 =	vld [tilespmem:s16+$0x19170]  }
0x3b4: {  	v12 =	vsub.s32 v12, v0;
	v18 =	vld [tilespmem:s16+$0x1B140]  }
0x3b5: {  	v19 =	vmin.u32 v6, v2;
	v13 =	vsub.s32 v13, v0;
	v6 =	vld [tilespmem:s16+$0x1B160]  }
0x3b6: {  	v14 =	vsub.s32 v14, v0;
	v5 =	vld [tilespmem:s16+$0x1B170]  }
0x3b7: {  	v15 =	vmin.u32 v15, v2;
	[tilespmem:v9+s1+$0x0] =	vst.idx.msk $0xffff, v7  }
0x3b8: {  	v17 =	vsub.s32 v17, v0;
	[tilespmem:v9+s12+$0x0] =	vst.idx.msk $0xffff, v3  }
0x3b9: {  	v12 =	vmin.u32 v12, v2;
	[tilespmem:v8+s1+$0x0] =	vst.idx.msk $0xffff, v11  }
0x3ba: {  	[tilespmem:v8+s12+$0x0] =	vst.idx.msk $0xffff, v3  }
0x3bb: {  	v7 =	vmin.u32 v14, v2;
	[tilespmem:v19+s1+$0x0] =	vst.idx.msk $0xffff, v16  }
.Ltmp12:
0x3bc: {  	[tilespmem:v19+s12+$0x0] =	vst.idx.msk $0xffff, v3;
	(pc) =	sbr.rel @p0 .LBB2_26-.Ltmp12, $4  }
0x3bd: {  	v9 =	vmin.u32 v13, v2;
	[tilespmem:v15+s1+$0x0] =	vst.idx.msk $0xffff, v10  }
0x3be: {  	[tilespmem:v15+s12+$0x0] =	vst.idx.msk $0xffff, v3  }
0x3bf: {  	v8 =	vmin.u32 v17, v2;
	[tilespmem:v12+s1+$0x0] =	vst.idx.msk $0xffff, v18  }
0x3c0: {  	[tilespmem:v12+s12+$0x0] =	vst.idx.msk $0xffff, v3  }
0x3c1: {  	_ =	sdelay $0x3  }
0x3c2: {  	[tilespmem:v7+s1+$0x0] =	vst.idx.msk $0xffff, v4  }
0x3c3: {  	[tilespmem:v7+s12+$0x0] =	vst.idx.msk $0xffff, v3  }
0x3c4: {  	[tilespmem:v9+s1+$0x0] =	vst.idx.msk $0xffff, v6  }
0x3c5: {  	[tilespmem:v9+s12+$0x0] =	vst.idx.msk $0xffff, v3  }
0x3c6: {  	[tilespmem:v8+s1+$0x0] =	vst.idx.msk $0xffff, v5  }
0x3c7: {  	[tilespmem:v8+s12+$0x0] =	vst.idx.msk $0xffff, v3  }
0x3c8: {  	_ =	swait.ge [sflag:s8], $0x1000  }
0x3c9: {  	[sflag:s8] =	ssyncset.done $0x0  }
0x3ca: {  	[sflag:s8] =	ssyncadd.s32 $0xFFFFF000  }
0x3cb: {  	_ =	swait.ge [sflag:s9], $0x1000  }
0x3cc: {  	[sflag:s9] =	ssyncset.done $0x0  }
0x3cd: {  	s15 =	simm.s32 $0x0;
	[sflag:s9] =	ssyncadd.s32 $0xFFFFF000  }
0x3ce: {  	[tilespmem:s10], [sflag:$0x1] =	stream.linear.gather [hbm4b:s25+s15], $0x1000, $0x38;
	[tilespmem:$0x1C100] =	vst v63  }
0x3cf: {  	s16 =	simm.s32 $0x0  }
0x3d0: {  	[tilespmem:s11], [sflag:$0x2] =	stream.linear.gather [hbm4b:s26+s15], $0x1000, $0x38;
	[tilespmem:$0x1C100] =	vst v63  }
0x3d1: {  	v7 =	vld [tilespmem:s16+$0x18130]  }
0x3d2: {  	v8 =	vld [tilespmem:s16+$0x1A100]  }
0x3d3: {  	v5 =	vld [tilespmem:s16+$0x18120]  }
0x3d4: {  	v4 =	vld [tilespmem:s16+$0x1A150]  }
0x3d5: {  	v9 =	vld [tilespmem:s16+$0x18100]  }
0x3d6: {  	v6 =	vld [tilespmem:s16+$0x18110]  }
0x3d7: {  	v10 =	vld [tilespmem:s16+$0x1A130]  }
0x3d8: {  	v11 =	vld [tilespmem:s16+$0x1A110]  }
0x3d9: {  	v12 =	vld [tilespmem:s16+$0x18140]  }
0x3da: {  	v13 =	vld [tilespmem:s16+$0x18160];
	v9 =	vsub.s32 v9, v0  }
0x3db: {  	v14 =	vld [tilespmem:s16+$0x18150];
	v9 =	vmin.u32 v9, v2  }
0x3dc: {  	v15 =	vld [tilespmem:s16+$0x1A120];
	v6 =	vsub.s32 v6, v0  }
0x3dd: {  	v16 =	vld [tilespmem:s16+$0x18170];
	v17 =	vmin.u32 v6, v2  }
0x3de: {  	v18 =	vld [tilespmem:s16+$0x1A140];
	v5 =	vsub.s32 v5, v0  }
0x3df: {  	v6 =	vld [tilespmem:s16+$0x1A160];
	v19 =	vmin.u32 v5, v2  }
0x3e0: {  	v7 =	vsub.s32 v7, v0;
	v5 =	vld [tilespmem:s16+$0x1A170];
	[tilespmem:v9+s1+$0x0] =	vst.idx.msk $0xffff, v8  }
0x3e1: {  	v7 =	vmin.u32 v7, v2;
	[tilespmem:v9+s12+$0x0] =	vst.idx.msk $0xffff, v3  }
0x3e2: {  	[tilespmem:v17+s1+$0x0] =	vst.idx.msk $0xffff, v11  }
0x3e3: {  	[tilespmem:v17+s12+$0x0] =	vst.idx.msk $0xffff, v3  }
0x3e4: {  	v8 =	vsub.s32 v12, v0;
	[tilespmem:v19+s1+$0x0] =	vst.idx.msk $0xffff, v15  }
0x3e5: {  	v11 =	vmin.u32 v8, v2;
	[tilespmem:v19+s12+$0x0] =	vst.idx.msk $0xffff, v3  }
0x3e6: {  	v9 =	vsub.s32 v14, v0;
	[tilespmem:v7+s1+$0x0] =	vst.idx.msk $0xffff, v10  }
0x3e7: {  	[tilespmem:v7+s12+$0x0] =	vst.idx.msk $0xffff, v3;
	v7 =	vmin.u32 v9, v2  }
0x3e8: {  	v8 =	vsub.s32 v13, v0  }
0x3e9: {  	v9 =	vmin.u32 v8, v2  }
0x3ea: {  	v10 =	vsub.s32 v16, v0;
	[tilespmem:v11+s1+$0x0] =	vst.idx.msk $0xffff, v18  }
0x3eb: {  	s15 =	simm.s32 $0x200;
	v8 =	vmin.u32 v10, v2;
	[tilespmem:v11+s12+$0x0] =	vst.idx.msk $0xffff, v3  }
.LBB2_28:
0x3ec: {  	p0 =	sne.s32 s15, $0x3E00;
	[tilespmem:v7+s1+$0x0] =	vst.idx.msk $0xffff, v4;
	s16 =	smov.u32 s15;
	s15 =	sadd.s32 $0x200, s15  }
0x3ed: {  	[tilespmem:v7+s12+$0x0] =	vst.idx.msk $0xffff, v3  }
0x3ee: {  	[tilespmem:v9+s1+$0x0] =	vst.idx.msk $0xffff, v6  }
0x3ef: {  	[tilespmem:v9+s12+$0x0] =	vst.idx.msk $0xffff, v3  }
0x3f0: {  	[tilespmem:v8+s1+$0x0] =	vst.idx.msk $0xffff, v5  }
0x3f1: {  	s16 =	sshra.s32 s16, $0x2;
	[tilespmem:v8+s12+$0x0] =	vst.idx.msk $0xffff, v3  }
0x3f2: {  	v5 =	vld [tilespmem:s16+$0x18130]  }
0x3f3: {  	v7 =	vld [tilespmem:s16+$0x1A100]  }
0x3f4: {  	v6 =	vld [tilespmem:s16+$0x18120]  }
0x3f5: {  	v4 =	vld [tilespmem:s16+$0x1A150]  }
0x3f6: {  	v8 =	vld [tilespmem:s16+$0x18110]  }
0x3f7: {  	v9 =	vld [tilespmem:s16+$0x18100]  }
0x3f8: {  	v10 =	vld [tilespmem:s16+$0x1A130]  }
0x3f9: {  	v6 =	vsub.s32 v6, v0;
	v11 =	vld [tilespmem:s16+$0x1A110]  }
0x3fa: {  	v12 =	vld [tilespmem:s16+$0x18140]  }
0x3fb: {  	v8 =	vsub.s32 v8, v0;
	v13 =	vld [tilespmem:s16+$0x18160]  }
0x3fc: {  	v9 =	vsub.s32 v9, v0;
	v14 =	vld [tilespmem:s16+$0x18150]  }
0x3fd: {  	v15 =	vsub.s32 v5, v0;
	v9 =	vmin.u32 v9, v2;
	v16 =	vld [tilespmem:s16+$0x1A120]  }
0x3fe: {  	v8 =	vmin.u32 v8, v2;
	v17 =	vld [tilespmem:s16+$0x18170]  }
0x3ff: {  	v12 =	vsub.s32 v12, v0;
	v18 =	vld [tilespmem:s16+$0x1A140]  }
0x400: {  	v19 =	vmin.u32 v6, v2;
	v13 =	vsub.s32 v13, v0;
	v6 =	vld [tilespmem:s16+$0x1A160]  }
0x401: {  	v14 =	vsub.s32 v14, v0;
	v5 =	vld [tilespmem:s16+$0x1A170]  }
0x402: {  	v15 =	vmin.u32 v15, v2;
	[tilespmem:v9+s1+$0x0] =	vst.idx.msk $0xffff, v7  }
0x403: {  	v17 =	vsub.s32 v17, v0;
	[tilespmem:v9+s12+$0x0] =	vst.idx.msk $0xffff, v3  }
0x404: {  	v12 =	vmin.u32 v12, v2;
	[tilespmem:v8+s1+$0x0] =	vst.idx.msk $0xffff, v11  }
0x405: {  	[tilespmem:v8+s12+$0x0] =	vst.idx.msk $0xffff, v3  }
0x406: {  	v7 =	vmin.u32 v14, v2;
	[tilespmem:v19+s1+$0x0] =	vst.idx.msk $0xffff, v16  }
.Ltmp13:
0x407: {  	[tilespmem:v19+s12+$0x0] =	vst.idx.msk $0xffff, v3;
	(pc) =	sbr.rel @p0 .LBB2_28-.Ltmp13, $4  }
0x408: {  	v9 =	vmin.u32 v13, v2;
	[tilespmem:v15+s1+$0x0] =	vst.idx.msk $0xffff, v10  }
0x409: {  	[tilespmem:v15+s12+$0x0] =	vst.idx.msk $0xffff, v3  }
0x40a: {  	v8 =	vmin.u32 v17, v2;
	[tilespmem:v12+s1+$0x0] =	vst.idx.msk $0xffff, v18  }
0x40b: {  	[tilespmem:v12+s12+$0x0] =	vst.idx.msk $0xffff, v3  }
0x40c: {  	_ =	sdelay $0x3  }
0x40d: {  	[tilespmem:v7+s1+$0x0] =	vst.idx.msk $0xffff, v4  }
0x40e: {  	[tilespmem:v7+s12+$0x0] =	vst.idx.msk $0xffff, v3  }
0x40f: {  	[tilespmem:v9+s1+$0x0] =	vst.idx.msk $0xffff, v6  }
0x410: {  	[tilespmem:v9+s12+$0x0] =	vst.idx.msk $0xffff, v3  }
0x411: {  	[tilespmem:v8+s1+$0x0] =	vst.idx.msk $0xffff, v5  }
0x412: {  	[tilespmem:v8+s12+$0x0] =	vst.idx.msk $0xffff, v3  }
0x413: {  	_ =	swait.ge [sflag:s8], $0x1000  }
0x414: {  	[sflag:s8] =	ssyncset.done $0x0  }
0x415: {  	[sflag:s8] =	ssyncadd.s32 $0xFFFFF000  }
0x416: {  	_ =	swait.ge [sflag:s9], $0x1000  }
0x417: {  	[sflag:s9] =	ssyncset.done $0x0  }
0x418: {  	s15 =	simm.s32 $0x0;
	[sflag:s9] =	ssyncadd.s32 $0xFFFFF000  }
0x419: {  	[tilespmem:s6], [sflag:$0x1] =	stream.linear.gather [hbm4b:s28+s15], $0x1000, $0x38;
	[tilespmem:$0x1C100] =	vst v63  }
0x41a: {  	s16 =	simm.s32 $0x0  }
0x41b: {  	[tilespmem:s7], [sflag:$0x2] =	stream.linear.gather [hbm4b:s29+s15], $0x1000, $0x38;
	[tilespmem:$0x1C100] =	vst v63  }
0x41c: {  	v7 =	vld [tilespmem:s16+$0x19130]  }
0x41d: {  	v8 =	vld [tilespmem:s16+$0x1B100]  }
0x41e: {  	v5 =	vld [tilespmem:s16+$0x19120]  }
0x41f: {  	v4 =	vld [tilespmem:s16+$0x1B150]  }
0x420: {  	v9 =	vld [tilespmem:s16+$0x19100]  }
0x421: {  	v6 =	vld [tilespmem:s16+$0x19110]  }
0x422: {  	v10 =	vld [tilespmem:s16+$0x1B130]  }
0x423: {  	v11 =	vld [tilespmem:s16+$0x1B110]  }
0x424: {  	v12 =	vld [tilespmem:s16+$0x19140]  }
0x425: {  	v13 =	vld [tilespmem:s16+$0x19160];
	v9 =	vsub.s32 v9, v0  }
0x426: {  	v14 =	vld [tilespmem:s16+$0x19150];
	v9 =	vmin.u32 v9, v2  }
0x427: {  	v15 =	vld [tilespmem:s16+$0x1B120];
	v6 =	vsub.s32 v6, v0  }
0x428: {  	v16 =	vld [tilespmem:s16+$0x19170];
	v17 =	vmin.u32 v6, v2  }
0x429: {  	v18 =	vld [tilespmem:s16+$0x1B140];
	v5 =	vsub.s32 v5, v0  }
0x42a: {  	v6 =	vld [tilespmem:s16+$0x1B160];
	v19 =	vmin.u32 v5, v2  }
0x42b: {  	v7 =	vsub.s32 v7, v0;
	v5 =	vld [tilespmem:s16+$0x1B170];
	[tilespmem:v9+s1+$0x0] =	vst.idx.msk $0xffff, v8  }
0x42c: {  	v7 =	vmin.u32 v7, v2;
	[tilespmem:v9+s12+$0x0] =	vst.idx.msk $0xffff, v3  }
0x42d: {  	[tilespmem:v17+s1+$0x0] =	vst.idx.msk $0xffff, v11  }
0x42e: {  	[tilespmem:v17+s12+$0x0] =	vst.idx.msk $0xffff, v3  }
0x42f: {  	v8 =	vsub.s32 v12, v0;
	[tilespmem:v19+s1+$0x0] =	vst.idx.msk $0xffff, v15  }
0x430: {  	v11 =	vmin.u32 v8, v2;
	[tilespmem:v19+s12+$0x0] =	vst.idx.msk $0xffff, v3  }
0x431: {  	v9 =	vsub.s32 v14, v0;
	[tilespmem:v7+s1+$0x0] =	vst.idx.msk $0xffff, v10  }
0x432: {  	[tilespmem:v7+s12+$0x0] =	vst.idx.msk $0xffff, v3;
	v7 =	vmin.u32 v9, v2  }
0x433: {  	v8 =	vsub.s32 v13, v0  }
0x434: {  	v9 =	vmin.u32 v8, v2  }
0x435: {  	v10 =	vsub.s32 v16, v0;
	[tilespmem:v11+s1+$0x0] =	vst.idx.msk $0xffff, v18  }
0x436: {  	s15 =	simm.s32 $0x200;
	v8 =	vmin.u32 v10, v2;
	[tilespmem:v11+s12+$0x0] =	vst.idx.msk $0xffff, v3  }
.LBB2_30:
0x437: {  	p0 =	sne.s32 s15, $0x3E00;
	[tilespmem:v7+s1+$0x0] =	vst.idx.msk $0xffff, v4;
	s16 =	smov.u32 s15;
	s15 =	sadd.s32 $0x200, s15  }
0x438: {  	[tilespmem:v7+s12+$0x0] =	vst.idx.msk $0xffff, v3  }
0x439: {  	[tilespmem:v9+s1+$0x0] =	vst.idx.msk $0xffff, v6  }
0x43a: {  	[tilespmem:v9+s12+$0x0] =	vst.idx.msk $0xffff, v3  }
0x43b: {  	[tilespmem:v8+s1+$0x0] =	vst.idx.msk $0xffff, v5  }
0x43c: {  	s16 =	sshra.s32 s16, $0x2;
	[tilespmem:v8+s12+$0x0] =	vst.idx.msk $0xffff, v3  }
0x43d: {  	v5 =	vld [tilespmem:s16+$0x19130]  }
0x43e: {  	v7 =	vld [tilespmem:s16+$0x1B100]  }
0x43f: {  	v6 =	vld [tilespmem:s16+$0x19120]  }
0x440: {  	v4 =	vld [tilespmem:s16+$0x1B150]  }
0x441: {  	v8 =	vld [tilespmem:s16+$0x19110]  }
0x442: {  	v9 =	vld [tilespmem:s16+$0x19100]  }
0x443: {  	v10 =	vld [tilespmem:s16+$0x1B130]  }
0x444: {  	v6 =	vsub.s32 v6, v0;
	v11 =	vld [tilespmem:s16+$0x1B110]  }
0x445: {  	v12 =	vld [tilespmem:s16+$0x19140]  }
0x446: {  	v8 =	vsub.s32 v8, v0;
	v13 =	vld [tilespmem:s16+$0x19160]  }
0x447: {  	v9 =	vsub.s32 v9, v0;
	v14 =	vld [tilespmem:s16+$0x19150]  }
0x448: {  	v15 =	vsub.s32 v5, v0;
	v9 =	vmin.u32 v9, v2;
	v16 =	vld [tilespmem:s16+$0x1B120]  }
0x449: {  	v8 =	vmin.u32 v8, v2;
	v17 =	vld [tilespmem:s16+$0x19170]  }
0x44a: {  	v12 =	vsub.s32 v12, v0;
	v18 =	vld [tilespmem:s16+$0x1B140]  }
0x44b: {  	v19 =	vmin.u32 v6, v2;
	v13 =	vsub.s32 v13, v0;
	v6 =	vld [tilespmem:s16+$0x1B160]  }
0x44c: {  	v14 =	vsub.s32 v14, v0;
	v5 =	vld [tilespmem:s16+$0x1B170]  }
0x44d: {  	v15 =	vmin.u32 v15, v2;
	[tilespmem:v9+s1+$0x0] =	vst.idx.msk $0xffff, v7  }
0x44e: {  	v17 =	vsub.s32 v17, v0;
	[tilespmem:v9+s12+$0x0] =	vst.idx.msk $0xffff, v3  }
0x44f: {  	v12 =	vmin.u32 v12, v2;
	[tilespmem:v8+s1+$0x0] =	vst.idx.msk $0xffff, v11  }
0x450: {  	[tilespmem:v8+s12+$0x0] =	vst.idx.msk $0xffff, v3  }
0x451: {  	v7 =	vmin.u32 v14, v2;
	[tilespmem:v19+s1+$0x0] =	vst.idx.msk $0xffff, v16  }
.Ltmp14:
0x452: {  	[tilespmem:v19+s12+$0x0] =	vst.idx.msk $0xffff, v3;
	(pc) =	sbr.rel @p0 .LBB2_30-.Ltmp14, $4  }
0x453: {  	v9 =	vmin.u32 v13, v2;
	[tilespmem:v15+s1+$0x0] =	vst.idx.msk $0xffff, v10  }
0x454: {  	[tilespmem:v15+s12+$0x0] =	vst.idx.msk $0xffff, v3  }
0x455: {  	v8 =	vmin.u32 v17, v2;
	[tilespmem:v12+s1+$0x0] =	vst.idx.msk $0xffff, v18  }
0x456: {  	[tilespmem:v12+s12+$0x0] =	vst.idx.msk $0xffff, v3  }
0x457: {  	_ =	sdelay $0x3  }
0x458: {  	[tilespmem:v7+s1+$0x0] =	vst.idx.msk $0xffff, v4  }
0x459: {  	[tilespmem:v7+s12+$0x0] =	vst.idx.msk $0xffff, v3  }
0x45a: {  	[tilespmem:v9+s1+$0x0] =	vst.idx.msk $0xffff, v6  }
0x45b: {  	[tilespmem:v9+s12+$0x0] =	vst.idx.msk $0xffff, v3  }
0x45c: {  	[tilespmem:v8+s1+$0x0] =	vst.idx.msk $0xffff, v5  }
0x45d: {  	[tilespmem:v8+s12+$0x0] =	vst.idx.msk $0xffff, v3  }
0x45e: {  	_ =	swait.ge [sflag:s8], $0x1000  }
0x45f: {  	[sflag:s8] =	ssyncset.done $0x0  }
0x460: {  	[sflag:s8] =	ssyncadd.s32 $0xFFFFF000  }
0x461: {  	_ =	swait.ge [sflag:s9], $0x1000  }
0x462: {  	[sflag:s9] =	ssyncset.done $0x0  }
0x463: {  	s15 =	simm.s32 $0x0;
	[sflag:s9] =	ssyncadd.s32 $0xFFFFF000  }
0x464: {  	[tilespmem:s10], [sflag:$0x1] =	stream.linear.gather [hbm4b:s0+s15], $0x1000, $0x38;
	[tilespmem:$0x1C100] =	vst v63  }
0x465: {  	s16 =	simm.s32 $0x0  }
0x466: {  	[tilespmem:s11], [sflag:$0x2] =	stream.linear.gather [hbm4b:s2+s15], $0x1000, $0x38;
	[tilespmem:$0x1C100] =	vst v63  }
0x467: {  	v7 =	vld [tilespmem:s16+$0x18130]  }
0x468: {  	v8 =	vld [tilespmem:s16+$0x1A100]  }
0x469: {  	v5 =	vld [tilespmem:s16+$0x18120]  }
0x46a: {  	v4 =	vld [tilespmem:s16+$0x1A150]  }
0x46b: {  	v9 =	vld [tilespmem:s16+$0x18100]  }
0x46c: {  	v6 =	vld [tilespmem:s16+$0x18110]  }
0x46d: {  	v10 =	vld [tilespmem:s16+$0x1A130]  }
0x46e: {  	v11 =	vld [tilespmem:s16+$0x1A110]  }
0x46f: {  	v12 =	vld [tilespmem:s16+$0x18140]  }
0x470: {  	v13 =	vld [tilespmem:s16+$0x18160];
	v9 =	vsub.s32 v9, v0  }
0x471: {  	v14 =	vld [tilespmem:s16+$0x18150];
	v9 =	vmin.u32 v9, v2  }
0x472: {  	v15 =	vld [tilespmem:s16+$0x1A120];
	v6 =	vsub.s32 v6, v0  }
0x473: {  	v16 =	vld [tilespmem:s16+$0x18170];
	v17 =	vmin.u32 v6, v2  }
0x474: {  	v18 =	vld [tilespmem:s16+$0x1A140];
	v5 =	vsub.s32 v5, v0  }
0x475: {  	v6 =	vld [tilespmem:s16+$0x1A160];
	v19 =	vmin.u32 v5, v2  }
0x476: {  	v7 =	vsub.s32 v7, v0;
	v5 =	vld [tilespmem:s16+$0x1A170];
	[tilespmem:v9+s1+$0x0] =	vst.idx.msk $0xffff, v8  }
0x477: {  	v7 =	vmin.u32 v7, v2;
	[tilespmem:v9+s12+$0x0] =	vst.idx.msk $0xffff, v3  }
0x478: {  	[tilespmem:v17+s1+$0x0] =	vst.idx.msk $0xffff, v11  }
0x479: {  	[tilespmem:v17+s12+$0x0] =	vst.idx.msk $0xffff, v3  }
0x47a: {  	v8 =	vsub.s32 v12, v0;
	[tilespmem:v19+s1+$0x0] =	vst.idx.msk $0xffff, v15  }
0x47b: {  	v11 =	vmin.u32 v8, v2;
	[tilespmem:v19+s12+$0x0] =	vst.idx.msk $0xffff, v3  }
0x47c: {  	v9 =	vsub.s32 v14, v0;
	[tilespmem:v7+s1+$0x0] =	vst.idx.msk $0xffff, v10  }
0x47d: {  	[tilespmem:v7+s12+$0x0] =	vst.idx.msk $0xffff, v3;
	v7 =	vmin.u32 v9, v2  }
0x47e: {  	v8 =	vsub.s32 v13, v0  }
0x47f: {  	v9 =	vmin.u32 v8, v2  }
0x480: {  	v10 =	vsub.s32 v16, v0;
	[tilespmem:v11+s1+$0x0] =	vst.idx.msk $0xffff, v18  }
0x481: {  	s15 =	simm.s32 $0x200;
	v8 =	vmin.u32 v10, v2;
	[tilespmem:v11+s12+$0x0] =	vst.idx.msk $0xffff, v3  }
.LBB2_32:
0x482: {  	p0 =	sne.s32 s15, $0x3E00;
	[tilespmem:v7+s1+$0x0] =	vst.idx.msk $0xffff, v4;
	s16 =	smov.u32 s15;
	s15 =	sadd.s32 $0x200, s15  }
0x483: {  	[tilespmem:v7+s12+$0x0] =	vst.idx.msk $0xffff, v3  }
0x484: {  	[tilespmem:v9+s1+$0x0] =	vst.idx.msk $0xffff, v6  }
0x485: {  	[tilespmem:v9+s12+$0x0] =	vst.idx.msk $0xffff, v3  }
0x486: {  	[tilespmem:v8+s1+$0x0] =	vst.idx.msk $0xffff, v5  }
0x487: {  	s16 =	sshra.s32 s16, $0x2;
	[tilespmem:v8+s12+$0x0] =	vst.idx.msk $0xffff, v3  }
0x488: {  	v5 =	vld [tilespmem:s16+$0x18130]  }
0x489: {  	v7 =	vld [tilespmem:s16+$0x1A100]  }
0x48a: {  	v6 =	vld [tilespmem:s16+$0x18120]  }
0x48b: {  	v4 =	vld [tilespmem:s16+$0x1A150]  }
0x48c: {  	v8 =	vld [tilespmem:s16+$0x18110]  }
0x48d: {  	v9 =	vld [tilespmem:s16+$0x18100]  }
0x48e: {  	v10 =	vld [tilespmem:s16+$0x1A130]  }
0x48f: {  	v6 =	vsub.s32 v6, v0;
	v11 =	vld [tilespmem:s16+$0x1A110]  }
0x490: {  	v12 =	vld [tilespmem:s16+$0x18140]  }
0x491: {  	v8 =	vsub.s32 v8, v0;
	v13 =	vld [tilespmem:s16+$0x18160]  }
0x492: {  	v9 =	vsub.s32 v9, v0;
	v14 =	vld [tilespmem:s16+$0x18150]  }
0x493: {  	v15 =	vsub.s32 v5, v0;
	v9 =	vmin.u32 v9, v2;
	v16 =	vld [tilespmem:s16+$0x1A120]  }
0x494: {  	v8 =	vmin.u32 v8, v2;
	v17 =	vld [tilespmem:s16+$0x18170]  }
0x495: {  	v12 =	vsub.s32 v12, v0;
	v18 =	vld [tilespmem:s16+$0x1A140]  }
0x496: {  	v19 =	vmin.u32 v6, v2;
	v13 =	vsub.s32 v13, v0;
	v6 =	vld [tilespmem:s16+$0x1A160]  }
0x497: {  	v14 =	vsub.s32 v14, v0;
	v5 =	vld [tilespmem:s16+$0x1A170]  }
0x498: {  	v15 =	vmin.u32 v15, v2;
	[tilespmem:v9+s1+$0x0] =	vst.idx.msk $0xffff, v7  }
0x499: {  	v17 =	vsub.s32 v17, v0;
	[tilespmem:v9+s12+$0x0] =	vst.idx.msk $0xffff, v3  }
0x49a: {  	v12 =	vmin.u32 v12, v2;
	[tilespmem:v8+s1+$0x0] =	vst.idx.msk $0xffff, v11  }
0x49b: {  	[tilespmem:v8+s12+$0x0] =	vst.idx.msk $0xffff, v3  }
0x49c: {  	v7 =	vmin.u32 v14, v2;
	[tilespmem:v19+s1+$0x0] =	vst.idx.msk $0xffff, v16  }
.Ltmp15:
0x49d: {  	[tilespmem:v19+s12+$0x0] =	vst.idx.msk $0xffff, v3;
	(pc) =	sbr.rel @p0 .LBB2_32-.Ltmp15, $4  }
0x49e: {  	v9 =	vmin.u32 v13, v2;
	[tilespmem:v15+s1+$0x0] =	vst.idx.msk $0xffff, v10  }
0x49f: {  	[tilespmem:v15+s12+$0x0] =	vst.idx.msk $0xffff, v3  }
0x4a0: {  	v8 =	vmin.u32 v17, v2;
	[tilespmem:v12+s1+$0x0] =	vst.idx.msk $0xffff, v18  }
0x4a1: {  	[tilespmem:v12+s12+$0x0] =	vst.idx.msk $0xffff, v3  }
0x4a2: {  	_ =	sdelay $0x3  }
0x4a3: {  	[tilespmem:v7+s1+$0x0] =	vst.idx.msk $0xffff, v4  }
0x4a4: {  	[tilespmem:v7+s12+$0x0] =	vst.idx.msk $0xffff, v3  }
0x4a5: {  	[tilespmem:v9+s1+$0x0] =	vst.idx.msk $0xffff, v6  }
0x4a6: {  	[tilespmem:v9+s12+$0x0] =	vst.idx.msk $0xffff, v3  }
0x4a7: {  	[tilespmem:v8+s1+$0x0] =	vst.idx.msk $0xffff, v5  }
0x4a8: {  	[tilespmem:v8+s12+$0x0] =	vst.idx.msk $0xffff, v3  }
0x4a9: {  	_ =	swait.ge [sflag:s8], $0x1000  }
0x4aa: {  	[sflag:s8] =	ssyncset.done $0x0  }
0x4ab: {  	[sflag:s8] =	ssyncadd.s32 $0xFFFFF000  }
0x4ac: {  	_ =	swait.ge [sflag:s9], $0x1000  }
0x4ad: {  	[sflag:s9] =	ssyncset.done $0x0  }
0x4ae: {  	s15 =	simm.s32 $0x0;
	[sflag:s9] =	ssyncadd.s32 $0xFFFFF000  }
0x4af: {  	v7 =	vld [tilespmem:s15+$0x19130]  }
0x4b0: {  	v8 =	vld [tilespmem:s15+$0x1B100]  }
0x4b1: {  	v5 =	vld [tilespmem:s15+$0x19120]  }
0x4b2: {  	v4 =	vld [tilespmem:s15+$0x1B150]  }
0x4b3: {  	v9 =	vld [tilespmem:s15+$0x19100]  }
0x4b4: {  	v6 =	vld [tilespmem:s15+$0x19110]  }
0x4b5: {  	v10 =	vld [tilespmem:s15+$0x1B130]  }
0x4b6: {  	v11 =	vld [tilespmem:s15+$0x1B110]  }
0x4b7: {  	v12 =	vld [tilespmem:s15+$0x19140]  }
0x4b8: {  	v13 =	vld [tilespmem:s15+$0x19160];
	v9 =	vsub.s32 v9, v0  }
0x4b9: {  	v14 =	vld [tilespmem:s15+$0x19150];
	v9 =	vmin.u32 v9, v2  }
0x4ba: {  	v15 =	vld [tilespmem:s15+$0x1B120];
	v6 =	vsub.s32 v6, v0  }
0x4bb: {  	v16 =	vld [tilespmem:s15+$0x19170];
	v17 =	vmin.u32 v6, v2  }
0x4bc: {  	v18 =	vld [tilespmem:s15+$0x1B140];
	v5 =	vsub.s32 v5, v0  }
0x4bd: {  	v6 =	vld [tilespmem:s15+$0x1B160];
	v19 =	vmin.u32 v5, v2  }
0x4be: {  	v7 =	vsub.s32 v7, v0;
	v5 =	vld [tilespmem:s15+$0x1B170];
	[tilespmem:v9+s1+$0x0] =	vst.idx.msk $0xffff, v8  }
0x4bf: {  	v7 =	vmin.u32 v7, v2;
	[tilespmem:v9+s12+$0x0] =	vst.idx.msk $0xffff, v3  }
0x4c0: {  	[tilespmem:v17+s1+$0x0] =	vst.idx.msk $0xffff, v11  }
0x4c1: {  	[tilespmem:v17+s12+$0x0] =	vst.idx.msk $0xffff, v3  }
0x4c2: {  	v8 =	vsub.s32 v12, v0;
	[tilespmem:v19+s1+$0x0] =	vst.idx.msk $0xffff, v15  }
0x4c3: {  	v11 =	vmin.u32 v8, v2;
	[tilespmem:v19+s12+$0x0] =	vst.idx.msk $0xffff, v3  }
0x4c4: {  	v9 =	vsub.s32 v14, v0;
	[tilespmem:v7+s1+$0x0] =	vst.idx.msk $0xffff, v10  }
0x4c5: {  	[tilespmem:v7+s12+$0x0] =	vst.idx.msk $0xffff, v3;
	v7 =	vmin.u32 v9, v2  }
0x4c6: {  	v8 =	vsub.s32 v13, v0  }
0x4c7: {  	v9 =	vmin.u32 v8, v2  }
0x4c8: {  	v10 =	vsub.s32 v16, v0;
	[tilespmem:v11+s1+$0x0] =	vst.idx.msk $0xffff, v18  }
0x4c9: {  	s15 =	simm.s32 $0x200;
	v8 =	vmin.u32 v10, v2;
	[tilespmem:v11+s12+$0x0] =	vst.idx.msk $0xffff, v3  }
.LBB2_34:
0x4ca: {  	p0 =	sne.s32 s15, $0x3E00;
	[tilespmem:v7+s1+$0x0] =	vst.idx.msk $0xffff, v4;
	s16 =	smov.u32 s15;
	s15 =	sadd.s32 $0x200, s15  }
0x4cb: {  	[tilespmem:v7+s12+$0x0] =	vst.idx.msk $0xffff, v3  }
0x4cc: {  	[tilespmem:v9+s1+$0x0] =	vst.idx.msk $0xffff, v6  }
0x4cd: {  	[tilespmem:v9+s12+$0x0] =	vst.idx.msk $0xffff, v3  }
0x4ce: {  	[tilespmem:v8+s1+$0x0] =	vst.idx.msk $0xffff, v5  }
0x4cf: {  	s16 =	sshra.s32 s16, $0x2;
	[tilespmem:v8+s12+$0x0] =	vst.idx.msk $0xffff, v3  }
0x4d0: {  	v5 =	vld [tilespmem:s16+$0x19130]  }
0x4d1: {  	v7 =	vld [tilespmem:s16+$0x1B100]  }
0x4d2: {  	v6 =	vld [tilespmem:s16+$0x19120]  }
0x4d3: {  	v4 =	vld [tilespmem:s16+$0x1B150]  }
0x4d4: {  	v8 =	vld [tilespmem:s16+$0x19110]  }
0x4d5: {  	v9 =	vld [tilespmem:s16+$0x19100]  }
0x4d6: {  	v10 =	vld [tilespmem:s16+$0x1B130]  }
0x4d7: {  	v6 =	vsub.s32 v6, v0;
	v11 =	vld [tilespmem:s16+$0x1B110]  }
0x4d8: {  	v12 =	vld [tilespmem:s16+$0x19140]  }
0x4d9: {  	v8 =	vsub.s32 v8, v0;
	v13 =	vld [tilespmem:s16+$0x19160]  }
0x4da: {  	v9 =	vsub.s32 v9, v0;
	v14 =	vld [tilespmem:s16+$0x19150]  }
0x4db: {  	v15 =	vsub.s32 v5, v0;
	v9 =	vmin.u32 v9, v2;
	v16 =	vld [tilespmem:s16+$0x1B120]  }
0x4dc: {  	v8 =	vmin.u32 v8, v2;
	v17 =	vld [tilespmem:s16+$0x19170]  }
0x4dd: {  	v12 =	vsub.s32 v12, v0;
	v18 =	vld [tilespmem:s16+$0x1B140]  }
0x4de: {  	v19 =	vmin.u32 v6, v2;
	v13 =	vsub.s32 v13, v0;
	v6 =	vld [tilespmem:s16+$0x1B160]  }
0x4df: {  	v14 =	vsub.s32 v14, v0;
	v5 =	vld [tilespmem:s16+$0x1B170]  }
0x4e0: {  	v15 =	vmin.u32 v15, v2;
	[tilespmem:v9+s1+$0x0] =	vst.idx.msk $0xffff, v7  }
0x4e1: {  	v17 =	vsub.s32 v17, v0;
	[tilespmem:v9+s12+$0x0] =	vst.idx.msk $0xffff, v3  }
0x4e2: {  	v12 =	vmin.u32 v12, v2;
	[tilespmem:v8+s1+$0x0] =	vst.idx.msk $0xffff, v11  }
0x4e3: {  	[tilespmem:v8+s12+$0x0] =	vst.idx.msk $0xffff, v3  }
0x4e4: {  	v7 =	vmin.u32 v14, v2;
	[tilespmem:v19+s1+$0x0] =	vst.idx.msk $0xffff, v16  }
.Ltmp16:
0x4e5: {  	[tilespmem:v19+s12+$0x0] =	vst.idx.msk $0xffff, v3;
	(pc) =	sbr.rel @p0 .LBB2_34-.Ltmp16, $4  }
0x4e6: {  	v9 =	vmin.u32 v13, v2;
	[tilespmem:v15+s1+$0x0] =	vst.idx.msk $0xffff, v10  }
0x4e7: {  	[tilespmem:v15+s12+$0x0] =	vst.idx.msk $0xffff, v3  }
0x4e8: {  	v8 =	vmin.u32 v17, v2;
	[tilespmem:v12+s1+$0x0] =	vst.idx.msk $0xffff, v18  }
0x4e9: {  	[tilespmem:v12+s12+$0x0] =	vst.idx.msk $0xffff, v3  }
0x4ea: {  	_ =	sdelay $0x3  }
0x4eb: {  	[tilespmem:v7+s1+$0x0] =	vst.idx.msk $0xffff, v4  }
0x4ec: {  	[tilespmem:v7+s12+$0x0] =	vst.idx.msk $0xffff, v3  }
0x4ed: {  	[tilespmem:v9+s1+$0x0] =	vst.idx.msk $0xffff, v6  }
0x4ee: {  	[tilespmem:v9+s12+$0x0] =	vst.idx.msk $0xffff, v3  }
0x4ef: {  	[tilespmem:v8+s1+$0x0] =	vst.idx.msk $0xffff, v5  }
0x4f0: {  	[tilespmem:v8+s12+$0x0] =	vst.idx.msk $0xffff, v3  }
0x4f1: {  	[hbm4b:s4+s1] =	stream.linear.scatter [tilespmem:s1], [sflag:$0x3], $0xC000, $0x38;
	[tilespmem:$0x1C100] =	vst v63  }
0x4f2: {  	s14 =	sadd.s32 $0x1, s14;
	_ =	swait.ge [sflag:s13], $0xC000  }
0x4f3: {  	p0 =	sne.s32 s14, s5;
	[sflag:s13] =	ssyncset.done $0x0  }
.Ltmp17:
0x4f4: {  	[sflag:s13] =	ssyncadd.s32 $0xFFFF4000;
	(pc) =	sbr.rel @p0 .LBB2_1-.Ltmp17, $4  }
0x4f5: {  	[hbm4b:s3+s1] =	stream.linear.scatter [tilespmem:s12], [sflag:$0x3], $0xC000, $0x38;
	[tilespmem:$0x1C100] =	vst v63  }
0x4f6: {  	_ =	swait.ge [sflag:s13], $0xC000  }
0x4f7: {  	[sflag:s13] =	ssyncset.done $0x0  }
0x4f8: {  	[sflag:s13] =	ssyncadd.s32 $0xFFFF4000  }
0x4f9: {  	_ =	sfence.sel $0x180000  }
0x4fa: {  	[bflag:$0x0] =	sbarrier.arrive $0xFFFF  }
0x4fb: {  	_ =	strace $0x9000004D  }
0x4fc: {  	s0 =	stileid.u32;
	[bflag:$0x2] =	sbarrier.arrive $0xFFFF  }
0x4fd: {  	p0 =	sne.s32 s0, $0x0;
	s0 =	rddreg [dreg:$0x2]  }
0x4fe: {  	s0 =	sadd.s32 @!p0 $0x100000, s0  }
0x4ff: {  	[sflag:s0] =	ssyncadd.tile.s32 @!p0 $0x1;
	_ =	shalt  }
.Lfunc_end2:
_tile_overlayer_lowered:
.L_overlay_start_2:
0x500: {  	(tag) =	ssettag $0x2  }
0x501: {  	s0 =	rddreg [dreg:$0x0];
	s2 =	stileid.u32  }
0x502: {  	s1 =	rddreg [dreg:$0x1];
	p0 =	sne.s32 s2, $0x0  }
0x503: {  	s3 =	rddreg [dreg:$0x2];
	[bflag:$0x3] =	sbarrier.arrive $0xFFFF;
	s2 =	simm.s32 @!p0 $0x1C03  }
0x504: {  	[timem:s3], [sflag:s2] =	dma.local @!p0 [hbm:s0], s1  }
0x505: {  	s0 =	simm.s32 @!p0 $0x3  }
0x506: {  	_ =	swait.ge @!p0 [sflag:s0], s1  }
0x507: {  	s1 =	ssub.s32 @!p0 $0x0, s1;
	[sflag:s0] =	ssyncset.done @!p0 $0x0  }
0x508: {  	[sflag:s0] =	ssyncadd.s32 @!p0 s1  }
0x509: {  	[bflag:$0x3] =	sbarrier.arrive $0xFFFF  }
0x50a: {  	_ =	shalt  }

// kernel: kernel.6.cloned.1.call-start
scs
__scs_entry_jumppad:
0x0: {  	(pc) =	sbr.rel $0x88, $3  }
0x1: {  	(tag) =	ssettag $0x0;
	lr =	simm.s32 $0x1  }
0x2: {  	[smem:$0x3F99] =	sst lr;
	_ =	strace $0xD0000000  }
0x3: {  	_ = 	snop  }
0x4: {  	_ = 	snop  }
0x5: {  	_ = 	snop  }
0x6: {  	_ = 	snop  }
0x7: {  	_ = 	snop  }
__scs_overlays_trampoline_lowered:
0x8: {  	[smem:$0x3FA8] =	sst s0  }
0x9: {  	[smem:$0x3FA9] =	sst s1  }
0xa: {  	[smem:$0x3FAA] =	sst s2  }
0xb: {  	[smem:$0x3FAB] =	sst s3  }
0xc: {  	[smem:$0x3FAC] =	sst s4  }
0xd: {  	[smem:$0x3FAD] =	sst s5  }
0xe: {  	[smem:$0x3FAE] =	sst s6  }
0xf: {  	[smem:$0x3FAF] =	sst s7  }
0x10: {  	[smem:$0x3FB0] =	sst s8  }
0x11: {  	[smem:$0x3FB1] =	sst s9;
	s0 =	simm.s32 @!p0 $0x0  }
0x12: {  	s1 =	sld [smem:$0x3F97];
	s0 =	simm.s32 @p0 $0x1  }
0x13: {  	[smem:$0x3FB2] =	sst s0;
	s0 =	simm.s32 @!p1 $0x0  }
0x14: {  	s2 =	sld [smem:$0x3F96];
	s0 =	simm.s32 @p1 $0x1  }
0x15: {  	[smem:$0x3FB3] =	sst s0;
	s0 =	simm.s32 @!p2 $0x0  }
0x16: {  	s3 =	sld [smem:$0x3FDB];
	s0 =	simm.s32 @p2 $0x1  }
0x17: {  	s4 =	simm.s32 $0x1BF5;
	[smem:$0x3FB5] =	sst s0  }
0x18: {  	s0 =	sld [smem:$0x3F98];
	_ =	swait.ge [sflag:s4], $0x0  }
0x19: {  	s7 =	sld [smem:$0x3F99]  }
0x1a: {  	s8 =	sadd.s32 $0xFFFFE003, lr  }
0x1b: {  	s9 =	sadd.s32 $0xFFFFFEF7, lr;
	s5 =	simm.s32 $0xFFFFFFFF;
	p2 =	slt.u32 s8, $0xFFFFF086  }
0x1c: {  	p1 =	slt.u32 s9, $0xF7A;
	s5 =	simm.s32 @!p2 $0x0  }
0x1d: {  	s5 =	simm.s32 @p1 $0x1;
	p0 =	seq.s32 s7, s2  }
0x1e: {  	s7 =	smul.u32 @!p0 $0xF7A, s2;
	p2 =	seq.s32 @!p0 s5, $0x0  }
0x1f: {  	s9 =	smul.u32 $0xF7A, s1;
	s8 =	simm.s32 @!p0 $0x1BF5;
	p2 =	por !p2, p0  }
0x20: {  	[sflag:s8] =	ssyncset.s32 @!p0 $0xFFFFF086;
	s6 =	sadd.s32 @!p0 s3, s7;
	s7 =	simm.s32 @!p0 $0x108  }
0x21: {  	s3 =	sadd.s32 s3, s9;
	s6 =	sadd.s32 @!p0 $0x88, s6;
	s7 =	simm.s32 @p2 $0x1082  }
0x22: {  	[simem:s7], [sflag:s8] =	dma.local @!p0 [hbm:s6], $0xF7A  }
0x23: {  	s9 =	sor.u32 $0xD0000000, s2;
	s6 =	simm.s32 $0x108;
	_ =	swait.ge @!p0 [sflag:s8], $0x0  }
0x24: {  	s3 =	sadd.s32 $0x88, s3;
	s6 =	simm.s32 @!p1 $0x1082;
	[sflag:s4] =	ssyncset.s32 $0xFFFFF086  }
0x25: {  	[simem:s6], [sflag:s4] =	dma.local [hbm:s3], $0xF7A  }
0x26: {  	[smem:$0x3F99] =	sst s1;
	(tag) =	ssettag s2;
	_ =	strace s9  }
0x27: {  	s1 =	sld [smem:$0x3FA9]  }
0x28: {  	s2 =	sld [smem:$0x3FAA]  }
0x29: {  	s4 =	sld [smem:$0x3FAC]  }
0x2a: {  	p0 =	seq.s32 s5, $0x0;
	s5 =	sld [smem:$0x3FAD]  }
0x2b: {  	s6 =	sld [smem:$0x3FAE]  }
0x2c: {  	s7 =	sld [smem:$0x3FAF]  }
0x2d: {  	s3 =	simm.s32 $0x108;
	s8 =	sld [smem:$0x3FB0]  }
0x2e: {  	s3 =	simm.s32 @!p0 $0x1082;
	s9 =	sld [smem:$0x3FB1]  }
0x2f: {  	lr =	sadd.s32 s0, s3;
	s0 =	sld [smem:$0x3FA8]  }
0x30: {  	s3 =	sld [smem:$0x3FAB]  }
0x31: {  	[smem:$0x3FB4] =	sst s10  }
0x32: {  	s10 =	sld [smem:$0x3FB2];
	_ =	sdelay $0x3  }
0x33: {  	p0 =	seq.s32 s10, $0x1;
	s10 =	sld [smem:$0x3FB4];
	_ =	sdelay $0x3  }
0x34: {  	[smem:$0x3FB4] =	sst s10  }
0x35: {  	s10 =	sld [smem:$0x3FB3];
	_ =	sdelay $0x3  }
0x36: {  	p1 =	seq.s32 s10, $0x1;
	s10 =	sld [smem:$0x3FB4];
	_ =	sdelay $0x3  }
0x37: {  	[smem:$0x3FB4] =	sst s10  }
0x38: {  	s10 =	sld [smem:$0x3FB5]  }
0x39: {  	_ = 	snop;
	(pc) =	sbr.ind lr, $3  }
0x3a: {  	_ = 	snop  }
0x3b: {  	_ = 	snop  }
0x3c: {  	p2 =	seq.s32 s10, $0x1;
	s10 =	sld [smem:$0x3FB4]  }
0x3d: {  	_ =	shalt  }
0x3e: {  	_ =	shalt  }
0x3f: {  	_ =	shalt  }
0x40: {  	_ =	shalt  }
0x41: {  	_ =	shalt  }
0x42: {  	_ =	shalt  }
0x43: {  	_ =	shalt  }
0x44: {  	_ =	shalt  }
0x45: {  	_ =	shalt  }
0x46: {  	_ =	shalt  }
0x47: {  	_ =	shalt  }
0x48: {  	_ =	shalt  }
0x49: {  	_ =	shalt  }
0x4a: {  	_ =	shalt  }
0x4b: {  	_ =	shalt  }
0x4c: {  	_ =	shalt  }
0x4d: {  	_ =	shalt  }
0x4e: {  	_ =	shalt  }
0x4f: {  	_ =	shalt  }
0x50: {  	_ =	shalt  }
0x51: {  	_ =	shalt  }
0x52: {  	_ =	shalt  }
0x53: {  	_ =	shalt  }
0x54: {  	_ =	shalt  }
0x55: {  	_ =	shalt  }
0x56: {  	_ =	shalt  }
0x57: {  	_ =	shalt  }
0x58: {  	_ =	shalt  }
0x59: {  	_ =	shalt  }
0x5a: {  	_ =	shalt  }
0x5b: {  	_ =	shalt  }
0x5c: {  	_ =	shalt  }
0x5d: {  	_ =	shalt  }
0x5e: {  	_ =	shalt  }
0x5f: {  	_ =	shalt  }
0x60: {  	_ =	shalt  }
0x61: {  	_ =	shalt  }
0x62: {  	_ =	shalt  }
0x63: {  	_ =	shalt  }
0x64: {  	_ =	shalt  }
0x65: {  	_ =	shalt  }
0x66: {  	_ =	shalt  }
0x67: {  	_ =	shalt  }
0x68: {  	_ =	shalt  }
0x69: {  	_ =	shalt  }
0x6a: {  	_ =	shalt  }
0x6b: {  	_ =	shalt  }
0x6c: {  	_ =	shalt  }
0x6d: {  	_ =	shalt  }
0x6e: {  	_ =	shalt  }
0x6f: {  	_ =	shalt  }
0x70: {  	_ =	shalt  }
0x71: {  	_ =	shalt  }
0x72: {  	_ =	shalt  }
0x73: {  	_ =	shalt  }
0x74: {  	_ =	shalt  }
0x75: {  	_ =	shalt  }
0x76: {  	_ =	shalt  }
0x77: {  	_ =	shalt  }
0x78: {  	_ =	shalt  }
0x79: {  	_ =	shalt  }
0x7a: {  	_ =	shalt  }
0x7b: {  	_ =	shalt  }
0x7c: {  	_ =	shalt  }
0x7d: {  	_ =	shalt  }
0x7e: {  	_ =	shalt  }
0x7f: {  	_ =	shalt  }
0x80: {  	_ =	shalt  }
0x81: {  	_ =	shalt  }
0x82: {  	_ =	shalt  }
0x83: {  	_ =	shalt  }
0x84: {  	_ =	shalt  }
0x85: {  	_ =	shalt  }
0x86: {  	_ =	shalt  }
0x87: {  	_ =	shalt  }
.Lfunc_end0:
.L_simem_size_0:
called_computation_lowered:
.L_overlay_start_0:
0x88: {  	s2 =	sld [smem:$0x3FD9]  }
0x89: {  	s3 =	sld [smem:$0x3FFE];
	_ =	sdelay $0x1  }
0x8a: {  	s1 =	srdreg.scid  }
0x8b: {  	s0 =	sand.u32 $0x1, s1  }
0x8c: {  	s14 =	sshll.u32 s0, $0xA;
	s2 =	sadd.s32 s3, s2  }
0x8d: {  	s2 =	sadd.s32 s2, s14  }
0x8e: {  	[smem:$0x3FC0] =	sst s2  }
0x8f: {  	_ = 	snop  }
0x90: {  	s2 =	sld [smem:$0x3FC8]  }
0x91: {  	s15 =	sld [smem:$0x3FC7]  }
0x92: {  	s4 =	sld [smem:$0x3FD0]  }
0x93: {  	s5 =	sld [smem:$0x3FC6]  }
0x94: {  	s6 =	sld [smem:$0x3FC5]  }
0x95: {  	s8 =	simm.s32 $0xA;
	s9 =	simm.s32 $0x10;
	s7 =	sld [smem:$0x3FC4]  }
0x96: {  	[smem:s9], [sflag:s8] =	dma.local [hbm:s4], $0x1  }
0x97: {  	_ =	swait.eq [sflag:s8], $0x1  }
0x98: {  	[sflag:s8] =	ssyncset.done $0x0  }
0x99: {  	[sflag:s8] =	ssyncadd.s32 $0xFFFFFFFF  }
0x9a: {  	s16 =	sld [smem:$0x11];
	(tm) =	ssettm $0x1  }
0x9b: {  	s17 =	sld [smem:$0x3FFB];
	_ =	sdelay $0x3  }
0x9c: {  	_ =	strace s17  }
0x9d: {  	s8 =	sld [smem:$0x3FFC];
	_ =	sdelay $0x3  }
0x9e: {  	_ =	strace s8  }
0x9f: {  	s8 =	sld [smem:$0x3FFD];
	_ =	sdelay $0x3  }
0xa0: {  	_ =	strace s8  }
0xa1: {  	_ =	strace $0x8FFFFFFF  }
0xa2: {  	s18 =	sld [smem:$0x3FDB];
	_ =	sdelay $0x1  }
0xa3: {  	s19 =	simm.s32 $_scs_section_size  }
0xa4: {  	s10 =	simm.s32 $_size__tile_overlayer_lowered;
	s11 =	simm.s32 $_tile_overlayer_lowered  }
0xa5: {  	s22 =	simm.s32 $0x1BFF;
	s21 =	sshll.u32 s11, $0x1;
	s8 =	sadd.s32 s19, s18  }
0xa6: {  	s12 =	simm.s32 $0x0;
	s20 =	sshll.u32 s10, $0x1;
	s10 =	sadd.s32 s21, s8  }
0xa7: {  	[timem:s12], [sflag:s22] =	dma.local [hbm:s10], s20  }
0xa8: {  	_ =	swait.ge [sflag:s22], s20  }
0xa9: {  	s9 =	ssub.s32 $0x0, s20;
	[sflag:s22] =	ssyncset.done $0x0  }
0xaa: {  	[sflag:s22] =	ssyncadd.s32 s9;
	_ =	sdelay $0x1  }
0xab: {  	s23 =	simm.s32 $0x1B8B  }
0xac: {  	_ =	swait.ge [sflag:s23], $0x1  }
0xad: {  	[sflag:s23] =	ssyncset.done $0x0  }
0xae: {  	s25 =	simm.s32 $0x1B8E;
	s24 =	sld [smem:$0x3FFE];
	[sflag:s23] =	ssyncadd.s32 $0xFFFFFFFF  }
0xaf: {  	s26 =	simm.s32 $execute0_lowered;
	[smem:$0x3FD2] =	sst s25  }
0xb0: {  	s10 =	sshll.u32 s26, $0x1;
	_ =	strace $0x80000046;
	[dreg:$0x1] =	wrdreg $0xFFFFFFFF  }
0xb1: {  	s28 =	simm.s32 $_size_execute0_lowered;
	s8 =	sadd.s32 s8, s10;
	[dreg:$0x0] =	wrdreg $0x0  }
0xb2: {  	s10 =	sshll.u32 s28, $0x1;
	[dreg:$0x2] =	wrdreg s8  }
0xb3: {  	[dreg:$0x3] =	wrdreg s10  }
0xb4: {  	[dreg:$0x4] =	wrdreg $0xC0  }
0xb5: {  	_ =	task [dreg:s12], $0x5FFFF  }
0xb6: {  	[dreg:$0x1] =	wrdreg $0xFFFFFFFF  }
0xb7: {  	[dreg:$0x0] =	wrdreg $0x60  }
0xb8: {  	[dreg:$0x2] =	wrdreg s2  }
0xb9: {  	[dreg:$0x3] =	wrdreg s15  }
0xba: {  	[dreg:$0x4] =	wrdreg s5  }
0xbb: {  	[dreg:$0x5] =	wrdreg s6  }
0xbc: {  	[dreg:$0x6] =	wrdreg s7  }
0xbd: {  	[dreg:$0x7] =	wrdreg s24  }
0xbe: {  	[dreg:$0x8] =	wrdreg s16  }
0xbf: {  	[dreg:$0x9] =	wrdreg $0x9  }
0xc0: {  	_ =	task.clear_ibuf [dreg:s12], $0xAFFFF;
	_ =	strace $0x90000046  }
0xc1: {  	s29 =	simm.s32 $0x9;
	_ =	strace $0x80000048  }
0xc2: {  	_ =	swait.ge [sflag:s29], $0x1  }
0xc3: {  	[sflag:s29] =	ssyncadd.s32 $0xFFFFFFFF  }
0xc4: {  	_ =	strace $0x90000048  }
0xc5: {  	_ =	sfence  }
0xc6: {  	s30 =	sld [smem:$0x0];
	_ =	sdelay $0x2  }
0xc7: {  	s31 =	sshll.u32 s1, $0xD;
	s1 =	sshrl.u32 s1, $0x2  }
0xc8: {  	s3 =	sand.u32 $0x4000, s31;
	s1 =	sadd.s32 s1, s30  }
0xc9: {  	s0 =	sor.u32 s3, s0;
	s1 =	sshll.u32 s1, $0x11  }
0xca: {  	s0 =	sor.u32 s1, s0  }
0xcb: {  	s0 =	sadd.s32 $0x8F2B, s0  }
0xcc: {  	[sflag:s0] =	ssyncadd.remote.s32 $0x1  }
0xcd: {  	_ =	sfence.sel $0xFFFF  }
0xce: {  	[dreg:$0x0] =	wrdreg $0xFFFFFFFF;
	(pc) =	sbr.abs _section_cstart, $3  }
0xcf: {  	[dreg:$0x1] =	wrdreg $0xFFFFFFFF  }
0xd0: {  	_ =	task.clear_ibuf [dreg:s12], $0x2FFFF;
	_ =	strace $0x9FFFFFFF  }
0xd1: {  	(tm) =	ssettm $0x7FFFFFFF  }
tec
execute0_lowered:
.L_overlay_start_1:
0x0: {  	(tag) =	ssettag $0x1  }
0x1: {  	s0 =	rddreg [dreg:$0x0]  }
0x2: {  	s1 =	rddreg [dreg:$0x1]  }
0x3: {  	s4 =	rddreg [dreg:$0x2]  }
0x4: {  	s18 =	rddreg [dreg:$0x3]  }
0x5: {  	s19 =	rddreg [dreg:$0x4]  }
0x6: {  	s2 =	srdreg.scid;
	s23 =	rddreg [dreg:$0x5]  }
0x7: {  	s5 =	stileid.u32;
	s20 =	rddreg [dreg:$0x6];
	s30 =	simm.s32 $0x2  }
0x8: {  	s3 =	sand.u32 $0x1, s2;
	s11 =	sshll.u32 s5, $0x1;
	s2 =	simm.s32 $0x0  }
0x9: {  	s22 =	sor.u32 s3, s11;
	[smem:$0x7FF] =	sst s2;
	s3 =	ssub.s32 $0x2, s3  }
0xa: {  	s12 =	smul.u32 $0x7E00, s22;
	_ =	strace $0x80000047;
	s21 =	sshll.u32 s22, $0xA  }
0xb: {  	s13 =	sshrl.u32 s3, $0x1;
	p0 =	seq.s32 s22, $0x1F;
	s22 =	sadd.s32 $0x9B360, s23  }
0xc: {  	s24 =	sadd.s32 s21, s23;
	s25 =	ssub.s32 s3, s13;
	s13 =	sadd.s32 $0x21240, s23  }
0xd: {  	s18 =	sadd.s32 s18, s21;
	s19 =	sadd.s32 s19, s21;
	s20 =	sadd.s32 s20, s21  }
0xe: {  	s6 =	sshrl.u32 s12, $0x3;
	s3 =	sadd.s32 s0, s12;
	s12 =	sadd.s32 $0xF4200, s0  }
0xf: {  	s24 =	sadd.s32 $0xB9C00, s24;
	s25 =	smax.u32 s25, $0x1;
	s0 =	simm.s32 $0x0  }
0x10: {  	s11 =	sadd.s32 s6, s23;
	s15 =	sadd.s32 $0x10, s3;
	s17 =	sadd.s32 $0x20, s3  }
0x11: {  	s28 =	sadd.s32 $0x40, s3;
	s29 =	sadd.s32 $0x50, s3;
	[dreg:$0x9] =	wrdreg s15  }
0x12: {  	s14 =	sadd.s32 $0x2A00, s11;
	s16 =	sadd.s32 $0x21248, s11;
	[dreg:$0xb] =	wrdreg s17  }
0x13: {  	s26 =	sadd.s32 $0x3FA90, s11;
	s31 =	sadd.s32 $0x5E2D8, s11;
	[dreg:$0x8] =	wrdreg s14  }
0x14: {  	s10 =	sadd.s32 $0x7CB20, s11;
	s11 =	sadd.s32 $0x9B368, s11;
	[dreg:$0xa] =	wrdreg s16  }
0x15: {  	s15 =	sadd.s32 $0x5E2D0, s23;
	s17 =	sadd.s32 s4, s21;
	[dreg:$0xc] =	wrdreg s26  }
0x16: {  	[dreg:$0xd] =	wrdreg s31;
	s14 =	sadd.s32 $0x3FA88, s23;
	s16 =	sadd.s32 s1, s21  }
0x17: {  	s21 =	sadd.s32 $0x7CB18, s23;
	s23 =	sadd.s32 $0xB9BA8, s23;
	s26 =	sadd.s32 $0x30, s3  }
.LBB2_1:
0x18: {  	s1 =	simm.s32 @p0 $0x400;
	s4 =	simm.s32 @p0 $0x7A1400;
	s31 =	simm.s32 @p0 $0x1BC00  }
0x19: {  	[tilespmem:s31], [sflag:$0x2] =	stream.strided.gather @p0 [hbm4b:s12+s1], $0x0, s4, s1, $0x38;
	[tilespmem:$0x1C000] =	vst v63  }
0x1a: {  	s1 =	simm.s32 @p0 $0x0;
	s4 =	simm.s32 @p0 $0x2  }
0x1b: {  	[tilespmem:s31], [sflag:$0x2] =	stream.linear.gather @p0 [hbm4b:s12+s1], $0x300, $0x38;
	[tilespmem:$0x1C000] =	vst v63  }
0x1c: {  	_ =	swait.ge @p0 [sflag:s4], $0x300  }
0x1d: {  	[sflag:s4] =	ssyncset.done @p0 $0x0  }
0x1e: {  	[sflag:s4] =	ssyncadd.s32 @p0 $0xFFFFFD00  }
0x1f: {  	[hbm4b:s13+s1] =	stream.linear.scatter @p0 [tilespmem:s31], [sflag:$0x2], $0x40, $0x38;
	[tilespmem:$0x1C000] =	vst v63  }
0x20: {  	_ =	swait.ge @p0 [sflag:s4], $0x40  }
0x21: {  	[sflag:s4] =	ssyncset.done @p0 $0x0  }
0x22: {  	s31 =	simm.s32 @p0 $0x1BC80;
	[sflag:s4] =	ssyncadd.s32 @p0 $0xFFFFFFC0  }
0x23: {  	[hbm4b:s14+s1] =	stream.linear.scatter @p0 [tilespmem:s31], [sflag:$0x2], $0x40, $0x38;
	[tilespmem:$0x1C000] =	vst v63  }
0x24: {  	_ =	swait.ge @p0 [sflag:s4], $0x40  }
0x25: {  	[sflag:s4] =	ssyncset.done @p0 $0x0  }
0x26: {  	s31 =	simm.s32 @p0 $0x1BD00;
	[sflag:s4] =	ssyncadd.s32 @p0 $0xFFFFFFC0  }
0x27: {  	[hbm4b:s15+s1] =	stream.linear.scatter @p0 [tilespmem:s31], [sflag:$0x2], $0x40, $0x38;
	[tilespmem:$0x1C000] =	vst v63  }
0x28: {  	_ =	swait.ge @p0 [sflag:s4], $0x40  }
0x29: {  	[sflag:s4] =	ssyncset.done @p0 $0x0  }
0x2a: {  	s31 =	simm.s32 @p0 $0x1BD80;
	[sflag:s4] =	ssyncadd.s32 @p0 $0xFFFFFFC0  }
0x2b: {  	[hbm4b:s21+s1] =	stream.linear.scatter @p0 [tilespmem:s31], [sflag:$0x2], $0x40, $0x38;
	[tilespmem:$0x1C000] =	vst v63  }
0x2c: {  	_ =	swait.ge @p0 [sflag:s4], $0x40  }
0x2d: {  	[sflag:s4] =	ssyncset.done @p0 $0x0  }
0x2e: {  	s31 =	simm.s32 @p0 $0x1BE00;
	[sflag:s4] =	ssyncadd.s32 @p0 $0xFFFFFFC0  }
0x2f: {  	[hbm4b:s22+s1] =	stream.linear.scatter @p0 [tilespmem:s31], [sflag:$0x2], $0x40, $0x38;
	[tilespmem:$0x1C000] =	vst v63  }
0x30: {  	_ =	swait.ge @p0 [sflag:s4], $0x40  }
0x31: {  	[sflag:s4] =	ssyncset.done @p0 $0x0  }
0x32: {  	s31 =	simm.s32 @p0 $0x1BE80;
	[sflag:s4] =	ssyncadd.s32 @p0 $0xFFFFFFC0  }
0x33: {  	[hbm4b:s23+s1] =	stream.linear.scatter @p0 [tilespmem:s31], [sflag:$0x2], $0x40, $0x38;
	[tilespmem:$0x1C000] =	vst v63  }
0x34: {  	_ =	swait.ge @p0 [sflag:s4], $0x40  }
0x35: {  	s5 =	simm.s32 @!p0 $0x2;
	s1 =	simm.s32 @!p0 $0x80;
	[sflag:s4] =	ssyncset.done @p0 $0x0  }
0x36: {  	s31 =	simm.s32 @!p0 $0xC000;
	[sflag:s4] =	ssyncadd.s32 @p0 $0xFFFFFFC0;
	s4 =	simm.s32 @!p0 $0x400  }
0x37: {  	[tilespmem:s31], [sflag:$0x2] =	stream.strided.gather @!p0 [hbm4b:s3+s1], $0x7E00, s4, s1, $0x38;
	[tilespmem:$0x1C000] =	vst v63  }
0x38: {  	_ =	swait.ge @!p0 [sflag:s5], $0x7E00  }
0x39: {  	[sflag:s5] =	ssyncset.done @!p0 $0x0  }
0x3a: {  	s6 =	simm.s32 @!p0 $0x0;
	s7 =	rddreg [dreg:$0x8];
	[sflag:s5] =	ssyncadd.s32 @!p0 $0xFFFF8200  }
0x3b: {  	[hbm4b:s7+s6] =	stream.linear.scatter @!p0 [tilespmem:s31], [sflag:$0x1], $0x7E00, $0x38;
	[tilespmem:$0x1C000] =	vst v63  }
0x3c: {  	s8 =	rddreg [dreg:$0x9];
	s7 =	simm.s32 @!p0 $0x13E00  }
0x3d: {  	[tilespmem:s7], [sflag:$0x2] =	stream.strided.gather @!p0 [hbm4b:s8+s1], $0x7E00, s4, s1, $0x38;
	[tilespmem:$0x1C000] =	vst v63  }
0x3e: {  	_ =	swait.ge @!p0 [sflag:s5], $0x7E00  }
0x3f: {  	[sflag:s5] =	ssyncset.done @!p0 $0x0  }
0x40: {  	s8 =	rddreg [dreg:$0xa];
	[sflag:s5] =	ssyncadd.s32 @!p0 $0xFFFF8200  }
0x41: {  	[hbm4b:s8+s6] =	stream.linear.scatter @!p0 [tilespmem:s7], [sflag:$0x1], $0x7E00, $0x38;
	[tilespmem:$0x1C000] =	vst v63  }
0x42: {  	s8 =	simm.s32 @!p0 $0x1  }
0x43: {  	_ =	swait.ge @!p0 [sflag:s8], $0x7E00  }
0x44: {  	[sflag:s8] =	ssyncset.done @!p0 $0x0  }
0x45: {  	s9 =	rddreg [dreg:$0xb];
	[sflag:s8] =	ssyncadd.s32 @!p0 $0xFFFF8200  }
0x46: {  	[tilespmem:s31], [sflag:$0x2] =	stream.strided.gather @!p0 [hbm4b:s9+s1], $0x7E00, s4, s1, $0x38;
	[tilespmem:$0x1C000] =	vst v63  }
0x47: {  	_ =	swait.ge @!p0 [sflag:s5], $0x7E00  }
0x48: {  	[sflag:s5] =	ssyncset.done @!p0 $0x0  }
0x49: {  	s9 =	rddreg [dreg:$0xc];
	[sflag:s5] =	ssyncadd.s32 @!p0 $0xFFFF8200  }
0x4a: {  	[hbm4b:s9+s6] =	stream.linear.scatter @!p0 [tilespmem:s31], [sflag:$0x1], $0x7E00, $0x38;
	[tilespmem:$0x1C000] =	vst v63  }
0x4b: {  	_ =	swait.ge @!p0 [sflag:s8], $0x7E00  }
0x4c: {  	[sflag:s8] =	ssyncset.done @!p0 $0x0  }
0x4d: {  	[sflag:s8] =	ssyncadd.s32 @!p0 $0xFFFF8200  }
0x4e: {  	[tilespmem:s7], [sflag:$0x2] =	stream.strided.gather @!p0 [hbm4b:s26+s1], $0x7E00, s4, s1, $0x38;
	[tilespmem:$0x1C000] =	vst v63  }
0x4f: {  	_ =	swait.ge @!p0 [sflag:s5], $0x7E00  }
0x50: {  	[sflag:s5] =	ssyncset.done @!p0 $0x0  }
0x51: {  	s9 =	rddreg [dreg:$0xd];
	[sflag:s5] =	ssyncadd.s32 @!p0 $0xFFFF8200  }
0x52: {  	[hbm4b:s9+s6] =	stream.linear.scatter @!p0 [tilespmem:s7], [sflag:$0x1], $0x7E00, $0x38;
	[tilespmem:$0x1C000] =	vst v63  }
0x53: {  	_ =	swait.ge @!p0 [sflag:s8], $0x7E00  }
0x54: {  	[sflag:s8] =	ssyncset.done @!p0 $0x0  }
0x55: {  	[sflag:s8] =	ssyncadd.s32 @!p0 $0xFFFF8200  }
0x56: {  	[tilespmem:s31], [sflag:$0x2] =	stream.strided.gather @!p0 [hbm4b:s28+s1], $0x7E00, s4, s1, $0x38;
	[tilespmem:$0x1C000] =	vst v63  }
0x57: {  	_ =	swait.ge @!p0 [sflag:s5], $0x7E00  }
0x58: {  	[sflag:s5] =	ssyncset.done @!p0 $0x0  }
0x59: {  	[sflag:s5] =	ssyncadd.s32 @!p0 $0xFFFF8200  }
0x5a: {  	[hbm4b:s10+s6] =	stream.linear.scatter @!p0 [tilespmem:s31], [sflag:$0x1], $0x7E00, $0x38;
	[tilespmem:$0x1C000] =	vst v63  }
0x5b: {  	_ =	swait.ge @!p0 [sflag:s8], $0x7E00  }
0x5c: {  	[sflag:s8] =	ssyncset.done @!p0 $0x0  }
0x5d: {  	[sflag:s8] =	ssyncadd.s32 @!p0 $0xFFFF8200  }
0x5e: {  	[tilespmem:s7], [sflag:$0x2] =	stream.strided.gather @!p0 [hbm4b:s29+s1], $0x7E00, s4, s1, $0x38;
	[tilespmem:$0x1C000] =	vst v63  }
0x5f: {  	_ =	swait.ge @!p0 [sflag:s5], $0x7E00  }
0x60: {  	[sflag:s5] =	ssyncset.done @!p0 $0x0  }
0x61: {  	[sflag:s5] =	ssyncadd.s32 @!p0 $0xFFFF8200  }
0x62: {  	[hbm4b:s11+s6] =	stream.linear.scatter @!p0 [tilespmem:s7], [sflag:$0x1], $0x7E00, $0x38;
	[tilespmem:$0x1C000] =	vst v63  }
0x63: {  	_ =	swait.ge @!p0 [sflag:s8], $0x7E00  }
0x64: {  	[sflag:s8] =	ssyncset.done @!p0 $0x0  }
0x65: {  	[sflag:s8] =	ssyncadd.s32 @!p0 $0xFFFF8200  }
0x66: {  	_ =	swait.ge @!p0 [sflag:s8], $0x7E00  }
0x67: {  	[sflag:s8] =	ssyncset.done @!p0 $0x0  }
0x68: {  	[sflag:s8] =	ssyncadd.s32 @!p0 $0xFFFF8200  }
0x69: {  	[tilespmem:s2], [sflag:$0x2] =	stream.linear.gather [hbm4b:s16+s2], $0x2000, $0x38;
	[tilespmem:$0x1C000] =	vst v63  }
0x6a: {  	_ =	swait.ge [sflag:s30], $0x2000  }
0x6b: {  	[sflag:s30] =	ssyncset.done $0x0  }
0x6c: {  	s7 =	simm.s32 $0x2000;
	[sflag:s30] =	ssyncadd.s32 $0xFFFFE000  }
0x6d: {  	[tilespmem:s7], [sflag:$0x2] =	stream.linear.gather [hbm4b:s17+s2], $0x2000, $0x38;
	[tilespmem:$0x1C000] =	vst v63  }
0x6e: {  	_ =	swait.ge [sflag:s30], $0x2000  }
0x6f: {  	[sflag:s30] =	ssyncset.done $0x0  }
0x70: {  	s8 =	simm.s32 $0x4000;
	[sflag:s30] =	ssyncadd.s32 $0xFFFFE000  }
0x71: {  	[tilespmem:s8], [sflag:$0x2] =	stream.linear.gather [hbm4b:s18+s2], $0x2000, $0x38;
	[tilespmem:$0x1C000] =	vst v63  }
0x72: {  	_ =	swait.ge [sflag:s30], $0x2000  }
0x73: {  	[sflag:s30] =	ssyncset.done $0x0  }
0x74: {  	s9 =	simm.s32 $0x6000;
	[sflag:s30] =	ssyncadd.s32 $0xFFFFE000  }
0x75: {  	[tilespmem:s9], [sflag:$0x2] =	stream.linear.gather [hbm4b:s19+s2], $0x2000, $0x38;
	[tilespmem:$0x1C000] =	vst v63  }
0x76: {  	_ =	swait.ge [sflag:s30], $0x2000  }
0x77: {  	[sflag:s30] =	ssyncset.done $0x0  }
0x78: {  	s31 =	simm.s32 $0x0;
	[sflag:s30] =	ssyncadd.s32 $0xFFFFE000  }
0x79: {  	v0 =	vld [tilespmem:s31+$0x70]  }
0x7a: {  	v1 =	vld [tilespmem:s31+$0x4070]  }
0x7b: {  	v2 =	vld [tilespmem:s31+$0x0]  }
0x7c: {  	v3 =	vld [tilespmem:s31+$0x6070]  }
0x7d: {  	v4 =	vld [tilespmem:s31+$0x4000]  }
0x7e: {  	v5 =	vld [tilespmem:s31+$0x10]  }
0x7f: {  	v6 =	vld [tilespmem:s31+$0x4010]  }
0x80: {  	v8 =	vld [tilespmem:s31+$0x20]  }
0x81: {  	v9 =	vld [tilespmem:s31+$0x40]  }
0x82: {  	v10 =	vld [tilespmem:s31+$0x4040]  }
0x83: {  	v11 =	vld [tilespmem:s31+$0x50]  }
0x84: {  	v12 =	vld [tilespmem:s31+$0x4050]  }
0x85: {  	v13 =	vld [tilespmem:s31+$0x60]  }
0x86: {  	v15 =	vld [tilespmem:s31+$0x2000]  }
0x87: {  	v16 =	vld [tilespmem:s31+$0x6000]  }
0x88: {  	v17 =	vld [tilespmem:s31+$0x2010]  }
0x89: {  	v19 =	vld [tilespmem:s31+$0x6010];
	v7 =	vshll.u32 v0, $0x10;
	v1 =	vshll.u32 v1, $0x8  }
0x8a: {  	v20 =	vld [tilespmem:s31+$0x2020];
	v18 =	vmul.u32 $0xF4240, v2;
	v2 =	vshll.u32 v2, $0x10;
	v4 =	vshll.u32 v4, $0x8  }
0x8b: {  	v1 =	vadd.s32 v7, v1;
	v7 =	vld [tilespmem:s31+$0x4020];
	v2 =	vadd.s32 v2, v4  }
0x8c: {  	v59 =	vld [tilespmem:s31+$0x6020];
	v4 =	vmul.u32 $0xF4240, v5;
	v2 =	vadd.s32 v16, v2  }
0x8d: {  	v1 =	vadd.s32 v3, v1;
	v3 =	vld [tilespmem:s31+$0x30];
	[tilespmem:s31+$0x8000] =	vst v2;
	v2 =	vshll.u32 v5, $0x10;
	v5 =	vshll.u32 v6, $0x8  }
0x8e: {  	[tilespmem:s31+$0x8070] =	vst v1;
	v1 =	vld [tilespmem:s31+$0x4030];
	v4 =	vadd.s32 v17, v4;
	v2 =	vadd.s32 v2, v5  }
0x8f: {  	v60 =	vld [tilespmem:s31+$0x2030];
	[tilespmem:s31+$0xA010] =	vst v4;
	v4 =	vmul.u32 $0xF4240, v8;
	v2 =	vadd.s32 v19, v2  }
0x90: {  	v6 =	vld [tilespmem:s31+$0x6030];
	[tilespmem:s31+$0x8010] =	vst v2;
	v2 =	vshll.u32 v8, $0x10;
	v5 =	vshll.u32 v7, $0x8  }
0x91: {  	v14 =	vld [tilespmem:s31+$0x4060];
	v4 =	vadd.s32 v20, v4;
	v2 =	vadd.s32 v2, v5  }
0x92: {  	v61 =	vld [tilespmem:s31+$0x2040];
	v0 =	vmul.u32 $0xF4240, v0;
	[tilespmem:s31+$0xA020] =	vst v4;
	v4 =	vmul.u32 $0xF4240, v3;
	v2 =	vadd.s32 v59, v2  }
0x93: {  	v62 =	vld [tilespmem:s31+$0x6040];
	v15 =	vadd.s32 v15, v18;
	v1 =	vshll.u32 v1, $0x8;
	[tilespmem:s31+$0x8020] =	vst v2;
	v2 =	vshll.u32 v3, $0x10  }
0x94: {  	v63 =	vld [tilespmem:s31+$0x2050];
	v8 =	vshll.u32 v12, $0x8;
	v3 =	vadd.s32 v60, v4;
	v1 =	vadd.s32 v2, v1  }
0x95: {  	v5 =	vld [tilespmem:s31+$0x6050];
	v4 =	vshll.u32 v11, $0x10;
	[tilespmem:s31+$0xA030] =	vst v3;
	v2 =	vmul.u32 $0xF4240, v9;
	v1 =	vadd.s32 v6, v1  }
0x96: {  	v3 =	vshll.u32 v10, $0x8;
	v10 =	vshll.u32 v14, $0x8;
	v6 =	vld [tilespmem:s31+$0x2060];
	[tilespmem:s31+$0x8030] =	vst v1;
	v1 =	vshll.u32 v9, $0x10  }
0x97: {  	[tilespmem:s31+$0xA000] =	vst v15;
	v7 =	vld [tilespmem:s31+$0x6060];
	v2 =	vadd.s32 v61, v2;
	v9 =	vmul.u32 $0xF4240, v11;
	v1 =	vadd.s32 v1, v3  }
0x98: {  	s1 =	simm.s32 $0x80;
	[tilespmem:s31+$0xA040] =	vst v2;
	v2 =	vadd.s32 v4, v8;
	v8 =	vld [tilespmem:s31+$0x2070];
	v4 =	vshll.u32 v13, $0x10;
	v11 =	vadd.s32 v62, v1  }
0x99: {  	s4 =	simm.s32 $0x400;
	v3 =	vmul.u32 $0xF4240, v13;
	v1 =	vld [tilespmem:s1+$0x70];
	v4 =	vadd.s32 v4, v10;
	v9 =	vadd.s32 v63, v9;
	[tilespmem:s31+$0x8040] =	vst v11  }
.LBB2_2:
0x9a: {  	p1 =	sne.s32 s4, $0x7E00;
	v10 =	vld [tilespmem:s1+$0x4070];
	[tilespmem:s31+$0xA050] =	vst v9;
	v2 =	vadd.s32 v5, v2  }
0x9b: {  	v5 =	vld [tilespmem:s1+$0x0];
	[tilespmem:s31+$0x8050] =	vst v2;
	v2 =	vadd.s32 v6, v3  }
0x9c: {  	v3 =	vld [tilespmem:s1+$0x6070];
	[tilespmem:s31+$0xA060] =	vst v2;
	v2 =	vadd.s32 v7, v4  }
0x9d: {  	v4 =	vld [tilespmem:s1+$0x4000];
	[tilespmem:s31+$0x8060] =	vst v2;
	v2 =	vadd.s32 v8, v0  }
0x9e: {  	v6 =	vld [tilespmem:s1+$0x10];
	v0 =	vmul.u32 $0xF4240, v1;
	[tilespmem:s31+$0xA070] =	vst v2;
	s31 =	smov.u32 s1  }
0x9f: {  	v1 =	vshll.u32 v1, $0x10;
	v2 =	vld [tilespmem:s31+$0x4010];
	v7 =	vshll.u32 v10, $0x8  }
0xa0: {  	v8 =	vmul.u32 $0xF4240, v5;
	v5 =	vshll.u32 v5, $0x10;
	v9 =	vld [tilespmem:s31+$0x20];
	v1 =	vadd.s32 v1, v7  }
0xa1: {  	v7 =	vld [tilespmem:s31+$0x4020];
	v1 =	vadd.s32 v3, v1  }
0xa2: {  	v3 =	vshll.u32 v4, $0x8;
	v4 =	vld [tilespmem:s31+$0x30];
	[tilespmem:s31+$0x8070] =	vst v1  }
0xa3: {  	v1 =	vadd.s32 v5, v3;
	v5 =	vmul.u32 $0xF4240, v6;
	v3 =	vshll.u32 v6, $0x10;
	v6 =	vld [tilespmem:s31+$0x4030]  }
0xa4: {  	v2 =	vshll.u32 v2, $0x8;
	v10 =	vld [tilespmem:s31+$0x40]  }
0xa5: {  	v11 =	vadd.s32 v3, v2;
	v12 =	vmul.u32 $0xF4240, v9;
	v2 =	vshll.u32 v9, $0x10;
	v3 =	vld [tilespmem:s31+$0x4040]  }
0xa6: {  	v7 =	vshll.u32 v7, $0x8;
	v9 =	vld [tilespmem:s31+$0x50]  }
0xa7: {  	v7 =	vadd.s32 v2, v7;
	v13 =	vmul.u32 $0xF4240, v4;
	v2 =	vshll.u32 v4, $0x10;
	v4 =	vld [tilespmem:s31+$0x4050]  }
0xa8: {  	v6 =	vshll.u32 v6, $0x8;
	v14 =	vld [tilespmem:s31+$0x60]  }
0xa9: {  	v6 =	vadd.s32 v2, v6;
	v15 =	vmul.u32 $0xF4240, v10;
	v2 =	vshll.u32 v10, $0x10;
	v10 =	vld [tilespmem:s31+$0x4060]  }
0xaa: {  	v16 =	vld [tilespmem:s31+$0x2000];
	v3 =	vshll.u32 v3, $0x8  }
0xab: {  	v17 =	vld [tilespmem:s31+$0x6000];
	v18 =	vadd.s32 v2, v3;
	v19 =	vmul.u32 $0xF4240, v9;
	v2 =	vshll.u32 v9, $0x10  }
0xac: {  	v9 =	vld [tilespmem:s31+$0x2010];
	v3 =	vshll.u32 v4, $0x8  }
0xad: {  	v20 =	vld [tilespmem:s31+$0x6010];
	v2 =	vadd.s32 v2, v3;
	v3 =	vmul.u32 $0xF4240, v14;
	v4 =	vshll.u32 v14, $0x10  }
0xae: {  	v14 =	vld [tilespmem:s31+$0x2020];
	v10 =	vshll.u32 v10, $0x8  }
0xaf: {  	v8 =	vadd.s32 v16, v8;
	v16 =	vld [tilespmem:s31+$0x6020];
	v4 =	vadd.s32 v4, v10  }
0xb0: {  	[tilespmem:s31+$0xA000] =	vst v8;
	v1 =	vadd.s32 v17, v1;
	v8 =	vld [tilespmem:s31+$0x2030]  }
0xb1: {  	[tilespmem:s31+$0x8000] =	vst v1;
	v1 =	vadd.s32 v9, v5;
	v9 =	vld [tilespmem:s31+$0x6030]  }
0xb2: {  	[tilespmem:s31+$0xA010] =	vst v1;
	v1 =	vadd.s32 v20, v11;
	v10 =	vld [tilespmem:s31+$0x2040]  }
0xb3: {  	[tilespmem:s31+$0x8010] =	vst v1;
	v1 =	vadd.s32 v14, v12;
	v11 =	vld [tilespmem:s31+$0x6040]  }
0xb4: {  	[tilespmem:s31+$0xA020] =	vst v1;
	v1 =	vadd.s32 v16, v7;
	v12 =	vld [tilespmem:s31+$0x2050]  }
.Ltmp0:
0xb5: {  	[tilespmem:s31+$0x8020] =	vst v1;
	v1 =	vadd.s32 v8, v13;
	v5 =	vld [tilespmem:s31+$0x6050];
	(pc) =	sbr.rel @p1 .LBB2_2-.Ltmp0, $4  }
0xb6: {  	[tilespmem:s31+$0xA030] =	vst v1;
	v1 =	vadd.s32 v9, v6;
	v6 =	vld [tilespmem:s31+$0x2060]  }
0xb7: {  	[tilespmem:s31+$0x8030] =	vst v1;
	v1 =	vadd.s32 v10, v15;
	v7 =	vld [tilespmem:s31+$0x6060]  }
0xb8: {  	s1 =	sshra.s32 s4, $0x2;
	[tilespmem:s31+$0xA040] =	vst v1;
	v9 =	vadd.s32 v11, v18;
	v8 =	vld [tilespmem:s31+$0x2070]  }
0xb9: {  	s4 =	sadd.s32 $0x200, s4;
	v1 =	vld [tilespmem:s1+$0x70];
	[tilespmem:s31+$0x8040] =	vst v9;
	v9 =	vadd.s32 v12, v19  }
0xba: {  	v10 =	vld [tilespmem:s1+$0x4070];
	[tilespmem:s31+$0xA050] =	vst v9;
	v2 =	vadd.s32 v5, v2  }
0xbb: {  	v63 =	vld [tilespmem:s1+$0x0];
	[tilespmem:s31+$0x8050] =	vst v2;
	v21 =	vadd.s32 v6, v3  }
0xbc: {  	v22 =	vld [tilespmem:s1+$0x6070];
	[tilespmem:s31+$0xA060] =	vst v21;
	v23 =	vadd.s32 v7, v4  }
0xbd: {  	v24 =	vld [tilespmem:s1+$0x4000];
	[tilespmem:s31+$0x8060] =	vst v23;
	v0 =	vadd.s32 v8, v0  }
0xbe: {  	v2 =	vld [tilespmem:s1+$0x10];
	[tilespmem:s31+$0xA070] =	vst v0  }
0xbf: {  	v0 =	vld [tilespmem:s1+$0x4010]  }
0xc0: {  	v27 =	vld [tilespmem:s1+$0x20]  }
0xc1: {  	v28 =	vld [tilespmem:s1+$0x4020]  }
0xc2: {  	v29 =	vld [tilespmem:s1+$0x30]  }
0xc3: {  	v30 =	vld [tilespmem:s1+$0x4030]  }
0xc4: {  	v9 =	vld [tilespmem:s1+$0x40]  }
0xc5: {  	v31 =	vld [tilespmem:s1+$0x4040]  }
0xc6: {  	v11 =	vld [tilespmem:s1+$0x50]  }
0xc7: {  	v12 =	vld [tilespmem:s1+$0x4050]  }
0xc8: {  	v13 =	vld [tilespmem:s1+$0x60]  }
0xc9: {  	v14 =	vld [tilespmem:s1+$0x4060]  }
0xca: {  	v15 =	vld [tilespmem:s1+$0x2000]  }
0xcb: {  	v16 =	vld [tilespmem:s1+$0x6000]  }
0xcc: {  	v25 =	vshll.u32 v1, $0x10;
	v26 =	vshll.u32 v10, $0x8;
	v53 =	vld [tilespmem:s1+$0x2070]  }
0xcd: {  	v17 =	vld [tilespmem:s1+$0x2010];
	v6 =	vadd.s32 v25, v26;
	v18 =	vmul.u32 $0xF4240, v63  }
0xce: {  	v19 =	vld [tilespmem:s1+$0x6010];
	v5 =	vshll.u32 v63, $0x10;
	v3 =	vadd.s32 v22, v6;
	v4 =	vshll.u32 v24, $0x8  }
0xcf: {  	v59 =	vmul.u32 $0xF4240, v1;
	v20 =	vld [tilespmem:s1+$0x2020];
	[tilespmem:s1+$0x8070] =	vst v3;
	v4 =	vadd.s32 v5, v4;
	v15 =	vadd.s32 v15, v18  }
0xd0: {  	v42 =	vld [tilespmem:s1+$0x2050];
	v33 =	vmul.u32 $0xF4240, v2;
	v4 =	vadd.s32 v16, v4;
	[tilespmem:s1+$0xA000] =	vst v15  }
0xd1: {  	v46 =	vld [tilespmem:s1+$0x2060];
	v2 =	vshll.u32 v2, $0x10;
	v0 =	vshll.u32 v0, $0x8;
	v63 =	vadd.s32 v53, v59;
	[tilespmem:s1+$0x8000] =	vst v4  }
0xd2: {  	v49 =	vld [tilespmem:s1+$0x6060];
	v37 =	vmul.u32 $0xF4240, v27;
	v35 =	vadd.s32 v17, v33;
	v0 =	vadd.s32 v2, v0;
	[tilespmem:s1+$0xA070] =	vst v63  }
0xd3: {  	v34 =	vld [tilespmem:s1+$0x2030];
	v39 =	vshll.u32 v27, $0x10;
	v50 =	vmul.u32 $0xF4240, v11;
	[tilespmem:s1+$0xA010] =	vst v35;
	v0 =	vadd.s32 v19, v0  }
0xd4: {  	v32 =	vld [tilespmem:s1+$0x6020];
	v7 =	vshll.u32 v28, $0x8;
	v54 =	vmul.u32 $0xF4240, v13;
	v2 =	vadd.s32 v20, v37;
	[tilespmem:s1+$0x8010] =	vst v0  }
0xd5: {  	v38 =	vld [tilespmem:s1+$0x2040];
	v56 =	vshll.u32 v13, $0x10;
	v57 =	vshll.u32 v14, $0x8;
	v55 =	vadd.s32 v42, v50;
	[tilespmem:s1+$0xA020] =	vst v2  }
0xd6: {  	v36 =	vld [tilespmem:s1+$0x6030];
	v41 =	vmul.u32 $0xF4240, v29;
	v60 =	vadd.s32 v56, v57;
	v61 =	vadd.s32 v46, v54;
	[tilespmem:s1+$0xA050] =	vst v55  }
0xd7: {  	v44 =	vld [tilespmem:s1+$0x6050];
	v43 =	vshll.u32 v29, $0x10;
	v3 =	vshll.u32 v30, $0x8;
	v62 =	vadd.s32 v49, v60;
	[tilespmem:s1+$0xA060] =	vst v61  }
0xd8: {  	v40 =	vld [tilespmem:s1+$0x6040];
	v45 =	vmul.u32 $0xF4240, v9;
	v0 =	vadd.s32 v39, v7;
	v2 =	vadd.s32 v34, v41;
	[tilespmem:s1+$0x8060] =	vst v62  }
0xd9: {  	v47 =	vshll.u32 v9, $0x10;
	v51 =	vshll.u32 v11, $0x10;
	v0 =	vadd.s32 v32, v0;
	[tilespmem:s1+$0xA030] =	vst v2  }
0xda: {  	v52 =	vshll.u32 v12, $0x8;
	v2 =	vadd.s32 v38, v45;
	[tilespmem:s1+$0x8020] =	vst v0;
	v0 =	vadd.s32 v43, v3  }
0xdb: {  	v48 =	vshll.u32 v31, $0x8;
	[tilespmem:s1+$0xA040] =	vst v2;
	v2 =	vadd.s32 v51, v52;
	v0 =	vadd.s32 v36, v0  }
0xdc: {  	v58 =	vadd.s32 v44, v2;
	[tilespmem:s1+$0x8030] =	vst v0;
	v0 =	vadd.s32 v47, v48  }
0xdd: {  	[tilespmem:s1+$0x8050] =	vst v58;
	v0 =	vadd.s32 v40, v0  }
0xde: {  	s9 =	simm.s32 $0x8000;
	[tilespmem:s1+$0x8040] =	vst v0  }
0xdf: {  	[hbm4b:s24+s2] =	stream.linear.scatter [tilespmem:s9], [sflag:$0x2], $0x2000, $0x38;
	[tilespmem:$0x1C000] =	vst v63  }
0xe0: {  	s0 =	sadd.s32 $0x1, s0;
	_ =	swait.ge [sflag:s30], $0x2000  }
0xe1: {  	p1 =	sne.s32 s0, s25;
	[sflag:s30] =	ssyncset.done $0x0  }
.Ltmp1:
0xe2: {  	s31 =	simm.s32 $0xA000;
	[sflag:s30] =	ssyncadd.s32 $0xFFFFE000;
	(pc) =	sbr.rel @p1 .LBB2_1-.Ltmp1, $4  }
0xe3: {  	[hbm4b:s20+s2] =	stream.linear.scatter [tilespmem:s31], [sflag:$0x2], $0x2000, $0x38;
	[tilespmem:$0x1C000] =	vst v63  }
0xe4: {  	_ =	swait.ge [sflag:s30], $0x2000  }
0xe5: {  	[sflag:s30] =	ssyncset.done $0x0  }
0xe6: {  	[sflag:s30] =	ssyncadd.s32 $0xFFFFE000  }
0xe7: {  	_ =	sfence.sel $0x180000  }
0xe8: {  	[bflag:$0x0] =	sbarrier.arrive $0xFFFF  }
0xe9: {  	_ =	strace $0x90000047  }
0xea: {  	s0 =	stileid.u32;
	[bflag:$0x2] =	sbarrier.arrive $0xFFFF  }
0xeb: {  	p0 =	sne.s32 s0, $0x0;
	s0 =	rddreg [dreg:$0x7]  }
0xec: {  	s0 =	sadd.s32 @!p0 $0x100000, s0  }
0xed: {  	[sflag:s0] =	ssyncadd.tile.s32 @!p0 $0x1;
	_ =	shalt  }
.Lfunc_end2:
_tile_overlayer_lowered:
.L_overlay_start_2:
0xee: {  	(tag) =	ssettag $0x2  }
0xef: {  	s0 =	rddreg [dreg:$0x0];
	s2 =	stileid.u32  }
0xf0: {  	s1 =	rddreg [dreg:$0x1];
	p0 =	sne.s32 s2, $0x0  }
0xf1: {  	s3 =	rddreg [dreg:$0x2];
	[bflag:$0x3] =	sbarrier.arrive $0xFFFF;
	s2 =	simm.s32 @!p0 $0x1C02  }
0xf2: {  	[timem:s3], [sflag:s2] =	dma.local @!p0 [hbm:s0], s1  }
0xf3: {  	s0 =	simm.s32 @!p0 $0x2  }
0xf4: {  	_ =	swait.ge @!p0 [sflag:s0], s1  }
0xf5: {  	s1 =	ssub.s32 @!p0 $0x0, s1;
	[sflag:s0] =	ssyncset.done @!p0 $0x0  }
0xf6: {  	[sflag:s0] =	ssyncadd.s32 @!p0 s1  }
0xf7: {  	[bflag:$0x3] =	sbarrier.arrive $0xFFFF  }
0xf8: {  	_ =	shalt  }

// kernel: kernel.9.cloned.1.call-start
scs
__scs_entry_jumppad:
0x0: {  	(pc) =	sbr.rel $0x88, $3  }
0x1: {  	(tag) =	ssettag $0x0;
	lr =	simm.s32 $0x1  }
0x2: {  	[smem:$0x3F99] =	sst lr;
	_ =	strace $0xD0000000  }
0x3: {  	_ = 	snop  }
0x4: {  	_ = 	snop  }
0x5: {  	_ = 	snop  }
0x6: {  	_ = 	snop  }
0x7: {  	_ = 	snop  }
__scs_overlays_trampoline_lowered:
0x8: {  	[smem:$0x3FA8] =	sst s0  }
0x9: {  	[smem:$0x3FA9] =	sst s1  }
0xa: {  	[smem:$0x3FAA] =	sst s2  }
0xb: {  	[smem:$0x3FAB] =	sst s3  }
0xc: {  	[smem:$0x3FAC] =	sst s4  }
0xd: {  	[smem:$0x3FAD] =	sst s5  }
0xe: {  	[smem:$0x3FAE] =	sst s6  }
0xf: {  	[smem:$0x3FAF] =	sst s7  }
0x10: {  	[smem:$0x3FB0] =	sst s8  }
0x11: {  	[smem:$0x3FB1] =	sst s9;
	s0 =	simm.s32 @!p0 $0x0  }
0x12: {  	s1 =	sld [smem:$0x3F97];
	s0 =	simm.s32 @p0 $0x1  }
0x13: {  	[smem:$0x3FB2] =	sst s0;
	s0 =	simm.s32 @!p1 $0x0  }
0x14: {  	s2 =	sld [smem:$0x3F96];
	s0 =	simm.s32 @p1 $0x1  }
0x15: {  	[smem:$0x3FB3] =	sst s0;
	s0 =	simm.s32 @!p2 $0x0  }
0x16: {  	s3 =	sld [smem:$0x3FDB];
	s0 =	simm.s32 @p2 $0x1  }
0x17: {  	s4 =	simm.s32 $0x1BF5;
	[smem:$0x3FB5] =	sst s0  }
0x18: {  	s0 =	sld [smem:$0x3F98];
	_ =	swait.ge [sflag:s4], $0x0  }
0x19: {  	s7 =	sld [smem:$0x3F99]  }
0x1a: {  	s8 =	sadd.s32 $0xFFFFE003, lr  }
0x1b: {  	s9 =	sadd.s32 $0xFFFFFEF7, lr;
	s5 =	simm.s32 $0xFFFFFFFF;
	p2 =	slt.u32 s8, $0xFFFFF086  }
0x1c: {  	p1 =	slt.u32 s9, $0xF7A;
	s5 =	simm.s32 @!p2 $0x0  }
0x1d: {  	s5 =	simm.s32 @p1 $0x1;
	p0 =	seq.s32 s7, s2  }
0x1e: {  	s7 =	smul.u32 @!p0 $0xF7A, s2;
	p2 =	seq.s32 @!p0 s5, $0x0  }
0x1f: {  	s9 =	smul.u32 $0xF7A, s1;
	s8 =	simm.s32 @!p0 $0x1BF5;
	p2 =	por !p2, p0  }
0x20: {  	[sflag:s8] =	ssyncset.s32 @!p0 $0xFFFFF086;
	s6 =	sadd.s32 @!p0 s3, s7;
	s7 =	simm.s32 @!p0 $0x108  }
0x21: {  	s3 =	sadd.s32 s3, s9;
	s6 =	sadd.s32 @!p0 $0x88, s6;
	s7 =	simm.s32 @p2 $0x1082  }
0x22: {  	[simem:s7], [sflag:s8] =	dma.local @!p0 [hbm:s6], $0xF7A  }
0x23: {  	s9 =	sor.u32 $0xD0000000, s2;
	s6 =	simm.s32 $0x108;
	_ =	swait.ge @!p0 [sflag:s8], $0x0  }
0x24: {  	s3 =	sadd.s32 $0x88, s3;
	s6 =	simm.s32 @!p1 $0x1082;
	[sflag:s4] =	ssyncset.s32 $0xFFFFF086  }
0x25: {  	[simem:s6], [sflag:s4] =	dma.local [hbm:s3], $0xF7A  }
0x26: {  	[smem:$0x3F99] =	sst s1;
	(tag) =	ssettag s2;
	_ =	strace s9  }
0x27: {  	s1 =	sld [smem:$0x3FA9]  }
0x28: {  	s2 =	sld [smem:$0x3FAA]  }
0x29: {  	s4 =	sld [smem:$0x3FAC]  }
0x2a: {  	p0 =	seq.s32 s5, $0x0;
	s5 =	sld [smem:$0x3FAD]  }
0x2b: {  	s6 =	sld [smem:$0x3FAE]  }
0x2c: {  	s7 =	sld [smem:$0x3FAF]  }
0x2d: {  	s3 =	simm.s32 $0x108;
	s8 =	sld [smem:$0x3FB0]  }
0x2e: {  	s3 =	simm.s32 @!p0 $0x1082;
	s9 =	sld [smem:$0x3FB1]  }
0x2f: {  	lr =	sadd.s32 s0, s3;
	s0 =	sld [smem:$0x3FA8]  }
0x30: {  	s3 =	sld [smem:$0x3FAB]  }
0x31: {  	[smem:$0x3FB4] =	sst s10  }
0x32: {  	s10 =	sld [smem:$0x3FB2];
	_ =	sdelay $0x3  }
0x33: {  	p0 =	seq.s32 s10, $0x1;
	s10 =	sld [smem:$0x3FB4];
	_ =	sdelay $0x3  }
0x34: {  	[smem:$0x3FB4] =	sst s10  }
0x35: {  	s10 =	sld [smem:$0x3FB3];
	_ =	sdelay $0x3  }
0x36: {  	p1 =	seq.s32 s10, $0x1;
	s10 =	sld [smem:$0x3FB4];
	_ =	sdelay $0x3  }
0x37: {  	[smem:$0x3FB4] =	sst s10  }
0x38: {  	s10 =	sld [smem:$0x3FB5]  }
0x39: {  	_ = 	snop;
	(pc) =	sbr.ind lr, $3  }
0x3a: {  	_ = 	snop  }
0x3b: {  	_ = 	snop  }
0x3c: {  	p2 =	seq.s32 s10, $0x1;
	s10 =	sld [smem:$0x3FB4]  }
0x3d: {  	_ =	shalt  }
0x3e: {  	_ =	shalt  }
0x3f: {  	_ =	shalt  }
0x40: {  	_ =	shalt  }
0x41: {  	_ =	shalt  }
0x42: {  	_ =	shalt  }
0x43: {  	_ =	shalt  }
0x44: {  	_ =	shalt  }
0x45: {  	_ =	shalt  }
0x46: {  	_ =	shalt  }
0x47: {  	_ =	shalt  }
0x48: {  	_ =	shalt  }
0x49: {  	_ =	shalt  }
0x4a: {  	_ =	shalt  }
0x4b: {  	_ =	shalt  }
0x4c: {  	_ =	shalt  }
0x4d: {  	_ =	shalt  }
0x4e: {  	_ =	shalt  }
0x4f: {  	_ =	shalt  }
0x50: {  	_ =	shalt  }
0x51: {  	_ =	shalt  }
0x52: {  	_ =	shalt  }
0x53: {  	_ =	shalt  }
0x54: {  	_ =	shalt  }
0x55: {  	_ =	shalt  }
0x56: {  	_ =	shalt  }
0x57: {  	_ =	shalt  }
0x58: {  	_ =	shalt  }
0x59: {  	_ =	shalt  }
0x5a: {  	_ =	shalt  }
0x5b: {  	_ =	shalt  }
0x5c: {  	_ =	shalt  }
0x5d: {  	_ =	shalt  }
0x5e: {  	_ =	shalt  }
0x5f: {  	_ =	shalt  }
0x60: {  	_ =	shalt  }
0x61: {  	_ =	shalt  }
0x62: {  	_ =	shalt  }
0x63: {  	_ =	shalt  }
0x64: {  	_ =	shalt  }
0x65: {  	_ =	shalt  }
0x66: {  	_ =	shalt  }
0x67: {  	_ =	shalt  }
0x68: {  	_ =	shalt  }
0x69: {  	_ =	shalt  }
0x6a: {  	_ =	shalt  }
0x6b: {  	_ =	shalt  }
0x6c: {  	_ =	shalt  }
0x6d: {  	_ =	shalt  }
0x6e: {  	_ =	shalt  }
0x6f: {  	_ =	shalt  }
0x70: {  	_ =	shalt  }
0x71: {  	_ =	shalt  }
0x72: {  	_ =	shalt  }
0x73: {  	_ =	shalt  }
0x74: {  	_ =	shalt  }
0x75: {  	_ =	shalt  }
0x76: {  	_ =	shalt  }
0x77: {  	_ =	shalt  }
0x78: {  	_ =	shalt  }
0x79: {  	_ =	shalt  }
0x7a: {  	_ =	shalt  }
0x7b: {  	_ =	shalt  }
0x7c: {  	_ =	shalt  }
0x7d: {  	_ =	shalt  }
0x7e: {  	_ =	shalt  }
0x7f: {  	_ =	shalt  }
0x80: {  	_ =	shalt  }
0x81: {  	_ =	shalt  }
0x82: {  	_ =	shalt  }
0x83: {  	_ =	shalt  }
0x84: {  	_ =	shalt  }
0x85: {  	_ =	shalt  }
0x86: {  	_ =	shalt  }
0x87: {  	_ =	shalt  }
.Lfunc_end0:
.L_simem_size_0:
called_computation.1_lowered:
.L_overlay_start_0:
0x88: {  	s2 =	sld [smem:$0x3FD9]  }
0x89: {  	s3 =	sld [smem:$0x3FFE];
	_ =	sdelay $0x1  }
0x8a: {  	s1 =	srdreg.scid  }
0x8b: {  	s0 =	sand.u32 $0x1, s1  }
0x8c: {  	s14 =	sshll.u32 s0, $0xA;
	s2 =	sadd.s32 s3, s2  }
0x8d: {  	s2 =	sadd.s32 s2, s14  }
0x8e: {  	[smem:$0x3FC0] =	sst s2  }
0x8f: {  	_ = 	snop  }
0x90: {  	s2 =	sld [smem:$0x3FD0];
	_ =	sdelay $0x2  }
0x91: {  	s15 =	simm.s32 $0xA;
	s4 =	simm.s32 $0x10  }
0x92: {  	[smem:s4], [sflag:s15] =	dma.local [hbm:s2], $0x1  }
0x93: {  	_ =	swait.eq [sflag:s15], $0x1  }
0x94: {  	[sflag:s15] =	ssyncset.done $0x0  }
0x95: {  	[sflag:s15] =	ssyncadd.s32 $0xFFFFFFFF  }
0x96: {  	s16 =	sld [smem:$0x11];
	(tm) =	ssettm $0x1  }
0x97: {  	s17 =	sld [smem:$0x3FFB];
	_ =	sdelay $0x3  }
0x98: {  	_ =	strace s17  }
0x99: {  	s3 =	sld [smem:$0x3FFC];
	_ =	sdelay $0x3  }
0x9a: {  	_ =	strace s3  }
0x9b: {  	s3 =	sld [smem:$0x3FFD];
	_ =	sdelay $0x3  }
0x9c: {  	_ =	strace s3  }
0x9d: {  	_ =	strace $0x8FFFFFFF  }
0x9e: {  	s18 =	sld [smem:$0x3FDB];
	_ =	sdelay $0x1  }
0x9f: {  	s19 =	simm.s32 $_scs_section_size  }
0xa0: {  	s5 =	simm.s32 $_size__tile_overlayer_lowered;
	s6 =	simm.s32 $_tile_overlayer_lowered  }
0xa1: {  	s22 =	simm.s32 $0x1BFF;
	s21 =	sshll.u32 s6, $0x1;
	s3 =	sadd.s32 s19, s18  }
0xa2: {  	s7 =	simm.s32 $0x0;
	s20 =	sshll.u32 s5, $0x1;
	s5 =	sadd.s32 s21, s3  }
0xa3: {  	[timem:s7], [sflag:s22] =	dma.local [hbm:s5], s20  }
0xa4: {  	_ =	swait.ge [sflag:s22], s20  }
0xa5: {  	s4 =	ssub.s32 $0x0, s20;
	[sflag:s22] =	ssyncset.done $0x0  }
0xa6: {  	[sflag:s22] =	ssyncadd.s32 s4;
	_ =	sdelay $0x1  }
0xa7: {  	s23 =	simm.s32 $0x1B8B  }
0xa8: {  	_ =	swait.ge [sflag:s23], $0x1  }
0xa9: {  	[sflag:s23] =	ssyncset.done $0x0  }
0xaa: {  	s25 =	simm.s32 $0x1B8E;
	s24 =	sld [smem:$0x3FFE];
	[sflag:s23] =	ssyncadd.s32 $0xFFFFFFFF  }
0xab: {  	s26 =	simm.s32 $execute0_lowered;
	[smem:$0x3FD2] =	sst s25  }
0xac: {  	s5 =	sshll.u32 s26, $0x1;
	_ =	strace $0x80000049;
	[dreg:$0x1] =	wrdreg $0xFFFFFFFF  }
0xad: {  	s28 =	simm.s32 $_size_execute0_lowered;
	s3 =	sadd.s32 s3, s5;
	[dreg:$0x0] =	wrdreg $0x0  }
0xae: {  	s5 =	sshll.u32 s28, $0x1;
	[dreg:$0x2] =	wrdreg s3  }
0xaf: {  	[dreg:$0x3] =	wrdreg s5  }
0xb0: {  	[dreg:$0x4] =	wrdreg $0xC0  }
0xb1: {  	_ =	task [dreg:s7], $0x5FFFF  }
0xb2: {  	[dreg:$0x1] =	wrdreg $0xFFFFFFFF  }
0xb3: {  	[dreg:$0x0] =	wrdreg $0x60  }
0xb4: {  	[dreg:$0x2] =	wrdreg s24  }
0xb5: {  	[dreg:$0x3] =	wrdreg s16  }
0xb6: {  	[dreg:$0x4] =	wrdreg $0x9  }
0xb7: {  	_ =	task.clear_ibuf [dreg:s7], $0x5FFFF;
	_ =	strace $0x90000049  }
0xb8: {  	s29 =	simm.s32 $0x9;
	_ =	strace $0x8000004B  }
0xb9: {  	_ =	swait.ge [sflag:s29], $0x1  }
0xba: {  	[sflag:s29] =	ssyncadd.s32 $0xFFFFFFFF  }
0xbb: {  	_ =	strace $0x9000004B  }
0xbc: {  	_ =	sfence  }
0xbd: {  	s30 =	sld [smem:$0x0];
	_ =	sdelay $0x2  }
0xbe: {  	s31 =	sshll.u32 s1, $0xD;
	s1 =	sshrl.u32 s1, $0x2  }
0xbf: {  	s3 =	sand.u32 $0x4000, s31;
	s1 =	sadd.s32 s1, s30  }
0xc0: {  	s0 =	sor.u32 s3, s0;
	s1 =	sshll.u32 s1, $0x11  }
0xc1: {  	s0 =	sor.u32 s1, s0  }
0xc2: {  	s0 =	sadd.s32 $0x8F2B, s0  }
0xc3: {  	[sflag:s0] =	ssyncadd.remote.s32 $0x1  }
0xc4: {  	_ =	sfence.sel $0xFFFF  }
0xc5: {  	[dreg:$0x0] =	wrdreg $0xFFFFFFFF;
	(pc) =	sbr.abs _section_cstart, $3  }
0xc6: {  	[dreg:$0x1] =	wrdreg $0xFFFFFFFF  }
0xc7: {  	_ =	task.clear_ibuf [dreg:s7], $0x2FFFF;
	_ =	strace $0x9FFFFFFF  }
0xc8: {  	(tm) =	ssettm $0x7FFFFFFF  }
0xc9: {  	_ =	shalt  }
tec
execute0_lowered:
.L_overlay_start_1:
0x0: {  	(tag) =	ssettag $0x1  }
0x1: {  	s8 =	rddreg [dreg:$0x0]  }
0x2: {  	s3 =	rddreg [dreg:$0x1]  }
0x3: {  	s2 =	srdreg.scid;
	s0 =	rddreg [dreg:$0x2]  }
0x4: {  	s1 =	stileid.u32;
	s7 =	simm.s32 $0x1;
	s6 =	sand.u32 $0x1, s2  }
0x5: {  	s2 =	simm.s32 $0x0;
	s4 =	sshll.u32 s1, $0xB;
	s5 =	sshll.u32 s6, $0xA  }
0x6: {  	[smem:$0x7FF] =	sst s2;
	s10 =	ssub.s32 $0x2, s6;
	s9 =	sor.u32 s5, s4  }
0x7: {  	_ =	strace $0x8000004A;
	s4 =	sadd.s32 s3, s9;
	s3 =	simm.s32 $0x2  }
0x8: {  	[tilespmem:s2], [sflag:$0x2] =	stream.linear.gather [hbm4b:s4+s2], $0x2000, $0x38;
	[tilespmem:$0x4000] =	vst v63  }
0x9: {  	s6 =	simm.s32 $0x2000;
	s11 =	sshrl.u32 s10, $0x1;
	_ =	swait.ge [sflag:s3], $0x2000  }
0xa: {  	s5 =	sadd.s32 $0x2A00, s8;
	s31 =	ssub.s32 s10, s11;
	[sflag:s3] =	ssyncset.done $0x0  }
0xb: {  	s8 =	sadd.s32 s9, s8;
	s9 =	smax.u32 s31, $0x1;
	[sflag:s3] =	ssyncadd.s32 $0xFFFFE000  }
0xc: {  	[tilespmem:s6], [sflag:$0x1] =	stream.indirect.gather [hbm4b:s5+s6], $0x1, s2, s6, $0xb8;
	[tilespmem:$0x4000] =	vst v63  }
0xd: {  	p0 =	sne.s32 s9, $0x1;
	_ =	swait.ge [sflag:s7], $0x2000  }
.Ltmp0:
0xe: {  	[sflag:s7] =	ssyncset.done $0x0;
	(pc) =	sbr.rel @!p0 .LBB2_2-.Ltmp0, $4  }
0xf: {  	s8 =	sadd.s32 $0xC1C00, s8;
	[sflag:s7] =	ssyncadd.s32 $0xFFFFE000  }
0x10: {  	[hbm4b:s8+s2] =	stream.linear.scatter [tilespmem:s6], [sflag:$0x2], $0x2000, $0x38;
	[tilespmem:$0x4000] =	vst v63  }
0x11: {  	_ =	swait.ge [sflag:s3], $0x2000  }
0x12: {  	s9 =	sadd.s32 $0xFFFFFFFF, s9;
	[sflag:s3] =	ssyncset.done $0x0  }
.LBB2_1:
0x13: {  	p0 =	sne.s32 s9, $0x1;
	s9 =	sadd.s32 $0xFFFFFFFF, s9;
	[sflag:s3] =	ssyncadd.s32 $0xFFFFE000  }
0x14: {  	[tilespmem:s2], [sflag:$0x2] =	stream.linear.gather [hbm4b:s4+s2], $0x2000, $0x38;
	[tilespmem:$0x4000] =	vst v63  }
0x15: {  	_ =	swait.ge [sflag:s3], $0x2000  }
0x16: {  	[sflag:s3] =	ssyncset.done $0x0  }
0x17: {  	[sflag:s3] =	ssyncadd.s32 $0xFFFFE000  }
0x18: {  	[tilespmem:s6], [sflag:$0x1] =	stream.indirect.gather [hbm4b:s5+s6], $0x1, s2, s6, $0xb8;
	[tilespmem:$0x4000] =	vst v63  }
0x19: {  	_ =	swait.ge [sflag:s7], $0x2000  }
.Ltmp1:
0x1a: {  	[sflag:s7] =	ssyncset.done $0x0;
	(pc) =	sbr.rel @p0 .LBB2_1-.Ltmp1, $4  }
0x1b: {  	[sflag:s7] =	ssyncadd.s32 $0xFFFFE000  }
0x1c: {  	[hbm4b:s8+s2] =	stream.linear.scatter [tilespmem:s6], [sflag:$0x2], $0x2000, $0x38;
	[tilespmem:$0x4000] =	vst v63  }
0x1d: {  	_ =	swait.ge [sflag:s3], $0x2000  }
0x1e: {  	[sflag:s3] =	ssyncset.done $0x0  }
.LBB2_2:
0x1f: {  	[sflag:s3] =	ssyncadd.s32 $0xFFFFE000  }
0x20: {  	_ =	sfence.sel $0x180000  }
0x21: {  	[bflag:$0x0] =	sbarrier.arrive $0xFFFF  }
0x22: {  	p0 =	sne.s32 s1, $0x0;
	_ =	strace $0x9000004A  }
0x23: {  	s0 =	sadd.s32 @!p0 $0x100000, s0;
	[bflag:$0x2] =	sbarrier.arrive $0xFFFF  }
0x24: {  	[sflag:s0] =	ssyncadd.tile.s32 @!p0 $0x1;
	_ =	shalt  }
.Lfunc_end2:
_tile_overlayer_lowered:
.L_overlay_start_2:
0x25: {  	(tag) =	ssettag $0x2  }
0x26: {  	s0 =	rddreg [dreg:$0x0];
	s2 =	stileid.u32  }
0x27: {  	s1 =	rddreg [dreg:$0x1];
	p0 =	sne.s32 s2, $0x0  }
0x28: {  	s3 =	rddreg [dreg:$0x2];
	[bflag:$0x3] =	sbarrier.arrive $0xFFFF;
	s2 =	simm.s32 @!p0 $0x1C02  }
0x29: {  	[timem:s3], [sflag:s2] =	dma.local @!p0 [hbm:s0], s1  }
0x2a: {  	s0 =	simm.s32 @!p0 $0x2  }
0x2b: {  	_ =	swait.ge @!p0 [sflag:s0], s1  }
0x2c: {  	s1 =	ssub.s32 @!p0 $0x0, s1;
	[sflag:s0] =	ssyncset.done @!p0 $0x0  }
0x2d: {  	[sflag:s0] =	ssyncadd.s32 @!p0 s1  }
0x2e: {  	[bflag:$0x3] =	sbarrier.arrive $0xFFFF  }
0x2f: {  	_ =	shalt  }

</sc_bundles>
